<compile_context>
chip_gen: v7x
topology: tpu7x:2x2x1
jax: 0.10.2.dev20260603
libtpu: 0.0.44.dev20260713+nightly
codegen_flags: <defaults>
</compile_context>

<pallas_src>
import functools

import jax
import jax.numpy as jnp
from jax import lax
from jax.experimental import pallas as pl
from jax.experimental.pallas import tpu as pltpu
from jax.experimental.pallas import tpu_sc as plsc

N = 32768
M = 16384
K = 27
P = 256
VEC = 32
REP = 8
NSH = 9
BR = 128
NT = N + 128
EPS = 1e-5
HI = lax.Precision.HIGHEST


def _rep_matrix():
    pcol = lax.broadcasted_iota(jnp.int32, (VEC, P), 1) // REP
    crow = lax.broadcasted_iota(jnp.int32, (VEC, P), 0)
    return (pcol == crow).astype(jnp.float32)



def _tc1_body(x_ref, wv_ref, wq_ref, yv_ref, qs_ref, sv_ref):
    i = pl.program_id(0)
    xb = x_ref[...]
    yv = lax.dot_general(xb, wv_ref[...], (((1,), (0,)), ((), ())),
                         precision=lax.Precision.DEFAULT)
    qs = lax.dot_general(xb, wq_ref[...], (((1,), (0,)), ((), ())),
                         precision=lax.Precision.DEFAULT)
    yv_ref[...] = yv
    qs_ref[...] = qs

    @pl.when(i == 0)
    def _():
        sv_ref[...] = jnp.zeros_like(sv_ref)

    stats = jnp.concatenate(
        [yv.sum(0, keepdims=True), (yv * yv).sum(0, keepdims=True)], axis=0)
    sv_ref[...] += stats


def _tc2a_body(qp_ref, qa_ref, sq_ref):
    i = pl.program_id(0)
    qa = qp_ref[0] + qp_ref[1]
    qa_ref[...] = qa

    @pl.when(i == 0)
    def _():
        sq_ref[...] = jnp.zeros_like(sq_ref)

    stats = jnp.concatenate(
        [qa.sum(0, keepdims=True), (qa * qa).sum(0, keepdims=True)], axis=0)
    sq_ref[...] += stats


def _bn_relu_blk(y, stats, g, b):
    m = stats[0:1, :] / N
    v = stats[1:2, :] / N - m * m
    return jax.nn.relu(g * (y - m) * lax.rsqrt(v + EPS) + b)


def _tc2b_body(yv_ref, qa_ref, sv_ref, sq_ref, wqk_ref, bqk_ref,
               gq_ref, bq_ref, gv_ref, bv_ref, *t_refs):
    i = pl.program_id(0)
    rows = i * 128 + lax.broadcasted_iota(jnp.int32, (128, 1), 0)
    valid = (rows < N).astype(jnp.float32)

    qf = _bn_relu_blk(qa_ref[...], sq_ref[...], gq_ref[...], bq_ref[...])
    a = lax.dot_general(qf, wqk_ref[...], (((1,), (0,)), ((), ())), precision=HI)
    e = jnp.exp(a + bqk_ref[...])
    d = jnp.exp(a)
    vf = _bn_relu_blk(yv_ref[...], sv_ref[...], gv_ref[...], bv_ref[...])
    erep = lax.dot_general(e, _rep_matrix(), (((1,), (0,)), ((), ())), precision=HI)
    ve = vf * erep
    for cb in range(8):
        t_refs[cb][...] = ve[:, cb * VEC:(cb + 1) * VEC] * valid
    t_refs[8][...] = e * valid
    t_refs[9][...] = d * valid


def _out_pre_blk(parts, db, src_blk):
    gve = jnp.concatenate([p[...] for p in parts[0:8]], axis=1)
    ge = parts[8][...]
    cnt = jnp.sum((src_blk != N).astype(jnp.float32), axis=0)[:, None]
    denom = ge + (float(K) - cnt) * db
    rec = 1.0 / denom
    return gve * lax.dot_general(rec, _rep_matrix(), (((1,), (0,)), ((), ())),
                                 precision=HI)


def _tc3a_body(*refs):
    aggs, d_ref, src_ref, so_ref = refs[0:NSH], refs[NSH], refs[NSH + 1], refs[NSH + 2]
    i = pl.program_id(0)
    op = _out_pre_blk(aggs, d_ref[...], src_ref[...])

    @pl.when(i == 0)
    def _():
        so_ref[...] = jnp.zeros_like(so_ref)

    stats = jnp.concatenate(
        [op.sum(0, keepdims=True), (op * op).sum(0, keepdims=True)], axis=0)
    so_ref[...] += stats


def _tc3b_body(*refs):
    aggs, d_ref, src_ref, x_ref, so_ref, go_ref, bo_ref, out_ref = (
        refs[0:NSH], refs[NSH], refs[NSH + 1], refs[NSH + 2], refs[NSH + 3],
        refs[NSH + 4], refs[NSH + 5], refs[NSH + 6])
    op = _out_pre_blk(aggs, d_ref[...], src_ref[...])
    out_ref[...] = _bn_relu_blk(op, so_ref[...], go_ref[...], bo_ref[...]) + x_ref[...]



def _sca_body(nin, nout, qs2, src_out, qaccp_out,
              wt, dinM, doutM, sbuf, dbuf, ridb, gst, zb, qsh, sem):
    c = lax.axis_index("c")
    s = lax.axis_index("s")
    wid = s * 2 + c

    @pl.when(wid < K)
    def _():
        k = wid

        @plsc.parallel_loop(0, N // 16, unroll=4)
        def init_body(j):
            wt[pl.ds(j * 16, 16)] = jnp.full((16,), N, jnp.int32)

        def chunk_body(cb, carry):
            pltpu.sync_copy(nin.at[k, pl.ds(cb * 2048, 2048)], dinM)
            pltpu.sync_copy(nout.at[k, pl.ds(cb * 2048, 2048)], doutM)

            def scat_body(j, carry2):
                d = doutM[pl.ds(j * 16, 16)]
                sv = dinM[pl.ds(j * 16, 16)]
                plsc.store_scatter(wt, [d], sv)
                return carry2
            lax.fori_loop(0, 2048 // 16, scat_body, 0)
            return carry
        lax.fori_loop(0, M // 2048, chunk_body, 0)
        pltpu.sync_copy(wt, src_out.at[k])

    @plsc.parallel_loop(0, 128, unroll=4)
    def zrow(r):
        z = jnp.zeros((16,), jnp.float32)
        zb[r, pl.ds(0, 16)] = z
        zb[r, pl.ds(16, 16)] = z

    def zcopy(q, carry):
        pltpu.sync_copy(zb, qsh.at[pl.ds(s * 2048 + q * 128, 128)])
        return carry
    lax.fori_loop(0, 16, zcopy, 0)
    plsc.subcore_barrier()

    def kbody(k, carry):
        def chunk(j, carry2):
            base = wid * 512 + j * 128
            pltpu.sync_copy(nin.at[k, pl.ds(base, 128)], sbuf)
            pltpu.sync_copy(nout.at[k, pl.ds(base, 128)], dbuf)

            @plsc.parallel_loop(0, 8)
            def ridv(u):
                ridb[pl.ds(u * 16, 16)] = sbuf[pl.ds(u * 16, 16)] * K + k
            pltpu.async_copy(qs2.at[ridb], gst, sem).wait()
            pltpu.sync_copy(gst, qsh.at[dbuf], add=True)
            return carry2
        lax.fori_loop(0, 4, chunk, 0)
        return carry
    lax.fori_loop(0, K, kbody, 0)
    plsc.subcore_barrier()
    pltpu.sync_copy(qsh.at[pl.ds(s * 2048, 2048)],
                    qaccp_out.at[c, pl.ds(s * 2048, 2048)])


def _scb_body(*refs):
    ts = refs[0:NSH]
    src_hbm = refs[NSH]
    aouts = refs[NSH + 1:2 * NSH + 1]
    ibs = refs[2 * NSH + 1:2 * NSH + 3]
    gsts = (refs[2 * NSH + 3:3 * NSH + 3], refs[3 * NSH + 3:4 * NSH + 3])
    accs = refs[4 * NSH + 3:5 * NSH + 3]
    sems = refs[5 * NSH + 3:5 * NSH + 5]
    c = lax.axis_index("c")
    s = lax.axis_index("s")
    wid = s * 2 + c

    def fire(k, par):
        for cb in range(NSH):
            pltpu.async_copy(ts[cb].at[ibs[par]], gsts[par][cb], sems[par])

    def drain(par):
        for cb in range(NSH):
            pltpu.make_async_copy(ts[cb].at[ibs[par]], gsts[par][cb],
                                  sems[par]).wait()

    def accumulate(par):
        for cb in range(NSH):
            @plsc.parallel_loop(0, BR, unroll=2)
            def rowacc(r):
                for u in range(2):
                    accs[cb][r, pl.ds(u * 16, 16)] = (
                        accs[cb][r, pl.ds(u * 16, 16)]
                        + gsts[par][cb][r, pl.ds(u * 16, 16)])

    def block_body(t, carry):
        rowbase = (wid * (N // BR // 32) + t) * BR

        for cb in range(NSH):
            @plsc.parallel_loop(0, BR, unroll=4)
            def zrow(r):
                for u in range(2):
                    accs[cb][r, pl.ds(u * 16, 16)] = jnp.zeros((16,), jnp.float32)

        pltpu.sync_copy(src_hbm.at[0, pl.ds(rowbase, BR)], ibs[0])
        fire(0, 0)

        def kbody(k, carry2):
            def step(par):
                @pl.when(k + 1 < K)
                def _():
                    pltpu.sync_copy(src_hbm.at[k + 1, pl.ds(rowbase, BR)],
                                    ibs[1 - par])
                    fire(k + 1, 1 - par)
                drain(par)
                accumulate(par)

            @pl.when(k % 2 == 0)
            def _():
                step(0)

            @pl.when(k % 2 == 1)
            def _():
                step(1)
            return carry2
        lax.fori_loop(0, K, kbody, 0)

        for cb in range(NSH):
            pltpu.sync_copy(accs[cb], aouts[cb].at[pl.ds(rowbase, BR)])
        return carry
    lax.fori_loop(0, N // BR // 32, block_body, 0)



def kernel(x, coords, neis_in, neis_out, W_q, gq, bq, W_v, gv, bv,
           W_pos, W_qk, b_qk, g_out, b_out):
    f32 = jnp.float32
    w_qall = jnp.transpose(W_q, (1, 0, 2)).reshape(P, K * VEC)

    yv, qs, sv = pl.pallas_call(
        _tc1_body,
        grid=(N // 256,),
        in_specs=[
            pl.BlockSpec((256, P), lambda i: (i, 0)),
            pl.BlockSpec((P, P), lambda i: (0, 0)),
            pl.BlockSpec((P, K * VEC), lambda i: (0, 0)),
        ],
        out_specs=[
            pl.BlockSpec((256, P), lambda i: (i, 0)),
            pl.BlockSpec((256, K * VEC), lambda i: (i, 0)),
            pl.BlockSpec((2, P), lambda i: (0, 0)),
        ],
        out_shape=[
            jax.ShapeDtypeStruct((N, P), f32),
            jax.ShapeDtypeStruct((N, K * VEC), f32),
            jax.ShapeDtypeStruct((2, P), f32),
        ],
    )(x, W_v, w_qall)

    qs2 = qs.reshape(N * K, VEC)

    sca = functools.partial(
        pl.kernel,
        out_type=[
            jax.ShapeDtypeStruct((K, N), jnp.int32),
            jax.ShapeDtypeStruct((2, N, VEC), f32),
        ],
        mesh=plsc.VectorSubcoreMesh(core_axis_name="c", subcore_axis_name="s"),
        compiler_params=pltpu.CompilerParams(
            needs_layout_passes=False, use_tc_tiling_on_sc=False),
        scratch_types=[
            pltpu.VMEM((N,), jnp.int32),
            pltpu.VMEM((2048,), jnp.int32),
            pltpu.VMEM((2048,), jnp.int32),
            pltpu.VMEM((128,), jnp.int32),
            pltpu.VMEM((128,), jnp.int32),
            pltpu.VMEM((128,), jnp.int32),
            pltpu.VMEM((128, VEC), f32),
            pltpu.VMEM((128, VEC), f32),
            pltpu.VMEM_SHARED((N, VEC), f32),
            pltpu.SemaphoreType.DMA,
        ],
    )(_sca_body)
    src, qaccp = sca(neis_in, neis_out, qs2)

    qacc, sq = pl.pallas_call(
        _tc2a_body,
        grid=(N // 256,),
        in_specs=[pl.BlockSpec((2, 256, VEC), lambda i: (0, i, 0))],
        out_specs=[
            pl.BlockSpec((256, VEC), lambda i: (i, 0)),
            pl.BlockSpec((2, VEC), lambda i: (0, 0)),
        ],
        out_shape=[
            jax.ShapeDtypeStruct((N, VEC), f32),
            jax.ShapeDtypeStruct((2, VEC), f32),
        ],
    )(qaccp)

    nb = N // 128
    t_parts = pl.pallas_call(
        _tc2b_body,
        grid=(NT // 128,),
        in_specs=[
            pl.BlockSpec((128, P), lambda i: (jnp.minimum(i, nb - 1), 0)),
            pl.BlockSpec((128, VEC), lambda i: (jnp.minimum(i, nb - 1), 0)),
            pl.BlockSpec((2, P), lambda i: (0, 0)),
            pl.BlockSpec((2, VEC), lambda i: (0, 0)),
            pl.BlockSpec((VEC, VEC), lambda i: (0, 0)),
            pl.BlockSpec((1, VEC), lambda i: (0, 0)),
            pl.BlockSpec((1, VEC), lambda i: (0, 0)),
            pl.BlockSpec((1, VEC), lambda i: (0, 0)),
            pl.BlockSpec((1, P), lambda i: (0, 0)),
            pl.BlockSpec((1, P), lambda i: (0, 0)),
        ],
        out_specs=[pl.BlockSpec((128, VEC), lambda i: (i, 0))] * (NSH + 1),
        out_shape=[jax.ShapeDtypeStruct((NT, VEC), f32)] * (NSH + 1),
    )(yv, qacc, sv, sq, W_qk, b_qk.reshape(1, VEC),
      gq.reshape(1, VEC), bq.reshape(1, VEC),
      gv.reshape(1, P), bv.reshape(1, P))
    d_tab = t_parts[NSH]

    scb = functools.partial(
        pl.kernel,
        out_type=[jax.ShapeDtypeStruct((N, VEC), f32)] * NSH,
        mesh=plsc.VectorSubcoreMesh(core_axis_name="c", subcore_axis_name="s"),
        compiler_params=pltpu.CompilerParams(
            needs_layout_passes=False, use_tc_tiling_on_sc=False),
        scratch_types=(
            [pltpu.VMEM((BR,), jnp.int32)] * 2
            + [pltpu.VMEM((BR, VEC), f32)] * (2 * NSH)
            + [pltpu.VMEM((BR, VEC), f32)] * NSH
            + [pltpu.SemaphoreType.DMA] * 2
        ),
    )(_scb_body)
    aggs = scb(*t_parts[0:NSH], src)

    blk_spec = pl.BlockSpec((128, VEC), lambda i: (i, 0))
    src_spec = pl.BlockSpec((K, 128), lambda i: (0, i))
    (so,) = pl.pallas_call(
        _tc3a_body,
        grid=(N // 128,),
        in_specs=[blk_spec] * NSH + [blk_spec, src_spec],
        out_specs=[pl.BlockSpec((2, P), lambda i: (0, 0))],
        out_shape=[jax.ShapeDtypeStruct((2, P), f32)],
    )(*aggs, d_tab, src)

    out = pl.pallas_call(
        _tc3b_body,
        grid=(N // 128,),
        in_specs=[blk_spec] * NSH + [blk_spec, src_spec] + [
            pl.BlockSpec((128, P), lambda i: (i, 0)),
            pl.BlockSpec((2, P), lambda i: (0, 0)),
            pl.BlockSpec((1, P), lambda i: (0, 0)),
            pl.BlockSpec((1, P), lambda i: (0, 0)),
        ],
        out_specs=pl.BlockSpec((128, P), lambda i: (i, 0)),
        out_shape=jax.ShapeDtypeStruct((N, P), f32),
    )(*aggs, d_tab, src, x, so, g_out.reshape(1, P), b_out.reshape(1, P))
    return out

# --- scband reference (transcript-rebuilt; emitter-appended) ---
"""Pipeline reference for scband-trblock-25520695673111 (READ-ONLY COPY).

The authoritative reference and input builder live on the scoring server;
editing this copy changes nothing except your own understanding.
"""

import jax, jax.numpy as jnp
import numpy as np

N = 32768
M = 16384
K = 27
PLANES = 256
VEC = PLANES // 8
REP = PLANES // VEC


def _bn_relu(y, g, b):
    m = y.mean(axis=0, keepdims=True)
    v = y.var(axis=0, keepdims=True)
    return jax.nn.relu(g * (y - m) / jnp.sqrt(v + 1e-5) + b)


def setup_inputs(seed: int = 0):
    key = jax.random.key(seed)
    ks = jax.random.split(key, 12)
    x = jax.random.normal(ks[0], (N, PLANES), dtype=jnp.float32)
    coords = jax.random.uniform(ks[1], (N, 3), dtype=jnp.float32) * 100.0
    neis_in = jax.random.randint(ks[2], (K, M), 0, N, dtype=jnp.int32)
    neis_out = jax.random.randint(ks[3], (K, M), 0, N, dtype=jnp.int32)
    W_q = jax.random.normal(ks[4], (K, PLANES, VEC), dtype=jnp.float32) * 0.05
    gq = jnp.ones((VEC,), jnp.float32)
    bq = jnp.zeros((VEC,), jnp.float32)
    W_v = jax.random.normal(ks[5], (PLANES, PLANES), dtype=jnp.float32) * 0.05
    gv = jnp.ones((PLANES,), jnp.float32)
    bv = jnp.zeros((PLANES,), jnp.float32)
    W_pos = jax.random.normal(ks[6], (3, VEC), dtype=jnp.float32) * 0.05
    W_qk = jax.random.normal(ks[7], (VEC, VEC), dtype=jnp.float32) * 0.1
    b_qk = jnp.zeros((VEC,), jnp.float32)
    g_out = jnp.ones((PLANES,), jnp.float32)
    b_out = jnp.zeros((PLANES,), jnp.float32)
    return {"x": x, "coords": coords, "neis_in": neis_in, "neis_out": neis_out,
            "W_q": W_q, "gq": gq, "bq": bq, "W_v": W_v, "gv": gv, "bv": bv,
            "W_pos": W_pos, "W_qk": W_qk, "b_qk": b_qk, "g_out": g_out, "b_out": b_out}


def reference(x, coords, neis_in, neis_out, W_q, gq, bq, W_v, gv, bv, W_pos, W_qk, b_qk, g_out, b_out):
    # inplanes == planes -> residual is x, no linear_top/downsample
    res = x
    # v = MinkoskiConvBNReLU(planes, planes, kernel_size=1)
    v_f = _bn_relu(x @ W_v, gv, bv)
    # q = MinkoskiConvBNReLU(planes, vec_dim, kernel_size=3): per-offset gather->matmul->scatter-add
    q_acc = jnp.zeros((N, VEC), x.dtype)
    for k in range(K):
        q_acc = q_acc.at[neis_out[k]].add(x[neis_in[k]] @ W_q[k])
    q_f = _bn_relu(q_acc, gq, bq)
    # sparse masks: scatter-overwrite of gathered x features, then nonzero check
    masks = []
    for k in range(K):
        sm = jnp.zeros((N, PLANES), x.dtype).at[neis_out[k]].set(x[neis_in[k]])
        masks.append((jnp.abs(sm).sum(-1) > 0).astype(x.dtype))
    # attention logits per kernel offset
    neis_l = []
    for k in range(K):
        neis = jnp.zeros((N, VEC), x.dtype).at[neis_out[k]].set(q_f[neis_in[k]])
        neis = neis - q_f * masks[k][:, None]
        neis = neis @ W_qk + b_qk
        neis = neis * masks[k][:, None]
        neis_l.append(neis)
    neis_l = jax.nn.softmax(jnp.stack(neis_l, axis=-1), axis=-1)  # [N, VEC, K]
    # aggregate values weighted by attention
    out = jnp.zeros((N, PLANES), x.dtype)
    pe_list = []
    for k in range(K):
        pos = coords @ W_pos  # pos_enc (1x1 conv on coords), recomputed per-k as in original
        pe = jnp.repeat(pos, REP, axis=1)  # expand_vec_dim
        pe_list.append(pe.mean(-1))  # pose_enc2save (buffer; v_f+pos_enc is dead code in original)
        neis_v = jnp.zeros((N, PLANES), x.dtype).at[neis_out[k]].set(v_f[neis_in[k]])
        neis_v = neis_v * masks[k][:, None]
        attn = jnp.repeat(neis_l[:, :, k], REP, axis=1)
        out = out + neis_v * attn
    _pos_enc_map = jnp.stack(pe_list)  # registered buffer in original, not returned
    out = _bn_relu(out, g_out, b_out)
    out = out + res
    return out

if __name__ == "__main__":
    import jax
    _d = setup_inputs()
    print(jax.jit(kernel)(*tuple(_d.values())))

</pallas_src>

<mosaic_0001>
#map = affine_map<(d0, d1) -> (0, 0)>
module attributes {stable_mosaic.version = 14 : i64} {
  func.func @_scb_body(%arg0: i32, %arg1: i32, %arg2: memref<32896x32xf32, #tpu.memory_space<hbm>>, %arg3: memref<32896x32xf32, #tpu.memory_space<hbm>>, %arg4: memref<32896x32xf32, #tpu.memory_space<hbm>>, %arg5: memref<32896x32xf32, #tpu.memory_space<hbm>>, %arg6: memref<32896x32xf32, #tpu.memory_space<hbm>>, %arg7: memref<32896x32xf32, #tpu.memory_space<hbm>>, %arg8: memref<32896x32xf32, #tpu.memory_space<hbm>>, %arg9: memref<32896x32xf32, #tpu.memory_space<hbm>>, %arg10: memref<32896x32xf32, #tpu.memory_space<hbm>>, %arg11: memref<27x32768xi32, #tpu.memory_space<hbm>>, %arg12: memref<32768x32xf32, #tpu.memory_space<hbm>>, %arg13: memref<32768x32xf32, #tpu.memory_space<hbm>>, %arg14: memref<32768x32xf32, #tpu.memory_space<hbm>>, %arg15: memref<32768x32xf32, #tpu.memory_space<hbm>>, %arg16: memref<32768x32xf32, #tpu.memory_space<hbm>>, %arg17: memref<32768x32xf32, #tpu.memory_space<hbm>>, %arg18: memref<32768x32xf32, #tpu.memory_space<hbm>>, %arg19: memref<32768x32xf32, #tpu.memory_space<hbm>>, %arg20: memref<32768x32xf32, #tpu.memory_space<hbm>>, %arg21: memref<128xi32, #tpu.memory_space<vmem>>, %arg22: memref<128xi32, #tpu.memory_space<vmem>>, %arg23: memref<128x32xf32, #tpu.memory_space<vmem>>, %arg24: memref<128x32xf32, #tpu.memory_space<vmem>>, %arg25: memref<128x32xf32, #tpu.memory_space<vmem>>, %arg26: memref<128x32xf32, #tpu.memory_space<vmem>>, %arg27: memref<128x32xf32, #tpu.memory_space<vmem>>, %arg28: memref<128x32xf32, #tpu.memory_space<vmem>>, %arg29: memref<128x32xf32, #tpu.memory_space<vmem>>, %arg30: memref<128x32xf32, #tpu.memory_space<vmem>>, %arg31: memref<128x32xf32, #tpu.memory_space<vmem>>, %arg32: memref<128x32xf32, #tpu.memory_space<vmem>>, %arg33: memref<128x32xf32, #tpu.memory_space<vmem>>, %arg34: memref<128x32xf32, #tpu.memory_space<vmem>>, %arg35: memref<128x32xf32, #tpu.memory_space<vmem>>, %arg36: memref<128x32xf32, #tpu.memory_space<vmem>>, %arg37: memref<128x32xf32, #tpu.memory_space<vmem>>, %arg38: memref<128x32xf32, #tpu.memory_space<vmem>>, %arg39: memref<128x32xf32, #tpu.memory_space<vmem>>, %arg40: memref<128x32xf32, #tpu.memory_space<vmem>>, %arg41: memref<128x32xf32, #tpu.memory_space<vmem>>, %arg42: memref<128x32xf32, #tpu.memory_space<vmem>>, %arg43: memref<128x32xf32, #tpu.memory_space<vmem>>, %arg44: memref<128x32xf32, #tpu.memory_space<vmem>>, %arg45: memref<128x32xf32, #tpu.memory_space<vmem>>, %arg46: memref<128x32xf32, #tpu.memory_space<vmem>>, %arg47: memref<128x32xf32, #tpu.memory_space<vmem>>, %arg48: memref<128x32xf32, #tpu.memory_space<vmem>>, %arg49: memref<128x32xf32, #tpu.memory_space<vmem>>, %arg50: memref<!tpu.dma_semaphore, #tpu.memory_space<semaphore_mem>>, %arg51: memref<!tpu.dma_semaphore, #tpu.memory_space<semaphore_mem>>) attributes {dimension_semantics = [#tpu.dimension_semantics<core_parallel>, #tpu.dimension_semantics<subcore_parallel>], iteration_bounds = array<i64: 2, 16>, scalar_prefetch = 0 : i64, scratch_operands = 31 : i64, tpu.core_type = #tpu.core_type<sc_vector_subcore>, window_params = [{transform_indices = #map}, {transform_indices = #map}, {transform_indices = #map}, {transform_indices = #map}, {transform_indices = #map}, {transform_indices = #map}, {transform_indices = #map}, {transform_indices = #map}, {transform_indices = #map}, {transform_indices = #map}, {transform_indices = #map}, {transform_indices = #map}, {transform_indices = #map}, {transform_indices = #map}, {transform_indices = #map}, {transform_indices = #map}, {transform_indices = #map}, {transform_indices = #map}, {transform_indices = #map}]} {
    %mul3A = arith.constant 2 : i32
    %mul3A_0 = arith.muli %arg1, %mul3A : i32
    %add3A = arith.addi %mul3A_0, %arg0 : i32
    %scan3A = arith.constant 0 : i32
    %scan3A_1 = arith.constant 0 : i32
    %scan3A_2 = arith.constant 8 : i32
    %scan3A_3 = arith.addi %scan3A_1, %scan3A_2 : i32
    %scan3A_4 = arith.constant 1 : i32
    scf.for %scan3A_6 = %scan3A_1 to %scan3A_3 step %scan3A_4  : i32 {
      %mul3A_7 = arith.constant 8 : i32
      %mul3A_8 = arith.muli %add3A, %mul3A_7 : i32
      %add3A_9 = arith.addi %mul3A_8, %scan3A_6 : i32
      %mul3A_10 = arith.constant 128 : i32
      %mul3A_11 = arith.muli %add3A_9, %mul3A_10 : i32
      %parallel_loop3A = arith.constant 0 : i32
      %parallel_loop3A_12 = arith.constant 128 : i32
      %parallel_loop3A_13 = arith.constant 1 : i32
      scf.for %parallel_loop3A_70 = %parallel_loop3A to %parallel_loop3A_12 step %parallel_loop3A_13  : i32 {
        %parallel_loop3A_71 = arith.constant 0.000000e+00 : f32
        %parallel_loop3A_72 = vector.broadcast %parallel_loop3A_71 : f32 to vector<16xf32>
        %parallel_loop3A_73 = arith.index_cast %parallel_loop3A_70 : i32 to index
        %parallel_loop3A_74 = arith.constant 0 : index
        %parallel_loop3A_75 = tpu.vector_load %arg41[%parallel_loop3A_73, %parallel_loop3A_74] {strides = array<i32>} : memref<128x32xf32, #tpu.memory_space<vmem>>, vector<16xf32>,
        tpu.vector_store %arg41[%parallel_loop3A_73, %parallel_loop3A_74], %parallel_loop3A_72 {strides = array<i32>} : memref<128x32xf32, #tpu.memory_space<vmem>>, vector<16xf32>,
        %parallel_loop3A_76 = arith.constant 0.000000e+00 : f32
        %parallel_loop3A_77 = vector.broadcast %parallel_loop3A_76 : f32 to vector<16xf32>
        %parallel_loop3A_78 = arith.index_cast %parallel_loop3A_70 : i32 to index
        %parallel_loop3A_79 = arith.constant 16 : index
        %parallel_loop3A_80 = tpu.vector_load %arg41[%parallel_loop3A_78, %parallel_loop3A_79] {strides = array<i32>} : memref<128x32xf32, #tpu.memory_space<vmem>>, vector<16xf32>,
        tpu.vector_store %arg41[%parallel_loop3A_78, %parallel_loop3A_79], %parallel_loop3A_77 {strides = array<i32>} : memref<128x32xf32, #tpu.memory_space<vmem>>, vector<16xf32>,
      } {sc.loop_unroll_factor = 4 : i64, sc.parallel_access}
      %parallel_loop3A_14 = arith.constant 0 : i32
      %parallel_loop3A_15 = arith.constant 128 : i32
      %parallel_loop3A_16 = arith.constant 1 : i32
      scf.for %parallel_loop3A_70 = %parallel_loop3A_14 to %parallel_loop3A_15 step %parallel_loop3A_16  : i32 {
        %parallel_loop3A_71 = arith.constant 0.000000e+00 : f32
        %parallel_loop3A_72 = vector.broadcast %parallel_loop3A_71 : f32 to vector<16xf32>
        %parallel_loop3A_73 = arith.index_cast %parallel_loop3A_70 : i32 to index
        %parallel_loop3A_74 = arith.constant 0 : index
        %parallel_loop3A_75 = tpu.vector_load %arg42[%parallel_loop3A_73, %parallel_loop3A_74] {strides = array<i32>} : memref<128x32xf32, #tpu.memory_space<vmem>>, vector<16xf32>,
        tpu.vector_store %arg42[%parallel_loop3A_73, %parallel_loop3A_74], %parallel_loop3A_72 {strides = array<i32>} : memref<128x32xf32, #tpu.memory_space<vmem>>, vector<16xf32>,
        %parallel_loop3A_76 = arith.constant 0.000000e+00 : f32
        %parallel_loop3A_77 = vector.broadcast %parallel_loop3A_76 : f32 to vector<16xf32>
        %parallel_loop3A_78 = arith.index_cast %parallel_loop3A_70 : i32 to index
        %parallel_loop3A_79 = arith.constant 16 : index
        %parallel_loop3A_80 = tpu.vector_load %arg42[%parallel_loop3A_78, %parallel_loop3A_79] {strides = array<i32>} : memref<128x32xf32, #tpu.memory_space<vmem>>, vector<16xf32>,
        tpu.vector_store %arg42[%parallel_loop3A_78, %parallel_loop3A_79], %parallel_loop3A_77 {strides = array<i32>} : memref<128x32xf32, #tpu.memory_space<vmem>>, vector<16xf32>,
      } {sc.loop_unroll_factor = 4 : i64, sc.parallel_access}
      %parallel_loop3A_17 = arith.constant 0 : i32
      %parallel_loop3A_18 = arith.constant 128 : i32
      %parallel_loop3A_19 = arith.constant 1 : i32
      scf.for %parallel_loop3A_70 = %parallel_loop3A_17 to %parallel_loop3A_18 step %parallel_loop3A_19  : i32 {
        %parallel_loop3A_71 = arith.constant 0.000000e+00 : f32
        %parallel_loop3A_72 = vector.broadcast %parallel_loop3A_71 : f32 to vector<16xf32>
        %parallel_loop3A_73 = arith.index_cast %parallel_loop3A_70 : i32 to index
        %parallel_loop3A_74 = arith.constant 0 : index
        %parallel_loop3A_75 = tpu.vector_load %arg43[%parallel_loop3A_73, %parallel_loop3A_74] {strides = array<i32>} : memref<128x32xf32, #tpu.memory_space<vmem>>, vector<16xf32>,
        tpu.vector_store %arg43[%parallel_loop3A_73, %parallel_loop3A_74], %parallel_loop3A_72 {strides = array<i32>} : memref<128x32xf32, #tpu.memory_space<vmem>>, vector<16xf32>,
        %parallel_loop3A_76 = arith.constant 0.000000e+00 : f32
        %parallel_loop3A_77 = vector.broadcast %parallel_loop3A_76 : f32 to vector<16xf32>
        %parallel_loop3A_78 = arith.index_cast %parallel_loop3A_70 : i32 to index
        %parallel_loop3A_79 = arith.constant 16 : index
        %parallel_loop3A_80 = tpu.vector_load %arg43[%parallel_loop3A_78, %parallel_loop3A_79] {strides = array<i32>} : memref<128x32xf32, #tpu.memory_space<vmem>>, vector<16xf32>,
        tpu.vector_store %arg43[%parallel_loop3A_78, %parallel_loop3A_79], %parallel_loop3A_77 {strides = array<i32>} : memref<128x32xf32, #tpu.memory_space<vmem>>, vector<16xf32>,
      } {sc.loop_unroll_factor = 4 : i64, sc.parallel_access}
      %parallel_loop3A_20 = arith.constant 0 : i32
      %parallel_loop3A_21 = arith.constant 128 : i32
      %parallel_loop3A_22 = arith.constant 1 : i32
      scf.for %parallel_loop3A_70 = %parallel_loop3A_20 to %parallel_loop3A_21 step %parallel_loop3A_22  : i32 {
        %parallel_loop3A_71 = arith.constant 0.000000e+00 : f32
        %parallel_loop3A_72 = vector.broadcast %parallel_loop3A_71 : f32 to vector<16xf32>
        %parallel_loop3A_73 = arith.index_cast %parallel_loop3A_70 : i32 to index
        %parallel_loop3A_74 = arith.constant 0 : index
        %parallel_loop3A_75 = tpu.vector_load %arg44[%parallel_loop3A_73, %parallel_loop3A_74] {strides = array<i32>} : memref<128x32xf32, #tpu.memory_space<vmem>>, vector<16xf32>,
        tpu.vector_store %arg44[%parallel_loop3A_73, %parallel_loop3A_74], %parallel_loop3A_72 {strides = array<i32>} : memref<128x32xf32, #tpu.memory_space<vmem>>, vector<16xf32>,
        %parallel_loop3A_76 = arith.constant 0.000000e+00 : f32
        %parallel_loop3A_77 = vector.broadcast %parallel_loop3A_76 : f32 to vector<16xf32>
        %parallel_loop3A_78 = arith.index_cast %parallel_loop3A_70 : i32 to index
        %parallel_loop3A_79 = arith.constant 16 : index
        %parallel_loop3A_80 = tpu.vector_load %arg44[%parallel_loop3A_78, %parallel_loop3A_79] {strides = array<i32>} : memref<128x32xf32, #tpu.memory_space<vmem>>, vector<16xf32>,
        tpu.vector_store %arg44[%parallel_loop3A_78, %parallel_loop3A_79], %parallel_loop3A_77 {strides = array<i32>} : memref<128x32xf32, #tpu.memory_space<vmem>>, vector<16xf32>,
      } {sc.loop_unroll_factor = 4 : i64, sc.parallel_access}
      %parallel_loop3A_23 = arith.constant 0 : i32
      %parallel_loop3A_24 = arith.constant 128 : i32
      %parallel_loop3A_25 = arith.constant 1 : i32
      scf.for %parallel_loop3A_70 = %parallel_loop3A_23 to %parallel_loop3A_24 step %parallel_loop3A_25  : i32 {
        %parallel_loop3A_71 = arith.constant 0.000000e+00 : f32
        %parallel_loop3A_72 = vector.broadcast %parallel_loop3A_71 : f32 to vector<16xf32>
        %parallel_loop3A_73 = arith.index_cast %parallel_loop3A_70 : i32 to index
        %parallel_loop3A_74 = arith.constant 0 : index
        %parallel_loop3A_75 = tpu.vector_load %arg45[%parallel_loop3A_73, %parallel_loop3A_74] {strides = array<i32>} : memref<128x32xf32, #tpu.memory_space<vmem>>, vector<16xf32>,
        tpu.vector_store %arg45[%parallel_loop3A_73, %parallel_loop3A_74], %parallel_loop3A_72 {strides = array<i32>} : memref<128x32xf32, #tpu.memory_space<vmem>>, vector<16xf32>,
        %parallel_loop3A_76 = arith.constant 0.000000e+00 : f32
        %parallel_loop3A_77 = vector.broadcast %parallel_loop3A_76 : f32 to vector<16xf32>
        %parallel_loop3A_78 = arith.index_cast %parallel_loop3A_70 : i32 to index
        %parallel_loop3A_79 = arith.constant 16 : index
        %parallel_loop3A_80 = tpu.vector_load %arg45[%parallel_loop3A_78, %parallel_loop3A_79] {strides = array<i32>} : memref<128x32xf32, #tpu.memory_space<vmem>>, vector<16xf32>,
        tpu.vector_store %arg45[%parallel_loop3A_78, %parallel_loop3A_79], %parallel_loop3A_77 {strides = array<i32>} : memref<128x32xf32, #tpu.memory_space<vmem>>, vector<16xf32>,
      } {sc.loop_unroll_factor = 4 : i64, sc.parallel_access}
      %parallel_loop3A_26 = arith.constant 0 : i32
      %parallel_loop3A_27 = arith.constant 128 : i32
      %parallel_loop3A_28 = arith.constant 1 : i32
      scf.for %parallel_loop3A_70 = %parallel_loop3A_26 to %parallel_loop3A_27 step %parallel_loop3A_28  : i32 {
        %parallel_loop3A_71 = arith.constant 0.000000e+00 : f32
        %parallel_loop3A_72 = vector.broadcast %parallel_loop3A_71 : f32 to vector<16xf32>
        %parallel_loop3A_73 = arith.index_cast %parallel_loop3A_70 : i32 to index
        %parallel_loop3A_74 = arith.constant 0 : index
        %parallel_loop3A_75 = tpu.vector_load %arg46[%parallel_loop3A_73, %parallel_loop3A_74] {strides = array<i32>} : memref<128x32xf32, #tpu.memory_space<vmem>>, vector<16xf32>,
        tpu.vector_store %arg46[%parallel_loop3A_73, %parallel_loop3A_74], %parallel_loop3A_72 {strides = array<i32>} : memref<128x32xf32, #tpu.memory_space<vmem>>, vector<16xf32>,
        %parallel_loop3A_76 = arith.constant 0.000000e+00 : f32
        %parallel_loop3A_77 = vector.broadcast %parallel_loop3A_76 : f32 to vector<16xf32>
        %parallel_loop3A_78 = arith.index_cast %parallel_loop3A_70 : i32 to index
        %parallel_loop3A_79 = arith.constant 16 : index
        %parallel_loop3A_80 = tpu.vector_load %arg46[%parallel_loop3A_78, %parallel_loop3A_79] {strides = array<i32>} : memref<128x32xf32, #tpu.memory_space<vmem>>, vector<16xf32>,
        tpu.vector_store %arg46[%parallel_loop3A_78, %parallel_loop3A_79], %parallel_loop3A_77 {strides = array<i32>} : memref<128x32xf32, #tpu.memory_space<vmem>>, vector<16xf32>,
      } {sc.loop_unroll_factor = 4 : i64, sc.parallel_access}
      %parallel_loop3A_29 = arith.constant 0 : i32
      %parallel_loop3A_30 = arith.constant 128 : i32
      %parallel_loop3A_31 = arith.constant 1 : i32
      scf.for %parallel_loop3A_70 = %parallel_loop3A_29 to %parallel_loop3A_30 step %parallel_loop3A_31  : i32 {
        %parallel_loop3A_71 = arith.constant 0.000000e+00 : f32
        %parallel_loop3A_72 = vector.broadcast %parallel_loop3A_71 : f32 to vector<16xf32>
        %parallel_loop3A_73 = arith.index_cast %parallel_loop3A_70 : i32 to index
        %parallel_loop3A_74 = arith.constant 0 : index
        %parallel_loop3A_75 = tpu.vector_load %arg47[%parallel_loop3A_73, %parallel_loop3A_74] {strides = array<i32>} : memref<128x32xf32, #tpu.memory_space<vmem>>, vector<16xf32>,
        tpu.vector_store %arg47[%parallel_loop3A_73, %parallel_loop3A_74], %parallel_loop3A_72 {strides = array<i32>} : memref<128x32xf32, #tpu.memory_space<vmem>>, vector<16xf32>,
        %parallel_loop3A_76 = arith.constant 0.000000e+00 : f32
        %parallel_loop3A_77 = vector.broadcast %parallel_loop3A_76 : f32 to vector<16xf32>
        %parallel_loop3A_78 = arith.index_cast %parallel_loop3A_70 : i32 to index
        %parallel_loop3A_79 = arith.constant 16 : index
        %parallel_loop3A_80 = tpu.vector_load %arg47[%parallel_loop3A_78, %parallel_loop3A_79] {strides = array<i32>} : memref<128x32xf32, #tpu.memory_space<vmem>>, vector<16xf32>,
        tpu.vector_store %arg47[%parallel_loop3A_78, %parallel_loop3A_79], %parallel_loop3A_77 {strides = array<i32>} : memref<128x32xf32, #tpu.memory_space<vmem>>, vector<16xf32>,
      } {sc.loop_unroll_factor = 4 : i64, sc.parallel_access}
      %parallel_loop3A_32 = arith.constant 0 : i32
      %parallel_loop3A_33 = arith.constant 128 : i32
      %parallel_loop3A_34 = arith.constant 1 : i32
      scf.for %parallel_loop3A_70 = %parallel_loop3A_32 to %parallel_loop3A_33 step %parallel_loop3A_34  : i32 {
        %parallel_loop3A_71 = arith.constant 0.000000e+00 : f32
        %parallel_loop3A_72 = vector.broadcast %parallel_loop3A_71 : f32 to vector<16xf32>
        %parallel_loop3A_73 = arith.index_cast %parallel_loop3A_70 : i32 to index
        %parallel_loop3A_74 = arith.constant 0 : index
        %parallel_loop3A_75 = tpu.vector_load %arg48[%parallel_loop3A_73, %parallel_loop3A_74] {strides = array<i32>} : memref<128x32xf32, #tpu.memory_space<vmem>>, vector<16xf32>,
        tpu.vector_store %arg48[%parallel_loop3A_73, %parallel_loop3A_74], %parallel_loop3A_72 {strides = array<i32>} : memref<128x32xf32, #tpu.memory_space<vmem>>, vector<16xf32>,
        %parallel_loop3A_76 = arith.constant 0.000000e+00 : f32
        %parallel_loop3A_77 = vector.broadcast %parallel_loop3A_76 : f32 to vector<16xf32>
        %parallel_loop3A_78 = arith.index_cast %parallel_loop3A_70 : i32 to index
        %parallel_loop3A_79 = arith.constant 16 : index
        %parallel_loop3A_80 = tpu.vector_load %arg48[%parallel_loop3A_78, %parallel_loop3A_79] {strides = array<i32>} : memref<128x32xf32, #tpu.memory_space<vmem>>, vector<16xf32>,
        tpu.vector_store %arg48[%parallel_loop3A_78, %parallel_loop3A_79], %parallel_loop3A_77 {strides = array<i32>} : memref<128x32xf32, #tpu.memory_space<vmem>>, vector<16xf32>,
      } {sc.loop_unroll_factor = 4 : i64, sc.parallel_access}
      %parallel_loop3A_35 = arith.constant 0 : i32
      %parallel_loop3A_36 = arith.constant 128 : i32
      %parallel_loop3A_37 = arith.constant 1 : i32
      scf.for %parallel_loop3A_70 = %parallel_loop3A_35 to %parallel_loop3A_36 step %parallel_loop3A_37  : i32 {
        %parallel_loop3A_71 = arith.constant 0.000000e+00 : f32
        %parallel_loop3A_72 = vector.broadcast %parallel_loop3A_71 : f32 to vector<16xf32>
        %parallel_loop3A_73 = arith.index_cast %parallel_loop3A_70 : i32 to index
        %parallel_loop3A_74 = arith.constant 0 : index
        %parallel_loop3A_75 = tpu.vector_load %arg49[%parallel_loop3A_73, %parallel_loop3A_74] {strides = array<i32>} : memref<128x32xf32, #tpu.memory_space<vmem>>, vector<16xf32>,
        tpu.vector_store %arg49[%parallel_loop3A_73, %parallel_loop3A_74], %parallel_loop3A_72 {strides = array<i32>} : memref<128x32xf32, #tpu.memory_space<vmem>>, vector<16xf32>,
        %parallel_loop3A_76 = arith.constant 0.000000e+00 : f32
        %parallel_loop3A_77 = vector.broadcast %parallel_loop3A_76 : f32 to vector<16xf32>
        %parallel_loop3A_78 = arith.index_cast %parallel_loop3A_70 : i32 to index
        %parallel_loop3A_79 = arith.constant 16 : index
        %parallel_loop3A_80 = tpu.vector_load %arg49[%parallel_loop3A_78, %parallel_loop3A_79] {strides = array<i32>} : memref<128x32xf32, #tpu.memory_space<vmem>>, vector<16xf32>,
        tpu.vector_store %arg49[%parallel_loop3A_78, %parallel_loop3A_79], %parallel_loop3A_77 {strides = array<i32>} : memref<128x32xf32, #tpu.memory_space<vmem>>, vector<16xf32>,
      } {sc.loop_unroll_factor = 4 : i64, sc.parallel_access}
      %run_scoped3A = arith.constant 0 : i32
      "tpu.region"() ({
        %run_scoped3A_70 = tpu.sem_alloc : memref<!tpu.dma_semaphore, #tpu.memory_space<semaphore_mem>>
        %dma_start3A_71 = tpu.memref_slice %arg11[%run_scoped3A, %mul3A_11] : memref<27x32768xi32, #tpu.memory_space<hbm>> -> memref<1x128xi32, #tpu.memory_space<hbm>>
        %dma_start3A_72 = tpu.memref_squeeze %dma_start3A_71 : memref<1x128xi32, #tpu.memory_space<hbm>> -> memref<128xi32, #tpu.memory_space<hbm>>
        %dma_start3A_73 = tpu.memref_slice %arg11[%run_scoped3A, %mul3A_11] : memref<27x32768xi32, #tpu.memory_space<hbm>> -> memref<1x128xi32, #tpu.memory_space<hbm>>
        %dma_start3A_74 = tpu.memref_squeeze %dma_start3A_73 : memref<1x128xi32, #tpu.memory_space<hbm>> -> memref<128xi32, #tpu.memory_space<hbm>>
        tpu.enqueue_dma source(%dma_start3A_74 : memref<128xi32, #tpu.memory_space<hbm>>) target(%arg21 : memref<128xi32, #tpu.memory_space<vmem>>) target_semaphore(%run_scoped3A_70 : memref<!tpu.dma_semaphore, #tpu.memory_space<semaphore_mem>>)
        %dma_wait3A = tpu.memref_slice %arg11[%run_scoped3A, %mul3A_11] : memref<27x32768xi32, #tpu.memory_space<hbm>> -> memref<1x128xi32, #tpu.memory_space<hbm>>
        %dma_wait3A_75 = tpu.memref_squeeze %dma_wait3A : memref<1x128xi32, #tpu.memory_space<hbm>> -> memref<128xi32, #tpu.memory_space<hbm>>
        %dma_wait3A_76 = tpu.memref_slice %arg11[%run_scoped3A, %mul3A_11] : memref<27x32768xi32, #tpu.memory_space<hbm>> -> memref<1x128xi32, #tpu.memory_space<hbm>>
        %dma_wait3A_77 = tpu.memref_squeeze %dma_wait3A_76 : memref<1x128xi32, #tpu.memory_space<hbm>> -> memref<128xi32, #tpu.memory_space<hbm>>
        tpu.wait_dma2 semaphore(%run_scoped3A_70 : memref<!tpu.dma_semaphore, #tpu.memory_space<semaphore_mem>>) src(%dma_wait3A_77 : memref<128xi32, #tpu.memory_space<hbm>>) dst(%arg21 : memref<128xi32, #tpu.memory_space<vmem>>)
        tpu.yield
      }) : () -> ()
      %dma_start3A = arith.constant 0 : i32
      %dma_start3A_38 = arith.constant 0 : i32
      %dma_start3A_39 = tpu.memref_slice %arg2[%dma_start3A, %dma_start3A_38] : memref<32896x32xf32, #tpu.memory_space<hbm>> -> memref<32896x32xf32, #tpu.memory_space<hbm>>
      tpu.enqueue_indirect_dma source(%dma_start3A_39 : memref<32896x32xf32, #tpu.memory_space<hbm>>) target(%arg23 : memref<128x32xf32, #tpu.memory_space<vmem>>) offsets(%arg21 : memref<128xi32, #tpu.memory_space<vmem>>) semaphore(%arg50 : memref<!tpu.dma_semaphore, #tpu.memory_space<semaphore_mem>>)
      %dma_start3A_40 = arith.constant 0 : i32
      %dma_start3A_41 = arith.constant 0 : i32
      %dma_start3A_42 = tpu.memref_slice %arg3[%dma_start3A_40, %dma_start3A_41] : memref<32896x32xf32, #tpu.memory_space<hbm>> -> memref<32896x32xf32, #tpu.memory_space<hbm>>
      tpu.enqueue_indirect_dma source(%dma_start3A_42 : memref<32896x32xf32, #tpu.memory_space<hbm>>) target(%arg24 : memref<128x32xf32, #tpu.memory_space<vmem>>) offsets(%arg21 : memref<128xi32, #tpu.memory_space<vmem>>) semaphore(%arg50 : memref<!tpu.dma_semaphore, #tpu.memory_space<semaphore_mem>>)
      %dma_start3A_43 = arith.constant 0 : i32
      %dma_start3A_44 = arith.constant 0 : i32
      %dma_start3A_45 = tpu.memref_slice %arg4[%dma_start3A_43, %dma_start3A_44] : memref<32896x32xf32, #tpu.memory_space<hbm>> -> memref<32896x32xf32, #tpu.memory_space<hbm>>
      tpu.enqueue_indirect_dma source(%dma_start3A_45 : memref<32896x32xf32, #tpu.memory_space<hbm>>) target(%arg25 : memref<128x32xf32, #tpu.memory_space<vmem>>) offsets(%arg21 : memref<128xi32, #tpu.memory_space<vmem>>) semaphore(%arg50 : memref<!tpu.dma_semaphore, #tpu.memory_space<semaphore_mem>>)
      %dma_start3A_46 = arith.constant 0 : i32
      %dma_start3A_47 = arith.constant 0 : i32
      %dma_start3A_48 = tpu.memref_slice %arg5[%dma_start3A_46, %dma_start3A_47] : memref<32896x32xf32, #tpu.memory_space<hbm>> -> memref<32896x32xf32, #tpu.memory_space<hbm>>
      tpu.enqueue_indirect_dma source(%dma_start3A_48 : memref<32896x32xf32, #tpu.memory_space<hbm>>) target(%arg26 : memref<128x32xf32, #tpu.memory_space<vmem>>) offsets(%arg21 : memref<128xi32, #tpu.memory_space<vmem>>) semaphore(%arg50 : memref<!tpu.dma_semaphore, #tpu.memory_space<semaphore_mem>>)
      %dma_start3A_49 = arith.constant 0 : i32
      %dma_start3A_50 = arith.constant 0 : i32
      %dma_start3A_51 = tpu.memref_slice %arg6[%dma_start3A_49, %dma_start3A_50] : memref<32896x32xf32, #tpu.memory_space<hbm>> -> memref<32896x32xf32, #tpu.memory_space<hbm>>
      tpu.enqueue_indirect_dma source(%dma_start3A_51 : memref<32896x32xf32, #tpu.memory_space<hbm>>) target(%arg27 : memref<128x32xf32, #tpu.memory_space<vmem>>) offsets(%arg21 : memref<128xi32, #tpu.memory_space<vmem>>) semaphore(%arg50 : memref<!tpu.dma_semaphore, #tpu.memory_space<semaphore_mem>>)
      %dma_start3A_52 = arith.constant 0 : i32
      %dma_start3A_53 = arith.constant 0 : i32
      %dma_start3A_54 = tpu.memref_slice %arg7[%dma_start3A_52, %dma_start3A_53] : memref<32896x32xf32, #tpu.memory_space<hbm>> -> memref<32896x32xf32, #tpu.memory_space<hbm>>
      tpu.enqueue_indirect_dma source(%dma_start3A_54 : memref<32896x32xf32, #tpu.memory_space<hbm>>) target(%arg28 : memref<128x32xf32, #tpu.memory_space<vmem>>) offsets(%arg21 : memref<128xi32, #tpu.memory_space<vmem>>) semaphore(%arg50 : memref<!tpu.dma_semaphore, #tpu.memory_space<semaphore_mem>>)
      %dma_start3A_55 = arith.constant 0 : i32
      %dma_start3A_56 = arith.constant 0 : i32
      %dma_start3A_57 = tpu.memref_slice %arg8[%dma_start3A_55, %dma_start3A_56] : memref<32896x32xf32, #tpu.memory_space<hbm>> -> memref<32896x32xf32, #tpu.memory_space<hbm>>
      tpu.enqueue_indirect_dma source(%dma_start3A_57 : memref<32896x32xf32, #tpu.memory_space<hbm>>) target(%arg29 : memref<128x32xf32, #tpu.memory_space<vmem>>) offsets(%arg21 : memref<128xi32, #tpu.memory_space<vmem>>) semaphore(%arg50 : memref<!tpu.dma_semaphore, #tpu.memory_space<semaphore_mem>>)
      %dma_start3A_58 = arith.constant 0 : i32
      %dma_start3A_59 = arith.constant 0 : i32
      %dma_start3A_60 = tpu.memref_slice %arg9[%dma_start3A_58, %dma_start3A_59] : memref<32896x32xf32, #tpu.memory_space<hbm>> -> memref<32896x32xf32, #tpu.memory_space<hbm>>
      tpu.enqueue_indirect_dma source(%dma_start3A_60 : memref<32896x32xf32, #tpu.memory_space<hbm>>) target(%arg30 : memref<128x32xf32, #tpu.memory_space<vmem>>) offsets(%arg21 : memref<128xi32, #tpu.memory_space<vmem>>) semaphore(%arg50 : memref<!tpu.dma_semaphore, #tpu.memory_space<semaphore_mem>>)
      %dma_start3A_61 = arith.constant 0 : i32
      %dma_start3A_62 = arith.constant 0 : i32
      %dma_start3A_63 = tpu.memref_slice %arg10[%dma_start3A_61, %dma_start3A_62] : memref<32896x32xf32, #tpu.memory_space<hbm>> -> memref<32896x32xf32, #tpu.memory_space<hbm>>
      tpu.enqueue_indirect_dma source(%dma_start3A_63 : memref<32896x32xf32, #tpu.memory_space<hbm>>) target(%arg31 : memref<128x32xf32, #tpu.memory_space<vmem>>) offsets(%arg21 : memref<128xi32, #tpu.memory_space<vmem>>) semaphore(%arg50 : memref<!tpu.dma_semaphore, #tpu.memory_space<semaphore_mem>>)
      %scan3A_64 = arith.constant 0 : i32
      %scan3A_65 = arith.constant 0 : i32
      %scan3A_66 = arith.constant 27 : i32
      %scan3A_67 = arith.addi %scan3A_65, %scan3A_66 : i32
      %scan3A_68 = arith.constant 1 : i32
      scf.for %scan3A_70 = %scan3A_65 to %scan3A_67 step %scan3A_68  : i32 {
        %jit3A = arith.constant 2 : i32
        %eq3A = arith.constant 0 : i32
        %eq3A_71 = arith.cmpi eq, %jit3A, %eq3A : i32
        %jit3A_72 = arith.constant 1 : i32
        %select_n3A = arith.select %eq3A_71, %jit3A_72, %jit3A : i32
        %rem3A = arith.remsi %scan3A_70, %select_n3A : i32
        %ne3A = arith.constant 0 : i32
        %ne3A_73 = arith.cmpi ne, %rem3A, %ne3A : i32
        %lt3A = arith.constant 0 : i32
        %lt3A_74 = arith.cmpi slt, %rem3A, %lt3A : i32
        %lt3A_75 = arith.constant 0 : i32
        %lt3A_76 = arith.cmpi slt, %select_n3A, %lt3A_75 : i32
        %ne3A_77 = arith.xori %lt3A_74, %lt3A_76 : i1
        %and3A = arith.andi %ne3A_77, %ne3A_73 : i1
        %add3A_78 = arith.addi %rem3A, %select_n3A : i32
        %select_n3A_79 = arith.select %and3A, %add3A_78, %rem3A : i32
        %eq3A_80 = arith.constant 0 : i32
        %eq3A_81 = arith.cmpi eq, %select_n3A_79, %eq3A_80 : i32
        %convert_element_type3A = arith.extui %eq3A_81 : i1 to i32
        %cond3A = arith.constant 0 : i32
        %cond3A_82 = arith.cmpi ne, %convert_element_type3A, %cond3A : i32
        scf.if %cond3A_82 {
          %add3A_104 = arith.constant 1 : i32
          %add3A_105 = arith.addi %scan3A_70, %add3A_104 : i32
          %lt3A_106 = arith.constant 27 : i32
          %lt3A_107 = arith.cmpi slt, %add3A_105, %lt3A_106 : i32
          %convert_element_type3A_108 = arith.extui %lt3A_107 : i1 to i32
          %cond3A_109 = arith.constant 0 : i32
          %cond3A_110 = arith.cmpi ne, %convert_element_type3A_108, %cond3A_109 : i32
          scf.if %cond3A_110 {
            %add3A_164 = arith.constant 1 : i32
            %add3A_165 = arith.addi %scan3A_70, %add3A_164 : i32
            "tpu.region"() ({
              %run_scoped3A_195 = tpu.sem_alloc : memref<!tpu.dma_semaphore, #tpu.memory_space<semaphore_mem>>
              %dma_start3A_196 = tpu.memref_slice %arg11[%add3A_165, %mul3A_11] : memref<27x32768xi32, #tpu.memory_space<hbm>> -> memref<1x128xi32, #tpu.memory_space<hbm>>
              %dma_start3A_197 = tpu.memref_squeeze %dma_start3A_196 : memref<1x128xi32, #tpu.memory_space<hbm>> -> memref<128xi32, #tpu.memory_space<hbm>>
              %dma_start3A_198 = tpu.memref_slice %arg11[%add3A_165, %mul3A_11] : memref<27x32768xi32, #tpu.memory_space<hbm>> -> memref<1x128xi32, #tpu.memory_space<hbm>>
              %dma_start3A_199 = tpu.memref_squeeze %dma_start3A_198 : memref<1x128xi32, #tpu.memory_space<hbm>> -> memref<128xi32, #tpu.memory_space<hbm>>
              tpu.enqueue_dma source(%dma_start3A_199 : memref<128xi32, #tpu.memory_space<hbm>>) target(%arg22 : memref<128xi32, #tpu.memory_space<vmem>>) target_semaphore(%run_scoped3A_195 : memref<!tpu.dma_semaphore, #tpu.memory_space<semaphore_mem>>)
              %dma_wait3A_200 = tpu.memref_slice %arg11[%add3A_165, %mul3A_11] : memref<27x32768xi32, #tpu.memory_space<hbm>> -> memref<1x128xi32, #tpu.memory_space<hbm>>
              %dma_wait3A_201 = tpu.memref_squeeze %dma_wait3A_200 : memref<1x128xi32, #tpu.memory_space<hbm>> -> memref<128xi32, #tpu.memory_space<hbm>>
              %dma_wait3A_202 = tpu.memref_slice %arg11[%add3A_165, %mul3A_11] : memref<27x32768xi32, #tpu.memory_space<hbm>> -> memref<1x128xi32, #tpu.memory_space<hbm>>
              %dma_wait3A_203 = tpu.memref_squeeze %dma_wait3A_202 : memref<1x128xi32, #tpu.memory_space<hbm>> -> memref<128xi32, #tpu.memory_space<hbm>>
              tpu.wait_dma2 semaphore(%run_scoped3A_195 : memref<!tpu.dma_semaphore, #tpu.memory_space<semaphore_mem>>) src(%dma_wait3A_203 : memref<128xi32, #tpu.memory_space<hbm>>) dst(%arg22 : memref<128xi32, #tpu.memory_space<vmem>>)
              tpu.yield
            }) : () -> ()
            %add3A_166 = arith.constant 1 : i32
            %add3A_167 = arith.addi %scan3A_70, %add3A_166 : i32
            %dma_start3A_168 = arith.constant 0 : i32
            %dma_start3A_169 = arith.constant 0 : i32
            %dma_start3A_170 = tpu.memref_slice %arg2[%dma_start3A_168, %dma_start3A_169] : memref<32896x32xf32, #tpu.memory_space<hbm>> -> memref<32896x32xf32, #tpu.memory_space<hbm>>
            tpu.enqueue_indirect_dma source(%dma_start3A_170 : memref<32896x32xf32, #tpu.memory_space<hbm>>) target(%arg32 : memref<128x32xf32, #tpu.memory_space<vmem>>) offsets(%arg22 : memref<128xi32, #tpu.memory_space<vmem>>) semaphore(%arg51 : memref<!tpu.dma_semaphore, #tpu.memory_space<semaphore_mem>>)
            %dma_start3A_171 = arith.constant 0 : i32
            %dma_start3A_172 = arith.constant 0 : i32
            %dma_start3A_173 = tpu.memref_slice %arg3[%dma_start3A_171, %dma_start3A_172] : memref<32896x32xf32, #tpu.memory_space<hbm>> -> memref<32896x32xf32, #tpu.memory_space<hbm>>
            tpu.enqueue_indirect_dma source(%dma_start3A_173 : memref<32896x32xf32, #tpu.memory_space<hbm>>) target(%arg33 : memref<128x32xf32, #tpu.memory_space<vmem>>) offsets(%arg22 : memref<128xi32, #tpu.memory_space<vmem>>) semaphore(%arg51 : memref<!tpu.dma_semaphore, #tpu.memory_space<semaphore_mem>>)
            %dma_start3A_174 = arith.constant 0 : i32
            %dma_start3A_175 = arith.constant 0 : i32
            %dma_start3A_176 = tpu.memref_slice %arg4[%dma_start3A_174, %dma_start3A_175] : memref<32896x32xf32, #tpu.memory_space<hbm>> -> memref<32896x32xf32, #tpu.memory_space<hbm>>
            tpu.enqueue_indirect_dma source(%dma_start3A_176 : memref<32896x32xf32, #tpu.memory_space<hbm>>) target(%arg34 : memref<128x32xf32, #tpu.memory_space<vmem>>) offsets(%arg22 : memref<128xi32, #tpu.memory_space<vmem>>) semaphore(%arg51 : memref<!tpu.dma_semaphore, #tpu.memory_space<semaphore_mem>>)
            %dma_start3A_177 = arith.constant 0 : i32
            %dma_start3A_178 = arith.constant 0 : i32
            %dma_start3A_179 = tpu.memref_slice %arg5[%dma_start3A_177, %dma_start3A_178] : memref<32896x32xf32, #tpu.memory_space<hbm>> -> memref<32896x32xf32, #tpu.memory_space<hbm>>
            tpu.enqueue_indirect_dma source(%dma_start3A_179 : memref<32896x32xf32, #tpu.memory_space<hbm>>) target(%arg35 : memref<128x32xf32, #tpu.memory_space<vmem>>) offsets(%arg22 : memref<128xi32, #tpu.memory_space<vmem>>) semaphore(%arg51 : memref<!tpu.dma_semaphore, #tpu.memory_space<semaphore_mem>>)
            %dma_start3A_180 = arith.constant 0 : i32
            %dma_start3A_181 = arith.constant 0 : i32
            %dma_start3A_182 = tpu.memref_slice %arg6[%dma_start3A_180, %dma_start3A_181] : memref<32896x32xf32, #tpu.memory_space<hbm>> -> memref<32896x32xf32, #tpu.memory_space<hbm>>
            tpu.enqueue_indirect_dma source(%dma_start3A_182 : memref<32896x32xf32, #tpu.memory_space<hbm>>) target(%arg36 : memref<128x32xf32, #tpu.memory_space<vmem>>) offsets(%arg22 : memref<128xi32, #tpu.memory_space<vmem>>) semaphore(%arg51 : memref<!tpu.dma_semaphore, #tpu.memory_space<semaphore_mem>>)
            %dma_start3A_183 = arith.constant 0 : i32
            %dma_start3A_184 = arith.constant 0 : i32
            %dma_start3A_185 = tpu.memref_slice %arg7[%dma_start3A_183, %dma_start3A_184] : memref<32896x32xf32, #tpu.memory_space<hbm>> -> memref<32896x32xf32, #tpu.memory_space<hbm>>
            tpu.enqueue_indirect_dma source(%dma_start3A_185 : memref<32896x32xf32, #tpu.memory_space<hbm>>) target(%arg37 : memref<128x32xf32, #tpu.memory_space<vmem>>) offsets(%arg22 : memref<128xi32, #tpu.memory_space<vmem>>) semaphore(%arg51 : memref<!tpu.dma_semaphore, #tpu.memory_space<semaphore_mem>>)
            %dma_start3A_186 = arith.constant 0 : i32
            %dma_start3A_187 = arith.constant 0 : i32
            %dma_start3A_188 = tpu.memref_slice %arg8[%dma_start3A_186, %dma_start3A_187] : memref<32896x32xf32, #tpu.memory_space<hbm>> -> memref<32896x32xf32, #tpu.memory_space<hbm>>
            tpu.enqueue_indirect_dma source(%dma_start3A_188 : memref<32896x32xf32, #tpu.memory_space<hbm>>) target(%arg38 : memref<128x32xf32, #tpu.memory_space<vmem>>) offsets(%arg22 : memref<128xi32, #tpu.memory_space<vmem>>) semaphore(%arg51 : memref<!tpu.dma_semaphore, #tpu.memory_space<semaphore_mem>>)
            %dma_start3A_189 = arith.constant 0 : i32
            %dma_start3A_190 = arith.constant 0 : i32
            %dma_start3A_191 = tpu.memref_slice %arg9[%dma_start3A_189, %dma_start3A_190] : memref<32896x32xf32, #tpu.memory_space<hbm>> -> memref<32896x32xf32, #tpu.memory_space<hbm>>
            tpu.enqueue_indirect_dma source(%dma_start3A_191 : memref<32896x32xf32, #tpu.memory_space<hbm>>) target(%arg39 : memref<128x32xf32, #tpu.memory_space<vmem>>) offsets(%arg22 : memref<128xi32, #tpu.memory_space<vmem>>) semaphore(%arg51 : memref<!tpu.dma_semaphore, #tpu.memory_space<semaphore_mem>>)
            %dma_start3A_192 = arith.constant 0 : i32
            %dma_start3A_193 = arith.constant 0 : i32
            %dma_start3A_194 = tpu.memref_slice %arg10[%dma_start3A_192, %dma_start3A_193] : memref<32896x32xf32, #tpu.memory_space<hbm>> -> memref<32896x32xf32, #tpu.memory_space<hbm>>
            tpu.enqueue_indirect_dma source(%dma_start3A_194 : memref<32896x32xf32, #tpu.memory_space<hbm>>) target(%arg40 : memref<128x32xf32, #tpu.memory_space<vmem>>) offsets(%arg22 : memref<128xi32, #tpu.memory_space<vmem>>) semaphore(%arg51 : memref<!tpu.dma_semaphore, #tpu.memory_space<semaphore_mem>>)
          } else {
          }
          %dma_wait3A = arith.constant 0 : i32
          %dma_wait3A_111 = arith.constant 0 : i32
          %dma_wait3A_112 = tpu.memref_slice %arg2[%dma_wait3A, %dma_wait3A_111] : memref<32896x32xf32, #tpu.memory_space<hbm>> -> memref<32896x32xf32, #tpu.memory_space<hbm>>
          tpu.wait_indirect_dma semaphore(%arg50 : memref<!tpu.dma_semaphore, #tpu.memory_space<semaphore_mem>>) src(%dma_wait3A_112 : memref<32896x32xf32, #tpu.memory_space<hbm>>) dst(%arg23 : memref<128x32xf32, #tpu.memory_space<vmem>>)
          %dma_wait3A_113 = arith.constant 0 : i32
          %dma_wait3A_114 = arith.constant 0 : i32
          %dma_wait3A_115 = tpu.memref_slice %arg3[%dma_wait3A_113, %dma_wait3A_114] : memref<32896x32xf32, #tpu.memory_space<hbm>> -> memref<32896x32xf32, #tpu.memory_space<hbm>>
          tpu.wait_indirect_dma semaphore(%arg50 : memref<!tpu.dma_semaphore, #tpu.memory_space<semaphore_mem>>) src(%dma_wait3A_115 : memref<32896x32xf32, #tpu.memory_space<hbm>>) dst(%arg24 : memref<128x32xf32, #tpu.memory_space<vmem>>)
          %dma_wait3A_116 = arith.constant 0 : i32
          %dma_wait3A_117 = arith.constant 0 : i32
          %dma_wait3A_118 = tpu.memref_slice %arg4[%dma_wait3A_116, %dma_wait3A_117] : memref<32896x32xf32, #tpu.memory_space<hbm>> -> memref<32896x32xf32, #tpu.memory_space<hbm>>
          tpu.wait_indirect_dma semaphore(%arg50 : memref<!tpu.dma_semaphore, #tpu.memory_space<semaphore_mem>>) src(%dma_wait3A_118 : memref<32896x32xf32, #tpu.memory_space<hbm>>) dst(%arg25 : memref<128x32xf32, #tpu.memory_space<vmem>>)
          %dma_wait3A_119 = arith.constant 0 : i32
          %dma_wait3A_120 = arith.constant 0 : i32
          %dma_wait3A_121 = tpu.memref_slice %arg5[%dma_wait3A_119, %dma_wait3A_120] : memref<32896x32xf32, #tpu.memory_space<hbm>> -> memref<32896x32xf32, #tpu.memory_space<hbm>>
          tpu.wait_indirect_dma semaphore(%arg50 : memref<!tpu.dma_semaphore, #tpu.memory_space<semaphore_mem>>) src(%dma_wait3A_121 : memref<32896x32xf32, #tpu.memory_space<hbm>>) dst(%arg26 : memref<128x32xf32, #tpu.memory_space<vmem>>)
          %dma_wait3A_122 = arith.constant 0 : i32
          %dma_wait3A_123 = arith.constant 0 : i32
          %dma_wait3A_124 = tpu.memref_slice %arg6[%dma_wait3A_122, %dma_wait3A_123] : memref<32896x32xf32, #tpu.memory_space<hbm>> -> memref<32896x32xf32, #tpu.memory_space<hbm>>
          tpu.wait_indirect_dma semaphore(%arg50 : memref<!tpu.dma_semaphore, #tpu.memory_space<semaphore_mem>>) src(%dma_wait3A_124 : memref<32896x32xf32, #tpu.memory_space<hbm>>) dst(%arg27 : memref<128x32xf32, #tpu.memory_space<vmem>>)
          %dma_wait3A_125 = arith.constant 0 : i32
          %dma_wait3A_126 = arith.constant 0 : i32
          %dma_wait3A_127 = tpu.memref_slice %arg7[%dma_wait3A_125, %dma_wait3A_126] : memref<32896x32xf32, #tpu.memory_space<hbm>> -> memref<32896x32xf32, #tpu.memory_space<hbm>>
          tpu.wait_indirect_dma semaphore(%arg50 : memref<!tpu.dma_semaphore, #tpu.memory_space<semaphore_mem>>) src(%dma_wait3A_127 : memref<32896x32xf32, #tpu.memory_space<hbm>>) dst(%arg28 : memref<128x32xf32, #tpu.memory_space<vmem>>)
          %dma_wait3A_128 = arith.constant 0 : i32
          %dma_wait3A_129 = arith.constant 0 : i32
          %dma_wait3A_130 = tpu.memref_slice %arg8[%dma_wait3A_128, %dma_wait3A_129] : memref<32896x32xf32, #tpu.memory_space<hbm>> -> memref<32896x32xf32, #tpu.memory_space<hbm>>
          tpu.wait_indirect_dma semaphore(%arg50 : memref<!tpu.dma_semaphore, #tpu.memory_space<semaphore_mem>>) src(%dma_wait3A_130 : memref<32896x32xf32, #tpu.memory_space<hbm>>) dst(%arg29 : memref<128x32xf32, #tpu.memory_space<vmem>>)
          %dma_wait3A_131 = arith.constant 0 : i32
          %dma_wait3A_132 = arith.constant 0 : i32
          %dma_wait3A_133 = tpu.memref_slice %arg9[%dma_wait3A_131, %dma_wait3A_132] : memref<32896x32xf32, #tpu.memory_space<hbm>> -> memref<32896x32xf32, #tpu.memory_space<hbm>>
          tpu.wait_indirect_dma semaphore(%arg50 : memref<!tpu.dma_semaphore, #tpu.memory_space<semaphore_mem>>) src(%dma_wait3A_133 : memref<32896x32xf32, #tpu.memory_space<hbm>>) dst(%arg30 : memref<128x32xf32, #tpu.memory_space<vmem>>)
          %dma_wait3A_134 = arith.constant 0 : i32
          %dma_wait3A_135 = arith.constant 0 : i32
          %dma_wait3A_136 = tpu.memref_slice %arg10[%dma_wait3A_134, %dma_wait3A_135] : memref<32896x32xf32, #tpu.memory_space<hbm>> -> memref<32896x32xf32, #tpu.memory_space<hbm>>
          tpu.wait_indirect_dma semaphore(%arg50 : memref<!tpu.dma_semaphore, #tpu.memory_space<semaphore_mem>>) src(%dma_wait3A_136 : memref<32896x32xf32, #tpu.memory_space<hbm>>) dst(%arg31 : memref<128x32xf32, #tpu.memory_space<vmem>>)
          %parallel_loop3A_137 = arith.constant 0 : i32
          %parallel_loop3A_138 = arith.constant 128 : i32
          %parallel_loop3A_139 = arith.constant 1 : i32
          scf.for %parallel_loop3A_164 = %parallel_loop3A_137 to %parallel_loop3A_138 step %parallel_loop3A_139  : i32 {
            %parallel_loop3A_165 = arith.index_cast %parallel_loop3A_164 : i32 to index
            %parallel_loop3A_166 = arith.constant 0 : index
            %parallel_loop3A_167 = tpu.vector_load %arg41[%parallel_loop3A_165, %parallel_loop3A_166] {strides = array<i32>} : memref<128x32xf32, #tpu.memory_space<vmem>>, vector<16xf32>,
            %parallel_loop3A_168 = arith.index_cast %parallel_loop3A_164 : i32 to index
            %parallel_loop3A_169 = arith.constant 0 : index
            %parallel_loop3A_170 = tpu.vector_load %arg23[%parallel_loop3A_168, %parallel_loop3A_169] {strides = array<i32>} : memref<128x32xf32, #tpu.memory_space<vmem>>, vector<16xf32>,
            %parallel_loop3A_171 = arith.addf %parallel_loop3A_167, %parallel_loop3A_170 : vector<16xf32>
            %parallel_loop3A_172 = arith.index_cast %parallel_loop3A_164 : i32 to index
            %parallel_loop3A_173 = arith.constant 0 : index
            %parallel_loop3A_174 = tpu.vector_load %arg41[%parallel_loop3A_172, %parallel_loop3A_173] {strides = array<i32>} : memref<128x32xf32, #tpu.memory_space<vmem>>, vector<16xf32>,
            tpu.vector_store %arg41[%parallel_loop3A_172, %parallel_loop3A_173], %parallel_loop3A_171 {strides = array<i32>} : memref<128x32xf32, #tpu.memory_space<vmem>>, vector<16xf32>,
            %parallel_loop3A_175 = arith.index_cast %parallel_loop3A_164 : i32 to index
            %parallel_loop3A_176 = arith.constant 16 : index
            %parallel_loop3A_177 = tpu.vector_load %arg41[%parallel_loop3A_175, %parallel_loop3A_176] {strides = array<i32>} : memref<128x32xf32, #tpu.memory_space<vmem>>, vector<16xf32>,
            %parallel_loop3A_178 = arith.index_cast %parallel_loop3A_164 : i32 to index
            %parallel_loop3A_179 = arith.constant 16 : index
            %parallel_loop3A_180 = tpu.vector_load %arg23[%parallel_loop3A_178, %parallel_loop3A_179] {strides = array<i32>} : memref<128x32xf32, #tpu.memory_space<vmem>>, vector<16xf32>,
            %parallel_loop3A_181 = arith.addf %parallel_loop3A_177, %parallel_loop3A_180 : vector<16xf32>
            %parallel_loop3A_182 = arith.index_cast %parallel_loop3A_164 : i32 to index
            %parallel_loop3A_183 = arith.constant 16 : index
            %parallel_loop3A_184 = tpu.vector_load %arg41[%parallel_loop3A_182, %parallel_loop3A_183] {strides = array<i32>} : memref<128x32xf32, #tpu.memory_space<vmem>>, vector<16xf32>,
            tpu.vector_store %arg41[%parallel_loop3A_182, %parallel_loop3A_183], %parallel_loop3A_181 {strides = array<i32>} : memref<128x32xf32, #tpu.memory_space<vmem>>, vector<16xf32>,
          } {sc.loop_unroll_factor = 2 : i64, sc.parallel_access}
          %parallel_loop3A_140 = arith.constant 0 : i32
          %parallel_loop3A_141 = arith.constant 128 : i32
          %parallel_loop3A_142 = arith.constant 1 : i32
          scf.for %parallel_loop3A_164 = %parallel_loop3A_140 to %parallel_loop3A_141 step %parallel_loop3A_142  : i32 {
            %parallel_loop3A_165 = arith.index_cast %parallel_loop3A_164 : i32 to index
            %parallel_loop3A_166 = arith.constant 0 : index
            %parallel_loop3A_167 = tpu.vector_load %arg42[%parallel_loop3A_165, %parallel_loop3A_166] {strides = array<i32>} : memref<128x32xf32, #tpu.memory_space<vmem>>, vector<16xf32>,
            %parallel_loop3A_168 = arith.index_cast %parallel_loop3A_164 : i32 to index
            %parallel_loop3A_169 = arith.constant 0 : index
            %parallel_loop3A_170 = tpu.vector_load %arg24[%parallel_loop3A_168, %parallel_loop3A_169] {strides = array<i32>} : memref<128x32xf32, #tpu.memory_space<vmem>>, vector<16xf32>,
            %parallel_loop3A_171 = arith.addf %parallel_loop3A_167, %parallel_loop3A_170 : vector<16xf32>
            %parallel_loop3A_172 = arith.index_cast %parallel_loop3A_164 : i32 to index
            %parallel_loop3A_173 = arith.constant 0 : index
            %parallel_loop3A_174 = tpu.vector_load %arg42[%parallel_loop3A_172, %parallel_loop3A_173] {strides = array<i32>} : memref<128x32xf32, #tpu.memory_space<vmem>>, vector<16xf32>,
            tpu.vector_store %arg42[%parallel_loop3A_172, %parallel_loop3A_173], %parallel_loop3A_171 {strides = array<i32>} : memref<128x32xf32, #tpu.memory_space<vmem>>, vector<16xf32>,
            %parallel_loop3A_175 = arith.index_cast %parallel_loop3A_164 : i32 to index
            %parallel_loop3A_176 = arith.constant 16 : index
            %parallel_loop3A_177 = tpu.vector_load %arg42[%parallel_loop3A_175, %parallel_loop3A_176] {strides = array<i32>} : memref<128x32xf32, #tpu.memory_space<vmem>>, vector<16xf32>,
            %parallel_loop3A_178 = arith.index_cast %parallel_loop3A_164 : i32 to index
            %parallel_loop3A_179 = arith.constant 16 : index
            %parallel_loop3A_180 = tpu.vector_load %arg24[%parallel_loop3A_178, %parallel_loop3A_179] {strides = array<i32>} : memref<128x32xf32, #tpu.memory_space<vmem>>, vector<16xf32>,
            %parallel_loop3A_181 = arith.addf %parallel_loop3A_177, %parallel_loop3A_180 : vector<16xf32>
            %parallel_loop3A_182 = arith.index_cast %parallel_loop3A_164 : i32 to index
            %parallel_loop3A_183 = arith.constant 16 : index
            %parallel_loop3A_184 = tpu.vector_load %arg42[%parallel_loop3A_182, %parallel_loop3A_183] {strides = array<i32>} : memref<128x32xf32, #tpu.memory_space<vmem>>, vector<16xf32>,
            tpu.vector_store %arg42[%parallel_loop3A_182, %parallel_loop3A_183], %parallel_loop3A_181 {strides = array<i32>} : memref<128x32xf32, #tpu.memory_space<vmem>>, vector<16xf32>,
          } {sc.loop_unroll_factor = 2 : i64, sc.parallel_access}
          %parallel_loop3A_143 = arith.constant 0 : i32
          %parallel_loop3A_144 = arith.constant 128 : i32
          %parallel_loop3A_145 = arith.constant 1 : i32
          scf.for %parallel_loop3A_164 = %parallel_loop3A_143 to %parallel_loop3A_144 step %parallel_loop3A_145  : i32 {
            %parallel_loop3A_165 = arith.index_cast %parallel_loop3A_164 : i32 to index
            %parallel_loop3A_166 = arith.constant 0 : index
            %parallel_loop3A_167 = tpu.vector_load %arg43[%parallel_loop3A_165, %parallel_loop3A_166] {strides = array<i32>} : memref<128x32xf32, #tpu.memory_space<vmem>>, vector<16xf32>,
            %parallel_loop3A_168 = arith.index_cast %parallel_loop3A_164 : i32 to index
            %parallel_loop3A_169 = arith.constant 0 : index
            %parallel_loop3A_170 = tpu.vector_load %arg25[%parallel_loop3A_168, %parallel_loop3A_169] {strides = array<i32>} : memref<128x32xf32, #tpu.memory_space<vmem>>, vector<16xf32>,
            %parallel_loop3A_171 = arith.addf %parallel_loop3A_167, %parallel_loop3A_170 : vector<16xf32>
            %parallel_loop3A_172 = arith.index_cast %parallel_loop3A_164 : i32 to index
            %parallel_loop3A_173 = arith.constant 0 : index
            %parallel_loop3A_174 = tpu.vector_load %arg43[%parallel_loop3A_172, %parallel_loop3A_173] {strides = array<i32>} : memref<128x32xf32, #tpu.memory_space<vmem>>, vector<16xf32>,
            tpu.vector_store %arg43[%parallel_loop3A_172, %parallel_loop3A_173], %parallel_loop3A_171 {strides = array<i32>} : memref<128x32xf32, #tpu.memory_space<vmem>>, vector<16xf32>,
            %parallel_loop3A_175 = arith.index_cast %parallel_loop3A_164 : i32 to index
            %parallel_loop3A_176 = arith.constant 16 : index
            %parallel_loop3A_177 = tpu.vector_load %arg43[%parallel_loop3A_175, %parallel_loop3A_176] {strides = array<i32>} : memref<128x32xf32, #tpu.memory_space<vmem>>, vector<16xf32>,
            %parallel_loop3A_178 = arith.index_cast %parallel_loop3A_164 : i32 to index
            %parallel_loop3A_179 = arith.constant 16 : index
            %parallel_loop3A_180 = tpu.vector_load %arg25[%parallel_loop3A_178, %parallel_loop3A_179] {strides = array<i32>} : memref<128x32xf32, #tpu.memory_space<vmem>>, vector<16xf32>,
            %parallel_loop3A_181 = arith.addf %parallel_loop3A_177, %parallel_loop3A_180 : vector<16xf32>
            %parallel_loop3A_182 = arith.index_cast %parallel_loop3A_164 : i32 to index
            %parallel_loop3A_183 = arith.constant 16 : index
            %parallel_loop3A_184 = tpu.vector_load %arg43[%parallel_loop3A_182, %parallel_loop3A_183] {strides = array<i32>} : memref<128x32xf32, #tpu.memory_space<vmem>>, vector<16xf32>,
            tpu.vector_store %arg43[%parallel_loop3A_182, %parallel_loop3A_183], %parallel_loop3A_181 {strides = array<i32>} : memref<128x32xf32, #tpu.memory_space<vmem>>, vector<16xf32>,
          } {sc.loop_unroll_factor = 2 : i64, sc.parallel_access}
          %parallel_loop3A_146 = arith.constant 0 : i32
          %parallel_loop3A_147 = arith.constant 128 : i32
          %parallel_loop3A_148 = arith.constant 1 : i32
          scf.for %parallel_loop3A_164 = %parallel_loop3A_146 to %parallel_loop3A_147 step %parallel_loop3A_148  : i32 {
            %parallel_loop3A_165 = arith.index_cast %parallel_loop3A_164 : i32 to index
            %parallel_loop3A_166 = arith.constant 0 : index
            %parallel_loop3A_167 = tpu.vector_load %arg44[%parallel_loop3A_165, %parallel_loop3A_166] {strides = array<i32>} : memref<128x32xf32, #tpu.memory_space<vmem>>, vector<16xf32>,
            %parallel_loop3A_168 = arith.index_cast %parallel_loop3A_164 : i32 to index
            %parallel_loop3A_169 = arith.constant 0 : index
            %parallel_loop3A_170 = tpu.vector_load %arg26[%parallel_loop3A_168, %parallel_loop3A_169] {strides = array<i32>} : memref<128x32xf32, #tpu.memory_space<vmem>>, vector<16xf32>,
            %parallel_loop3A_171 = arith.addf %parallel_loop3A_167, %parallel_loop3A_170 : vector<16xf32>
            %parallel_loop3A_172 = arith.index_cast %parallel_loop3A_164 : i32 to index
            %parallel_loop3A_173 = arith.constant 0 : index
            %parallel_loop3A_174 = tpu.vector_load %arg44[%parallel_loop3A_172, %parallel_loop3A_173] {strides = array<i32>} : memref<128x32xf32, #tpu.memory_space<vmem>>, vector<16xf32>,
            tpu.vector_store %arg44[%parallel_loop3A_172, %parallel_loop3A_173], %parallel_loop3A_171 {strides = array<i32>} : memref<128x32xf32, #tpu.memory_space<vmem>>, vector<16xf32>,
            %parallel_loop3A_175 = arith.index_cast %parallel_loop3A_164 : i32 to index
            %parallel_loop3A_176 = arith.constant 16 : index
            %parallel_loop3A_177 = tpu.vector_load %arg44[%parallel_loop3A_175, %parallel_loop3A_176] {strides = array<i32>} : memref<128x32xf32, #tpu.memory_space<vmem>>, vector<16xf32>,
            %parallel_loop3A_178 = arith.index_cast %parallel_loop3A_164 : i32 to index
            %parallel_loop3A_179 = arith.constant 16 : index
            %parallel_loop3A_180 = tpu.vector_load %arg26[%parallel_loop3A_178, %parallel_loop3A_179] {strides = array<i32>} : memref<128x32xf32, #tpu.memory_space<vmem>>, vector<16xf32>,
            %parallel_loop3A_181 = arith.addf %parallel_loop3A_177, %parallel_loop3A_180 : vector<16xf32>
            %parallel_loop3A_182 = arith.index_cast %parallel_loop3A_164 : i32 to index
            %parallel_loop3A_183 = arith.constant 16 : index
            %parallel_loop3A_184 = tpu.vector_load %arg44[%parallel_loop3A_182, %parallel_loop3A_183] {strides = array<i32>} : memref<128x32xf32, #tpu.memory_space<vmem>>, vector<16xf32>,
            tpu.vector_store %arg44[%parallel_loop3A_182, %parallel_loop3A_183], %parallel_loop3A_181 {strides = array<i32>} : memref<128x32xf32, #tpu.memory_space<vmem>>, vector<16xf32>,
          } {sc.loop_unroll_factor = 2 : i64, sc.parallel_access}
          %parallel_loop3A_149 = arith.constant 0 : i32
          %parallel_loop3A_150 = arith.constant 128 : i32
          %parallel_loop3A_151 = arith.constant 1 : i32
          scf.for %parallel_loop3A_164 = %parallel_loop3A_149 to %parallel_loop3A_150 step %parallel_loop3A_151  : i32 {
            %parallel_loop3A_165 = arith.index_cast %parallel_loop3A_164 : i32 to index
            %parallel_loop3A_166 = arith.constant 0 : index
            %parallel_loop3A_167 = tpu.vector_load %arg45[%parallel_loop3A_165, %parallel_loop3A_166] {strides = array<i32>} : memref<128x32xf32, #tpu.memory_space<vmem>>, vector<16xf32>,
            %parallel_loop3A_168 = arith.index_cast %parallel_loop3A_164 : i32 to index
            %parallel_loop3A_169 = arith.constant 0 : index
            %parallel_loop3A_170 = tpu.vector_load %arg27[%parallel_loop3A_168, %parallel_loop3A_169] {strides = array<i32>} : memref<128x32xf32, #tpu.memory_space<vmem>>, vector<16xf32>,
            %parallel_loop3A_171 = arith.addf %parallel_loop3A_167, %parallel_loop3A_170 : vector<16xf32>
            %parallel_loop3A_172 = arith.index_cast %parallel_loop3A_164 : i32 to index
            %parallel_loop3A_173 = arith.constant 0 : index
            %parallel_loop3A_174 = tpu.vector_load %arg45[%parallel_loop3A_172, %parallel_loop3A_173] {strides = array<i32>} : memref<128x32xf32, #tpu.memory_space<vmem>>, vector<16xf32>,
            tpu.vector_store %arg45[%parallel_loop3A_172, %parallel_loop3A_173], %parallel_loop3A_171 {strides = array<i32>} : memref<128x32xf32, #tpu.memory_space<vmem>>, vector<16xf32>,
            %parallel_loop3A_175 = arith.index_cast %parallel_loop3A_164 : i32 to index
            %parallel_loop3A_176 = arith.constant 16 : index
            %parallel_loop3A_177 = tpu.vector_load %arg45[%parallel_loop3A_175, %parallel_loop3A_176] {strides = array<i32>} : memref<128x32xf32, #tpu.memory_space<vmem>>, vector<16xf32>,
            %parallel_loop3A_178 = arith.index_cast %parallel_loop3A_164 : i32 to index
            %parallel_loop3A_179 = arith.constant 16 : index
            %parallel_loop3A_180 = tpu.vector_load %arg27[%parallel_loop3A_178, %parallel_loop3A_179] {strides = array<i32>} : memref<128x32xf32, #tpu.memory_space<vmem>>, vector<16xf32>,
            %parallel_loop3A_181 = arith.addf %parallel_loop3A_177, %parallel_loop3A_180 : vector<16xf32>
            %parallel_loop3A_182 = arith.index_cast %parallel_loop3A_164 : i32 to index
            %parallel_loop3A_183 = arith.constant 16 : index
            %parallel_loop3A_184 = tpu.vector_load %arg45[%parallel_loop3A_182, %parallel_loop3A_183] {strides = array<i32>} : memref<128x32xf32, #tpu.memory_space<vmem>>, vector<16xf32>,
            tpu.vector_store %arg45[%parallel_loop3A_182, %parallel_loop3A_183], %parallel_loop3A_181 {strides = array<i32>} : memref<128x32xf32, #tpu.memory_space<vmem>>, vector<16xf32>,
          } {sc.loop_unroll_factor = 2 : i64, sc.parallel_access}
          %parallel_loop3A_152 = arith.constant 0 : i32
          %parallel_loop3A_153 = arith.constant 128 : i32
          %parallel_loop3A_154 = arith.constant 1 : i32
          scf.for %parallel_loop3A_164 = %parallel_loop3A_152 to %parallel_loop3A_153 step %parallel_loop3A_154  : i32 {
            %parallel_loop3A_165 = arith.index_cast %parallel_loop3A_164 : i32 to index
            %parallel_loop3A_166 = arith.constant 0 : index
            %parallel_loop3A_167 = tpu.vector_load %arg46[%parallel_loop3A_165, %parallel_loop3A_166] {strides = array<i32>} : memref<128x32xf32, #tpu.memory_space<vmem>>, vector<16xf32>,
            %parallel_loop3A_168 = arith.index_cast %parallel_loop3A_164 : i32 to index
            %parallel_loop3A_169 = arith.constant 0 : index
            %parallel_loop3A_170 = tpu.vector_load %arg28[%parallel_loop3A_168, %parallel_loop3A_169] {strides = array<i32>} : memref<128x32xf32, #tpu.memory_space<vmem>>, vector<16xf32>,
            %parallel_loop3A_171 = arith.addf %parallel_loop3A_167, %parallel_loop3A_170 : vector<16xf32>
            %parallel_loop3A_172 = arith.index_cast %parallel_loop3A_164 : i32 to index
            %parallel_loop3A_173 = arith.constant 0 : index
            %parallel_loop3A_174 = tpu.vector_load %arg46[%parallel_loop3A_172, %parallel_loop3A_173] {strides = array<i32>} : memref<128x32xf32, #tpu.memory_space<vmem>>, vector<16xf32>,
            tpu.vector_store %arg46[%parallel_loop3A_172, %parallel_loop3A_173], %parallel_loop3A_171 {strides = array<i32>} : memref<128x32xf32, #tpu.memory_space<vmem>>, vector<16xf32>,
            %parallel_loop3A_175 = arith.index_cast %parallel_loop3A_164 : i32 to index
            %parallel_loop3A_176 = arith.constant 16 : index
            %parallel_loop3A_177 = tpu.vector_load %arg46[%parallel_loop3A_175, %parallel_loop3A_176] {strides = array<i32>} : memref<128x32xf32, #tpu.memory_space<vmem>>, vector<16xf32>,
            %parallel_loop3A_178 = arith.index_cast %parallel_loop3A_164 : i32 to index
            %parallel_loop3A_179 = arith.constant 16 : index
            %parallel_loop3A_180 = tpu.vector_load %arg28[%parallel_loop3A_178, %parallel_loop3A_179] {strides = array<i32>} : memref<128x32xf32, #tpu.memory_space<vmem>>, vector<16xf32>,
            %parallel_loop3A_181 = arith.addf %parallel_loop3A_177, %parallel_loop3A_180 : vector<16xf32>
            %parallel_loop3A_182 = arith.index_cast %parallel_loop3A_164 : i32 to index
            %parallel_loop3A_183 = arith.constant 16 : index
            %parallel_loop3A_184 = tpu.vector_load %arg46[%parallel_loop3A_182, %parallel_loop3A_183] {strides = array<i32>} : memref<128x32xf32, #tpu.memory_space<vmem>>, vector<16xf32>,
            tpu.vector_store %arg46[%parallel_loop3A_182, %parallel_loop3A_183], %parallel_loop3A_181 {strides = array<i32>} : memref<128x32xf32, #tpu.memory_space<vmem>>, vector<16xf32>,
          } {sc.loop_unroll_factor = 2 : i64, sc.parallel_access}
          %parallel_loop3A_155 = arith.constant 0 : i32
          %parallel_loop3A_156 = arith.constant 128 : i32
          %parallel_loop3A_157 = arith.constant 1 : i32
          scf.for %parallel_loop3A_164 = %parallel_loop3A_155 to %parallel_loop3A_156 step %parallel_loop3A_157  : i32 {
            %parallel_loop3A_165 = arith.index_cast %parallel_loop3A_164 : i32 to index
            %parallel_loop3A_166 = arith.constant 0 : index
            %parallel_loop3A_167 = tpu.vector_load %arg47[%parallel_loop3A_165, %parallel_loop3A_166] {strides = array<i32>} : memref<128x32xf32, #tpu.memory_space<vmem>>, vector<16xf32>,
            %parallel_loop3A_168 = arith.index_cast %parallel_loop3A_164 : i32 to index
            %parallel_loop3A_169 = arith.constant 0 : index
            %parallel_loop3A_170 = tpu.vector_load %arg29[%parallel_loop3A_168, %parallel_loop3A_169] {strides = array<i32>} : memref<128x32xf32, #tpu.memory_space<vmem>>, vector<16xf32>,
            %parallel_loop3A_171 = arith.addf %parallel_loop3A_167, %parallel_loop3A_170 : vector<16xf32>
            %parallel_loop3A_172 = arith.index_cast %parallel_loop3A_164 : i32 to index
            %parallel_loop3A_173 = arith.constant 0 : index
            %parallel_loop3A_174 = tpu.vector_load %arg47[%parallel_loop3A_172, %parallel_loop3A_173] {strides = array<i32>} : memref<128x32xf32, #tpu.memory_space<vmem>>, vector<16xf32>,
            tpu.vector_store %arg47[%parallel_loop3A_172, %parallel_loop3A_173], %parallel_loop3A_171 {strides = array<i32>} : memref<128x32xf32, #tpu.memory_space<vmem>>, vector<16xf32>,
            %parallel_loop3A_175 = arith.index_cast %parallel_loop3A_164 : i32 to index
            %parallel_loop3A_176 = arith.constant 16 : index
            %parallel_loop3A_177 = tpu.vector_load %arg47[%parallel_loop3A_175, %parallel_loop3A_176] {strides = array<i32>} : memref<128x32xf32, #tpu.memory_space<vmem>>, vector<16xf32>,
            %parallel_loop3A_178 = arith.index_cast %parallel_loop3A_164 : i32 to index
            %parallel_loop3A_179 = arith.constant 16 : index
            %parallel_loop3A_180 = tpu.vector_load %arg29[%parallel_loop3A_178, %parallel_loop3A_179] {strides = array<i32>} : memref<128x32xf32, #tpu.memory_space<vmem>>, vector<16xf32>,
            %parallel_loop3A_181 = arith.addf %parallel_loop3A_177, %parallel_loop3A_180 : vector<16xf32>
            %parallel_loop3A_182 = arith.index_cast %parallel_loop3A_164 : i32 to index
            %parallel_loop3A_183 = arith.constant 16 : index
            %parallel_loop3A_184 = tpu.vector_load %arg47[%parallel_loop3A_182, %parallel_loop3A_183] {strides = array<i32>} : memref<128x32xf32, #tpu.memory_space<vmem>>, vector<16xf32>,
            tpu.vector_store %arg47[%parallel_loop3A_182, %parallel_loop3A_183], %parallel_loop3A_181 {strides = array<i32>} : memref<128x32xf32, #tpu.memory_space<vmem>>, vector<16xf32>,
          } {sc.loop_unroll_factor = 2 : i64, sc.parallel_access}
          %parallel_loop3A_158 = arith.constant 0 : i32
          %parallel_loop3A_159 = arith.constant 128 : i32
          %parallel_loop3A_160 = arith.constant 1 : i32
          scf.for %parallel_loop3A_164 = %parallel_loop3A_158 to %parallel_loop3A_159 step %parallel_loop3A_160  : i32 {
            %parallel_loop3A_165 = arith.index_cast %parallel_loop3A_164 : i32 to index
            %parallel_loop3A_166 = arith.constant 0 : index
            %parallel_loop3A_167 = tpu.vector_load %arg48[%parallel_loop3A_165, %parallel_loop3A_166] {strides = array<i32>} : memref<128x32xf32, #tpu.memory_space<vmem>>, vector<16xf32>,
            %parallel_loop3A_168 = arith.index_cast %parallel_loop3A_164 : i32 to index
            %parallel_loop3A_169 = arith.constant 0 : index
            %parallel_loop3A_170 = tpu.vector_load %arg30[%parallel_loop3A_168, %parallel_loop3A_169] {strides = array<i32>} : memref<128x32xf32, #tpu.memory_space<vmem>>, vector<16xf32>,
            %parallel_loop3A_171 = arith.addf %parallel_loop3A_167, %parallel_loop3A_170 : vector<16xf32>
            %parallel_loop3A_172 = arith.index_cast %parallel_loop3A_164 : i32 to index
            %parallel_loop3A_173 = arith.constant 0 : index
            %parallel_loop3A_174 = tpu.vector_load %arg48[%parallel_loop3A_172, %parallel_loop3A_173] {strides = array<i32>} : memref<128x32xf32, #tpu.memory_space<vmem>>, vector<16xf32>,
            tpu.vector_store %arg48[%parallel_loop3A_172, %parallel_loop3A_173], %parallel_loop3A_171 {strides = array<i32>} : memref<128x32xf32, #tpu.memory_space<vmem>>, vector<16xf32>,
            %parallel_loop3A_175 = arith.index_cast %parallel_loop3A_164 : i32 to index
            %parallel_loop3A_176 = arith.constant 16 : index
            %parallel_loop3A_177 = tpu.vector_load %arg48[%parallel_loop3A_175, %parallel_loop3A_176] {strides = array<i32>} : memref<128x32xf32, #tpu.memory_space<vmem>>, vector<16xf32>,
            %parallel_loop3A_178 = arith.index_cast %parallel_loop3A_164 : i32 to index
            %parallel_loop3A_179 = arith.constant 16 : index
            %parallel_loop3A_180 = tpu.vector_load %arg30[%parallel_loop3A_178, %parallel_loop3A_179] {strides = array<i32>} : memref<128x32xf32, #tpu.memory_space<vmem>>, vector<16xf32>,
            %parallel_loop3A_181 = arith.addf %parallel_loop3A_177, %parallel_loop3A_180 : vector<16xf32>
            %parallel_loop3A_182 = arith.index_cast %parallel_loop3A_164 : i32 to index
            %parallel_loop3A_183 = arith.constant 16 : index
            %parallel_loop3A_184 = tpu.vector_load %arg48[%parallel_loop3A_182, %parallel_loop3A_183] {strides = array<i32>} : memref<128x32xf32, #tpu.memory_space<vmem>>, vector<16xf32>,
            tpu.vector_store %arg48[%parallel_loop3A_182, %parallel_loop3A_183], %parallel_loop3A_181 {strides = array<i32>} : memref<128x32xf32, #tpu.memory_space<vmem>>, vector<16xf32>,
          } {sc.loop_unroll_factor = 2 : i64, sc.parallel_access}
          %parallel_loop3A_161 = arith.constant 0 : i32
          %parallel_loop3A_162 = arith.constant 128 : i32
          %parallel_loop3A_163 = arith.constant 1 : i32
          scf.for %parallel_loop3A_164 = %parallel_loop3A_161 to %parallel_loop3A_162 step %parallel_loop3A_163  : i32 {
            %parallel_loop3A_165 = arith.index_cast %parallel_loop3A_164 : i32 to index
            %parallel_loop3A_166 = arith.constant 0 : index
            %parallel_loop3A_167 = tpu.vector_load %arg49[%parallel_loop3A_165, %parallel_loop3A_166] {strides = array<i32>} : memref<128x32xf32, #tpu.memory_space<vmem>>, vector<16xf32>,
            %parallel_loop3A_168 = arith.index_cast %parallel_loop3A_164 : i32 to index
            %parallel_loop3A_169 = arith.constant 0 : index
            %parallel_loop3A_170 = tpu.vector_load %arg31[%parallel_loop3A_168, %parallel_loop3A_169] {strides = array<i32>} : memref<128x32xf32, #tpu.memory_space<vmem>>, vector<16xf32>,
            %parallel_loop3A_171 = arith.addf %parallel_loop3A_167, %parallel_loop3A_170 : vector<16xf32>
            %parallel_loop3A_172 = arith.index_cast %parallel_loop3A_164 : i32 to index
            %parallel_loop3A_173 = arith.constant 0 : index
            %parallel_loop3A_174 = tpu.vector_load %arg49[%parallel_loop3A_172, %parallel_loop3A_173] {strides = array<i32>} : memref<128x32xf32, #tpu.memory_space<vmem>>, vector<16xf32>,
            tpu.vector_store %arg49[%parallel_loop3A_172, %parallel_loop3A_173], %parallel_loop3A_171 {strides = array<i32>} : memref<128x32xf32, #tpu.memory_space<vmem>>, vector<16xf32>,
            %parallel_loop3A_175 = arith.index_cast %parallel_loop3A_164 : i32 to index
            %parallel_loop3A_176 = arith.constant 16 : index
            %parallel_loop3A_177 = tpu.vector_load %arg49[%parallel_loop3A_175, %parallel_loop3A_176] {strides = array<i32>} : memref<128x32xf32, #tpu.memory_space<vmem>>, vector<16xf32>,
            %parallel_loop3A_178 = arith.index_cast %parallel_loop3A_164 : i32 to index
            %parallel_loop3A_179 = arith.constant 16 : index
            %parallel_loop3A_180 = tpu.vector_load %arg31[%parallel_loop3A_178, %parallel_loop3A_179] {strides = array<i32>} : memref<128x32xf32, #tpu.memory_space<vmem>>, vector<16xf32>,
            %parallel_loop3A_181 = arith.addf %parallel_loop3A_177, %parallel_loop3A_180 : vector<16xf32>
            %parallel_loop3A_182 = arith.index_cast %parallel_loop3A_164 : i32 to index
            %parallel_loop3A_183 = arith.constant 16 : index
            %parallel_loop3A_184 = tpu.vector_load %arg49[%parallel_loop3A_182, %parallel_loop3A_183] {strides = array<i32>} : memref<128x32xf32, #tpu.memory_space<vmem>>, vector<16xf32>,
            tpu.vector_store %arg49[%parallel_loop3A_182, %parallel_loop3A_183], %parallel_loop3A_181 {strides = array<i32>} : memref<128x32xf32, #tpu.memory_space<vmem>>, vector<16xf32>,
          } {sc.loop_unroll_factor = 2 : i64, sc.parallel_access}
        } else {
        }
        %jit3A_83 = arith.constant 2 : i32
        %eq3A_84 = arith.constant 0 : i32
        %eq3A_85 = arith.cmpi eq, %jit3A_83, %eq3A_84 : i32
        %jit3A_86 = arith.constant 1 : i32
        %select_n3A_87 = arith.select %eq3A_85, %jit3A_86, %jit3A_83 : i32
        %rem3A_88 = arith.remsi %scan3A_70, %select_n3A_87 : i32
        %ne3A_89 = arith.constant 0 : i32
        %ne3A_90 = arith.cmpi ne, %rem3A_88, %ne3A_89 : i32
        %lt3A_91 = arith.constant 0 : i32
        %lt3A_92 = arith.cmpi slt, %rem3A_88, %lt3A_91 : i32
        %lt3A_93 = arith.constant 0 : i32
        %lt3A_94 = arith.cmpi slt, %select_n3A_87, %lt3A_93 : i32
        %ne3A_95 = arith.xori %lt3A_92, %lt3A_94 : i1
        %and3A_96 = arith.andi %ne3A_95, %ne3A_90 : i1
        %add3A_97 = arith.addi %rem3A_88, %select_n3A_87 : i32
        %select_n3A_98 = arith.select %and3A_96, %add3A_97, %rem3A_88 : i32
        %eq3A_99 = arith.constant 1 : i32
        %eq3A_100 = arith.cmpi eq, %select_n3A_98, %eq3A_99 : i32
        %convert_element_type3A_101 = arith.extui %eq3A_100 : i1 to i32
        %cond3A_102 = arith.constant 0 : i32
        %cond3A_103 = arith.cmpi ne, %convert_element_type3A_101, %cond3A_102 : i32
        scf.if %cond3A_103 {
          %add3A_104 = arith.constant 1 : i32
          %add3A_105 = arith.addi %scan3A_70, %add3A_104 : i32
          %lt3A_106 = arith.constant 27 : i32
          %lt3A_107 = arith.cmpi slt, %add3A_105, %lt3A_106 : i32
          %convert_element_type3A_108 = arith.extui %lt3A_107 : i1 to i32
          %cond3A_109 = arith.constant 0 : i32
          %cond3A_110 = arith.cmpi ne, %convert_element_type3A_108, %cond3A_109 : i32
          scf.if %cond3A_110 {
            %add3A_164 = arith.constant 1 : i32
            %add3A_165 = arith.addi %scan3A_70, %add3A_164 : i32
            "tpu.region"() ({
              %run_scoped3A_195 = tpu.sem_alloc : memref<!tpu.dma_semaphore, #tpu.memory_space<semaphore_mem>>
              %dma_start3A_196 = tpu.memref_slice %arg11[%add3A_165, %mul3A_11] : memref<27x32768xi32, #tpu.memory_space<hbm>> -> memref<1x128xi32, #tpu.memory_space<hbm>>
              %dma_start3A_197 = tpu.memref_squeeze %dma_start3A_196 : memref<1x128xi32, #tpu.memory_space<hbm>> -> memref<128xi32, #tpu.memory_space<hbm>>
              %dma_start3A_198 = tpu.memref_slice %arg11[%add3A_165, %mul3A_11] : memref<27x32768xi32, #tpu.memory_space<hbm>> -> memref<1x128xi32, #tpu.memory_space<hbm>>
              %dma_start3A_199 = tpu.memref_squeeze %dma_start3A_198 : memref<1x128xi32, #tpu.memory_space<hbm>> -> memref<128xi32, #tpu.memory_space<hbm>>
              tpu.enqueue_dma source(%dma_start3A_199 : memref<128xi32, #tpu.memory_space<hbm>>) target(%arg21 : memref<128xi32, #tpu.memory_space<vmem>>) target_semaphore(%run_scoped3A_195 : memref<!tpu.dma_semaphore, #tpu.memory_space<semaphore_mem>>)
              %dma_wait3A_200 = tpu.memref_slice %arg11[%add3A_165, %mul3A_11] : memref<27x32768xi32, #tpu.memory_space<hbm>> -> memref<1x128xi32, #tpu.memory_space<hbm>>
              %dma_wait3A_201 = tpu.memref_squeeze %dma_wait3A_200 : memref<1x128xi32, #tpu.memory_space<hbm>> -> memref<128xi32, #tpu.memory_space<hbm>>
              %dma_wait3A_202 = tpu.memref_slice %arg11[%add3A_165, %mul3A_11] : memref<27x32768xi32, #tpu.memory_space<hbm>> -> memref<1x128xi32, #tpu.memory_space<hbm>>
              %dma_wait3A_203 = tpu.memref_squeeze %dma_wait3A_202 : memref<1x128xi32, #tpu.memory_space<hbm>> -> memref<128xi32, #tpu.memory_space<hbm>>
              tpu.wait_dma2 semaphore(%run_scoped3A_195 : memref<!tpu.dma_semaphore, #tpu.memory_space<semaphore_mem>>) src(%dma_wait3A_203 : memref<128xi32, #tpu.memory_space<hbm>>) dst(%arg21 : memref<128xi32, #tpu.memory_space<vmem>>)
              tpu.yield
            }) : () -> ()
            %add3A_166 = arith.constant 1 : i32
            %add3A_167 = arith.addi %scan3A_70, %add3A_166 : i32
            %dma_start3A_168 = arith.constant 0 : i32
            %dma_start3A_169 = arith.constant 0 : i32
            %dma_start3A_170 = tpu.memref_slice %arg2[%dma_start3A_168, %dma_start3A_169] : memref<32896x32xf32, #tpu.memory_space<hbm>> -> memref<32896x32xf32, #tpu.memory_space<hbm>>
            tpu.enqueue_indirect_dma source(%dma_start3A_170 : memref<32896x32xf32, #tpu.memory_space<hbm>>) target(%arg23 : memref<128x32xf32, #tpu.memory_space<vmem>>) offsets(%arg21 : memref<128xi32, #tpu.memory_space<vmem>>) semaphore(%arg50 : memref<!tpu.dma_semaphore, #tpu.memory_space<semaphore_mem>>)
            %dma_start3A_171 = arith.constant 0 : i32
            %dma_start3A_172 = arith.constant 0 : i32
            %dma_start3A_173 = tpu.memref_slice %arg3[%dma_start3A_171, %dma_start3A_172] : memref<32896x32xf32, #tpu.memory_space<hbm>> -> memref<32896x32xf32, #tpu.memory_space<hbm>>
            tpu.enqueue_indirect_dma source(%dma_start3A_173 : memref<32896x32xf32, #tpu.memory_space<hbm>>) target(%arg24 : memref<128x32xf32, #tpu.memory_space<vmem>>) offsets(%arg21 : memref<128xi32, #tpu.memory_space<vmem>>) semaphore(%arg50 : memref<!tpu.dma_semaphore, #tpu.memory_space<semaphore_mem>>)
            %dma_start3A_174 = arith.constant 0 : i32
            %dma_start3A_175 = arith.constant 0 : i32
            %dma_start3A_176 = tpu.memref_slice %arg4[%dma_start3A_174, %dma_start3A_175] : memref<32896x32xf32, #tpu.memory_space<hbm>> -> memref<32896x32xf32, #tpu.memory_space<hbm>>
            tpu.enqueue_indirect_dma source(%dma_start3A_176 : memref<32896x32xf32, #tpu.memory_space<hbm>>) target(%arg25 : memref<128x32xf32, #tpu.memory_space<vmem>>) offsets(%arg21 : memref<128xi32, #tpu.memory_space<vmem>>) semaphore(%arg50 : memref<!tpu.dma_semaphore, #tpu.memory_space<semaphore_mem>>)
            %dma_start3A_177 = arith.constant 0 : i32
            %dma_start3A_178 = arith.constant 0 : i32
            %dma_start3A_179 = tpu.memref_slice %arg5[%dma_start3A_177, %dma_start3A_178] : memref<32896x32xf32, #tpu.memory_space<hbm>> -> memref<32896x32xf32, #tpu.memory_space<hbm>>
            tpu.enqueue_indirect_dma source(%dma_start3A_179 : memref<32896x32xf32, #tpu.memory_space<hbm>>) target(%arg26 : memref<128x32xf32, #tpu.memory_space<vmem>>) offsets(%arg21 : memref<128xi32, #tpu.memory_space<vmem>>) semaphore(%arg50 : memref<!tpu.dma_semaphore, #tpu.memory_space<semaphore_mem>>)
            %dma_start3A_180 = arith.constant 0 : i32
            %dma_start3A_181 = arith.constant 0 : i32
            %dma_start3A_182 = tpu.memref_slice %arg6[%dma_start3A_180, %dma_start3A_181] : memref<32896x32xf32, #tpu.memory_space<hbm>> -> memref<32896x32xf32, #tpu.memory_space<hbm>>
            tpu.enqueue_indirect_dma source(%dma_start3A_182 : memref<32896x32xf32, #tpu.memory_space<hbm>>) target(%arg27 : memref<128x32xf32, #tpu.memory_space<vmem>>) offsets(%arg21 : memref<128xi32, #tpu.memory_space<vmem>>) semaphore(%arg50 : memref<!tpu.dma_semaphore, #tpu.memory_space<semaphore_mem>>)
            %dma_start3A_183 = arith.constant 0 : i32
            %dma_start3A_184 = arith.constant 0 : i32
            %dma_start3A_185 = tpu.memref_slice %arg7[%dma_start3A_183, %dma_start3A_184] : memref<32896x32xf32, #tpu.memory_space<hbm>> -> memref<32896x32xf32, #tpu.memory_space<hbm>>
            tpu.enqueue_indirect_dma source(%dma_start3A_185 : memref<32896x32xf32, #tpu.memory_space<hbm>>) target(%arg28 : memref<128x32xf32, #tpu.memory_space<vmem>>) offsets(%arg21 : memref<128xi32, #tpu.memory_space<vmem>>) semaphore(%arg50 : memref<!tpu.dma_semaphore, #tpu.memory_space<semaphore_mem>>)
            %dma_start3A_186 = arith.constant 0 : i32
            %dma_start3A_187 = arith.constant 0 : i32
            %dma_start3A_188 = tpu.memref_slice %arg8[%dma_start3A_186, %dma_start3A_187] : memref<32896x32xf32, #tpu.memory_space<hbm>> -> memref<32896x32xf32, #tpu.memory_space<hbm>>
            tpu.enqueue_indirect_dma source(%dma_start3A_188 : memref<32896x32xf32, #tpu.memory_space<hbm>>) target(%arg29 : memref<128x32xf32, #tpu.memory_space<vmem>>) offsets(%arg21 : memref<128xi32, #tpu.memory_space<vmem>>) semaphore(%arg50 : memref<!tpu.dma_semaphore, #tpu.memory_space<semaphore_mem>>)
            %dma_start3A_189 = arith.constant 0 : i32
            %dma_start3A_190 = arith.constant 0 : i32
            %dma_start3A_191 = tpu.memref_slice %arg9[%dma_start3A_189, %dma_start3A_190] : memref<32896x32xf32, #tpu.memory_space<hbm>> -> memref<32896x32xf32, #tpu.memory_space<hbm>>
            tpu.enqueue_indirect_dma source(%dma_start3A_191 : memref<32896x32xf32, #tpu.memory_space<hbm>>) target(%arg30 : memref<128x32xf32, #tpu.memory_space<vmem>>) offsets(%arg21 : memref<128xi32, #tpu.memory_space<vmem>>) semaphore(%arg50 : memref<!tpu.dma_semaphore, #tpu.memory_space<semaphore_mem>>)
            %dma_start3A_192 = arith.constant 0 : i32
            %dma_start3A_193 = arith.constant 0 : i32
            %dma_start3A_194 = tpu.memref_slice %arg10[%dma_start3A_192, %dma_start3A_193] : memref<32896x32xf32, #tpu.memory_space<hbm>> -> memref<32896x32xf32, #tpu.memory_space<hbm>>
            tpu.enqueue_indirect_dma source(%dma_start3A_194 : memref<32896x32xf32, #tpu.memory_space<hbm>>) target(%arg31 : memref<128x32xf32, #tpu.memory_space<vmem>>) offsets(%arg21 : memref<128xi32, #tpu.memory_space<vmem>>) semaphore(%arg50 : memref<!tpu.dma_semaphore, #tpu.memory_space<semaphore_mem>>)
          } else {
          }
          %dma_wait3A = arith.constant 0 : i32
          %dma_wait3A_111 = arith.constant 0 : i32
          %dma_wait3A_112 = tpu.memref_slice %arg2[%dma_wait3A, %dma_wait3A_111] : memref<32896x32xf32, #tpu.memory_space<hbm>> -> memref<32896x32xf32, #tpu.memory_space<hbm>>
          tpu.wait_indirect_dma semaphore(%arg51 : memref<!tpu.dma_semaphore, #tpu.memory_space<semaphore_mem>>) src(%dma_wait3A_112 : memref<32896x32xf32, #tpu.memory_space<hbm>>) dst(%arg32 : memref<128x32xf32, #tpu.memory_space<vmem>>)
          %dma_wait3A_113 = arith.constant 0 : i32
          %dma_wait3A_114 = arith.constant 0 : i32
          %dma_wait3A_115 = tpu.memref_slice %arg3[%dma_wait3A_113, %dma_wait3A_114] : memref<32896x32xf32, #tpu.memory_space<hbm>> -> memref<32896x32xf32, #tpu.memory_space<hbm>>
          tpu.wait_indirect_dma semaphore(%arg51 : memref<!tpu.dma_semaphore, #tpu.memory_space<semaphore_mem>>) src(%dma_wait3A_115 : memref<32896x32xf32, #tpu.memory_space<hbm>>) dst(%arg33 : memref<128x32xf32, #tpu.memory_space<vmem>>)
          %dma_wait3A_116 = arith.constant 0 : i32
          %dma_wait3A_117 = arith.constant 0 : i32
          %dma_wait3A_118 = tpu.memref_slice %arg4[%dma_wait3A_116, %dma_wait3A_117] : memref<32896x32xf32, #tpu.memory_space<hbm>> -> memref<32896x32xf32, #tpu.memory_space<hbm>>
          tpu.wait_indirect_dma semaphore(%arg51 : memref<!tpu.dma_semaphore, #tpu.memory_space<semaphore_mem>>) src(%dma_wait3A_118 : memref<32896x32xf32, #tpu.memory_space<hbm>>) dst(%arg34 : memref<128x32xf32, #tpu.memory_space<vmem>>)
          %dma_wait3A_119 = arith.constant 0 : i32
          %dma_wait3A_120 = arith.constant 0 : i32
          %dma_wait3A_121 = tpu.memref_slice %arg5[%dma_wait3A_119, %dma_wait3A_120] : memref<32896x32xf32, #tpu.memory_space<hbm>> -> memref<32896x32xf32, #tpu.memory_space<hbm>>
          tpu.wait_indirect_dma semaphore(%arg51 : memref<!tpu.dma_semaphore, #tpu.memory_space<semaphore_mem>>) src(%dma_wait3A_121 : memref<32896x32xf32, #tpu.memory_space<hbm>>) dst(%arg35 : memref<128x32xf32, #tpu.memory_space<vmem>>)
          %dma_wait3A_122 = arith.constant 0 : i32
          %dma_wait3A_123 = arith.constant 0 : i32
          %dma_wait3A_124 = tpu.memref_slice %arg6[%dma_wait3A_122, %dma_wait3A_123] : memref<32896x32xf32, #tpu.memory_space<hbm>> -> memref<32896x32xf32, #tpu.memory_space<hbm>>
          tpu.wait_indirect_dma semaphore(%arg51 : memref<!tpu.dma_semaphore, #tpu.memory_space<semaphore_mem>>) src(%dma_wait3A_124 : memref<32896x32xf32, #tpu.memory_space<hbm>>) dst(%arg36 : memref<128x32xf32, #tpu.memory_space<vmem>>)
          %dma_wait3A_125 = arith.constant 0 : i32
          %dma_wait3A_126 = arith.constant 0 : i32
          %dma_wait3A_127 = tpu.memref_slice %arg7[%dma_wait3A_125, %dma_wait3A_126] : memref<32896x32xf32, #tpu.memory_space<hbm>> -> memref<32896x32xf32, #tpu.memory_space<hbm>>
          tpu.wait_indirect_dma semaphore(%arg51 : memref<!tpu.dma_semaphore, #tpu.memory_space<semaphore_mem>>) src(%dma_wait3A_127 : memref<32896x32xf32, #tpu.memory_space<hbm>>) dst(%arg37 : memref<128x32xf32, #tpu.memory_space<vmem>>)
          %dma_wait3A_128 = arith.constant 0 : i32
          %dma_wait3A_129 = arith.constant 0 : i32
          %dma_wait3A_130 = tpu.memref_slice %arg8[%dma_wait3A_128, %dma_wait3A_129] : memref<32896x32xf32, #tpu.memory_space<hbm>> -> memref<32896x32xf32, #tpu.memory_space<hbm>>
          tpu.wait_indirect_dma semaphore(%arg51 : memref<!tpu.dma_semaphore, #tpu.memory_space<semaphore_mem>>) src(%dma_wait3A_130 : memref<32896x32xf32, #tpu.memory_space<hbm>>) dst(%arg38 : memref<128x32xf32, #tpu.memory_space<vmem>>)
          %dma_wait3A_131 = arith.constant 0 : i32
          %dma_wait3A_132 = arith.constant 0 : i32
          %dma_wait3A_133 = tpu.memref_slice %arg9[%dma_wait3A_131, %dma_wait3A_132] : memref<32896x32xf32, #tpu.memory_space<hbm>> -> memref<32896x32xf32, #tpu.memory_space<hbm>>
          tpu.wait_indirect_dma semaphore(%arg51 : memref<!tpu.dma_semaphore, #tpu.memory_space<semaphore_mem>>) src(%dma_wait3A_133 : memref<32896x32xf32, #tpu.memory_space<hbm>>) dst(%arg39 : memref<128x32xf32, #tpu.memory_space<vmem>>)
          %dma_wait3A_134 = arith.constant 0 : i32
          %dma_wait3A_135 = arith.constant 0 : i32
          %dma_wait3A_136 = tpu.memref_slice %arg10[%dma_wait3A_134, %dma_wait3A_135] : memref<32896x32xf32, #tpu.memory_space<hbm>> -> memref<32896x32xf32, #tpu.memory_space<hbm>>
          tpu.wait_indirect_dma semaphore(%arg51 : memref<!tpu.dma_semaphore, #tpu.memory_space<semaphore_mem>>) src(%dma_wait3A_136 : memref<32896x32xf32, #tpu.memory_space<hbm>>) dst(%arg40 : memref<128x32xf32, #tpu.memory_space<vmem>>)
          %parallel_loop3A_137 = arith.constant 0 : i32
          %parallel_loop3A_138 = arith.constant 128 : i32
          %parallel_loop3A_139 = arith.constant 1 : i32
          scf.for %parallel_loop3A_164 = %parallel_loop3A_137 to %parallel_loop3A_138 step %parallel_loop3A_139  : i32 {
            %parallel_loop3A_165 = arith.index_cast %parallel_loop3A_164 : i32 to index
            %parallel_loop3A_166 = arith.constant 0 : index
            %parallel_loop3A_167 = tpu.vector_load %arg41[%parallel_loop3A_165, %parallel_loop3A_166] {strides = array<i32>} : memref<128x32xf32, #tpu.memory_space<vmem>>, vector<16xf32>,
            %parallel_loop3A_168 = arith.index_cast %parallel_loop3A_164 : i32 to index
            %parallel_loop3A_169 = arith.constant 0 : index
            %parallel_loop3A_170 = tpu.vector_load %arg32[%parallel_loop3A_168, %parallel_loop3A_169] {strides = array<i32>} : memref<128x32xf32, #tpu.memory_space<vmem>>, vector<16xf32>,
            %parallel_loop3A_171 = arith.addf %parallel_loop3A_167, %parallel_loop3A_170 : vector<16xf32>
            %parallel_loop3A_172 = arith.index_cast %parallel_loop3A_164 : i32 to index
            %parallel_loop3A_173 = arith.constant 0 : index
            %parallel_loop3A_174 = tpu.vector_load %arg41[%parallel_loop3A_172, %parallel_loop3A_173] {strides = array<i32>} : memref<128x32xf32, #tpu.memory_space<vmem>>, vector<16xf32>,
            tpu.vector_store %arg41[%parallel_loop3A_172, %parallel_loop3A_173], %parallel_loop3A_171 {strides = array<i32>} : memref<128x32xf32, #tpu.memory_space<vmem>>, vector<16xf32>,
            %parallel_loop3A_175 = arith.index_cast %parallel_loop3A_164 : i32 to index
            %parallel_loop3A_176 = arith.constant 16 : index
            %parallel_loop3A_177 = tpu.vector_load %arg41[%parallel_loop3A_175, %parallel_loop3A_176] {strides = array<i32>} : memref<128x32xf32, #tpu.memory_space<vmem>>, vector<16xf32>,
            %parallel_loop3A_178 = arith.index_cast %parallel_loop3A_164 : i32 to index
            %parallel_loop3A_179 = arith.constant 16 : index
            %parallel_loop3A_180 = tpu.vector_load %arg32[%parallel_loop3A_178, %parallel_loop3A_179] {strides = array<i32>} : memref<128x32xf32, #tpu.memory_space<vmem>>, vector<16xf32>,
            %parallel_loop3A_181 = arith.addf %parallel_loop3A_177, %parallel_loop3A_180 : vector<16xf32>
            %parallel_loop3A_182 = arith.index_cast %parallel_loop3A_164 : i32 to index
            %parallel_loop3A_183 = arith.constant 16 : index
            %parallel_loop3A_184 = tpu.vector_load %arg41[%parallel_loop3A_182, %parallel_loop3A_183] {strides = array<i32>} : memref<128x32xf32, #tpu.memory_space<vmem>>, vector<16xf32>,
            tpu.vector_store %arg41[%parallel_loop3A_182, %parallel_loop3A_183], %parallel_loop3A_181 {strides = array<i32>} : memref<128x32xf32, #tpu.memory_space<vmem>>, vector<16xf32>,
          } {sc.loop_unroll_factor = 2 : i64, sc.parallel_access}
          %parallel_loop3A_140 = arith.constant 0 : i32
          %parallel_loop3A_141 = arith.constant 128 : i32
          %parallel_loop3A_142 = arith.constant 1 : i32
          scf.for %parallel_loop3A_164 = %parallel_loop3A_140 to %parallel_loop3A_141 step %parallel_loop3A_142  : i32 {
            %parallel_loop3A_165 = arith.index_cast %parallel_loop3A_164 : i32 to index
            %parallel_loop3A_166 = arith.constant 0 : index
            %parallel_loop3A_167 = tpu.vector_load %arg42[%parallel_loop3A_165, %parallel_loop3A_166] {strides = array<i32>} : memref<128x32xf32, #tpu.memory_space<vmem>>, vector<16xf32>,
            %parallel_loop3A_168 = arith.index_cast %parallel_loop3A_164 : i32 to index
            %parallel_loop3A_169 = arith.constant 0 : index
            %parallel_loop3A_170 = tpu.vector_load %arg33[%parallel_loop3A_168, %parallel_loop3A_169] {strides = array<i32>} : memref<128x32xf32, #tpu.memory_space<vmem>>, vector<16xf32>,
            %parallel_loop3A_171 = arith.addf %parallel_loop3A_167, %parallel_loop3A_170 : vector<16xf32>
            %parallel_loop3A_172 = arith.index_cast %parallel_loop3A_164 : i32 to index
            %parallel_loop3A_173 = arith.constant 0 : index
            %parallel_loop3A_174 = tpu.vector_load %arg42[%parallel_loop3A_172, %parallel_loop3A_173] {strides = array<i32>} : memref<128x32xf32, #tpu.memory_space<vmem>>, vector<16xf32>,
            tpu.vector_store %arg42[%parallel_loop3A_172, %parallel_loop3A_173], %parallel_loop3A_171 {strides = array<i32>} : memref<128x32xf32, #tpu.memory_space<vmem>>, vector<16xf32>,
            %parallel_loop3A_175 = arith.index_cast %parallel_loop3A_164 : i32 to index
            %parallel_loop3A_176 = arith.constant 16 : index
            %parallel_loop3A_177 = tpu.vector_load %arg42[%parallel_loop3A_175, %parallel_loop3A_176] {strides = array<i32>} : memref<128x32xf32, #tpu.memory_space<vmem>>, vector<16xf32>,
            %parallel_loop3A_178 = arith.index_cast %parallel_loop3A_164 : i32 to index
            %parallel_loop3A_179 = arith.constant 16 : index
            %parallel_loop3A_180 = tpu.vector_load %arg33[%parallel_loop3A_178, %parallel_loop3A_179] {strides = array<i32>} : memref<128x32xf32, #tpu.memory_space<vmem>>, vector<16xf32>,
            %parallel_loop3A_181 = arith.addf %parallel_loop3A_177, %parallel_loop3A_180 : vector<16xf32>
            %parallel_loop3A_182 = arith.index_cast %parallel_loop3A_164 : i32 to index
            %parallel_loop3A_183 = arith.constant 16 : index
            %parallel_loop3A_184 = tpu.vector_load %arg42[%parallel_loop3A_182, %parallel_loop3A_183] {strides = array<i32>} : memref<128x32xf32, #tpu.memory_space<vmem>>, vector<16xf32>,
            tpu.vector_store %arg42[%parallel_loop3A_182, %parallel_loop3A_183], %parallel_loop3A_181 {strides = array<i32>} : memref<128x32xf32, #tpu.memory_space<vmem>>, vector<16xf32>,
          } {sc.loop_unroll_factor = 2 : i64, sc.parallel_access}
          %parallel_loop3A_143 = arith.constant 0 : i32
          %parallel_loop3A_144 = arith.constant 128 : i32
          %parallel_loop3A_145 = arith.constant 1 : i32
          scf.for %parallel_loop3A_164 = %parallel_loop3A_143 to %parallel_loop3A_144 step %parallel_loop3A_145  : i32 {
            %parallel_loop3A_165 = arith.index_cast %parallel_loop3A_164 : i32 to index
            %parallel_loop3A_166 = arith.constant 0 : index
            %parallel_loop3A_167 = tpu.vector_load %arg43[%parallel_loop3A_165, %parallel_loop3A_166] {strides = array<i32>} : memref<128x32xf32, #tpu.memory_space<vmem>>, vector<16xf32>,
            %parallel_loop3A_168 = arith.index_cast %parallel_loop3A_164 : i32 to index
            %parallel_loop3A_169 = arith.constant 0 : index
            %parallel_loop3A_170 = tpu.vector_load %arg34[%parallel_loop3A_168, %parallel_loop3A_169] {strides = array<i32>} : memref<128x32xf32, #tpu.memory_space<vmem>>, vector<16xf32>,
            %parallel_loop3A_171 = arith.addf %parallel_loop3A_167, %parallel_loop3A_170 : vector<16xf32>
            %parallel_loop3A_172 = arith.index_cast %parallel_loop3A_164 : i32 to index
            %parallel_loop3A_173 = arith.constant 0 : index
            %parallel_loop3A_174 = tpu.vector_load %arg43[%parallel_loop3A_172, %parallel_loop3A_173] {strides = array<i32>} : memref<128x32xf32, #tpu.memory_space<vmem>>, vector<16xf32>,
            tpu.vector_store %arg43[%parallel_loop3A_172, %parallel_loop3A_173], %parallel_loop3A_171 {strides = array<i32>} : memref<128x32xf32, #tpu.memory_space<vmem>>, vector<16xf32>,
            %parallel_loop3A_175 = arith.index_cast %parallel_loop3A_164 : i32 to index
            %parallel_loop3A_176 = arith.constant 16 : index
            %parallel_loop3A_177 = tpu.vector_load %arg43[%parallel_loop3A_175, %parallel_loop3A_176] {strides = array<i32>} : memref<128x32xf32, #tpu.memory_space<vmem>>, vector<16xf32>,
            %parallel_loop3A_178 = arith.index_cast %parallel_loop3A_164 : i32 to index
            %parallel_loop3A_179 = arith.constant 16 : index
            %parallel_loop3A_180 = tpu.vector_load %arg34[%parallel_loop3A_178, %parallel_loop3A_179] {strides = array<i32>} : memref<128x32xf32, #tpu.memory_space<vmem>>, vector<16xf32>,
            %parallel_loop3A_181 = arith.addf %parallel_loop3A_177, %parallel_loop3A_180 : vector<16xf32>
            %parallel_loop3A_182 = arith.index_cast %parallel_loop3A_164 : i32 to index
            %parallel_loop3A_183 = arith.constant 16 : index
            %parallel_loop3A_184 = tpu.vector_load %arg43[%parallel_loop3A_182, %parallel_loop3A_183] {strides = array<i32>} : memref<128x32xf32, #tpu.memory_space<vmem>>, vector<16xf32>,
            tpu.vector_store %arg43[%parallel_loop3A_182, %parallel_loop3A_183], %parallel_loop3A_181 {strides = array<i32>} : memref<128x32xf32, #tpu.memory_space<vmem>>, vector<16xf32>,
          } {sc.loop_unroll_factor = 2 : i64, sc.parallel_access}
          %parallel_loop3A_146 = arith.constant 0 : i32
          %parallel_loop3A_147 = arith.constant 128 : i32
          %parallel_loop3A_148 = arith.constant 1 : i32
          scf.for %parallel_loop3A_164 = %parallel_loop3A_146 to %parallel_loop3A_147 step %parallel_loop3A_148  : i32 {
            %parallel_loop3A_165 = arith.index_cast %parallel_loop3A_164 : i32 to index
            %parallel_loop3A_166 = arith.constant 0 : index
            %parallel_loop3A_167 = tpu.vector_load %arg44[%parallel_loop3A_165, %parallel_loop3A_166] {strides = array<i32>} : memref<128x32xf32, #tpu.memory_space<vmem>>, vector<16xf32>,
            %parallel_loop3A_168 = arith.index_cast %parallel_loop3A_164 : i32 to index
            %parallel_loop3A_169 = arith.constant 0 : index
            %parallel_loop3A_170 = tpu.vector_load %arg35[%parallel_loop3A_168, %parallel_loop3A_169] {strides = array<i32>} : memref<128x32xf32, #tpu.memory_space<vmem>>, vector<16xf32>,
            %parallel_loop3A_171 = arith.addf %parallel_loop3A_167, %parallel_loop3A_170 : vector<16xf32>
            %parallel_loop3A_172 = arith.index_cast %parallel_loop3A_164 : i32 to index
            %parallel_loop3A_173 = arith.constant 0 : index
            %parallel_loop3A_174 = tpu.vector_load %arg44[%parallel_loop3A_172, %parallel_loop3A_173] {strides = array<i32>} : memref<128x32xf32, #tpu.memory_space<vmem>>, vector<16xf32>,
            tpu.vector_store %arg44[%parallel_loop3A_172, %parallel_loop3A_173], %parallel_loop3A_171 {strides = array<i32>} : memref<128x32xf32, #tpu.memory_space<vmem>>, vector<16xf32>,
            %parallel_loop3A_175 = arith.index_cast %parallel_loop3A_164 : i32 to index
            %parallel_loop3A_176 = arith.constant 16 : index
            %parallel_loop3A_177 = tpu.vector_load %arg44[%parallel_loop3A_175, %parallel_loop3A_176] {strides = array<i32>} : memref<128x32xf32, #tpu.memory_space<vmem>>, vector<16xf32>,
            %parallel_loop3A_178 = arith.index_cast %parallel_loop3A_164 : i32 to index
            %parallel_loop3A_179 = arith.constant 16 : index
            %parallel_loop3A_180 = tpu.vector_load %arg35[%parallel_loop3A_178, %parallel_loop3A_179] {strides = array<i32>} : memref<128x32xf32, #tpu.memory_space<vmem>>, vector<16xf32>,
            %parallel_loop3A_181 = arith.addf %parallel_loop3A_177, %parallel_loop3A_180 : vector<16xf32>
            %parallel_loop3A_182 = arith.index_cast %parallel_loop3A_164 : i32 to index
            %parallel_loop3A_183 = arith.constant 16 : index
            %parallel_loop3A_184 = tpu.vector_load %arg44[%parallel_loop3A_182, %parallel_loop3A_183] {strides = array<i32>} : memref<128x32xf32, #tpu.memory_space<vmem>>, vector<16xf32>,
            tpu.vector_store %arg44[%parallel_loop3A_182, %parallel_loop3A_183], %parallel_loop3A_181 {strides = array<i32>} : memref<128x32xf32, #tpu.memory_space<vmem>>, vector<16xf32>,
          } {sc.loop_unroll_factor = 2 : i64, sc.parallel_access}
          %parallel_loop3A_149 = arith.constant 0 : i32
          %parallel_loop3A_150 = arith.constant 128 : i32
          %parallel_loop3A_151 = arith.constant 1 : i32
          scf.for %parallel_loop3A_164 = %parallel_loop3A_149 to %parallel_loop3A_150 step %parallel_loop3A_151  : i32 {
            %parallel_loop3A_165 = arith.index_cast %parallel_loop3A_164 : i32 to index
            %parallel_loop3A_166 = arith.constant 0 : index
            %parallel_loop3A_167 = tpu.vector_load %arg45[%parallel_loop3A_165, %parallel_loop3A_166] {strides = array<i32>} : memref<128x32xf32, #tpu.memory_space<vmem>>, vector<16xf32>,
            %parallel_loop3A_168 = arith.index_cast %parallel_loop3A_164 : i32 to index
            %parallel_loop3A_169 = arith.constant 0 : index
            %parallel_loop3A_170 = tpu.vector_load %arg36[%parallel_loop3A_168, %parallel_loop3A_169] {strides = array<i32>} : memref<128x32xf32, #tpu.memory_space<vmem>>, vector<16xf32>,
            %parallel_loop3A_171 = arith.addf %parallel_loop3A_167, %parallel_loop3A_170 : vector<16xf32>
            %parallel_loop3A_172 = arith.index_cast %parallel_loop3A_164 : i32 to index
            %parallel_loop3A_173 = arith.constant 0 : index
            %parallel_loop3A_174 = tpu.vector_load %arg45[%parallel_loop3A_172, %parallel_loop3A_173] {strides = array<i32>} : memref<128x32xf32, #tpu.memory_space<vmem>>, vector<16xf32>,
            tpu.vector_store %arg45[%parallel_loop3A_172, %parallel_loop3A_173], %parallel_loop3A_171 {strides = array<i32>} : memref<128x32xf32, #tpu.memory_space<vmem>>, vector<16xf32>,
            %parallel_loop3A_175 = arith.index_cast %parallel_loop3A_164 : i32 to index
            %parallel_loop3A_176 = arith.constant 16 : index
            %parallel_loop3A_177 = tpu.vector_load %arg45[%parallel_loop3A_175, %parallel_loop3A_176] {strides = array<i32>} : memref<128x32xf32, #tpu.memory_space<vmem>>, vector<16xf32>,
            %parallel_loop3A_178 = arith.index_cast %parallel_loop3A_164 : i32 to index
            %parallel_loop3A_179 = arith.constant 16 : index
            %parallel_loop3A_180 = tpu.vector_load %arg36[%parallel_loop3A_178, %parallel_loop3A_179] {strides = array<i32>} : memref<128x32xf32, #tpu.memory_space<vmem>>, vector<16xf32>,
            %parallel_loop3A_181 = arith.addf %parallel_loop3A_177, %parallel_loop3A_180 : vector<16xf32>
            %parallel_loop3A_182 = arith.index_cast %parallel_loop3A_164 : i32 to index
            %parallel_loop3A_183 = arith.constant 16 : index
            %parallel_loop3A_184 = tpu.vector_load %arg45[%parallel_loop3A_182, %parallel_loop3A_183] {strides = array<i32>} : memref<128x32xf32, #tpu.memory_space<vmem>>, vector<16xf32>,
            tpu.vector_store %arg45[%parallel_loop3A_182, %parallel_loop3A_183], %parallel_loop3A_181 {strides = array<i32>} : memref<128x32xf32, #tpu.memory_space<vmem>>, vector<16xf32>,
          } {sc.loop_unroll_factor = 2 : i64, sc.parallel_access}
          %parallel_loop3A_152 = arith.constant 0 : i32
          %parallel_loop3A_153 = arith.constant 128 : i32
          %parallel_loop3A_154 = arith.constant 1 : i32
          scf.for %parallel_loop3A_164 = %parallel_loop3A_152 to %parallel_loop3A_153 step %parallel_loop3A_154  : i32 {
            %parallel_loop3A_165 = arith.index_cast %parallel_loop3A_164 : i32 to index
            %parallel_loop3A_166 = arith.constant 0 : index
            %parallel_loop3A_167 = tpu.vector_load %arg46[%parallel_loop3A_165, %parallel_loop3A_166] {strides = array<i32>} : memref<128x32xf32, #tpu.memory_space<vmem>>, vector<16xf32>,
            %parallel_loop3A_168 = arith.index_cast %parallel_loop3A_164 : i32 to index
            %parallel_loop3A_169 = arith.constant 0 : index
            %parallel_loop3A_170 = tpu.vector_load %arg37[%parallel_loop3A_168, %parallel_loop3A_169] {strides = array<i32>} : memref<128x32xf32, #tpu.memory_space<vmem>>, vector<16xf32>,
            %parallel_loop3A_171 = arith.addf %parallel_loop3A_167, %parallel_loop3A_170 : vector<16xf32>
            %parallel_loop3A_172 = arith.index_cast %parallel_loop3A_164 : i32 to index
            %parallel_loop3A_173 = arith.constant 0 : index
            %parallel_loop3A_174 = tpu.vector_load %arg46[%parallel_loop3A_172, %parallel_loop3A_173] {strides = array<i32>} : memref<128x32xf32, #tpu.memory_space<vmem>>, vector<16xf32>,
            tpu.vector_store %arg46[%parallel_loop3A_172, %parallel_loop3A_173], %parallel_loop3A_171 {strides = array<i32>} : memref<128x32xf32, #tpu.memory_space<vmem>>, vector<16xf32>,
            %parallel_loop3A_175 = arith.index_cast %parallel_loop3A_164 : i32 to index
            %parallel_loop3A_176 = arith.constant 16 : index
            %parallel_loop3A_177 = tpu.vector_load %arg46[%parallel_loop3A_175, %parallel_loop3A_176] {strides = array<i32>} : memref<128x32xf32, #tpu.memory_space<vmem>>, vector<16xf32>,
            %parallel_loop3A_178 = arith.index_cast %parallel_loop3A_164 : i32 to index
            %parallel_loop3A_179 = arith.constant 16 : index
            %parallel_loop3A_180 = tpu.vector_load %arg37[%parallel_loop3A_178, %parallel_loop3A_179] {strides = array<i32>} : memref<128x32xf32, #tpu.memory_space<vmem>>, vector<16xf32>,
            %parallel_loop3A_181 = arith.addf %parallel_loop3A_177, %parallel_loop3A_180 : vector<16xf32>
            %parallel_loop3A_182 = arith.index_cast %parallel_loop3A_164 : i32 to index
            %parallel_loop3A_183 = arith.constant 16 : index
            %parallel_loop3A_184 = tpu.vector_load %arg46[%parallel_loop3A_182, %parallel_loop3A_183] {strides = array<i32>} : memref<128x32xf32, #tpu.memory_space<vmem>>, vector<16xf32>,
            tpu.vector_store %arg46[%parallel_loop3A_182, %parallel_loop3A_183], %parallel_loop3A_181 {strides = array<i32>} : memref<128x32xf32, #tpu.memory_space<vmem>>, vector<16xf32>,
          } {sc.loop_unroll_factor = 2 : i64, sc.parallel_access}
          %parallel_loop3A_155 = arith.constant 0 : i32
          %parallel_loop3A_156 = arith.constant 128 : i32
          %parallel_loop3A_157 = arith.constant 1 : i32
          scf.for %parallel_loop3A_164 = %parallel_loop3A_155 to %parallel_loop3A_156 step %parallel_loop3A_157  : i32 {
            %parallel_loop3A_165 = arith.index_cast %parallel_loop3A_164 : i32 to index
            %parallel_loop3A_166 = arith.constant 0 : index
            %parallel_loop3A_167 = tpu.vector_load %arg47[%parallel_loop3A_165, %parallel_loop3A_166] {strides = array<i32>} : memref<128x32xf32, #tpu.memory_space<vmem>>, vector<16xf32>,
            %parallel_loop3A_168 = arith.index_cast %parallel_loop3A_164 : i32 to index
            %parallel_loop3A_169 = arith.constant 0 : index
            %parallel_loop3A_170 = tpu.vector_load %arg38[%parallel_loop3A_168, %parallel_loop3A_169] {strides = array<i32>} : memref<128x32xf32, #tpu.memory_space<vmem>>, vector<16xf32>,
            %parallel_loop3A_171 = arith.addf %parallel_loop3A_167, %parallel_loop3A_170 : vector<16xf32>
            %parallel_loop3A_172 = arith.index_cast %parallel_loop3A_164 : i32 to index
            %parallel_loop3A_173 = arith.constant 0 : index
            %parallel_loop3A_174 = tpu.vector_load %arg47[%parallel_loop3A_172, %parallel_loop3A_173] {strides = array<i32>} : memref<128x32xf32, #tpu.memory_space<vmem>>, vector<16xf32>,
            tpu.vector_store %arg47[%parallel_loop3A_172, %parallel_loop3A_173], %parallel_loop3A_171 {strides = array<i32>} : memref<128x32xf32, #tpu.memory_space<vmem>>, vector<16xf32>,
            %parallel_loop3A_175 = arith.index_cast %parallel_loop3A_164 : i32 to index
            %parallel_loop3A_176 = arith.constant 16 : index
            %parallel_loop3A_177 = tpu.vector_load %arg47[%parallel_loop3A_175, %parallel_loop3A_176] {strides = array<i32>} : memref<128x32xf32, #tpu.memory_space<vmem>>, vector<16xf32>,
            %parallel_loop3A_178 = arith.index_cast %parallel_loop3A_164 : i32 to index
            %parallel_loop3A_179 = arith.constant 16 : index
            %parallel_loop3A_180 = tpu.vector_load %arg38[%parallel_loop3A_178, %parallel_loop3A_179] {strides = array<i32>} : memref<128x32xf32, #tpu.memory_space<vmem>>, vector<16xf32>,
            %parallel_loop3A_181 = arith.addf %parallel_loop3A_177, %parallel_loop3A_180 : vector<16xf32>
            %parallel_loop3A_182 = arith.index_cast %parallel_loop3A_164 : i32 to index
            %parallel_loop3A_183 = arith.constant 16 : index
            %parallel_loop3A_184 = tpu.vector_load %arg47[%parallel_loop3A_182, %parallel_loop3A_183] {strides = array<i32>} : memref<128x32xf32, #tpu.memory_space<vmem>>, vector<16xf32>,
            tpu.vector_store %arg47[%parallel_loop3A_182, %parallel_loop3A_183], %parallel_loop3A_181 {strides = array<i32>} : memref<128x32xf32, #tpu.memory_space<vmem>>, vector<16xf32>,
          } {sc.loop_unroll_factor = 2 : i64, sc.parallel_access}
          %parallel_loop3A_158 = arith.constant 0 : i32
          %parallel_loop3A_159 = arith.constant 128 : i32
          %parallel_loop3A_160 = arith.constant 1 : i32
          scf.for %parallel_loop3A_164 = %parallel_loop3A_158 to %parallel_loop3A_159 step %parallel_loop3A_160  : i32 {
            %parallel_loop3A_165 = arith.index_cast %parallel_loop3A_164 : i32 to index
            %parallel_loop3A_166 = arith.constant 0 : index
            %parallel_loop3A_167 = tpu.vector_load %arg48[%parallel_loop3A_165, %parallel_loop3A_166] {strides = array<i32>} : memref<128x32xf32, #tpu.memory_space<vmem>>, vector<16xf32>,
            %parallel_loop3A_168 = arith.index_cast %parallel_loop3A_164 : i32 to index
            %parallel_loop3A_169 = arith.constant 0 : index
            %parallel_loop3A_170 = tpu.vector_load %arg39[%parallel_loop3A_168, %parallel_loop3A_169] {strides = array<i32>} : memref<128x32xf32, #tpu.memory_space<vmem>>, vector<16xf32>,
            %parallel_loop3A_171 = arith.addf %parallel_loop3A_167, %parallel_loop3A_170 : vector<16xf32>
            %parallel_loop3A_172 = arith.index_cast %parallel_loop3A_164 : i32 to index
            %parallel_loop3A_173 = arith.constant 0 : index
            %parallel_loop3A_174 = tpu.vector_load %arg48[%parallel_loop3A_172, %parallel_loop3A_173] {strides = array<i32>} : memref<128x32xf32, #tpu.memory_space<vmem>>, vector<16xf32>,
            tpu.vector_store %arg48[%parallel_loop3A_172, %parallel_loop3A_173], %parallel_loop3A_171 {strides = array<i32>} : memref<128x32xf32, #tpu.memory_space<vmem>>, vector<16xf32>,
            %parallel_loop3A_175 = arith.index_cast %parallel_loop3A_164 : i32 to index
            %parallel_loop3A_176 = arith.constant 16 : index
            %parallel_loop3A_177 = tpu.vector_load %arg48[%parallel_loop3A_175, %parallel_loop3A_176] {strides = array<i32>} : memref<128x32xf32, #tpu.memory_space<vmem>>, vector<16xf32>,
            %parallel_loop3A_178 = arith.index_cast %parallel_loop3A_164 : i32 to index
            %parallel_loop3A_179 = arith.constant 16 : index
            %parallel_loop3A_180 = tpu.vector_load %arg39[%parallel_loop3A_178, %parallel_loop3A_179] {strides = array<i32>} : memref<128x32xf32, #tpu.memory_space<vmem>>, vector<16xf32>,
            %parallel_loop3A_181 = arith.addf %parallel_loop3A_177, %parallel_loop3A_180 : vector<16xf32>
            %parallel_loop3A_182 = arith.index_cast %parallel_loop3A_164 : i32 to index
            %parallel_loop3A_183 = arith.constant 16 : index
            %parallel_loop3A_184 = tpu.vector_load %arg48[%parallel_loop3A_182, %parallel_loop3A_183] {strides = array<i32>} : memref<128x32xf32, #tpu.memory_space<vmem>>, vector<16xf32>,
            tpu.vector_store %arg48[%parallel_loop3A_182, %parallel_loop3A_183], %parallel_loop3A_181 {strides = array<i32>} : memref<128x32xf32, #tpu.memory_space<vmem>>, vector<16xf32>,
          } {sc.loop_unroll_factor = 2 : i64, sc.parallel_access}
          %parallel_loop3A_161 = arith.constant 0 : i32
          %parallel_loop3A_162 = arith.constant 128 : i32
          %parallel_loop3A_163 = arith.constant 1 : i32
          scf.for %parallel_loop3A_164 = %parallel_loop3A_161 to %parallel_loop3A_162 step %parallel_loop3A_163  : i32 {
            %parallel_loop3A_165 = arith.index_cast %parallel_loop3A_164 : i32 to index
            %parallel_loop3A_166 = arith.constant 0 : index
            %parallel_loop3A_167 = tpu.vector_load %arg49[%parallel_loop3A_165, %parallel_loop3A_166] {strides = array<i32>} : memref<128x32xf32, #tpu.memory_space<vmem>>, vector<16xf32>,
            %parallel_loop3A_168 = arith.index_cast %parallel_loop3A_164 : i32 to index
            %parallel_loop3A_169 = arith.constant 0 : index
            %parallel_loop3A_170 = tpu.vector_load %arg40[%parallel_loop3A_168, %parallel_loop3A_169] {strides = array<i32>} : memref<128x32xf32, #tpu.memory_space<vmem>>, vector<16xf32>,
            %parallel_loop3A_171 = arith.addf %parallel_loop3A_167, %parallel_loop3A_170 : vector<16xf32>
            %parallel_loop3A_172 = arith.index_cast %parallel_loop3A_164 : i32 to index
            %parallel_loop3A_173 = arith.constant 0 : index
            %parallel_loop3A_174 = tpu.vector_load %arg49[%parallel_loop3A_172, %parallel_loop3A_173] {strides = array<i32>} : memref<128x32xf32, #tpu.memory_space<vmem>>, vector<16xf32>,
            tpu.vector_store %arg49[%parallel_loop3A_172, %parallel_loop3A_173], %parallel_loop3A_171 {strides = array<i32>} : memref<128x32xf32, #tpu.memory_space<vmem>>, vector<16xf32>,
            %parallel_loop3A_175 = arith.index_cast %parallel_loop3A_164 : i32 to index
            %parallel_loop3A_176 = arith.constant 16 : index
            %parallel_loop3A_177 = tpu.vector_load %arg49[%parallel_loop3A_175, %parallel_loop3A_176] {strides = array<i32>} : memref<128x32xf32, #tpu.memory_space<vmem>>, vector<16xf32>,
            %parallel_loop3A_178 = arith.index_cast %parallel_loop3A_164 : i32 to index
            %parallel_loop3A_179 = arith.constant 16 : index
            %parallel_loop3A_180 = tpu.vector_load %arg40[%parallel_loop3A_178, %parallel_loop3A_179] {strides = array<i32>} : memref<128x32xf32, #tpu.memory_space<vmem>>, vector<16xf32>,
            %parallel_loop3A_181 = arith.addf %parallel_loop3A_177, %parallel_loop3A_180 : vector<16xf32>
            %parallel_loop3A_182 = arith.index_cast %parallel_loop3A_164 : i32 to index
            %parallel_loop3A_183 = arith.constant 16 : index
            %parallel_loop3A_184 = tpu.vector_load %arg49[%parallel_loop3A_182, %parallel_loop3A_183] {strides = array<i32>} : memref<128x32xf32, #tpu.memory_space<vmem>>, vector<16xf32>,
            tpu.vector_store %arg49[%parallel_loop3A_182, %parallel_loop3A_183], %parallel_loop3A_181 {strides = array<i32>} : memref<128x32xf32, #tpu.memory_space<vmem>>, vector<16xf32>,
          } {sc.loop_unroll_factor = 2 : i64, sc.parallel_access}
        } else {
        }
      }
      %scan3A_69 = arith.constant 27 : i32
      "tpu.region"() ({
        %run_scoped3A_70 = tpu.sem_alloc : memref<!tpu.dma_semaphore, #tpu.memory_space<semaphore_mem>>
        %dma_start3A_71 = arith.constant 0 : i32
        %dma_start3A_72 = tpu.memref_slice %arg12[%mul3A_11, %dma_start3A_71] : memref<32768x32xf32, #tpu.memory_space<hbm>> -> memref<128x32xf32, #tpu.memory_space<hbm>>
        %dma_start3A_73 = arith.constant 0 : i32
        %dma_start3A_74 = tpu.memref_slice %arg12[%mul3A_11, %dma_start3A_73] : memref<32768x32xf32, #tpu.memory_space<hbm>> -> memref<128x32xf32, #tpu.memory_space<hbm>>
        tpu.enqueue_dma source(%arg41 : memref<128x32xf32, #tpu.memory_space<vmem>>) target(%dma_start3A_74 : memref<128x32xf32, #tpu.memory_space<hbm>>) target_semaphore(%run_scoped3A_70 : memref<!tpu.dma_semaphore, #tpu.memory_space<semaphore_mem>>)
        %dma_wait3A = arith.constant 0 : i32
        %dma_wait3A_75 = tpu.memref_slice %arg12[%mul3A_11, %dma_wait3A] : memref<32768x32xf32, #tpu.memory_space<hbm>> -> memref<128x32xf32, #tpu.memory_space<hbm>>
        %dma_wait3A_76 = arith.constant 0 : i32
        %dma_wait3A_77 = tpu.memref_slice %arg12[%mul3A_11, %dma_wait3A_76] : memref<32768x32xf32, #tpu.memory_space<hbm>> -> memref<128x32xf32, #tpu.memory_space<hbm>>
        tpu.wait_dma2 semaphore(%run_scoped3A_70 : memref<!tpu.dma_semaphore, #tpu.memory_space<semaphore_mem>>) src(%arg41 : memref<128x32xf32, #tpu.memory_space<vmem>>) dst(%dma_wait3A_77 : memref<128x32xf32, #tpu.memory_space<hbm>>)
        tpu.yield
      }) : () -> ()
      "tpu.region"() ({
        %run_scoped3A_70 = tpu.sem_alloc : memref<!tpu.dma_semaphore, #tpu.memory_space<semaphore_mem>>
        %dma_start3A_71 = arith.constant 0 : i32
        %dma_start3A_72 = tpu.memref_slice %arg13[%mul3A_11, %dma_start3A_71] : memref<32768x32xf32, #tpu.memory_space<hbm>> -> memref<128x32xf32, #tpu.memory_space<hbm>>
        %dma_start3A_73 = arith.constant 0 : i32
        %dma_start3A_74 = tpu.memref_slice %arg13[%mul3A_11, %dma_start3A_73] : memref<32768x32xf32, #tpu.memory_space<hbm>> -> memref<128x32xf32, #tpu.memory_space<hbm>>
        tpu.enqueue_dma source(%arg42 : memref<128x32xf32, #tpu.memory_space<vmem>>) target(%dma_start3A_74 : memref<128x32xf32, #tpu.memory_space<hbm>>) target_semaphore(%run_scoped3A_70 : memref<!tpu.dma_semaphore, #tpu.memory_space<semaphore_mem>>)
        %dma_wait3A = arith.constant 0 : i32
        %dma_wait3A_75 = tpu.memref_slice %arg13[%mul3A_11, %dma_wait3A] : memref<32768x32xf32, #tpu.memory_space<hbm>> -> memref<128x32xf32, #tpu.memory_space<hbm>>
        %dma_wait3A_76 = arith.constant 0 : i32
        %dma_wait3A_77 = tpu.memref_slice %arg13[%mul3A_11, %dma_wait3A_76] : memref<32768x32xf32, #tpu.memory_space<hbm>> -> memref<128x32xf32, #tpu.memory_space<hbm>>
        tpu.wait_dma2 semaphore(%run_scoped3A_70 : memref<!tpu.dma_semaphore, #tpu.memory_space<semaphore_mem>>) src(%arg42 : memref<128x32xf32, #tpu.memory_space<vmem>>) dst(%dma_wait3A_77 : memref<128x32xf32, #tpu.memory_space<hbm>>)
        tpu.yield
      }) : () -> ()
      "tpu.region"() ({
        %run_scoped3A_70 = tpu.sem_alloc : memref<!tpu.dma_semaphore, #tpu.memory_space<semaphore_mem>>
        %dma_start3A_71 = arith.constant 0 : i32
        %dma_start3A_72 = tpu.memref_slice %arg14[%mul3A_11, %dma_start3A_71] : memref<32768x32xf32, #tpu.memory_space<hbm>> -> memref<128x32xf32, #tpu.memory_space<hbm>>
        %dma_start3A_73 = arith.constant 0 : i32
        %dma_start3A_74 = tpu.memref_slice %arg14[%mul3A_11, %dma_start3A_73] : memref<32768x32xf32, #tpu.memory_space<hbm>> -> memref<128x32xf32, #tpu.memory_space<hbm>>
        tpu.enqueue_dma source(%arg43 : memref<128x32xf32, #tpu.memory_space<vmem>>) target(%dma_start3A_74 : memref<128x32xf32, #tpu.memory_space<hbm>>) target_semaphore(%run_scoped3A_70 : memref<!tpu.dma_semaphore, #tpu.memory_space<semaphore_mem>>)
        %dma_wait3A = arith.constant 0 : i32
        %dma_wait3A_75 = tpu.memref_slice %arg14[%mul3A_11, %dma_wait3A] : memref<32768x32xf32, #tpu.memory_space<hbm>> -> memref<128x32xf32, #tpu.memory_space<hbm>>
        %dma_wait3A_76 = arith.constant 0 : i32
        %dma_wait3A_77 = tpu.memref_slice %arg14[%mul3A_11, %dma_wait3A_76] : memref<32768x32xf32, #tpu.memory_space<hbm>> -> memref<128x32xf32, #tpu.memory_space<hbm>>
        tpu.wait_dma2 semaphore(%run_scoped3A_70 : memref<!tpu.dma_semaphore, #tpu.memory_space<semaphore_mem>>) src(%arg43 : memref<128x32xf32, #tpu.memory_space<vmem>>) dst(%dma_wait3A_77 : memref<128x32xf32, #tpu.memory_space<hbm>>)
        tpu.yield
      }) : () -> ()
      "tpu.region"() ({
        %run_scoped3A_70 = tpu.sem_alloc : memref<!tpu.dma_semaphore, #tpu.memory_space<semaphore_mem>>
        %dma_start3A_71 = arith.constant 0 : i32
        %dma_start3A_72 = tpu.memref_slice %arg15[%mul3A_11, %dma_start3A_71] : memref<32768x32xf32, #tpu.memory_space<hbm>> -> memref<128x32xf32, #tpu.memory_space<hbm>>
        %dma_start3A_73 = arith.constant 0 : i32
        %dma_start3A_74 = tpu.memref_slice %arg15[%mul3A_11, %dma_start3A_73] : memref<32768x32xf32, #tpu.memory_space<hbm>> -> memref<128x32xf32, #tpu.memory_space<hbm>>
        tpu.enqueue_dma source(%arg44 : memref<128x32xf32, #tpu.memory_space<vmem>>) target(%dma_start3A_74 : memref<128x32xf32, #tpu.memory_space<hbm>>) target_semaphore(%run_scoped3A_70 : memref<!tpu.dma_semaphore, #tpu.memory_space<semaphore_mem>>)
        %dma_wait3A = arith.constant 0 : i32
        %dma_wait3A_75 = tpu.memref_slice %arg15[%mul3A_11, %dma_wait3A] : memref<32768x32xf32, #tpu.memory_space<hbm>> -> memref<128x32xf32, #tpu.memory_space<hbm>>
        %dma_wait3A_76 = arith.constant 0 : i32
        %dma_wait3A_77 = tpu.memref_slice %arg15[%mul3A_11, %dma_wait3A_76] : memref<32768x32xf32, #tpu.memory_space<hbm>> -> memref<128x32xf32, #tpu.memory_space<hbm>>
        tpu.wait_dma2 semaphore(%run_scoped3A_70 : memref<!tpu.dma_semaphore, #tpu.memory_space<semaphore_mem>>) src(%arg44 : memref<128x32xf32, #tpu.memory_space<vmem>>) dst(%dma_wait3A_77 : memref<128x32xf32, #tpu.memory_space<hbm>>)
        tpu.yield
      }) : () -> ()
      "tpu.region"() ({
        %run_scoped3A_70 = tpu.sem_alloc : memref<!tpu.dma_semaphore, #tpu.memory_space<semaphore_mem>>
        %dma_start3A_71 = arith.constant 0 : i32
        %dma_start3A_72 = tpu.memref_slice %arg16[%mul3A_11, %dma_start3A_71] : memref<32768x32xf32, #tpu.memory_space<hbm>> -> memref<128x32xf32, #tpu.memory_space<hbm>>
        %dma_start3A_73 = arith.constant 0 : i32
        %dma_start3A_74 = tpu.memref_slice %arg16[%mul3A_11, %dma_start3A_73] : memref<32768x32xf32, #tpu.memory_space<hbm>> -> memref<128x32xf32, #tpu.memory_space<hbm>>
        tpu.enqueue_dma source(%arg45 : memref<128x32xf32, #tpu.memory_space<vmem>>) target(%dma_start3A_74 : memref<128x32xf32, #tpu.memory_space<hbm>>) target_semaphore(%run_scoped3A_70 : memref<!tpu.dma_semaphore, #tpu.memory_space<semaphore_mem>>)
        %dma_wait3A = arith.constant 0 : i32
        %dma_wait3A_75 = tpu.memref_slice %arg16[%mul3A_11, %dma_wait3A] : memref<32768x32xf32, #tpu.memory_space<hbm>> -> memref<128x32xf32, #tpu.memory_space<hbm>>
        %dma_wait3A_76 = arith.constant 0 : i32
        %dma_wait3A_77 = tpu.memref_slice %arg16[%mul3A_11, %dma_wait3A_76] : memref<32768x32xf32, #tpu.memory_space<hbm>> -> memref<128x32xf32, #tpu.memory_space<hbm>>
        tpu.wait_dma2 semaphore(%run_scoped3A_70 : memref<!tpu.dma_semaphore, #tpu.memory_space<semaphore_mem>>) src(%arg45 : memref<128x32xf32, #tpu.memory_space<vmem>>) dst(%dma_wait3A_77 : memref<128x32xf32, #tpu.memory_space<hbm>>)
        tpu.yield
      }) : () -> ()
      "tpu.region"() ({
        %run_scoped3A_70 = tpu.sem_alloc : memref<!tpu.dma_semaphore, #tpu.memory_space<semaphore_mem>>
        %dma_start3A_71 = arith.constant 0 : i32
        %dma_start3A_72 = tpu.memref_slice %arg17[%mul3A_11, %dma_start3A_71] : memref<32768x32xf32, #tpu.memory_space<hbm>> -> memref<128x32xf32, #tpu.memory_space<hbm>>
        %dma_start3A_73 = arith.constant 0 : i32
        %dma_start3A_74 = tpu.memref_slice %arg17[%mul3A_11, %dma_start3A_73] : memref<32768x32xf32, #tpu.memory_space<hbm>> -> memref<128x32xf32, #tpu.memory_space<hbm>>
        tpu.enqueue_dma source(%arg46 : memref<128x32xf32, #tpu.memory_space<vmem>>) target(%dma_start3A_74 : memref<128x32xf32, #tpu.memory_space<hbm>>) target_semaphore(%run_scoped3A_70 : memref<!tpu.dma_semaphore, #tpu.memory_space<semaphore_mem>>)
        %dma_wait3A = arith.constant 0 : i32
        %dma_wait3A_75 = tpu.memref_slice %arg17[%mul3A_11, %dma_wait3A] : memref<32768x32xf32, #tpu.memory_space<hbm>> -> memref<128x32xf32, #tpu.memory_space<hbm>>
        %dma_wait3A_76 = arith.constant 0 : i32
        %dma_wait3A_77 = tpu.memref_slice %arg17[%mul3A_11, %dma_wait3A_76] : memref<32768x32xf32, #tpu.memory_space<hbm>> -> memref<128x32xf32, #tpu.memory_space<hbm>>
        tpu.wait_dma2 semaphore(%run_scoped3A_70 : memref<!tpu.dma_semaphore, #tpu.memory_space<semaphore_mem>>) src(%arg46 : memref<128x32xf32, #tpu.memory_space<vmem>>) dst(%dma_wait3A_77 : memref<128x32xf32, #tpu.memory_space<hbm>>)
        tpu.yield
      }) : () -> ()
      "tpu.region"() ({
        %run_scoped3A_70 = tpu.sem_alloc : memref<!tpu.dma_semaphore, #tpu.memory_space<semaphore_mem>>
        %dma_start3A_71 = arith.constant 0 : i32
        %dma_start3A_72 = tpu.memref_slice %arg18[%mul3A_11, %dma_start3A_71] : memref<32768x32xf32, #tpu.memory_space<hbm>> -> memref<128x32xf32, #tpu.memory_space<hbm>>
        %dma_start3A_73 = arith.constant 0 : i32
        %dma_start3A_74 = tpu.memref_slice %arg18[%mul3A_11, %dma_start3A_73] : memref<32768x32xf32, #tpu.memory_space<hbm>> -> memref<128x32xf32, #tpu.memory_space<hbm>>
        tpu.enqueue_dma source(%arg47 : memref<128x32xf32, #tpu.memory_space<vmem>>) target(%dma_start3A_74 : memref<128x32xf32, #tpu.memory_space<hbm>>) target_semaphore(%run_scoped3A_70 : memref<!tpu.dma_semaphore, #tpu.memory_space<semaphore_mem>>)
        %dma_wait3A = arith.constant 0 : i32
        %dma_wait3A_75 = tpu.memref_slice %arg18[%mul3A_11, %dma_wait3A] : memref<32768x32xf32, #tpu.memory_space<hbm>> -> memref<128x32xf32, #tpu.memory_space<hbm>>
        %dma_wait3A_76 = arith.constant 0 : i32
        %dma_wait3A_77 = tpu.memref_slice %arg18[%mul3A_11, %dma_wait3A_76] : memref<32768x32xf32, #tpu.memory_space<hbm>> -> memref<128x32xf32, #tpu.memory_space<hbm>>
        tpu.wait_dma2 semaphore(%run_scoped3A_70 : memref<!tpu.dma_semaphore, #tpu.memory_space<semaphore_mem>>) src(%arg47 : memref<128x32xf32, #tpu.memory_space<vmem>>) dst(%dma_wait3A_77 : memref<128x32xf32, #tpu.memory_space<hbm>>)
        tpu.yield
      }) : () -> ()
      "tpu.region"() ({
        %run_scoped3A_70 = tpu.sem_alloc : memref<!tpu.dma_semaphore, #tpu.memory_space<semaphore_mem>>
        %dma_start3A_71 = arith.constant 0 : i32
        %dma_start3A_72 = tpu.memref_slice %arg19[%mul3A_11, %dma_start3A_71] : memref<32768x32xf32, #tpu.memory_space<hbm>> -> memref<128x32xf32, #tpu.memory_space<hbm>>
        %dma_start3A_73 = arith.constant 0 : i32
        %dma_start3A_74 = tpu.memref_slice %arg19[%mul3A_11, %dma_start3A_73] : memref<32768x32xf32, #tpu.memory_space<hbm>> -> memref<128x32xf32, #tpu.memory_space<hbm>>
        tpu.enqueue_dma source(%arg48 : memref<128x32xf32, #tpu.memory_space<vmem>>) target(%dma_start3A_74 : memref<128x32xf32, #tpu.memory_space<hbm>>) target_semaphore(%run_scoped3A_70 : memref<!tpu.dma_semaphore, #tpu.memory_space<semaphore_mem>>)
        %dma_wait3A = arith.constant 0 : i32
        %dma_wait3A_75 = tpu.memref_slice %arg19[%mul3A_11, %dma_wait3A] : memref<32768x32xf32, #tpu.memory_space<hbm>> -> memref<128x32xf32, #tpu.memory_space<hbm>>
        %dma_wait3A_76 = arith.constant 0 : i32
        %dma_wait3A_77 = tpu.memref_slice %arg19[%mul3A_11, %dma_wait3A_76] : memref<32768x32xf32, #tpu.memory_space<hbm>> -> memref<128x32xf32, #tpu.memory_space<hbm>>
        tpu.wait_dma2 semaphore(%run_scoped3A_70 : memref<!tpu.dma_semaphore, #tpu.memory_space<semaphore_mem>>) src(%arg48 : memref<128x32xf32, #tpu.memory_space<vmem>>) dst(%dma_wait3A_77 : memref<128x32xf32, #tpu.memory_space<hbm>>)
        tpu.yield
      }) : () -> ()
      "tpu.region"() ({
        %run_scoped3A_70 = tpu.sem_alloc : memref<!tpu.dma_semaphore, #tpu.memory_space<semaphore_mem>>
        %dma_start3A_71 = arith.constant 0 : i32
        %dma_start3A_72 = tpu.memref_slice %arg20[%mul3A_11, %dma_start3A_71] : memref<32768x32xf32, #tpu.memory_space<hbm>> -> memref<128x32xf32, #tpu.memory_space<hbm>>
        %dma_start3A_73 = arith.constant 0 : i32
        %dma_start3A_74 = tpu.memref_slice %arg20[%mul3A_11, %dma_start3A_73] : memref<32768x32xf32, #tpu.memory_space<hbm>> -> memref<128x32xf32, #tpu.memory_space<hbm>>
        tpu.enqueue_dma source(%arg49 : memref<128x32xf32, #tpu.memory_space<vmem>>) target(%dma_start3A_74 : memref<128x32xf32, #tpu.memory_space<hbm>>) target_semaphore(%run_scoped3A_70 : memref<!tpu.dma_semaphore, #tpu.memory_space<semaphore_mem>>)
        %dma_wait3A = arith.constant 0 : i32
        %dma_wait3A_75 = tpu.memref_slice %arg20[%mul3A_11, %dma_wait3A] : memref<32768x32xf32, #tpu.memory_space<hbm>> -> memref<128x32xf32, #tpu.memory_space<hbm>>
        %dma_wait3A_76 = arith.constant 0 : i32
        %dma_wait3A_77 = tpu.memref_slice %arg20[%mul3A_11, %dma_wait3A_76] : memref<32768x32xf32, #tpu.memory_space<hbm>> -> memref<128x32xf32, #tpu.memory_space<hbm>>
        tpu.wait_dma2 semaphore(%run_scoped3A_70 : memref<!tpu.dma_semaphore, #tpu.memory_space<semaphore_mem>>) src(%arg49 : memref<128x32xf32, #tpu.memory_space<vmem>>) dst(%dma_wait3A_77 : memref<128x32xf32, #tpu.memory_space<hbm>>)
        tpu.yield
      }) : () -> ()
    }
    %scan3A_5 = arith.constant 8 : i32
    return
  }
}

#map = affine_map<(d0, d1) -> (0, 0)>
#map1 = affine_map<(d0, d1) -> (0, 0, 0)>
module attributes {stable_mosaic.version = 14 : i64} {
  func.func @_sca_body(%arg0: i32, %arg1: i32, %arg2: memref<27x16384xi32, #tpu.memory_space<hbm>>, %arg3: memref<27x16384xi32, #tpu.memory_space<hbm>>, %arg4: memref<884736x32xf32, #tpu.memory_space<hbm>>, %arg5: memref<27x32768xi32, #tpu.memory_space<hbm>>, %arg6: memref<2x32768x32xf32, #tpu.memory_space<hbm>>, %arg7: memref<32768xi32, #tpu.memory_space<vmem>>, %arg8: memref<2048xi32, #tpu.memory_space<vmem>>, %arg9: memref<2048xi32, #tpu.memory_space<vmem>>, %arg10: memref<128xi32, #tpu.memory_space<vmem>>, %arg11: memref<128xi32, #tpu.memory_space<vmem>>, %arg12: memref<128xi32, #tpu.memory_space<vmem>>, %arg13: memref<128x32xf32, #tpu.memory_space<vmem>>, %arg14: memref<128x32xf32, #tpu.memory_space<vmem>>, %arg15: memref<32768x32xf32, #tpu.memory_space<vmem_shared>>, %arg16: memref<!tpu.dma_semaphore, #tpu.memory_space<semaphore_mem>>) attributes {dimension_semantics = [#tpu.dimension_semantics<core_parallel>, #tpu.dimension_semantics<subcore_parallel>], iteration_bounds = array<i64: 2, 16>, scalar_prefetch = 0 : i64, scratch_operands = 10 : i64, tpu.core_type = #tpu.core_type<sc_vector_subcore>, window_params = [{transform_indices = #map}, {transform_indices = #map}, {transform_indices = #map}, {transform_indices = #map}, {transform_indices = #map1}]} {
    %mul3A = arith.constant 2 : i32
    %mul3A_0 = arith.muli %arg1, %mul3A : i32
    %add3A = arith.addi %mul3A_0, %arg0 : i32
    %lt3A = arith.constant 27 : i32
    %lt3A_1 = arith.cmpi slt, %add3A, %lt3A : i32
    %convert_element_type3A = arith.extui %lt3A_1 : i1 to i32
    %cond3A = arith.constant 0 : i32
    %cond3A_2 = arith.cmpi ne, %convert_element_type3A, %cond3A : i32
    scf.if %cond3A_2 {
      %parallel_loop3A_21 = arith.constant 0 : i32
      %parallel_loop3A_22 = arith.constant 2048 : i32
      %parallel_loop3A_23 = arith.constant 1 : i32
      scf.for %parallel_loop3A_30 = %parallel_loop3A_21 to %parallel_loop3A_22 step %parallel_loop3A_23  : i32 {
        %parallel_loop3A_31 = arith.constant 32768 : i32
        %parallel_loop3A_32 = vector.broadcast %parallel_loop3A_31 : i32 to vector<16xi32>
        %parallel_loop3A_33 = arith.constant 16 : i32
        %parallel_loop3A_34 = arith.muli %parallel_loop3A_30, %parallel_loop3A_33 : i32
        %parallel_loop3A_35 = arith.index_cast %parallel_loop3A_34 : i32 to index
        %parallel_loop3A_36 = tpu.vector_load %arg7[%parallel_loop3A_35] {strides = array<i32>} : memref<32768xi32, #tpu.memory_space<vmem>>, vector<16xi32>,
        tpu.vector_store %arg7[%parallel_loop3A_35], %parallel_loop3A_32 {strides = array<i32>} : memref<32768xi32, #tpu.memory_space<vmem>>, vector<16xi32>,
      } {sc.loop_unroll_factor = 4 : i64, sc.parallel_access}
      %scan3A_24 = arith.constant 0 : i32
      %scan3A_25 = arith.constant 0 : i32
      %scan3A_26 = arith.constant 8 : i32
      %scan3A_27 = arith.addi %scan3A_25, %scan3A_26 : i32
      %scan3A_28 = arith.constant 1 : i32
      scf.for %scan3A_30 = %scan3A_25 to %scan3A_27 step %scan3A_28  : i32 {
        %mul3A_31 = arith.constant 2048 : i32
        %mul3A_32 = arith.muli %scan3A_30, %mul3A_31 : i32
        "tpu.region"() ({
          %run_scoped3A = tpu.sem_alloc : memref<!tpu.dma_semaphore, #tpu.memory_space<semaphore_mem>>
          %dma_start3A = tpu.memref_slice %arg2[%add3A, %mul3A_32] : memref<27x16384xi32, #tpu.memory_space<hbm>> -> memref<1x2048xi32, #tpu.memory_space<hbm>>
          %dma_start3A_41 = tpu.memref_squeeze %dma_start3A : memref<1x2048xi32, #tpu.memory_space<hbm>> -> memref<2048xi32, #tpu.memory_space<hbm>>
          %dma_start3A_42 = tpu.memref_slice %arg2[%add3A, %mul3A_32] : memref<27x16384xi32, #tpu.memory_space<hbm>> -> memref<1x2048xi32, #tpu.memory_space<hbm>>
          %dma_start3A_43 = tpu.memref_squeeze %dma_start3A_42 : memref<1x2048xi32, #tpu.memory_space<hbm>> -> memref<2048xi32, #tpu.memory_space<hbm>>
          tpu.enqueue_dma source(%dma_start3A_43 : memref<2048xi32, #tpu.memory_space<hbm>>) target(%arg8 : memref<2048xi32, #tpu.memory_space<vmem>>) target_semaphore(%run_scoped3A : memref<!tpu.dma_semaphore, #tpu.memory_space<semaphore_mem>>)
          %dma_wait3A = tpu.memref_slice %arg2[%add3A, %mul3A_32] : memref<27x16384xi32, #tpu.memory_space<hbm>> -> memref<1x2048xi32, #tpu.memory_space<hbm>>
          %dma_wait3A_44 = tpu.memref_squeeze %dma_wait3A : memref<1x2048xi32, #tpu.memory_space<hbm>> -> memref<2048xi32, #tpu.memory_space<hbm>>
          %dma_wait3A_45 = tpu.memref_slice %arg2[%add3A, %mul3A_32] : memref<27x16384xi32, #tpu.memory_space<hbm>> -> memref<1x2048xi32, #tpu.memory_space<hbm>>
          %dma_wait3A_46 = tpu.memref_squeeze %dma_wait3A_45 : memref<1x2048xi32, #tpu.memory_space<hbm>> -> memref<2048xi32, #tpu.memory_space<hbm>>
          tpu.wait_dma2 semaphore(%run_scoped3A : memref<!tpu.dma_semaphore, #tpu.memory_space<semaphore_mem>>) src(%dma_wait3A_46 : memref<2048xi32, #tpu.memory_space<hbm>>) dst(%arg8 : memref<2048xi32, #tpu.memory_space<vmem>>)
          tpu.yield
        }) : () -> ()
        %mul3A_33 = arith.constant 2048 : i32
        %mul3A_34 = arith.muli %scan3A_30, %mul3A_33 : i32
        "tpu.region"() ({
          %run_scoped3A = tpu.sem_alloc : memref<!tpu.dma_semaphore, #tpu.memory_space<semaphore_mem>>
          %dma_start3A = tpu.memref_slice %arg3[%add3A, %mul3A_34] : memref<27x16384xi32, #tpu.memory_space<hbm>> -> memref<1x2048xi32, #tpu.memory_space<hbm>>
          %dma_start3A_41 = tpu.memref_squeeze %dma_start3A : memref<1x2048xi32, #tpu.memory_space<hbm>> -> memref<2048xi32, #tpu.memory_space<hbm>>
          %dma_start3A_42 = tpu.memref_slice %arg3[%add3A, %mul3A_34] : memref<27x16384xi32, #tpu.memory_space<hbm>> -> memref<1x2048xi32, #tpu.memory_space<hbm>>
          %dma_start3A_43 = tpu.memref_squeeze %dma_start3A_42 : memref<1x2048xi32, #tpu.memory_space<hbm>> -> memref<2048xi32, #tpu.memory_space<hbm>>
          tpu.enqueue_dma source(%dma_start3A_43 : memref<2048xi32, #tpu.memory_space<hbm>>) target(%arg9 : memref<2048xi32, #tpu.memory_space<vmem>>) target_semaphore(%run_scoped3A : memref<!tpu.dma_semaphore, #tpu.memory_space<semaphore_mem>>)
          %dma_wait3A = tpu.memref_slice %arg3[%add3A, %mul3A_34] : memref<27x16384xi32, #tpu.memory_space<hbm>> -> memref<1x2048xi32, #tpu.memory_space<hbm>>
          %dma_wait3A_44 = tpu.memref_squeeze %dma_wait3A : memref<1x2048xi32, #tpu.memory_space<hbm>> -> memref<2048xi32, #tpu.memory_space<hbm>>
          %dma_wait3A_45 = tpu.memref_slice %arg3[%add3A, %mul3A_34] : memref<27x16384xi32, #tpu.memory_space<hbm>> -> memref<1x2048xi32, #tpu.memory_space<hbm>>
          %dma_wait3A_46 = tpu.memref_squeeze %dma_wait3A_45 : memref<1x2048xi32, #tpu.memory_space<hbm>> -> memref<2048xi32, #tpu.memory_space<hbm>>
          tpu.wait_dma2 semaphore(%run_scoped3A : memref<!tpu.dma_semaphore, #tpu.memory_space<semaphore_mem>>) src(%dma_wait3A_46 : memref<2048xi32, #tpu.memory_space<hbm>>) dst(%arg9 : memref<2048xi32, #tpu.memory_space<vmem>>)
          tpu.yield
        }) : () -> ()
        %scan3A_35 = arith.constant 0 : i32
        %scan3A_36 = arith.constant 0 : i32
        %scan3A_37 = arith.constant 128 : i32
        %scan3A_38 = arith.addi %scan3A_36, %scan3A_37 : i32
        %scan3A_39 = arith.constant 1 : i32
        scf.for %scan3A_41 = %scan3A_36 to %scan3A_38 step %scan3A_39  : i32 {
          %mul3A_42 = arith.constant 16 : i32
          %mul3A_43 = arith.muli %scan3A_41, %mul3A_42 : i32
          %get3A = arith.index_cast %mul3A_43 : i32 to index
          %get3A_44 = tpu.vector_load %arg9[%get3A] {strides = array<i32>} : memref<2048xi32, #tpu.memory_space<vmem>>, vector<16xi32>,
          %mul3A_45 = arith.constant 16 : i32
          %mul3A_46 = arith.muli %scan3A_41, %mul3A_45 : i32
          %get3A_47 = arith.index_cast %mul3A_46 : i32 to index
          %get3A_48 = tpu.vector_load %arg8[%get3A_47] {strides = array<i32>} : memref<2048xi32, #tpu.memory_space<vmem>>, vector<16xi32>,
          tpu.vector_store_idx %arg7[%get3A_44], %get3A_48 : memref<32768xi32, #tpu.memory_space<vmem>>[vector<16xi32>], vector<16xi32>,
        }
        %scan3A_40 = arith.constant 128 : i32
      }
      %scan3A_29 = arith.constant 8 : i32
      "tpu.region"() ({
        %run_scoped3A = tpu.sem_alloc : memref<!tpu.dma_semaphore, #tpu.memory_space<semaphore_mem>>
        %dma_start3A = arith.constant 0 : i32
        %dma_start3A_30 = tpu.memref_slice %arg5[%add3A, %dma_start3A] : memref<27x32768xi32, #tpu.memory_space<hbm>> -> memref<1x32768xi32, #tpu.memory_space<hbm>>
        %dma_start3A_31 = tpu.memref_squeeze %dma_start3A_30 : memref<1x32768xi32, #tpu.memory_space<hbm>> -> memref<32768xi32, #tpu.memory_space<hbm>>
        %dma_start3A_32 = arith.constant 0 : i32
        %dma_start3A_33 = tpu.memref_slice %arg5[%add3A, %dma_start3A_32] : memref<27x32768xi32, #tpu.memory_space<hbm>> -> memref<1x32768xi32, #tpu.memory_space<hbm>>
        %dma_start3A_34 = tpu.memref_squeeze %dma_start3A_33 : memref<1x32768xi32, #tpu.memory_space<hbm>> -> memref<32768xi32, #tpu.memory_space<hbm>>
        tpu.enqueue_dma source(%arg7 : memref<32768xi32, #tpu.memory_space<vmem>>) target(%dma_start3A_34 : memref<32768xi32, #tpu.memory_space<hbm>>) target_semaphore(%run_scoped3A : memref<!tpu.dma_semaphore, #tpu.memory_space<semaphore_mem>>)
        %dma_wait3A = arith.constant 0 : i32
        %dma_wait3A_35 = tpu.memref_slice %arg5[%add3A, %dma_wait3A] : memref<27x32768xi32, #tpu.memory_space<hbm>> -> memref<1x32768xi32, #tpu.memory_space<hbm>>
        %dma_wait3A_36 = tpu.memref_squeeze %dma_wait3A_35 : memref<1x32768xi32, #tpu.memory_space<hbm>> -> memref<32768xi32, #tpu.memory_space<hbm>>
        %dma_wait3A_37 = arith.constant 0 : i32
        %dma_wait3A_38 = tpu.memref_slice %arg5[%add3A, %dma_wait3A_37] : memref<27x32768xi32, #tpu.memory_space<hbm>> -> memref<1x32768xi32, #tpu.memory_space<hbm>>
        %dma_wait3A_39 = tpu.memref_squeeze %dma_wait3A_38 : memref<1x32768xi32, #tpu.memory_space<hbm>> -> memref<32768xi32, #tpu.memory_space<hbm>>
        tpu.wait_dma2 semaphore(%run_scoped3A : memref<!tpu.dma_semaphore, #tpu.memory_space<semaphore_mem>>) src(%arg7 : memref<32768xi32, #tpu.memory_space<vmem>>) dst(%dma_wait3A_39 : memref<32768xi32, #tpu.memory_space<hbm>>)
        tpu.yield
      }) : () -> ()
    } else {
    }
    %parallel_loop3A = arith.constant 0 : i32
    %parallel_loop3A_3 = arith.constant 128 : i32
    %parallel_loop3A_4 = arith.constant 1 : i32
    scf.for %parallel_loop3A_21 = %parallel_loop3A to %parallel_loop3A_3 step %parallel_loop3A_4  : i32 {
      %parallel_loop3A_22 = arith.constant 0.000000e+00 : f32
      %parallel_loop3A_23 = vector.broadcast %parallel_loop3A_22 : f32 to vector<16xf32>
      %parallel_loop3A_24 = arith.index_cast %parallel_loop3A_21 : i32 to index
      %parallel_loop3A_25 = arith.constant 0 : index
      %parallel_loop3A_26 = tpu.vector_load %arg14[%parallel_loop3A_24, %parallel_loop3A_25] {strides = array<i32>} : memref<128x32xf32, #tpu.memory_space<vmem>>, vector<16xf32>,
      tpu.vector_store %arg14[%parallel_loop3A_24, %parallel_loop3A_25], %parallel_loop3A_23 {strides = array<i32>} : memref<128x32xf32, #tpu.memory_space<vmem>>, vector<16xf32>,
      %parallel_loop3A_27 = arith.index_cast %parallel_loop3A_21 : i32 to index
      %parallel_loop3A_28 = arith.constant 16 : index
      %parallel_loop3A_29 = tpu.vector_load %arg14[%parallel_loop3A_27, %parallel_loop3A_28] {strides = array<i32>} : memref<128x32xf32, #tpu.memory_space<vmem>>, vector<16xf32>,
      tpu.vector_store %arg14[%parallel_loop3A_27, %parallel_loop3A_28], %parallel_loop3A_23 {strides = array<i32>} : memref<128x32xf32, #tpu.memory_space<vmem>>, vector<16xf32>,
    } {sc.loop_unroll_factor = 4 : i64, sc.parallel_access}
    %scan3A = arith.constant 0 : i32
    %scan3A_5 = arith.constant 0 : i32
    %scan3A_6 = arith.constant 16 : i32
    %scan3A_7 = arith.addi %scan3A_5, %scan3A_6 : i32
    %scan3A_8 = arith.constant 1 : i32
    scf.for %scan3A_21 = %scan3A_5 to %scan3A_7 step %scan3A_8  : i32 {
      %mul3A_22 = arith.constant 2048 : i32
      %mul3A_23 = arith.muli %arg1, %mul3A_22 : i32
      %mul3A_24 = arith.constant 128 : i32
      %mul3A_25 = arith.muli %scan3A_21, %mul3A_24 : i32
      %add3A_26 = arith.addi %mul3A_23, %mul3A_25 : i32
      "tpu.region"() ({
        %run_scoped3A = tpu.sem_alloc : memref<!tpu.dma_semaphore, #tpu.memory_space<semaphore_mem>>
        %dma_start3A = arith.constant 0 : i32
        %dma_start3A_27 = tpu.memref_slice %arg15[%add3A_26, %dma_start3A] : memref<32768x32xf32, #tpu.memory_space<vmem_shared>> -> memref<128x32xf32, #tpu.memory_space<vmem_shared>>
        %dma_start3A_28 = arith.constant 0 : i32
        %dma_start3A_29 = tpu.memref_slice %arg15[%add3A_26, %dma_start3A_28] : memref<32768x32xf32, #tpu.memory_space<vmem_shared>> -> memref<128x32xf32, #tpu.memory_space<vmem_shared>>
        tpu.enqueue_dma source(%arg14 : memref<128x32xf32, #tpu.memory_space<vmem>>) target(%dma_start3A_29 : memref<128x32xf32, #tpu.memory_space<vmem_shared>>) target_semaphore(%run_scoped3A : memref<!tpu.dma_semaphore, #tpu.memory_space<semaphore_mem>>)
        %dma_wait3A = arith.constant 0 : i32
        %dma_wait3A_30 = tpu.memref_slice %arg15[%add3A_26, %dma_wait3A] : memref<32768x32xf32, #tpu.memory_space<vmem_shared>> -> memref<128x32xf32, #tpu.memory_space<vmem_shared>>
        %dma_wait3A_31 = arith.constant 0 : i32
        %dma_wait3A_32 = tpu.memref_slice %arg15[%add3A_26, %dma_wait3A_31] : memref<32768x32xf32, #tpu.memory_space<vmem_shared>> -> memref<128x32xf32, #tpu.memory_space<vmem_shared>>
        tpu.wait_dma2 semaphore(%run_scoped3A : memref<!tpu.dma_semaphore, #tpu.memory_space<semaphore_mem>>) src(%arg14 : memref<128x32xf32, #tpu.memory_space<vmem>>) dst(%dma_wait3A_32 : memref<128x32xf32, #tpu.memory_space<vmem_shared>>)
        tpu.yield
      }) : () -> ()
    }
    %scan3A_9 = arith.constant 16 : i32
    %barrier3A = arith.constant 0 : index
    tpu.barrier barrier_id(%barrier3A)
    %scan3A_10 = arith.constant 0 : i32
    %scan3A_11 = arith.constant 0 : i32
    %scan3A_12 = arith.constant 27 : i32
    %scan3A_13 = arith.addi %scan3A_11, %scan3A_12 : i32
    %scan3A_14 = arith.constant 1 : i32
    scf.for %scan3A_21 = %scan3A_11 to %scan3A_13 step %scan3A_14  : i32 {
      %scan3A_22 = arith.constant 0 : i32
      %scan3A_23 = arith.constant 0 : i32
      %scan3A_24 = arith.constant 4 : i32
      %scan3A_25 = arith.addi %scan3A_23, %scan3A_24 : i32
      %scan3A_26 = arith.constant 1 : i32
      scf.for %scan3A_28 = %scan3A_23 to %scan3A_25 step %scan3A_26  : i32 {
        %mul3A_29 = arith.constant 512 : i32
        %mul3A_30 = arith.muli %add3A, %mul3A_29 : i32
        %mul3A_31 = arith.constant 128 : i32
        %mul3A_32 = arith.muli %scan3A_28, %mul3A_31 : i32
        %add3A_33 = arith.addi %mul3A_30, %mul3A_32 : i32
        "tpu.region"() ({
          %run_scoped3A = tpu.sem_alloc : memref<!tpu.dma_semaphore, #tpu.memory_space<semaphore_mem>>
          %dma_start3A_41 = tpu.memref_slice %arg2[%scan3A_21, %add3A_33] : memref<27x16384xi32, #tpu.memory_space<hbm>> -> memref<1x128xi32, #tpu.memory_space<hbm>>
          %dma_start3A_42 = tpu.memref_squeeze %dma_start3A_41 : memref<1x128xi32, #tpu.memory_space<hbm>> -> memref<128xi32, #tpu.memory_space<hbm>>
          %dma_start3A_43 = tpu.memref_slice %arg2[%scan3A_21, %add3A_33] : memref<27x16384xi32, #tpu.memory_space<hbm>> -> memref<1x128xi32, #tpu.memory_space<hbm>>
          %dma_start3A_44 = tpu.memref_squeeze %dma_start3A_43 : memref<1x128xi32, #tpu.memory_space<hbm>> -> memref<128xi32, #tpu.memory_space<hbm>>
          tpu.enqueue_dma source(%dma_start3A_44 : memref<128xi32, #tpu.memory_space<hbm>>) target(%arg10 : memref<128xi32, #tpu.memory_space<vmem>>) target_semaphore(%run_scoped3A : memref<!tpu.dma_semaphore, #tpu.memory_space<semaphore_mem>>)
          %dma_wait3A_45 = tpu.memref_slice %arg2[%scan3A_21, %add3A_33] : memref<27x16384xi32, #tpu.memory_space<hbm>> -> memref<1x128xi32, #tpu.memory_space<hbm>>
          %dma_wait3A_46 = tpu.memref_squeeze %dma_wait3A_45 : memref<1x128xi32, #tpu.memory_space<hbm>> -> memref<128xi32, #tpu.memory_space<hbm>>
          %dma_wait3A_47 = tpu.memref_slice %arg2[%scan3A_21, %add3A_33] : memref<27x16384xi32, #tpu.memory_space<hbm>> -> memref<1x128xi32, #tpu.memory_space<hbm>>
          %dma_wait3A_48 = tpu.memref_squeeze %dma_wait3A_47 : memref<1x128xi32, #tpu.memory_space<hbm>> -> memref<128xi32, #tpu.memory_space<hbm>>
          tpu.wait_dma2 semaphore(%run_scoped3A : memref<!tpu.dma_semaphore, #tpu.memory_space<semaphore_mem>>) src(%dma_wait3A_48 : memref<128xi32, #tpu.memory_space<hbm>>) dst(%arg10 : memref<128xi32, #tpu.memory_space<vmem>>)
          tpu.yield
        }) : () -> ()
        "tpu.region"() ({
          %run_scoped3A = tpu.sem_alloc : memref<!tpu.dma_semaphore, #tpu.memory_space<semaphore_mem>>
          %dma_start3A_41 = tpu.memref_slice %arg3[%scan3A_21, %add3A_33] : memref<27x16384xi32, #tpu.memory_space<hbm>> -> memref<1x128xi32, #tpu.memory_space<hbm>>
          %dma_start3A_42 = tpu.memref_squeeze %dma_start3A_41 : memref<1x128xi32, #tpu.memory_space<hbm>> -> memref<128xi32, #tpu.memory_space<hbm>>
          %dma_start3A_43 = tpu.memref_slice %arg3[%scan3A_21, %add3A_33] : memref<27x16384xi32, #tpu.memory_space<hbm>> -> memref<1x128xi32, #tpu.memory_space<hbm>>
          %dma_start3A_44 = tpu.memref_squeeze %dma_start3A_43 : memref<1x128xi32, #tpu.memory_space<hbm>> -> memref<128xi32, #tpu.memory_space<hbm>>
          tpu.enqueue_dma source(%dma_start3A_44 : memref<128xi32, #tpu.memory_space<hbm>>) target(%arg11 : memref<128xi32, #tpu.memory_space<vmem>>) target_semaphore(%run_scoped3A : memref<!tpu.dma_semaphore, #tpu.memory_space<semaphore_mem>>)
          %dma_wait3A_45 = tpu.memref_slice %arg3[%scan3A_21, %add3A_33] : memref<27x16384xi32, #tpu.memory_space<hbm>> -> memref<1x128xi32, #tpu.memory_space<hbm>>
          %dma_wait3A_46 = tpu.memref_squeeze %dma_wait3A_45 : memref<1x128xi32, #tpu.memory_space<hbm>> -> memref<128xi32, #tpu.memory_space<hbm>>
          %dma_wait3A_47 = tpu.memref_slice %arg3[%scan3A_21, %add3A_33] : memref<27x16384xi32, #tpu.memory_space<hbm>> -> memref<1x128xi32, #tpu.memory_space<hbm>>
          %dma_wait3A_48 = tpu.memref_squeeze %dma_wait3A_47 : memref<1x128xi32, #tpu.memory_space<hbm>> -> memref<128xi32, #tpu.memory_space<hbm>>
          tpu.wait_dma2 semaphore(%run_scoped3A : memref<!tpu.dma_semaphore, #tpu.memory_space<semaphore_mem>>) src(%dma_wait3A_48 : memref<128xi32, #tpu.memory_space<hbm>>) dst(%arg11 : memref<128xi32, #tpu.memory_space<vmem>>)
          tpu.yield
        }) : () -> ()
        %parallel_loop3A_34 = arith.constant 0 : i32
        %parallel_loop3A_35 = arith.constant 8 : i32
        %parallel_loop3A_36 = arith.constant 1 : i32
        scf.for %parallel_loop3A_41 = %parallel_loop3A_34 to %parallel_loop3A_35 step %parallel_loop3A_36  : i32 {
          %parallel_loop3A_42 = arith.constant 16 : i32
          %parallel_loop3A_43 = arith.muli %parallel_loop3A_41, %parallel_loop3A_42 : i32
          %parallel_loop3A_44 = arith.index_cast %parallel_loop3A_43 : i32 to index
          %parallel_loop3A_45 = tpu.vector_load %arg10[%parallel_loop3A_44] {strides = array<i32>} : memref<128xi32, #tpu.memory_space<vmem>>, vector<16xi32>,
          %parallel_loop3A_46 = arith.constant 27 : i32
          %parallel_loop3A_47 = vector.broadcast %parallel_loop3A_46 : i32 to vector<16xi32>
          %parallel_loop3A_48 = arith.muli %parallel_loop3A_45, %parallel_loop3A_47 : vector<16xi32>
          %parallel_loop3A_49 = vector.broadcast %scan3A_21 : i32 to vector<16xi32>
          %parallel_loop3A_50 = arith.addi %parallel_loop3A_48, %parallel_loop3A_49 : vector<16xi32>
          %parallel_loop3A_51 = arith.constant 16 : i32
          %parallel_loop3A_52 = arith.muli %parallel_loop3A_41, %parallel_loop3A_51 : i32
          %parallel_loop3A_53 = arith.index_cast %parallel_loop3A_52 : i32 to index
          %parallel_loop3A_54 = tpu.vector_load %arg12[%parallel_loop3A_53] {strides = array<i32>} : memref<128xi32, #tpu.memory_space<vmem>>, vector<16xi32>,
          tpu.vector_store %arg12[%parallel_loop3A_53], %parallel_loop3A_50 {strides = array<i32>} : memref<128xi32, #tpu.memory_space<vmem>>, vector<16xi32>,
        } {sc.loop_unroll_factor = 1 : i64, sc.parallel_access}
        %dma_start3A = arith.constant 0 : i32
        %dma_start3A_37 = arith.constant 0 : i32
        %dma_start3A_38 = tpu.memref_slice %arg4[%dma_start3A, %dma_start3A_37] : memref<884736x32xf32, #tpu.memory_space<hbm>> -> memref<884736x32xf32, #tpu.memory_space<hbm>>
        tpu.enqueue_indirect_dma source(%dma_start3A_38 : memref<884736x32xf32, #tpu.memory_space<hbm>>) target(%arg13 : memref<128x32xf32, #tpu.memory_space<vmem>>) offsets(%arg12 : memref<128xi32, #tpu.memory_space<vmem>>) semaphore(%arg16 : memref<!tpu.dma_semaphore, #tpu.memory_space<semaphore_mem>>)
        %dma_wait3A = arith.constant 0 : i32
        %dma_wait3A_39 = arith.constant 0 : i32
        %dma_wait3A_40 = tpu.memref_slice %arg4[%dma_wait3A, %dma_wait3A_39] : memref<884736x32xf32, #tpu.memory_space<hbm>> -> memref<884736x32xf32, #tpu.memory_space<hbm>>
        tpu.wait_indirect_dma semaphore(%arg16 : memref<!tpu.dma_semaphore, #tpu.memory_space<semaphore_mem>>) src(%dma_wait3A_40 : memref<884736x32xf32, #tpu.memory_space<hbm>>) dst(%arg13 : memref<128x32xf32, #tpu.memory_space<vmem>>)
        "tpu.region"() ({
          %run_scoped3A = tpu.sem_alloc : memref<!tpu.dma_semaphore, #tpu.memory_space<semaphore_mem>>
          %dma_start3A_41 = arith.constant 0 : i32
          %dma_start3A_42 = arith.constant 0 : i32
          %dma_start3A_43 = tpu.memref_slice %arg15[%dma_start3A_41, %dma_start3A_42] : memref<32768x32xf32, #tpu.memory_space<vmem_shared>> -> memref<32768x32xf32, #tpu.memory_space<vmem_shared>>
          tpu.enqueue_indirect_dma source(%arg13 : memref<128x32xf32, #tpu.memory_space<vmem>>) target(%dma_start3A_43 : memref<32768x32xf32, #tpu.memory_space<vmem_shared>>) offsets(%arg11 : memref<128xi32, #tpu.memory_space<vmem>>) semaphore(%run_scoped3A : memref<!tpu.dma_semaphore, #tpu.memory_space<semaphore_mem>>) {add = true}
          %dma_wait3A_44 = arith.constant 0 : i32
          %dma_wait3A_45 = arith.constant 0 : i32
          %dma_wait3A_46 = tpu.memref_slice %arg15[%dma_wait3A_44, %dma_wait3A_45] : memref<32768x32xf32, #tpu.memory_space<vmem_shared>> -> memref<32768x32xf32, #tpu.memory_space<vmem_shared>>
          tpu.wait_indirect_dma semaphore(%run_scoped3A : memref<!tpu.dma_semaphore, #tpu.memory_space<semaphore_mem>>) src(%arg13 : memref<128x32xf32, #tpu.memory_space<vmem>>) dst(%dma_wait3A_46 : memref<32768x32xf32, #tpu.memory_space<vmem_shared>>)
          tpu.yield
        }) : () -> ()
      }
      %scan3A_27 = arith.constant 4 : i32
    }
    %scan3A_15 = arith.constant 27 : i32
    %barrier3A_16 = arith.constant 0 : index
    tpu.barrier barrier_id(%barrier3A_16)
    %mul3A_17 = arith.constant 2048 : i32
    %mul3A_18 = arith.muli %arg1, %mul3A_17 : i32
    %mul3A_19 = arith.constant 2048 : i32
    %mul3A_20 = arith.muli %arg1, %mul3A_19 : i32
    "tpu.region"() ({
      %run_scoped3A = tpu.sem_alloc : memref<!tpu.dma_semaphore, #tpu.memory_space<semaphore_mem>>
      %dma_start3A = arith.constant 0 : i32
      %dma_start3A_21 = tpu.memref_slice %arg6[%arg0, %mul3A_20, %dma_start3A] : memref<2x32768x32xf32, #tpu.memory_space<hbm>> -> memref<1x2048x32xf32, #tpu.memory_space<hbm>>
      %dma_start3A_22 = tpu.memref_squeeze %dma_start3A_21 : memref<1x2048x32xf32, #tpu.memory_space<hbm>> -> memref<2048x32xf32, #tpu.memory_space<hbm>>
      %dma_start3A_23 = arith.constant 0 : i32
      %dma_start3A_24 = tpu.memref_slice %arg15[%mul3A_18, %dma_start3A_23] : memref<32768x32xf32, #tpu.memory_space<vmem_shared>> -> memref<2048x32xf32, #tpu.memory_space<vmem_shared>>
      tpu.enqueue_dma source(%dma_start3A_24 : memref<2048x32xf32, #tpu.memory_space<vmem_shared>>) target(%dma_start3A_22 : memref<2048x32xf32, #tpu.memory_space<hbm>>) target_semaphore(%run_scoped3A : memref<!tpu.dma_semaphore, #tpu.memory_space<semaphore_mem>>)
      %dma_wait3A = arith.constant 0 : i32
      %dma_wait3A_25 = tpu.memref_slice %arg6[%arg0, %mul3A_20, %dma_wait3A] : memref<2x32768x32xf32, #tpu.memory_space<hbm>> -> memref<1x2048x32xf32, #tpu.memory_space<hbm>>
      %dma_wait3A_26 = tpu.memref_squeeze %dma_wait3A_25 : memref<1x2048x32xf32, #tpu.memory_space<hbm>> -> memref<2048x32xf32, #tpu.memory_space<hbm>>
      %dma_wait3A_27 = arith.constant 0 : i32
      %dma_wait3A_28 = tpu.memref_slice %arg15[%mul3A_18, %dma_wait3A_27] : memref<32768x32xf32, #tpu.memory_space<vmem_shared>> -> memref<2048x32xf32, #tpu.memory_space<vmem_shared>>
      tpu.wait_dma2 semaphore(%run_scoped3A : memref<!tpu.dma_semaphore, #tpu.memory_space<semaphore_mem>>) src(%dma_wait3A_28 : memref<2048x32xf32, #tpu.memory_space<vmem_shared>>) dst(%dma_wait3A_26 : memref<2048x32xf32, #tpu.memory_space<hbm>>)
      tpu.yield
    }) : () -> ()
    return
  }
}

module attributes {stable_mosaic.version = 14 : i64} {
  func.func @_tc1_body(%arg0: i32, %arg1: memref<256x256xf32, #tpu.memory_space<vmem>>, %arg2: memref<256x256xf32, #tpu.memory_space<vmem>>, %arg3: memref<256x864xf32, #tpu.memory_space<vmem>>, %arg4: memref<256x256xf32, #tpu.memory_space<vmem>>, %arg5: memref<256x864xf32, #tpu.memory_space<vmem>>, %arg6: memref<2x256xf32, #tpu.memory_space<vmem>>) attributes {dimension_semantics = [#tpu.dimension_semantics<arbitrary>], iteration_bounds = array<i64: 128>, scalar_prefetch = 0 : i64, scratch_operands = 0 : i64, tpu.core_type = #tpu.core_type<tc>, window_params = [{transform_indices = @transform_0, window_bounds = array<i64: 256, 256>}, {pipeline_mode = #tpu.pipeline_mode<synchronous>, transform_indices = @transform_1, window_bounds = array<i64: 256, 256>}, {pipeline_mode = #tpu.pipeline_mode<synchronous>, transform_indices = @transform_2, window_bounds = array<i64: 256, 864>}, {transform_indices = @transform_3, window_bounds = array<i64: 256, 256>}, {transform_indices = @transform_4, window_bounds = array<i64: 256, 864>}, {pipeline_mode = #tpu.pipeline_mode<synchronous>, transform_indices = @transform_5, window_bounds = array<i64: 2, 256>}]} {
    %get3A = arith.constant 0 : index
    %get3A_0 = arith.constant 0 : index
    %get3A_1 = vector.load %arg1[%get3A, %get3A_0] : memref<256x256xf32, #tpu.memory_space<vmem>>, vector<256x256xf32>
    %get3A_2 = arith.constant 0 : index
    %get3A_3 = arith.constant 0 : index
    %get3A_4 = vector.load %arg2[%get3A_2, %get3A_3] : memref<256x256xf32, #tpu.memory_space<vmem>>, vector<256x256xf32>
    %dot_general3A = arith.constant dense<0.000000e+00> : vector<256x256xf32>
    %dot_general3A_5 = tpu.matmul %get3A_1, %get3A_4, %dot_general3A {dimension_numbers = #tpu.dot_dimension_numbers<[1], [0], [0], [1], [0, 0, 1, 1], [], []>, transpose_lhs_hint = false} : vector<256x256xf32>, vector<256x256xf32>, vector<256x256xf32> -> vector<256x256xf32>
    %get3A_6 = arith.constant 0 : index
    %get3A_7 = arith.constant 0 : index
    %get3A_8 = vector.load %arg3[%get3A_6, %get3A_7] : memref<256x864xf32, #tpu.memory_space<vmem>>, vector<256x864xf32>
    %dot_general3A_9 = arith.constant dense<0.000000e+00> : vector<256x864xf32>
    %dot_general3A_10 = tpu.matmul %get3A_1, %get3A_8, %dot_general3A_9 {dimension_numbers = #tpu.dot_dimension_numbers<[1], [0], [0], [1], [0, 0, 1, 1], [], []>, transpose_lhs_hint = false} : vector<256x256xf32>, vector<256x864xf32>, vector<256x864xf32> -> vector<256x864xf32>
    %swap3A = arith.constant 0 : index
    %swap3A_11 = arith.constant 0 : index
    %swap3A_12 = vector.load %arg4[%swap3A, %swap3A_11] : memref<256x256xf32, #tpu.memory_space<vmem>>, vector<256x256xf32>
    tpu.vector_store %arg4[%swap3A, %swap3A_11], %dot_general3A_5 {strides = array<i32>} : memref<256x256xf32, #tpu.memory_space<vmem>>, vector<256x256xf32>,
    %swap3A_13 = arith.constant 0 : index
    %swap3A_14 = arith.constant 0 : index
    %swap3A_15 = vector.load %arg5[%swap3A_13, %swap3A_14] : memref<256x864xf32, #tpu.memory_space<vmem>>, vector<256x864xf32>
    tpu.vector_store %arg5[%swap3A_13, %swap3A_14], %dot_general3A_10 {strides = array<i32>} : memref<256x864xf32, #tpu.memory_space<vmem>>, vector<256x864xf32>,
    %eq3A = arith.constant 0 : i32
    %eq3A_16 = arith.cmpi eq, %arg0, %eq3A : i32
    %convert_element_type3A = arith.extui %eq3A_16 : i1 to i32
    %cond3A = arith.constant 0 : i32
    %cond3A_17 = arith.cmpi ne, %convert_element_type3A, %cond3A : i32
    scf.if %cond3A_17 {
      %broadcast_in_dim3A_28 = arith.constant 0.000000e+00 : f32
      %broadcast_in_dim3A_29 = vector.broadcast %broadcast_in_dim3A_28 : f32 to vector<2x256xf32>
      %swap3A_30 = arith.constant 0 : index
      %swap3A_31 = arith.constant 0 : index
      %swap3A_32 = vector.load %arg6[%swap3A_30, %swap3A_31] : memref<2x256xf32, #tpu.memory_space<vmem>>, vector<2x256xf32>
      tpu.vector_store %arg6[%swap3A_30, %swap3A_31], %broadcast_in_dim3A_29 {strides = array<i32>} : memref<2x256xf32, #tpu.memory_space<vmem>>, vector<2x256xf32>,
    } else {
    }
    %reduce_sum3A = arith.constant dense<0.000000e+00> : vector<256xf32>
    %reduce_sum3A_18 = vector.multi_reduction <add>, %dot_general3A_5, %reduce_sum3A [0] : vector<256x256xf32> to vector<256xf32>
    %broadcast_in_dim3A = vector.shape_cast %reduce_sum3A_18 : vector<256xf32> to vector<1x256xf32>
    %mul3A = arith.mulf %dot_general3A_5, %dot_general3A_5 : vector<256x256xf32>
    %reduce_sum3A_19 = arith.constant dense<0.000000e+00> : vector<256xf32>
    %reduce_sum3A_20 = vector.multi_reduction <add>, %mul3A, %reduce_sum3A_19 [0] : vector<256x256xf32> to vector<256xf32>
    %broadcast_in_dim3A_21 = vector.shape_cast %reduce_sum3A_20 : vector<256xf32> to vector<1x256xf32>
    %concatenate3A = tpu.concatenate %broadcast_in_dim3A, %broadcast_in_dim3A_21 in 0 : vector<1x256xf32>, vector<1x256xf32> -> vector<2x256xf32>
    %get3A_22 = arith.constant 0 : index
    %get3A_23 = arith.constant 0 : index
    %get3A_24 = vector.load %arg6[%get3A_22, %get3A_23] : memref<2x256xf32, #tpu.memory_space<vmem>>, vector<2x256xf32>
    %add3A = arith.addf %get3A_24, %concatenate3A : vector<2x256xf32>
    %swap3A_25 = arith.constant 0 : index
    %swap3A_26 = arith.constant 0 : index
    %swap3A_27 = vector.load %arg6[%swap3A_25, %swap3A_26] : memref<2x256xf32, #tpu.memory_space<vmem>>, vector<2x256xf32>
    tpu.vector_store %arg6[%swap3A_25, %swap3A_26], %add3A {strides = array<i32>} : memref<2x256xf32, #tpu.memory_space<vmem>>, vector<2x256xf32>,
    return
  }
  func.func @transform_0(%arg0: i32) -> (i32, i32) {
    %c0_i32 = arith.constant 0 : i32
    %c0_i32_0 = arith.constant 0 : i32
    return %arg0, %c0_i32 : i32, i32
  }
  func.func @transform_1(%arg0: i32) -> (i32, i32) {
    %c0_i32 = arith.constant 0 : i32
    %c0_i32_0 = arith.constant 0 : i32
    %c0_i32_1 = arith.constant 0 : i32
    return %c0_i32, %c0_i32_0 : i32, i32
  }
  func.func @transform_2(%arg0: i32) -> (i32, i32) {
    %c0_i32 = arith.constant 0 : i32
    %c0_i32_0 = arith.constant 0 : i32
    %c0_i32_1 = arith.constant 0 : i32
    return %c0_i32, %c0_i32_0 : i32, i32
  }
  func.func @transform_3(%arg0: i32) -> (i32, i32) {
    %c0_i32 = arith.constant 0 : i32
    %c0_i32_0 = arith.constant 0 : i32
    return %arg0, %c0_i32 : i32, i32
  }
  func.func @transform_4(%arg0: i32) -> (i32, i32) {
    %c0_i32 = arith.constant 0 : i32
    %c0_i32_0 = arith.constant 0 : i32
    return %arg0, %c0_i32 : i32, i32
  }
  func.func @transform_5(%arg0: i32) -> (i32, i32) {
    %c0_i32 = arith.constant 0 : i32
    %c0_i32_0 = arith.constant 0 : i32
    %c0_i32_1 = arith.constant 0 : i32
    return %c0_i32, %c0_i32_0 : i32, i32
  }
}

module attributes {stable_mosaic.version = 14 : i64} {
  func.func @_tc2a_body(%arg0: i32, %arg1: memref<2x256x32xf32, #tpu.memory_space<vmem>>, %arg2: memref<256x32xf32, #tpu.memory_space<vmem>>, %arg3: memref<2x32xf32, #tpu.memory_space<vmem>>) attributes {dimension_semantics = [#tpu.dimension_semantics<arbitrary>], iteration_bounds = array<i64: 128>, scalar_prefetch = 0 : i64, scratch_operands = 0 : i64, tpu.core_type = #tpu.core_type<tc>, window_params = [{transform_indices = @transform_0, window_bounds = array<i64: 2, 256, 32>}, {transform_indices = @transform_1, window_bounds = array<i64: 256, 32>}, {pipeline_mode = #tpu.pipeline_mode<synchronous>, transform_indices = @transform_2, window_bounds = array<i64: 2, 32>}]} {
    %get3A = arith.constant 0 : index
    %get3A_0 = arith.constant 0 : index
    %get3A_1 = arith.constant 0 : index
    %get3A_2 = vector.load %arg1[%get3A, %get3A_0, %get3A_1] : memref<2x256x32xf32, #tpu.memory_space<vmem>>, vector<1x256x32xf32>
    %get3A_3 = vector.shape_cast %get3A_2 : vector<1x256x32xf32> to vector<256x32xf32>
    %get3A_4 = arith.constant 1 : index
    %get3A_5 = arith.constant 0 : index
    %get3A_6 = arith.constant 0 : index
    %get3A_7 = vector.load %arg1[%get3A_4, %get3A_5, %get3A_6] : memref<2x256x32xf32, #tpu.memory_space<vmem>>, vector<1x256x32xf32>
    %get3A_8 = vector.shape_cast %get3A_7 : vector<1x256x32xf32> to vector<256x32xf32>
    %add3A = arith.addf %get3A_3, %get3A_8 : vector<256x32xf32>
    %swap3A = arith.constant 0 : index
    %swap3A_9 = arith.constant 0 : index
    %swap3A_10 = vector.load %arg2[%swap3A, %swap3A_9] : memref<256x32xf32, #tpu.memory_space<vmem>>, vector<256x32xf32>
    tpu.vector_store %arg2[%swap3A, %swap3A_9], %add3A {strides = array<i32>} : memref<256x32xf32, #tpu.memory_space<vmem>>, vector<256x32xf32>,
    %eq3A = arith.constant 0 : i32
    %eq3A_11 = arith.cmpi eq, %arg0, %eq3A : i32
    %convert_element_type3A = arith.extui %eq3A_11 : i1 to i32
    %cond3A = arith.constant 0 : i32
    %cond3A_12 = arith.cmpi ne, %convert_element_type3A, %cond3A : i32
    scf.if %cond3A_12 {
      %broadcast_in_dim3A_24 = arith.constant 0.000000e+00 : f32
      %broadcast_in_dim3A_25 = vector.broadcast %broadcast_in_dim3A_24 : f32 to vector<2x32xf32>
      %swap3A_26 = arith.constant 0 : index
      %swap3A_27 = arith.constant 0 : index
      %swap3A_28 = vector.load %arg3[%swap3A_26, %swap3A_27] : memref<2x32xf32, #tpu.memory_space<vmem>>, vector<2x32xf32>
      tpu.vector_store %arg3[%swap3A_26, %swap3A_27], %broadcast_in_dim3A_25 {strides = array<i32>} : memref<2x32xf32, #tpu.memory_space<vmem>>, vector<2x32xf32>,
    } else {
    }
    %reduce_sum3A = arith.constant dense<0.000000e+00> : vector<32xf32>
    %reduce_sum3A_13 = vector.multi_reduction <add>, %add3A, %reduce_sum3A [0] : vector<256x32xf32> to vector<32xf32>
    %broadcast_in_dim3A = vector.shape_cast %reduce_sum3A_13 : vector<32xf32> to vector<1x32xf32>
    %mul3A = arith.mulf %add3A, %add3A : vector<256x32xf32>
    %reduce_sum3A_14 = arith.constant dense<0.000000e+00> : vector<32xf32>
    %reduce_sum3A_15 = vector.multi_reduction <add>, %mul3A, %reduce_sum3A_14 [0] : vector<256x32xf32> to vector<32xf32>
    %broadcast_in_dim3A_16 = vector.shape_cast %reduce_sum3A_15 : vector<32xf32> to vector<1x32xf32>
    %concatenate3A = tpu.concatenate %broadcast_in_dim3A, %broadcast_in_dim3A_16 in 0 : vector<1x32xf32>, vector<1x32xf32> -> vector<2x32xf32>
    %get3A_17 = arith.constant 0 : index
    %get3A_18 = arith.constant 0 : index
    %get3A_19 = vector.load %arg3[%get3A_17, %get3A_18] : memref<2x32xf32, #tpu.memory_space<vmem>>, vector<2x32xf32>
    %add3A_20 = arith.addf %get3A_19, %concatenate3A : vector<2x32xf32>
    %swap3A_21 = arith.constant 0 : index
    %swap3A_22 = arith.constant 0 : index
    %swap3A_23 = vector.load %arg3[%swap3A_21, %swap3A_22] : memref<2x32xf32, #tpu.memory_space<vmem>>, vector<2x32xf32>
    tpu.vector_store %arg3[%swap3A_21, %swap3A_22], %add3A_20 {strides = array<i32>} : memref<2x32xf32, #tpu.memory_space<vmem>>, vector<2x32xf32>,
    return
  }
  func.func @transform_0(%arg0: i32) -> (i32, i32, i32) {
    %c0_i32 = arith.constant 0 : i32
    %c0_i32_0 = arith.constant 0 : i32
    %c0_i32_1 = arith.constant 0 : i32
    return %c0_i32, %arg0, %c0_i32_0 : i32, i32, i32
  }
  func.func @transform_1(%arg0: i32) -> (i32, i32) {
    %c0_i32 = arith.constant 0 : i32
    %c0_i32_0 = arith.constant 0 : i32
    return %arg0, %c0_i32 : i32, i32
  }
  func.func @transform_2(%arg0: i32) -> (i32, i32) {
    %c0_i32 = arith.constant 0 : i32
    %c0_i32_0 = arith.constant 0 : i32
    %c0_i32_1 = arith.constant 0 : i32
    return %c0_i32, %c0_i32_0 : i32, i32
  }
}

module attributes {stable_mosaic.version = 14 : i64} {
  func.func @_tc2b_body(%arg0: i32, %arg1: memref<128x256xf32, #tpu.memory_space<vmem>>, %arg2: memref<128x32xf32, #tpu.memory_space<vmem>>, %arg3: memref<2x256xf32, #tpu.memory_space<vmem>>, %arg4: memref<2x32xf32, #tpu.memory_space<vmem>>, %arg5: memref<32x32xf32, #tpu.memory_space<vmem>>, %arg6: memref<1x32xf32, #tpu.memory_space<vmem>>, %arg7: memref<1x32xf32, #tpu.memory_space<vmem>>, %arg8: memref<1x32xf32, #tpu.memory_space<vmem>>, %arg9: memref<1x256xf32, #tpu.memory_space<vmem>>, %arg10: memref<1x256xf32, #tpu.memory_space<vmem>>, %arg11: memref<128x32xf32, #tpu.memory_space<vmem>>, %arg12: memref<128x32xf32, #tpu.memory_space<vmem>>, %arg13: memref<128x32xf32, #tpu.memory_space<vmem>>, %arg14: memref<128x32xf32, #tpu.memory_space<vmem>>, %arg15: memref<128x32xf32, #tpu.memory_space<vmem>>, %arg16: memref<128x32xf32, #tpu.memory_space<vmem>>, %arg17: memref<128x32xf32, #tpu.memory_space<vmem>>, %arg18: memref<128x32xf32, #tpu.memory_space<vmem>>, %arg19: memref<128x32xf32, #tpu.memory_space<vmem>>, %arg20: memref<128x32xf32, #tpu.memory_space<vmem>>) attributes {dimension_semantics = [#tpu.dimension_semantics<arbitrary>], iteration_bounds = array<i64: 257>, scalar_prefetch = 0 : i64, scratch_operands = 0 : i64, tpu.core_type = #tpu.core_type<tc>, window_params = [{transform_indices = @transform_0, window_bounds = array<i64: 128, 256>}, {transform_indices = @transform_1, window_bounds = array<i64: 128, 32>}, {pipeline_mode = #tpu.pipeline_mode<synchronous>, transform_indices = @transform_2, window_bounds = array<i64: 2, 256>}, {pipeline_mode = #tpu.pipeline_mode<synchronous>, transform_indices = @transform_3, window_bounds = array<i64: 2, 32>}, {pipeline_mode = #tpu.pipeline_mode<synchronous>, transform_indices = @transform_4, window_bounds = array<i64: 32, 32>}, {pipeline_mode = #tpu.pipeline_mode<synchronous>, transform_indices = @transform_5, window_bounds = array<i64: 1, 32>}, {pipeline_mode = #tpu.pipeline_mode<synchronous>, transform_indices = @transform_6, window_bounds = array<i64: 1, 32>}, {pipeline_mode = #tpu.pipeline_mode<synchronous>, transform_indices = @transform_7, window_bounds = array<i64: 1, 32>}, {pipeline_mode = #tpu.pipeline_mode<synchronous>, transform_indices = @transform_8, window_bounds = array<i64: 1, 256>}, {pipeline_mode = #tpu.pipeline_mode<synchronous>, transform_indices = @transform_9, window_bounds = array<i64: 1, 256>}, {transform_indices = @transform_10, window_bounds = array<i64: 128, 32>}, {transform_indices = @transform_11, window_bounds = array<i64: 128, 32>}, {transform_indices = @transform_12, window_bounds = array<i64: 128, 32>}, {transform_indices = @transform_13, window_bounds = array<i64: 128, 32>}, {transform_indices = @transform_14, window_bounds = array<i64: 128, 32>}, {transform_indices = @transform_15, window_bounds = array<i64: 128, 32>}, {transform_indices = @transform_16, window_bounds = array<i64: 128, 32>}, {transform_indices = @transform_17, window_bounds = array<i64: 128, 32>}, {transform_indices = @transform_18, window_bounds = array<i64: 128, 32>}, {transform_indices = @transform_19, window_bounds = array<i64: 128, 32>}]} {
    %mul3A = arith.constant 128 : i32
    %mul3A_0 = arith.muli %arg0, %mul3A : i32
    %iota3A = tpu.iota {dimensions = array<i32: 0>} : vector<128x1xi32>
    %add3A = vector.broadcast %mul3A_0 : i32 to vector<128x1xi32>
    %add3A_1 = arith.addi %add3A, %iota3A : vector<128x1xi32>
    %lt3A = arith.constant 32768 : i32
    %lt3A_2 = vector.broadcast %lt3A : i32 to vector<128x1xi32>
    %lt3A_3 = arith.cmpi slt, %add3A_1, %lt3A_2 : vector<128x1xi32>
    %convert_element_type3A = arith.extui %lt3A_3 : vector<128x1xi1> to vector<128x1xi32>
    %convert_element_type3A_4 = arith.sitofp %convert_element_type3A : vector<128x1xi32> to vector<128x1xf32>
    %get3A = arith.constant 0 : index
    %get3A_5 = arith.constant 0 : index
    %get3A_6 = vector.load %arg2[%get3A, %get3A_5] : memref<128x32xf32, #tpu.memory_space<vmem>>, vector<128x32xf32>
    %get3A_7 = arith.constant 0 : index
    %get3A_8 = arith.constant 0 : index
    %get3A_9 = vector.load %arg4[%get3A_7, %get3A_8] : memref<2x32xf32, #tpu.memory_space<vmem>>, vector<2x32xf32>
    %get3A_10 = arith.constant 0 : index
    %get3A_11 = arith.constant 0 : index
    %get3A_12 = vector.load %arg7[%get3A_10, %get3A_11] : memref<1x32xf32, #tpu.memory_space<vmem>>, vector<1x32xf32>
    %get3A_13 = arith.constant 0 : index
    %get3A_14 = arith.constant 0 : index
    %get3A_15 = vector.load %arg8[%get3A_13, %get3A_14] : memref<1x32xf32, #tpu.memory_space<vmem>>, vector<1x32xf32>
    %slice3A = vector.extract_strided_slice %get3A_9 {offsets = [0, 0], sizes = [1, 32], strides = [1, 1]} : vector<2x32xf32> to vector<1x32xf32>
    %div3A = arith.constant 3.276800e+04 : f32
    %div3A_16 = vector.broadcast %div3A : f32 to vector<1x32xf32>
    %div3A_17 = arith.divf %slice3A, %div3A_16 : vector<1x32xf32>
    %slice3A_18 = vector.extract_strided_slice %get3A_9 {offsets = [1, 0], sizes = [1, 32], strides = [1, 1]} : vector<2x32xf32> to vector<1x32xf32>
    %div3A_19 = arith.constant 3.276800e+04 : f32
    %div3A_20 = vector.broadcast %div3A_19 : f32 to vector<1x32xf32>
    %div3A_21 = arith.divf %slice3A_18, %div3A_20 : vector<1x32xf32>
    %mul3A_22 = arith.mulf %div3A_17, %div3A_17 : vector<1x32xf32>
    %sub3A = arith.subf %div3A_21, %mul3A_22 : vector<1x32xf32>
    %sub3A_23 = vector.broadcast %div3A_17 : vector<1x32xf32> to vector<128x32xf32>
    %sub3A_24 = arith.subf %get3A_6, %sub3A_23 : vector<128x32xf32>
    %mul3A_25 = vector.broadcast %get3A_12 : vector<1x32xf32> to vector<128x32xf32>
    %mul3A_26 = arith.mulf %mul3A_25, %sub3A_24 : vector<128x32xf32>
    %add3A_27 = arith.constant 9.99999974E-6 : f32
    %add3A_28 = vector.broadcast %add3A_27 : f32 to vector<1x32xf32>
    %add3A_29 = arith.addf %sub3A, %add3A_28 : vector<1x32xf32>
    %rsqrt3A = math.rsqrt %add3A_29 : vector<1x32xf32>
    %mul3A_30 = vector.broadcast %rsqrt3A : vector<1x32xf32> to vector<128x32xf32>
    %mul3A_31 = arith.mulf %mul3A_26, %mul3A_30 : vector<128x32xf32>
    %add3A_32 = vector.broadcast %get3A_15 : vector<1x32xf32> to vector<128x32xf32>
    %add3A_33 = arith.addf %mul3A_31, %add3A_32 : vector<128x32xf32>
    %max3A = arith.constant 0.000000e+00 : f32
    %max3A_34 = vector.broadcast %max3A : f32 to vector<128x32xf32>
    %max3A_35 = arith.maximumf %add3A_33, %max3A_34 : vector<128x32xf32>
    %get3A_36 = arith.constant 0 : index
    %get3A_37 = arith.constant 0 : index
    %get3A_38 = vector.load %arg5[%get3A_36, %get3A_37] : memref<32x32xf32, #tpu.memory_space<vmem>>, vector<32x32xf32>
    %dot_general3A = arith.constant dense<0.000000e+00> : vector<128x32xf32>
    %dot_general3A_39 = tpu.matmul %max3A_35, %get3A_38, %dot_general3A {dimension_numbers = #tpu.dot_dimension_numbers<[1], [0], [0], [1], [0, 0, 1, 1], [], []>, precision = #tpu.contract_precision<fp32>, transpose_lhs_hint = false} : vector<128x32xf32>, vector<32x32xf32>, vector<128x32xf32> -> vector<128x32xf32>
    %get3A_40 = arith.constant 0 : index
    %get3A_41 = arith.constant 0 : index
    %get3A_42 = vector.load %arg6[%get3A_40, %get3A_41] : memref<1x32xf32, #tpu.memory_space<vmem>>, vector<1x32xf32>
    %add3A_43 = vector.broadcast %get3A_42 : vector<1x32xf32> to vector<128x32xf32>
    %add3A_44 = arith.addf %dot_general3A_39, %add3A_43 : vector<128x32xf32>
    %exp3A = math.exp %add3A_44 : vector<128x32xf32>
    %exp3A_45 = math.exp %dot_general3A_39 : vector<128x32xf32>
    %get3A_46 = arith.constant 0 : index
    %get3A_47 = arith.constant 0 : index
    %get3A_48 = vector.load %arg1[%get3A_46, %get3A_47] : memref<128x256xf32, #tpu.memory_space<vmem>>, vector<128x256xf32>
    %get3A_49 = arith.constant 0 : index
    %get3A_50 = arith.constant 0 : index
    %get3A_51 = vector.load %arg3[%get3A_49, %get3A_50] : memref<2x256xf32, #tpu.memory_space<vmem>>, vector<2x256xf32>
    %get3A_52 = arith.constant 0 : index
    %get3A_53 = arith.constant 0 : index
    %get3A_54 = vector.load %arg9[%get3A_52, %get3A_53] : memref<1x256xf32, #tpu.memory_space<vmem>>, vector<1x256xf32>
    %get3A_55 = arith.constant 0 : index
    %get3A_56 = arith.constant 0 : index
    %get3A_57 = vector.load %arg10[%get3A_55, %get3A_56] : memref<1x256xf32, #tpu.memory_space<vmem>>, vector<1x256xf32>
    %slice3A_58 = vector.extract_strided_slice %get3A_51 {offsets = [0, 0], sizes = [1, 256], strides = [1, 1]} : vector<2x256xf32> to vector<1x256xf32>
    %div3A_59 = arith.constant 3.276800e+04 : f32
    %div3A_60 = vector.broadcast %div3A_59 : f32 to vector<1x256xf32>
    %div3A_61 = arith.divf %slice3A_58, %div3A_60 : vector<1x256xf32>
    %slice3A_62 = vector.extract_strided_slice %get3A_51 {offsets = [1, 0], sizes = [1, 256], strides = [1, 1]} : vector<2x256xf32> to vector<1x256xf32>
    %div3A_63 = arith.constant 3.276800e+04 : f32
    %div3A_64 = vector.broadcast %div3A_63 : f32 to vector<1x256xf32>
    %div3A_65 = arith.divf %slice3A_62, %div3A_64 : vector<1x256xf32>
    %mul3A_66 = arith.mulf %div3A_61, %div3A_61 : vector<1x256xf32>
    %sub3A_67 = arith.subf %div3A_65, %mul3A_66 : vector<1x256xf32>
    %sub3A_68 = vector.broadcast %div3A_61 : vector<1x256xf32> to vector<128x256xf32>
    %sub3A_69 = arith.subf %get3A_48, %sub3A_68 : vector<128x256xf32>
    %mul3A_70 = vector.broadcast %get3A_54 : vector<1x256xf32> to vector<128x256xf32>
    %mul3A_71 = arith.mulf %mul3A_70, %sub3A_69 : vector<128x256xf32>
    %add3A_72 = arith.constant 9.99999974E-6 : f32
    %add3A_73 = vector.broadcast %add3A_72 : f32 to vector<1x256xf32>
    %add3A_74 = arith.addf %sub3A_67, %add3A_73 : vector<1x256xf32>
    %rsqrt3A_75 = math.rsqrt %add3A_74 : vector<1x256xf32>
    %mul3A_76 = vector.broadcast %rsqrt3A_75 : vector<1x256xf32> to vector<128x256xf32>
    %mul3A_77 = arith.mulf %mul3A_71, %mul3A_76 : vector<128x256xf32>
    %add3A_78 = vector.broadcast %get3A_57 : vector<1x256xf32> to vector<128x256xf32>
    %add3A_79 = arith.addf %mul3A_77, %add3A_78 : vector<128x256xf32>
    %max3A_80 = arith.constant 0.000000e+00 : f32
    %max3A_81 = vector.broadcast %max3A_80 : f32 to vector<128x256xf32>
    %max3A_82 = arith.maximumf %add3A_79, %max3A_81 : vector<128x256xf32>
    %iota3A_83 = tpu.iota {dimensions = array<i32: 1>} : vector<32x256xi32>
    %jit3A = arith.constant 8 : i32
    %div3A_84 = vector.broadcast %jit3A : i32 to vector<32x256xi32>
    %div3A_85 = arith.divsi %iota3A_83, %div3A_84 : vector<32x256xi32>
    %sign3A = arith.constant 0 : i32
    %sign3A_86 = vector.broadcast %sign3A : i32 to vector<32x256xi32>
    %sign3A_87 = arith.cmpi sgt, %iota3A_83, %sign3A_86 : vector<32x256xi32>
    %sign3A_88 = arith.extui %sign3A_87 : vector<32x256xi1> to vector<32x256xi32>
    %sign3A_89 = arith.constant 0 : i32
    %sign3A_90 = vector.broadcast %sign3A_89 : i32 to vector<32x256xi32>
    %sign3A_91 = arith.cmpi slt, %iota3A_83, %sign3A_90 : vector<32x256xi32>
    %sign3A_92 = arith.extui %sign3A_91 : vector<32x256xi1> to vector<32x256xi32>
    %sign3A_93 = arith.subi %sign3A_88, %sign3A_92 : vector<32x256xi32>
    %sign3A_94 = arith.constant 0 : i32
    %sign3A_95 = arith.cmpi sgt, %jit3A, %sign3A_94 : i32
    %sign3A_96 = arith.extui %sign3A_95 : i1 to i32
    %sign3A_97 = arith.constant 0 : i32
    %sign3A_98 = arith.cmpi slt, %jit3A, %sign3A_97 : i32
    %sign3A_99 = arith.extui %sign3A_98 : i1 to i32
    %sign3A_100 = arith.subi %sign3A_96, %sign3A_99 : i32
    %ne3A = vector.broadcast %sign3A_100 : i32 to vector<32x256xi32>
    %ne3A_101 = arith.cmpi ne, %sign3A_93, %ne3A : vector<32x256xi32>
    %rem3A = vector.broadcast %jit3A : i32 to vector<32x256xi32>
    %rem3A_102 = arith.remsi %iota3A_83, %rem3A : vector<32x256xi32>
    %ne3A_103 = arith.constant 0 : i32
    %ne3A_104 = vector.broadcast %ne3A_103 : i32 to vector<32x256xi32>
    %ne3A_105 = arith.cmpi ne, %rem3A_102, %ne3A_104 : vector<32x256xi32>
    %and3A = arith.andi %ne3A_101, %ne3A_105 : vector<32x256xi1>
    %sub3A_106 = arith.constant 1 : i32
    %sub3A_107 = vector.broadcast %sub3A_106 : i32 to vector<32x256xi32>
    %sub3A_108 = arith.subi %div3A_85, %sub3A_107 : vector<32x256xi32>
    %select_n3A = arith.select %and3A, %sub3A_108, %div3A_85 : vector<32x256xi1>, vector<32x256xi32>
    %iota3A_109 = tpu.iota {dimensions = array<i32: 0>} : vector<32x256xi32>
    %eq3A = arith.cmpi eq, %select_n3A, %iota3A_109 : vector<32x256xi32>
    %convert_element_type3A_110 = arith.extui %eq3A : vector<32x256xi1> to vector<32x256xi32>
    %convert_element_type3A_111 = arith.sitofp %convert_element_type3A_110 : vector<32x256xi32> to vector<32x256xf32>
    %dot_general3A_112 = arith.constant dense<0.000000e+00> : vector<128x256xf32>
    %dot_general3A_113 = tpu.matmul %exp3A, %convert_element_type3A_111, %dot_general3A_112 {dimension_numbers = #tpu.dot_dimension_numbers<[1], [0], [0], [1], [0, 0, 1, 1], [], []>, precision = #tpu.contract_precision<fp32>, transpose_lhs_hint = false} : vector<128x32xf32>, vector<32x256xf32>, vector<128x256xf32> -> vector<128x256xf32>
    %mul3A_114 = arith.mulf %max3A_82, %dot_general3A_113 : vector<128x256xf32>
    %slice3A_115 = vector.extract_strided_slice %mul3A_114 {offsets = [0, 0], sizes = [128, 32], strides = [1, 1]} : vector<128x256xf32> to vector<128x32xf32>
    %mul3A_116 = vector.broadcast %convert_element_type3A_4 : vector<128x1xf32> to vector<128x32xf32>
    %mul3A_117 = arith.mulf %slice3A_115, %mul3A_116 : vector<128x32xf32>
    %swap3A = arith.constant 0 : index
    %swap3A_118 = arith.constant 0 : index
    %swap3A_119 = vector.load %arg11[%swap3A, %swap3A_118] : memref<128x32xf32, #tpu.memory_space<vmem>>, vector<128x32xf32>
    tpu.vector_store %arg11[%swap3A, %swap3A_118], %mul3A_117 {strides = array<i32>} : memref<128x32xf32, #tpu.memory_space<vmem>>, vector<128x32xf32>,
    %slice3A_120 = vector.extract_strided_slice %mul3A_114 {offsets = [0, 32], sizes = [128, 32], strides = [1, 1]} : vector<128x256xf32> to vector<128x32xf32>
    %mul3A_121 = vector.broadcast %convert_element_type3A_4 : vector<128x1xf32> to vector<128x32xf32>
    %mul3A_122 = arith.mulf %slice3A_120, %mul3A_121 : vector<128x32xf32>
    %swap3A_123 = arith.constant 0 : index
    %swap3A_124 = arith.constant 0 : index
    %swap3A_125 = vector.load %arg12[%swap3A_123, %swap3A_124] : memref<128x32xf32, #tpu.memory_space<vmem>>, vector<128x32xf32>
    tpu.vector_store %arg12[%swap3A_123, %swap3A_124], %mul3A_122 {strides = array<i32>} : memref<128x32xf32, #tpu.memory_space<vmem>>, vector<128x32xf32>,
    %slice3A_126 = vector.extract_strided_slice %mul3A_114 {offsets = [0, 64], sizes = [128, 32], strides = [1, 1]} : vector<128x256xf32> to vector<128x32xf32>
    %mul3A_127 = vector.broadcast %convert_element_type3A_4 : vector<128x1xf32> to vector<128x32xf32>
    %mul3A_128 = arith.mulf %slice3A_126, %mul3A_127 : vector<128x32xf32>
    %swap3A_129 = arith.constant 0 : index
    %swap3A_130 = arith.constant 0 : index
    %swap3A_131 = vector.load %arg13[%swap3A_129, %swap3A_130] : memref<128x32xf32, #tpu.memory_space<vmem>>, vector<128x32xf32>
    tpu.vector_store %arg13[%swap3A_129, %swap3A_130], %mul3A_128 {strides = array<i32>} : memref<128x32xf32, #tpu.memory_space<vmem>>, vector<128x32xf32>,
    %slice3A_132 = vector.extract_strided_slice %mul3A_114 {offsets = [0, 96], sizes = [128, 32], strides = [1, 1]} : vector<128x256xf32> to vector<128x32xf32>
    %mul3A_133 = vector.broadcast %convert_element_type3A_4 : vector<128x1xf32> to vector<128x32xf32>
    %mul3A_134 = arith.mulf %slice3A_132, %mul3A_133 : vector<128x32xf32>
    %swap3A_135 = arith.constant 0 : index
    %swap3A_136 = arith.constant 0 : index
    %swap3A_137 = vector.load %arg14[%swap3A_135, %swap3A_136] : memref<128x32xf32, #tpu.memory_space<vmem>>, vector<128x32xf32>
    tpu.vector_store %arg14[%swap3A_135, %swap3A_136], %mul3A_134 {strides = array<i32>} : memref<128x32xf32, #tpu.memory_space<vmem>>, vector<128x32xf32>,
    %slice3A_138 = vector.extract_strided_slice %mul3A_114 {offsets = [0, 128], sizes = [128, 32], strides = [1, 1]} : vector<128x256xf32> to vector<128x32xf32>
    %mul3A_139 = vector.broadcast %convert_element_type3A_4 : vector<128x1xf32> to vector<128x32xf32>
    %mul3A_140 = arith.mulf %slice3A_138, %mul3A_139 : vector<128x32xf32>
    %swap3A_141 = arith.constant 0 : index
    %swap3A_142 = arith.constant 0 : index
    %swap3A_143 = vector.load %arg15[%swap3A_141, %swap3A_142] : memref<128x32xf32, #tpu.memory_space<vmem>>, vector<128x32xf32>
    tpu.vector_store %arg15[%swap3A_141, %swap3A_142], %mul3A_140 {strides = array<i32>} : memref<128x32xf32, #tpu.memory_space<vmem>>, vector<128x32xf32>,
    %slice3A_144 = vector.extract_strided_slice %mul3A_114 {offsets = [0, 160], sizes = [128, 32], strides = [1, 1]} : vector<128x256xf32> to vector<128x32xf32>
    %mul3A_145 = vector.broadcast %convert_element_type3A_4 : vector<128x1xf32> to vector<128x32xf32>
    %mul3A_146 = arith.mulf %slice3A_144, %mul3A_145 : vector<128x32xf32>
    %swap3A_147 = arith.constant 0 : index
    %swap3A_148 = arith.constant 0 : index
    %swap3A_149 = vector.load %arg16[%swap3A_147, %swap3A_148] : memref<128x32xf32, #tpu.memory_space<vmem>>, vector<128x32xf32>
    tpu.vector_store %arg16[%swap3A_147, %swap3A_148], %mul3A_146 {strides = array<i32>} : memref<128x32xf32, #tpu.memory_space<vmem>>, vector<128x32xf32>,
    %slice3A_150 = vector.extract_strided_slice %mul3A_114 {offsets = [0, 192], sizes = [128, 32], strides = [1, 1]} : vector<128x256xf32> to vector<128x32xf32>
    %mul3A_151 = vector.broadcast %convert_element_type3A_4 : vector<128x1xf32> to vector<128x32xf32>
    %mul3A_152 = arith.mulf %slice3A_150, %mul3A_151 : vector<128x32xf32>
    %swap3A_153 = arith.constant 0 : index
    %swap3A_154 = arith.constant 0 : index
    %swap3A_155 = vector.load %arg17[%swap3A_153, %swap3A_154] : memref<128x32xf32, #tpu.memory_space<vmem>>, vector<128x32xf32>
    tpu.vector_store %arg17[%swap3A_153, %swap3A_154], %mul3A_152 {strides = array<i32>} : memref<128x32xf32, #tpu.memory_space<vmem>>, vector<128x32xf32>,
    %slice3A_156 = vector.extract_strided_slice %mul3A_114 {offsets = [0, 224], sizes = [128, 32], strides = [1, 1]} : vector<128x256xf32> to vector<128x32xf32>
    %mul3A_157 = vector.broadcast %convert_element_type3A_4 : vector<128x1xf32> to vector<128x32xf32>
    %mul3A_158 = arith.mulf %slice3A_156, %mul3A_157 : vector<128x32xf32>
    %swap3A_159 = arith.constant 0 : index
    %swap3A_160 = arith.constant 0 : index
    %swap3A_161 = vector.load %arg18[%swap3A_159, %swap3A_160] : memref<128x32xf32, #tpu.memory_space<vmem>>, vector<128x32xf32>
    tpu.vector_store %arg18[%swap3A_159, %swap3A_160], %mul3A_158 {strides = array<i32>} : memref<128x32xf32, #tpu.memory_space<vmem>>, vector<128x32xf32>,
    %mul3A_162 = vector.broadcast %convert_element_type3A_4 : vector<128x1xf32> to vector<128x32xf32>
    %mul3A_163 = arith.mulf %exp3A, %mul3A_162 : vector<128x32xf32>
    %swap3A_164 = arith.constant 0 : index
    %swap3A_165 = arith.constant 0 : index
    %swap3A_166 = vector.load %arg19[%swap3A_164, %swap3A_165] : memref<128x32xf32, #tpu.memory_space<vmem>>, vector<128x32xf32>
    tpu.vector_store %arg19[%swap3A_164, %swap3A_165], %mul3A_163 {strides = array<i32>} : memref<128x32xf32, #tpu.memory_space<vmem>>, vector<128x32xf32>,
    %mul3A_167 = vector.broadcast %convert_element_type3A_4 : vector<128x1xf32> to vector<128x32xf32>
    %mul3A_168 = arith.mulf %exp3A_45, %mul3A_167 : vector<128x32xf32>
    %swap3A_169 = arith.constant 0 : index
    %swap3A_170 = arith.constant 0 : index
    %swap3A_171 = vector.load %arg20[%swap3A_169, %swap3A_170] : memref<128x32xf32, #tpu.memory_space<vmem>>, vector<128x32xf32>
    tpu.vector_store %arg20[%swap3A_169, %swap3A_170], %mul3A_168 {strides = array<i32>} : memref<128x32xf32, #tpu.memory_space<vmem>>, vector<128x32xf32>,
    return
  }
  func.func @transform_0(%arg0: i32) -> (i32, i32) {
    %min3A = arith.constant 255 : i32
    %min3A_0 = arith.minsi %arg0, %min3A : i32
    %c0_i32 = arith.constant 0 : i32
    %c0_i32_1 = arith.constant 0 : i32
    return %min3A_0, %c0_i32 : i32, i32
  }
  func.func @transform_1(%arg0: i32) -> (i32, i32) {
    %min3A = arith.constant 255 : i32
    %min3A_0 = arith.minsi %arg0, %min3A : i32
    %c0_i32 = arith.constant 0 : i32
    %c0_i32_1 = arith.constant 0 : i32
    return %min3A_0, %c0_i32 : i32, i32
  }
  func.func @transform_2(%arg0: i32) -> (i32, i32) {
    %c0_i32 = arith.constant 0 : i32
    %c0_i32_0 = arith.constant 0 : i32
    %c0_i32_1 = arith.constant 0 : i32
    return %c0_i32, %c0_i32_0 : i32, i32
  }
  func.func @transform_3(%arg0: i32) -> (i32, i32) {
    %c0_i32 = arith.constant 0 : i32
    %c0_i32_0 = arith.constant 0 : i32
    %c0_i32_1 = arith.constant 0 : i32
    return %c0_i32, %c0_i32_0 : i32, i32
  }
  func.func @transform_4(%arg0: i32) -> (i32, i32) {
    %c0_i32 = arith.constant 0 : i32
    %c0_i32_0 = arith.constant 0 : i32
    %c0_i32_1 = arith.constant 0 : i32
    return %c0_i32, %c0_i32_0 : i32, i32
  }
  func.func @transform_5(%arg0: i32) -> (i32, i32) {
    %c0_i32 = arith.constant 0 : i32
    %c0_i32_0 = arith.constant 0 : i32
    %c0_i32_1 = arith.constant 0 : i32
    return %c0_i32, %c0_i32_0 : i32, i32
  }
  func.func @transform_6(%arg0: i32) -> (i32, i32) {
    %c0_i32 = arith.constant 0 : i32
    %c0_i32_0 = arith.constant 0 : i32
    %c0_i32_1 = arith.constant 0 : i32
    return %c0_i32, %c0_i32_0 : i32, i32
  }
  func.func @transform_7(%arg0: i32) -> (i32, i32) {
    %c0_i32 = arith.constant 0 : i32
    %c0_i32_0 = arith.constant 0 : i32
    %c0_i32_1 = arith.constant 0 : i32
    return %c0_i32, %c0_i32_0 : i32, i32
  }
  func.func @transform_8(%arg0: i32) -> (i32, i32) {
    %c0_i32 = arith.constant 0 : i32
    %c0_i32_0 = arith.constant 0 : i32
    %c0_i32_1 = arith.constant 0 : i32
    return %c0_i32, %c0_i32_0 : i32, i32
  }
  func.func @transform_9(%arg0: i32) -> (i32, i32) {
    %c0_i32 = arith.constant 0 : i32
    %c0_i32_0 = arith.constant 0 : i32
    %c0_i32_1 = arith.constant 0 : i32
    return %c0_i32, %c0_i32_0 : i32, i32
  }
  func.func @transform_10(%arg0: i32) -> (i32, i32) {
    %c0_i32 = arith.constant 0 : i32
    %c0_i32_0 = arith.constant 0 : i32
    return %arg0, %c0_i32 : i32, i32
  }
  func.func @transform_11(%arg0: i32) -> (i32, i32) {
    %c0_i32 = arith.constant 0 : i32
    %c0_i32_0 = arith.constant 0 : i32
    return %arg0, %c0_i32 : i32, i32
  }
  func.func @transform_12(%arg0: i32) -> (i32, i32) {
    %c0_i32 = arith.constant 0 : i32
    %c0_i32_0 = arith.constant 0 : i32
    return %arg0, %c0_i32 : i32, i32
  }
  func.func @transform_13(%arg0: i32) -> (i32, i32) {
    %c0_i32 = arith.constant 0 : i32
    %c0_i32_0 = arith.constant 0 : i32
    return %arg0, %c0_i32 : i32, i32
  }
  func.func @transform_14(%arg0: i32) -> (i32, i32) {
    %c0_i32 = arith.constant 0 : i32
    %c0_i32_0 = arith.constant 0 : i32
    return %arg0, %c0_i32 : i32, i32
  }
  func.func @transform_15(%arg0: i32) -> (i32, i32) {
    %c0_i32 = arith.constant 0 : i32
    %c0_i32_0 = arith.constant 0 : i32
    return %arg0, %c0_i32 : i32, i32
  }
  func.func @transform_16(%arg0: i32) -> (i32, i32) {
    %c0_i32 = arith.constant 0 : i32
    %c0_i32_0 = arith.constant 0 : i32
    return %arg0, %c0_i32 : i32, i32
  }
  func.func @transform_17(%arg0: i32) -> (i32, i32) {
    %c0_i32 = arith.constant 0 : i32
    %c0_i32_0 = arith.constant 0 : i32
    return %arg0, %c0_i32 : i32, i32
  }
  func.func @transform_18(%arg0: i32) -> (i32, i32) {
    %c0_i32 = arith.constant 0 : i32
    %c0_i32_0 = arith.constant 0 : i32
    return %arg0, %c0_i32 : i32, i32
  }
  func.func @transform_19(%arg0: i32) -> (i32, i32) {
    %c0_i32 = arith.constant 0 : i32
    %c0_i32_0 = arith.constant 0 : i32
    return %arg0, %c0_i32 : i32, i32
  }
}

module attributes {stable_mosaic.version = 14 : i64} {
  func.func @_tc3a_body(%arg0: i32, %arg1: memref<128x32xf32, #tpu.memory_space<vmem>>, %arg2: memref<128x32xf32, #tpu.memory_space<vmem>>, %arg3: memref<128x32xf32, #tpu.memory_space<vmem>>, %arg4: memref<128x32xf32, #tpu.memory_space<vmem>>, %arg5: memref<128x32xf32, #tpu.memory_space<vmem>>, %arg6: memref<128x32xf32, #tpu.memory_space<vmem>>, %arg7: memref<128x32xf32, #tpu.memory_space<vmem>>, %arg8: memref<128x32xf32, #tpu.memory_space<vmem>>, %arg9: memref<128x32xf32, #tpu.memory_space<vmem>>, %arg10: memref<128x32xf32, #tpu.memory_space<vmem>>, %arg11: memref<27x128xi32, #tpu.memory_space<vmem>>, %arg12: memref<2x256xf32, #tpu.memory_space<vmem>>) attributes {dimension_semantics = [#tpu.dimension_semantics<arbitrary>], iteration_bounds = array<i64: 256>, scalar_prefetch = 0 : i64, scratch_operands = 0 : i64, tpu.core_type = #tpu.core_type<tc>, window_params = [{transform_indices = @transform_0, window_bounds = array<i64: 128, 32>}, {transform_indices = @transform_1, window_bounds = array<i64: 128, 32>}, {transform_indices = @transform_2, window_bounds = array<i64: 128, 32>}, {transform_indices = @transform_3, window_bounds = array<i64: 128, 32>}, {transform_indices = @transform_4, window_bounds = array<i64: 128, 32>}, {transform_indices = @transform_5, window_bounds = array<i64: 128, 32>}, {transform_indices = @transform_6, window_bounds = array<i64: 128, 32>}, {transform_indices = @transform_7, window_bounds = array<i64: 128, 32>}, {transform_indices = @transform_8, window_bounds = array<i64: 128, 32>}, {transform_indices = @transform_9, window_bounds = array<i64: 128, 32>}, {transform_indices = @transform_10, window_bounds = array<i64: 27, 128>}, {pipeline_mode = #tpu.pipeline_mode<synchronous>, transform_indices = @transform_11, window_bounds = array<i64: 2, 256>}]} {
    %get3A = arith.constant 0 : index
    %get3A_0 = arith.constant 0 : index
    %get3A_1 = vector.load %arg10[%get3A, %get3A_0] : memref<128x32xf32, #tpu.memory_space<vmem>>, vector<128x32xf32>
    %get3A_2 = arith.constant 0 : index
    %get3A_3 = arith.constant 0 : index
    %get3A_4 = vector.load %arg11[%get3A_2, %get3A_3] : memref<27x128xi32, #tpu.memory_space<vmem>>, vector<27x128xi32>
    %get3A_5 = arith.constant 0 : index
    %get3A_6 = arith.constant 0 : index
    %get3A_7 = vector.load %arg1[%get3A_5, %get3A_6] : memref<128x32xf32, #tpu.memory_space<vmem>>, vector<128x32xf32>
    %get3A_8 = arith.constant 0 : index
    %get3A_9 = arith.constant 0 : index
    %get3A_10 = vector.load %arg2[%get3A_8, %get3A_9] : memref<128x32xf32, #tpu.memory_space<vmem>>, vector<128x32xf32>
    %get3A_11 = arith.constant 0 : index
    %get3A_12 = arith.constant 0 : index
    %get3A_13 = vector.load %arg3[%get3A_11, %get3A_12] : memref<128x32xf32, #tpu.memory_space<vmem>>, vector<128x32xf32>
    %get3A_14 = arith.constant 0 : index
    %get3A_15 = arith.constant 0 : index
    %get3A_16 = vector.load %arg4[%get3A_14, %get3A_15] : memref<128x32xf32, #tpu.memory_space<vmem>>, vector<128x32xf32>
    %get3A_17 = arith.constant 0 : index
    %get3A_18 = arith.constant 0 : index
    %get3A_19 = vector.load %arg5[%get3A_17, %get3A_18] : memref<128x32xf32, #tpu.memory_space<vmem>>, vector<128x32xf32>
    %get3A_20 = arith.constant 0 : index
    %get3A_21 = arith.constant 0 : index
    %get3A_22 = vector.load %arg6[%get3A_20, %get3A_21] : memref<128x32xf32, #tpu.memory_space<vmem>>, vector<128x32xf32>
    %get3A_23 = arith.constant 0 : index
    %get3A_24 = arith.constant 0 : index
    %get3A_25 = vector.load %arg7[%get3A_23, %get3A_24] : memref<128x32xf32, #tpu.memory_space<vmem>>, vector<128x32xf32>
    %get3A_26 = arith.constant 0 : index
    %get3A_27 = arith.constant 0 : index
    %get3A_28 = vector.load %arg8[%get3A_26, %get3A_27] : memref<128x32xf32, #tpu.memory_space<vmem>>, vector<128x32xf32>
    %concatenate3A = tpu.concatenate %get3A_7, %get3A_10, %get3A_13, %get3A_16, %get3A_19, %get3A_22, %get3A_25, %get3A_28 in 1 : vector<128x32xf32>, vector<128x32xf32>, vector<128x32xf32>, vector<128x32xf32>, vector<128x32xf32>, vector<128x32xf32>, vector<128x32xf32>, vector<128x32xf32> -> vector<128x256xf32>
    %get3A_29 = arith.constant 0 : index
    %get3A_30 = arith.constant 0 : index
    %get3A_31 = vector.load %arg9[%get3A_29, %get3A_30] : memref<128x32xf32, #tpu.memory_space<vmem>>, vector<128x32xf32>
    %ne3A = arith.constant 32768 : i32
    %ne3A_32 = vector.broadcast %ne3A : i32 to vector<27x128xi32>
    %ne3A_33 = arith.cmpi ne, %get3A_4, %ne3A_32 : vector<27x128xi32>
    %convert_element_type3A = arith.extui %ne3A_33 : vector<27x128xi1> to vector<27x128xi32>
    %convert_element_type3A_34 = arith.sitofp %convert_element_type3A : vector<27x128xi32> to vector<27x128xf32>
    %reduce_sum3A = arith.constant dense<0.000000e+00> : vector<128xf32>
    %reduce_sum3A_35 = vector.multi_reduction <add>, %convert_element_type3A_34, %reduce_sum3A [0] : vector<27x128xf32> to vector<128xf32>
    %broadcast_in_dim3A = vector.shape_cast %reduce_sum3A_35 : vector<128xf32> to vector<128x1xf32>
    %sub3A = arith.constant 2.700000e+01 : f32
    %sub3A_36 = vector.broadcast %sub3A : f32 to vector<128x1xf32>
    %sub3A_37 = arith.subf %sub3A_36, %broadcast_in_dim3A : vector<128x1xf32>
    %mul3A = vector.broadcast %sub3A_37 : vector<128x1xf32> to vector<128x32xf32>
    %mul3A_38 = arith.mulf %mul3A, %get3A_1 : vector<128x32xf32>
    %add3A = arith.addf %get3A_31, %mul3A_38 : vector<128x32xf32>
    %div3A = arith.constant 1.000000e+00 : f32
    %div3A_39 = vector.broadcast %div3A : f32 to vector<128x32xf32>
    %div3A_40 = arith.divf %div3A_39, %add3A : vector<128x32xf32>
    %iota3A = tpu.iota {dimensions = array<i32: 1>} : vector<32x256xi32>
    %jit3A = arith.constant 8 : i32
    %div3A_41 = vector.broadcast %jit3A : i32 to vector<32x256xi32>
    %div3A_42 = arith.divsi %iota3A, %div3A_41 : vector<32x256xi32>
    %sign3A = arith.constant 0 : i32
    %sign3A_43 = vector.broadcast %sign3A : i32 to vector<32x256xi32>
    %sign3A_44 = arith.cmpi sgt, %iota3A, %sign3A_43 : vector<32x256xi32>
    %sign3A_45 = arith.extui %sign3A_44 : vector<32x256xi1> to vector<32x256xi32>
    %sign3A_46 = arith.constant 0 : i32
    %sign3A_47 = vector.broadcast %sign3A_46 : i32 to vector<32x256xi32>
    %sign3A_48 = arith.cmpi slt, %iota3A, %sign3A_47 : vector<32x256xi32>
    %sign3A_49 = arith.extui %sign3A_48 : vector<32x256xi1> to vector<32x256xi32>
    %sign3A_50 = arith.subi %sign3A_45, %sign3A_49 : vector<32x256xi32>
    %sign3A_51 = arith.constant 0 : i32
    %sign3A_52 = arith.cmpi sgt, %jit3A, %sign3A_51 : i32
    %sign3A_53 = arith.extui %sign3A_52 : i1 to i32
    %sign3A_54 = arith.constant 0 : i32
    %sign3A_55 = arith.cmpi slt, %jit3A, %sign3A_54 : i32
    %sign3A_56 = arith.extui %sign3A_55 : i1 to i32
    %sign3A_57 = arith.subi %sign3A_53, %sign3A_56 : i32
    %ne3A_58 = vector.broadcast %sign3A_57 : i32 to vector<32x256xi32>
    %ne3A_59 = arith.cmpi ne, %sign3A_50, %ne3A_58 : vector<32x256xi32>
    %rem3A = vector.broadcast %jit3A : i32 to vector<32x256xi32>
    %rem3A_60 = arith.remsi %iota3A, %rem3A : vector<32x256xi32>
    %ne3A_61 = arith.constant 0 : i32
    %ne3A_62 = vector.broadcast %ne3A_61 : i32 to vector<32x256xi32>
    %ne3A_63 = arith.cmpi ne, %rem3A_60, %ne3A_62 : vector<32x256xi32>
    %and3A = arith.andi %ne3A_59, %ne3A_63 : vector<32x256xi1>
    %sub3A_64 = arith.constant 1 : i32
    %sub3A_65 = vector.broadcast %sub3A_64 : i32 to vector<32x256xi32>
    %sub3A_66 = arith.subi %div3A_42, %sub3A_65 : vector<32x256xi32>
    %select_n3A = arith.select %and3A, %sub3A_66, %div3A_42 : vector<32x256xi1>, vector<32x256xi32>
    %iota3A_67 = tpu.iota {dimensions = array<i32: 0>} : vector<32x256xi32>
    %eq3A = arith.cmpi eq, %select_n3A, %iota3A_67 : vector<32x256xi32>
    %convert_element_type3A_68 = arith.extui %eq3A : vector<32x256xi1> to vector<32x256xi32>
    %convert_element_type3A_69 = arith.sitofp %convert_element_type3A_68 : vector<32x256xi32> to vector<32x256xf32>
    %dot_general3A = arith.constant dense<0.000000e+00> : vector<128x256xf32>
    %dot_general3A_70 = tpu.matmul %div3A_40, %convert_element_type3A_69, %dot_general3A {dimension_numbers = #tpu.dot_dimension_numbers<[1], [0], [0], [1], [0, 0, 1, 1], [], []>, precision = #tpu.contract_precision<fp32>, transpose_lhs_hint = false} : vector<128x32xf32>, vector<32x256xf32>, vector<128x256xf32> -> vector<128x256xf32>
    %mul3A_71 = arith.mulf %concatenate3A, %dot_general3A_70 : vector<128x256xf32>
    %eq3A_72 = arith.constant 0 : i32
    %eq3A_73 = arith.cmpi eq, %arg0, %eq3A_72 : i32
    %convert_element_type3A_74 = arith.extui %eq3A_73 : i1 to i32
    %cond3A = arith.constant 0 : i32
    %cond3A_75 = arith.cmpi ne, %convert_element_type3A_74, %cond3A : i32
    scf.if %cond3A_75 {
      %broadcast_in_dim3A_90 = arith.constant 0.000000e+00 : f32
      %broadcast_in_dim3A_91 = vector.broadcast %broadcast_in_dim3A_90 : f32 to vector<2x256xf32>
      %swap3A_92 = arith.constant 0 : index
      %swap3A_93 = arith.constant 0 : index
      %swap3A_94 = vector.load %arg12[%swap3A_92, %swap3A_93] : memref<2x256xf32, #tpu.memory_space<vmem>>, vector<2x256xf32>
      tpu.vector_store %arg12[%swap3A_92, %swap3A_93], %broadcast_in_dim3A_91 {strides = array<i32>} : memref<2x256xf32, #tpu.memory_space<vmem>>, vector<2x256xf32>,
    } else {
    }
    %reduce_sum3A_76 = arith.constant dense<0.000000e+00> : vector<256xf32>
    %reduce_sum3A_77 = vector.multi_reduction <add>, %mul3A_71, %reduce_sum3A_76 [0] : vector<128x256xf32> to vector<256xf32>
    %broadcast_in_dim3A_78 = vector.shape_cast %reduce_sum3A_77 : vector<256xf32> to vector<1x256xf32>
    %mul3A_79 = arith.mulf %mul3A_71, %mul3A_71 : vector<128x256xf32>
    %reduce_sum3A_80 = arith.constant dense<0.000000e+00> : vector<256xf32>
    %reduce_sum3A_81 = vector.multi_reduction <add>, %mul3A_79, %reduce_sum3A_80 [0] : vector<128x256xf32> to vector<256xf32>
    %broadcast_in_dim3A_82 = vector.shape_cast %reduce_sum3A_81 : vector<256xf32> to vector<1x256xf32>
    %concatenate3A_83 = tpu.concatenate %broadcast_in_dim3A_78, %broadcast_in_dim3A_82 in 0 : vector<1x256xf32>, vector<1x256xf32> -> vector<2x256xf32>
    %get3A_84 = arith.constant 0 : index
    %get3A_85 = arith.constant 0 : index
    %get3A_86 = vector.load %arg12[%get3A_84, %get3A_85] : memref<2x256xf32, #tpu.memory_space<vmem>>, vector<2x256xf32>
    %add3A_87 = arith.addf %get3A_86, %concatenate3A_83 : vector<2x256xf32>
    %swap3A = arith.constant 0 : index
    %swap3A_88 = arith.constant 0 : index
    %swap3A_89 = vector.load %arg12[%swap3A, %swap3A_88] : memref<2x256xf32, #tpu.memory_space<vmem>>, vector<2x256xf32>
    tpu.vector_store %arg12[%swap3A, %swap3A_88], %add3A_87 {strides = array<i32>} : memref<2x256xf32, #tpu.memory_space<vmem>>, vector<2x256xf32>,
    return
  }
  func.func @transform_0(%arg0: i32) -> (i32, i32) {
    %c0_i32 = arith.constant 0 : i32
    %c0_i32_0 = arith.constant 0 : i32
    return %arg0, %c0_i32 : i32, i32
  }
  func.func @transform_1(%arg0: i32) -> (i32, i32) {
    %c0_i32 = arith.constant 0 : i32
    %c0_i32_0 = arith.constant 0 : i32
    return %arg0, %c0_i32 : i32, i32
  }
  func.func @transform_2(%arg0: i32) -> (i32, i32) {
    %c0_i32 = arith.constant 0 : i32
    %c0_i32_0 = arith.constant 0 : i32
    return %arg0, %c0_i32 : i32, i32
  }
  func.func @transform_3(%arg0: i32) -> (i32, i32) {
    %c0_i32 = arith.constant 0 : i32
    %c0_i32_0 = arith.constant 0 : i32
    return %arg0, %c0_i32 : i32, i32
  }
  func.func @transform_4(%arg0: i32) -> (i32, i32) {
    %c0_i32 = arith.constant 0 : i32
    %c0_i32_0 = arith.constant 0 : i32
    return %arg0, %c0_i32 : i32, i32
  }
  func.func @transform_5(%arg0: i32) -> (i32, i32) {
    %c0_i32 = arith.constant 0 : i32
    %c0_i32_0 = arith.constant 0 : i32
    return %arg0, %c0_i32 : i32, i32
  }
  func.func @transform_6(%arg0: i32) -> (i32, i32) {
    %c0_i32 = arith.constant 0 : i32
    %c0_i32_0 = arith.constant 0 : i32
    return %arg0, %c0_i32 : i32, i32
  }
  func.func @transform_7(%arg0: i32) -> (i32, i32) {
    %c0_i32 = arith.constant 0 : i32
    %c0_i32_0 = arith.constant 0 : i32
    return %arg0, %c0_i32 : i32, i32
  }
  func.func @transform_8(%arg0: i32) -> (i32, i32) {
    %c0_i32 = arith.constant 0 : i32
    %c0_i32_0 = arith.constant 0 : i32
    return %arg0, %c0_i32 : i32, i32
  }
  func.func @transform_9(%arg0: i32) -> (i32, i32) {
    %c0_i32 = arith.constant 0 : i32
    %c0_i32_0 = arith.constant 0 : i32
    return %arg0, %c0_i32 : i32, i32
  }
  func.func @transform_10(%arg0: i32) -> (i32, i32) {
    %c0_i32 = arith.constant 0 : i32
    %c0_i32_0 = arith.constant 0 : i32
    return %c0_i32, %arg0 : i32, i32
  }
  func.func @transform_11(%arg0: i32) -> (i32, i32) {
    %c0_i32 = arith.constant 0 : i32
    %c0_i32_0 = arith.constant 0 : i32
    %c0_i32_1 = arith.constant 0 : i32
    return %c0_i32, %c0_i32_0 : i32, i32
  }
}

module attributes {stable_mosaic.version = 14 : i64} {
  func.func @_tc3b_body(%arg0: i32, %arg1: memref<128x32xf32, #tpu.memory_space<vmem>>, %arg2: memref<128x32xf32, #tpu.memory_space<vmem>>, %arg3: memref<128x32xf32, #tpu.memory_space<vmem>>, %arg4: memref<128x32xf32, #tpu.memory_space<vmem>>, %arg5: memref<128x32xf32, #tpu.memory_space<vmem>>, %arg6: memref<128x32xf32, #tpu.memory_space<vmem>>, %arg7: memref<128x32xf32, #tpu.memory_space<vmem>>, %arg8: memref<128x32xf32, #tpu.memory_space<vmem>>, %arg9: memref<128x32xf32, #tpu.memory_space<vmem>>, %arg10: memref<128x32xf32, #tpu.memory_space<vmem>>, %arg11: memref<27x128xi32, #tpu.memory_space<vmem>>, %arg12: memref<128x256xf32, #tpu.memory_space<vmem>>, %arg13: memref<2x256xf32, #tpu.memory_space<vmem>>, %arg14: memref<1x256xf32, #tpu.memory_space<vmem>>, %arg15: memref<1x256xf32, #tpu.memory_space<vmem>>, %arg16: memref<128x256xf32, #tpu.memory_space<vmem>>) attributes {dimension_semantics = [#tpu.dimension_semantics<arbitrary>], iteration_bounds = array<i64: 256>, scalar_prefetch = 0 : i64, scratch_operands = 0 : i64, tpu.core_type = #tpu.core_type<tc>, window_params = [{transform_indices = @transform_0, window_bounds = array<i64: 128, 32>}, {transform_indices = @transform_1, window_bounds = array<i64: 128, 32>}, {transform_indices = @transform_2, window_bounds = array<i64: 128, 32>}, {transform_indices = @transform_3, window_bounds = array<i64: 128, 32>}, {transform_indices = @transform_4, window_bounds = array<i64: 128, 32>}, {transform_indices = @transform_5, window_bounds = array<i64: 128, 32>}, {transform_indices = @transform_6, window_bounds = array<i64: 128, 32>}, {transform_indices = @transform_7, window_bounds = array<i64: 128, 32>}, {transform_indices = @transform_8, window_bounds = array<i64: 128, 32>}, {transform_indices = @transform_9, window_bounds = array<i64: 128, 32>}, {transform_indices = @transform_10, window_bounds = array<i64: 27, 128>}, {transform_indices = @transform_11, window_bounds = array<i64: 128, 256>}, {pipeline_mode = #tpu.pipeline_mode<synchronous>, transform_indices = @transform_12, window_bounds = array<i64: 2, 256>}, {pipeline_mode = #tpu.pipeline_mode<synchronous>, transform_indices = @transform_13, window_bounds = array<i64: 1, 256>}, {pipeline_mode = #tpu.pipeline_mode<synchronous>, transform_indices = @transform_14, window_bounds = array<i64: 1, 256>}, {transform_indices = @transform_15, window_bounds = array<i64: 128, 256>}]} {
    %get3A = arith.constant 0 : index
    %get3A_0 = arith.constant 0 : index
    %get3A_1 = vector.load %arg10[%get3A, %get3A_0] : memref<128x32xf32, #tpu.memory_space<vmem>>, vector<128x32xf32>
    %get3A_2 = arith.constant 0 : index
    %get3A_3 = arith.constant 0 : index
    %get3A_4 = vector.load %arg11[%get3A_2, %get3A_3] : memref<27x128xi32, #tpu.memory_space<vmem>>, vector<27x128xi32>
    %get3A_5 = arith.constant 0 : index
    %get3A_6 = arith.constant 0 : index
    %get3A_7 = vector.load %arg1[%get3A_5, %get3A_6] : memref<128x32xf32, #tpu.memory_space<vmem>>, vector<128x32xf32>
    %get3A_8 = arith.constant 0 : index
    %get3A_9 = arith.constant 0 : index
    %get3A_10 = vector.load %arg2[%get3A_8, %get3A_9] : memref<128x32xf32, #tpu.memory_space<vmem>>, vector<128x32xf32>
    %get3A_11 = arith.constant 0 : index
    %get3A_12 = arith.constant 0 : index
    %get3A_13 = vector.load %arg3[%get3A_11, %get3A_12] : memref<128x32xf32, #tpu.memory_space<vmem>>, vector<128x32xf32>
    %get3A_14 = arith.constant 0 : index
    %get3A_15 = arith.constant 0 : index
    %get3A_16 = vector.load %arg4[%get3A_14, %get3A_15] : memref<128x32xf32, #tpu.memory_space<vmem>>, vector<128x32xf32>
    %get3A_17 = arith.constant 0 : index
    %get3A_18 = arith.constant 0 : index
    %get3A_19 = vector.load %arg5[%get3A_17, %get3A_18] : memref<128x32xf32, #tpu.memory_space<vmem>>, vector<128x32xf32>
    %get3A_20 = arith.constant 0 : index
    %get3A_21 = arith.constant 0 : index
    %get3A_22 = vector.load %arg6[%get3A_20, %get3A_21] : memref<128x32xf32, #tpu.memory_space<vmem>>, vector<128x32xf32>
    %get3A_23 = arith.constant 0 : index
    %get3A_24 = arith.constant 0 : index
    %get3A_25 = vector.load %arg7[%get3A_23, %get3A_24] : memref<128x32xf32, #tpu.memory_space<vmem>>, vector<128x32xf32>
    %get3A_26 = arith.constant 0 : index
    %get3A_27 = arith.constant 0 : index
    %get3A_28 = vector.load %arg8[%get3A_26, %get3A_27] : memref<128x32xf32, #tpu.memory_space<vmem>>, vector<128x32xf32>
    %concatenate3A = tpu.concatenate %get3A_7, %get3A_10, %get3A_13, %get3A_16, %get3A_19, %get3A_22, %get3A_25, %get3A_28 in 1 : vector<128x32xf32>, vector<128x32xf32>, vector<128x32xf32>, vector<128x32xf32>, vector<128x32xf32>, vector<128x32xf32>, vector<128x32xf32>, vector<128x32xf32> -> vector<128x256xf32>
    %get3A_29 = arith.constant 0 : index
    %get3A_30 = arith.constant 0 : index
    %get3A_31 = vector.load %arg9[%get3A_29, %get3A_30] : memref<128x32xf32, #tpu.memory_space<vmem>>, vector<128x32xf32>
    %ne3A = arith.constant 32768 : i32
    %ne3A_32 = vector.broadcast %ne3A : i32 to vector<27x128xi32>
    %ne3A_33 = arith.cmpi ne, %get3A_4, %ne3A_32 : vector<27x128xi32>
    %convert_element_type3A = arith.extui %ne3A_33 : vector<27x128xi1> to vector<27x128xi32>
    %convert_element_type3A_34 = arith.sitofp %convert_element_type3A : vector<27x128xi32> to vector<27x128xf32>
    %reduce_sum3A = arith.constant dense<0.000000e+00> : vector<128xf32>
    %reduce_sum3A_35 = vector.multi_reduction <add>, %convert_element_type3A_34, %reduce_sum3A [0] : vector<27x128xf32> to vector<128xf32>
    %broadcast_in_dim3A = vector.shape_cast %reduce_sum3A_35 : vector<128xf32> to vector<128x1xf32>
    %sub3A = arith.constant 2.700000e+01 : f32
    %sub3A_36 = vector.broadcast %sub3A : f32 to vector<128x1xf32>
    %sub3A_37 = arith.subf %sub3A_36, %broadcast_in_dim3A : vector<128x1xf32>
    %mul3A = vector.broadcast %sub3A_37 : vector<128x1xf32> to vector<128x32xf32>
    %mul3A_38 = arith.mulf %mul3A, %get3A_1 : vector<128x32xf32>
    %add3A = arith.addf %get3A_31, %mul3A_38 : vector<128x32xf32>
    %div3A = arith.constant 1.000000e+00 : f32
    %div3A_39 = vector.broadcast %div3A : f32 to vector<128x32xf32>
    %div3A_40 = arith.divf %div3A_39, %add3A : vector<128x32xf32>
    %iota3A = tpu.iota {dimensions = array<i32: 1>} : vector<32x256xi32>
    %jit3A = arith.constant 8 : i32
    %div3A_41 = vector.broadcast %jit3A : i32 to vector<32x256xi32>
    %div3A_42 = arith.divsi %iota3A, %div3A_41 : vector<32x256xi32>
    %sign3A = arith.constant 0 : i32
    %sign3A_43 = vector.broadcast %sign3A : i32 to vector<32x256xi32>
    %sign3A_44 = arith.cmpi sgt, %iota3A, %sign3A_43 : vector<32x256xi32>
    %sign3A_45 = arith.extui %sign3A_44 : vector<32x256xi1> to vector<32x256xi32>
    %sign3A_46 = arith.constant 0 : i32
    %sign3A_47 = vector.broadcast %sign3A_46 : i32 to vector<32x256xi32>
    %sign3A_48 = arith.cmpi slt, %iota3A, %sign3A_47 : vector<32x256xi32>
    %sign3A_49 = arith.extui %sign3A_48 : vector<32x256xi1> to vector<32x256xi32>
    %sign3A_50 = arith.subi %sign3A_45, %sign3A_49 : vector<32x256xi32>
    %sign3A_51 = arith.constant 0 : i32
    %sign3A_52 = arith.cmpi sgt, %jit3A, %sign3A_51 : i32
    %sign3A_53 = arith.extui %sign3A_52 : i1 to i32
    %sign3A_54 = arith.constant 0 : i32
    %sign3A_55 = arith.cmpi slt, %jit3A, %sign3A_54 : i32
    %sign3A_56 = arith.extui %sign3A_55 : i1 to i32
    %sign3A_57 = arith.subi %sign3A_53, %sign3A_56 : i32
    %ne3A_58 = vector.broadcast %sign3A_57 : i32 to vector<32x256xi32>
    %ne3A_59 = arith.cmpi ne, %sign3A_50, %ne3A_58 : vector<32x256xi32>
    %rem3A = vector.broadcast %jit3A : i32 to vector<32x256xi32>
    %rem3A_60 = arith.remsi %iota3A, %rem3A : vector<32x256xi32>
    %ne3A_61 = arith.constant 0 : i32
    %ne3A_62 = vector.broadcast %ne3A_61 : i32 to vector<32x256xi32>
    %ne3A_63 = arith.cmpi ne, %rem3A_60, %ne3A_62 : vector<32x256xi32>
    %and3A = arith.andi %ne3A_59, %ne3A_63 : vector<32x256xi1>
    %sub3A_64 = arith.constant 1 : i32
    %sub3A_65 = vector.broadcast %sub3A_64 : i32 to vector<32x256xi32>
    %sub3A_66 = arith.subi %div3A_42, %sub3A_65 : vector<32x256xi32>
    %select_n3A = arith.select %and3A, %sub3A_66, %div3A_42 : vector<32x256xi1>, vector<32x256xi32>
    %iota3A_67 = tpu.iota {dimensions = array<i32: 0>} : vector<32x256xi32>
    %eq3A = arith.cmpi eq, %select_n3A, %iota3A_67 : vector<32x256xi32>
    %convert_element_type3A_68 = arith.extui %eq3A : vector<32x256xi1> to vector<32x256xi32>
    %convert_element_type3A_69 = arith.sitofp %convert_element_type3A_68 : vector<32x256xi32> to vector<32x256xf32>
    %dot_general3A = arith.constant dense<0.000000e+00> : vector<128x256xf32>
    %dot_general3A_70 = tpu.matmul %div3A_40, %convert_element_type3A_69, %dot_general3A {dimension_numbers = #tpu.dot_dimension_numbers<[1], [0], [0], [1], [0, 0, 1, 1], [], []>, precision = #tpu.contract_precision<fp32>, transpose_lhs_hint = false} : vector<128x32xf32>, vector<32x256xf32>, vector<128x256xf32> -> vector<128x256xf32>
    %mul3A_71 = arith.mulf %concatenate3A, %dot_general3A_70 : vector<128x256xf32>
    %get3A_72 = arith.constant 0 : index
    %get3A_73 = arith.constant 0 : index
    %get3A_74 = vector.load %arg13[%get3A_72, %get3A_73] : memref<2x256xf32, #tpu.memory_space<vmem>>, vector<2x256xf32>
    %get3A_75 = arith.constant 0 : index
    %get3A_76 = arith.constant 0 : index
    %get3A_77 = vector.load %arg14[%get3A_75, %get3A_76] : memref<1x256xf32, #tpu.memory_space<vmem>>, vector<1x256xf32>
    %get3A_78 = arith.constant 0 : index
    %get3A_79 = arith.constant 0 : index
    %get3A_80 = vector.load %arg15[%get3A_78, %get3A_79] : memref<1x256xf32, #tpu.memory_space<vmem>>, vector<1x256xf32>
    %slice3A = vector.extract_strided_slice %get3A_74 {offsets = [0, 0], sizes = [1, 256], strides = [1, 1]} : vector<2x256xf32> to vector<1x256xf32>
    %div3A_81 = arith.constant 3.276800e+04 : f32
    %div3A_82 = vector.broadcast %div3A_81 : f32 to vector<1x256xf32>
    %div3A_83 = arith.divf %slice3A, %div3A_82 : vector<1x256xf32>
    %slice3A_84 = vector.extract_strided_slice %get3A_74 {offsets = [1, 0], sizes = [1, 256], strides = [1, 1]} : vector<2x256xf32> to vector<1x256xf32>
    %div3A_85 = arith.constant 3.276800e+04 : f32
    %div3A_86 = vector.broadcast %div3A_85 : f32 to vector<1x256xf32>
    %div3A_87 = arith.divf %slice3A_84, %div3A_86 : vector<1x256xf32>
    %mul3A_88 = arith.mulf %div3A_83, %div3A_83 : vector<1x256xf32>
    %sub3A_89 = arith.subf %div3A_87, %mul3A_88 : vector<1x256xf32>
    %sub3A_90 = vector.broadcast %div3A_83 : vector<1x256xf32> to vector<128x256xf32>
    %sub3A_91 = arith.subf %mul3A_71, %sub3A_90 : vector<128x256xf32>
    %mul3A_92 = vector.broadcast %get3A_77 : vector<1x256xf32> to vector<128x256xf32>
    %mul3A_93 = arith.mulf %mul3A_92, %sub3A_91 : vector<128x256xf32>
    %add3A_94 = arith.constant 9.99999974E-6 : f32
    %add3A_95 = vector.broadcast %add3A_94 : f32 to vector<1x256xf32>
    %add3A_96 = arith.addf %sub3A_89, %add3A_95 : vector<1x256xf32>
    %rsqrt3A = math.rsqrt %add3A_96 : vector<1x256xf32>
    %mul3A_97 = vector.broadcast %rsqrt3A : vector<1x256xf32> to vector<128x256xf32>
    %mul3A_98 = arith.mulf %mul3A_93, %mul3A_97 : vector<128x256xf32>
    %add3A_99 = vector.broadcast %get3A_80 : vector<1x256xf32> to vector<128x256xf32>
    %add3A_100 = arith.addf %mul3A_98, %add3A_99 : vector<128x256xf32>
    %max3A = arith.constant 0.000000e+00 : f32
    %max3A_101 = vector.broadcast %max3A : f32 to vector<128x256xf32>
    %max3A_102 = arith.maximumf %add3A_100, %max3A_101 : vector<128x256xf32>
    %get3A_103 = arith.constant 0 : index
    %get3A_104 = arith.constant 0 : index
    %get3A_105 = vector.load %arg12[%get3A_103, %get3A_104] : memref<128x256xf32, #tpu.memory_space<vmem>>, vector<128x256xf32>
    %add3A_106 = arith.addf %max3A_102, %get3A_105 : vector<128x256xf32>
    %swap3A = arith.constant 0 : index
    %swap3A_107 = arith.constant 0 : index
    %swap3A_108 = vector.load %arg16[%swap3A, %swap3A_107] : memref<128x256xf32, #tpu.memory_space<vmem>>, vector<128x256xf32>
    tpu.vector_store %arg16[%swap3A, %swap3A_107], %add3A_106 {strides = array<i32>} : memref<128x256xf32, #tpu.memory_space<vmem>>, vector<128x256xf32>,
    return
  }
  func.func @transform_0(%arg0: i32) -> (i32, i32) {
    %c0_i32 = arith.constant 0 : i32
    %c0_i32_0 = arith.constant 0 : i32
    return %arg0, %c0_i32 : i32, i32
  }
  func.func @transform_1(%arg0: i32) -> (i32, i32) {
    %c0_i32 = arith.constant 0 : i32
    %c0_i32_0 = arith.constant 0 : i32
    return %arg0, %c0_i32 : i32, i32
  }
  func.func @transform_2(%arg0: i32) -> (i32, i32) {
    %c0_i32 = arith.constant 0 : i32
    %c0_i32_0 = arith.constant 0 : i32
    return %arg0, %c0_i32 : i32, i32
  }
  func.func @transform_3(%arg0: i32) -> (i32, i32) {
    %c0_i32 = arith.constant 0 : i32
    %c0_i32_0 = arith.constant 0 : i32
    return %arg0, %c0_i32 : i32, i32
  }
  func.func @transform_4(%arg0: i32) -> (i32, i32) {
    %c0_i32 = arith.constant 0 : i32
    %c0_i32_0 = arith.constant 0 : i32
    return %arg0, %c0_i32 : i32, i32
  }
  func.func @transform_5(%arg0: i32) -> (i32, i32) {
    %c0_i32 = arith.constant 0 : i32
    %c0_i32_0 = arith.constant 0 : i32
    return %arg0, %c0_i32 : i32, i32
  }
  func.func @transform_6(%arg0: i32) -> (i32, i32) {
    %c0_i32 = arith.constant 0 : i32
    %c0_i32_0 = arith.constant 0 : i32
    return %arg0, %c0_i32 : i32, i32
  }
  func.func @transform_7(%arg0: i32) -> (i32, i32) {
    %c0_i32 = arith.constant 0 : i32
    %c0_i32_0 = arith.constant 0 : i32
    return %arg0, %c0_i32 : i32, i32
  }
  func.func @transform_8(%arg0: i32) -> (i32, i32) {
    %c0_i32 = arith.constant 0 : i32
    %c0_i32_0 = arith.constant 0 : i32
    return %arg0, %c0_i32 : i32, i32
  }
  func.func @transform_9(%arg0: i32) -> (i32, i32) {
    %c0_i32 = arith.constant 0 : i32
    %c0_i32_0 = arith.constant 0 : i32
    return %arg0, %c0_i32 : i32, i32
  }
  func.func @transform_10(%arg0: i32) -> (i32, i32) {
    %c0_i32 = arith.constant 0 : i32
    %c0_i32_0 = arith.constant 0 : i32
    return %c0_i32, %arg0 : i32, i32
  }
  func.func @transform_11(%arg0: i32) -> (i32, i32) {
    %c0_i32 = arith.constant 0 : i32
    %c0_i32_0 = arith.constant 0 : i32
    return %arg0, %c0_i32 : i32, i32
  }
  func.func @transform_12(%arg0: i32) -> (i32, i32) {
    %c0_i32 = arith.constant 0 : i32
    %c0_i32_0 = arith.constant 0 : i32
    %c0_i32_1 = arith.constant 0 : i32
    return %c0_i32, %c0_i32_0 : i32, i32
  }
  func.func @transform_13(%arg0: i32) -> (i32, i32) {
    %c0_i32 = arith.constant 0 : i32
    %c0_i32_0 = arith.constant 0 : i32
    %c0_i32_1 = arith.constant 0 : i32
    return %c0_i32, %c0_i32_0 : i32, i32
  }
  func.func @transform_14(%arg0: i32) -> (i32, i32) {
    %c0_i32 = arith.constant 0 : i32
    %c0_i32_0 = arith.constant 0 : i32
    %c0_i32_1 = arith.constant 0 : i32
    return %c0_i32, %c0_i32_0 : i32, i32
  }
  func.func @transform_15(%arg0: i32) -> (i32, i32) {
    %c0_i32 = arith.constant 0 : i32
    %c0_i32_0 = arith.constant 0 : i32
    return %arg0, %c0_i32 : i32, i32
  }
}

</mosaic_0001>

<sc_bundles>
// kernel: kernel.12.cloned.1.call-start
scs
__scs_entry_jumppad:
0x0: {  	(pc) =	sbr.rel $0x88, $3  }
0x1: {  	(tag) =	ssettag $0x0;
	lr =	simm.s32 $0x1  }
0x2: {  	[smem:$0x3F94] =	sst lr;
	_ =	strace $0xD0000000  }
0x3: {  	_ = 	snop  }
0x4: {  	_ = 	snop  }
0x5: {  	_ = 	snop  }
0x6: {  	_ = 	snop  }
0x7: {  	_ = 	snop  }
__scs_overlays_trampoline_lowered:
0x8: {  	[smem:$0x3FA3] =	sst s0  }
0x9: {  	[smem:$0x3FA4] =	sst s1  }
0xa: {  	[smem:$0x3FA5] =	sst s2  }
0xb: {  	[smem:$0x3FA6] =	sst s3  }
0xc: {  	[smem:$0x3FA7] =	sst s4  }
0xd: {  	[smem:$0x3FA8] =	sst s5  }
0xe: {  	[smem:$0x3FA9] =	sst s6  }
0xf: {  	[smem:$0x3FAA] =	sst s7  }
0x10: {  	[smem:$0x3FAB] =	sst s8  }
0x11: {  	[smem:$0x3FAC] =	sst s9;
	s0 =	simm.s32 @!p0 $0x0  }
0x12: {  	s1 =	sld [smem:$0x3F92];
	s0 =	simm.s32 @p0 $0x1  }
0x13: {  	[smem:$0x3FAD] =	sst s0;
	s0 =	simm.s32 @!p1 $0x0  }
0x14: {  	s2 =	sld [smem:$0x3F91];
	s0 =	simm.s32 @p1 $0x1  }
0x15: {  	[smem:$0x3FAE] =	sst s0;
	s0 =	simm.s32 @!p2 $0x0  }
0x16: {  	s3 =	sld [smem:$0x3FDB];
	s0 =	simm.s32 @p2 $0x1  }
0x17: {  	s4 =	simm.s32 $0x1BF5;
	[smem:$0x3FB0] =	sst s0  }
0x18: {  	s0 =	sld [smem:$0x3F93];
	_ =	swait.ge [sflag:s4], $0x0  }
0x19: {  	s7 =	sld [smem:$0x3F94]  }
0x1a: {  	s8 =	sadd.s32 $0xFFFFE003, lr  }
0x1b: {  	s9 =	sadd.s32 $0xFFFFFEF7, lr;
	s5 =	simm.s32 $0xFFFFFFFF;
	p2 =	slt.u32 s8, $0xFFFFF086  }
0x1c: {  	p1 =	slt.u32 s9, $0xF7A;
	s5 =	simm.s32 @!p2 $0x0  }
0x1d: {  	s5 =	simm.s32 @p1 $0x1;
	p0 =	seq.s32 s7, s2  }
0x1e: {  	s7 =	smul.u32 @!p0 $0xF7A, s2;
	p2 =	seq.s32 @!p0 s5, $0x0  }
0x1f: {  	s9 =	smul.u32 $0xF7A, s1;
	s8 =	simm.s32 @!p0 $0x1BF5;
	p2 =	por !p2, p0  }
0x20: {  	[sflag:s8] =	ssyncset.s32 @!p0 $0xFFFFF086;
	s6 =	sadd.s32 @!p0 s3, s7;
	s7 =	simm.s32 @!p0 $0x108  }
0x21: {  	s3 =	sadd.s32 s3, s9;
	s6 =	sadd.s32 @!p0 $0x88, s6;
	s7 =	simm.s32 @p2 $0x1082  }
0x22: {  	[simem:s7], [sflag:s8] =	dma.local @!p0 [hbm:s6], $0xF7A  }
0x23: {  	s9 =	sor.u32 $0xD0000000, s2;
	s6 =	simm.s32 $0x108;
	_ =	swait.ge @!p0 [sflag:s8], $0x0  }
0x24: {  	s3 =	sadd.s32 $0x88, s3;
	s6 =	simm.s32 @!p1 $0x1082;
	[sflag:s4] =	ssyncset.s32 $0xFFFFF086  }
0x25: {  	[simem:s6], [sflag:s4] =	dma.local [hbm:s3], $0xF7A  }
0x26: {  	[smem:$0x3F94] =	sst s1;
	(tag) =	ssettag s2;
	_ =	strace s9  }
0x27: {  	s1 =	sld [smem:$0x3FA4]  }
0x28: {  	s2 =	sld [smem:$0x3FA5]  }
0x29: {  	s4 =	sld [smem:$0x3FA7]  }
0x2a: {  	p0 =	seq.s32 s5, $0x0;
	s5 =	sld [smem:$0x3FA8]  }
0x2b: {  	s6 =	sld [smem:$0x3FA9]  }
0x2c: {  	s7 =	sld [smem:$0x3FAA]  }
0x2d: {  	s3 =	simm.s32 $0x108;
	s8 =	sld [smem:$0x3FAB]  }
0x2e: {  	s3 =	simm.s32 @!p0 $0x1082;
	s9 =	sld [smem:$0x3FAC]  }
0x2f: {  	lr =	sadd.s32 s0, s3;
	s0 =	sld [smem:$0x3FA3]  }
0x30: {  	s3 =	sld [smem:$0x3FA6]  }
0x31: {  	[smem:$0x3FAF] =	sst s10  }
0x32: {  	s10 =	sld [smem:$0x3FAD];
	_ =	sdelay $0x3  }
0x33: {  	p0 =	seq.s32 s10, $0x1;
	s10 =	sld [smem:$0x3FAF];
	_ =	sdelay $0x3  }
0x34: {  	[smem:$0x3FAF] =	sst s10  }
0x35: {  	s10 =	sld [smem:$0x3FAE];
	_ =	sdelay $0x3  }
0x36: {  	p1 =	seq.s32 s10, $0x1;
	s10 =	sld [smem:$0x3FAF];
	_ =	sdelay $0x3  }
0x37: {  	[smem:$0x3FAF] =	sst s10  }
0x38: {  	s10 =	sld [smem:$0x3FB0]  }
0x39: {  	_ = 	snop;
	(pc) =	sbr.ind lr, $3  }
0x3a: {  	_ = 	snop  }
0x3b: {  	_ = 	snop  }
0x3c: {  	p2 =	seq.s32 s10, $0x1;
	s10 =	sld [smem:$0x3FAF]  }
0x3d: {  	_ =	shalt  }
0x3e: {  	_ =	shalt  }
0x3f: {  	_ =	shalt  }
0x40: {  	_ =	shalt  }
0x41: {  	_ =	shalt  }
0x42: {  	_ =	shalt  }
0x43: {  	_ =	shalt  }
0x44: {  	_ =	shalt  }
0x45: {  	_ =	shalt  }
0x46: {  	_ =	shalt  }
0x47: {  	_ =	shalt  }
0x48: {  	_ =	shalt  }
0x49: {  	_ =	shalt  }
0x4a: {  	_ =	shalt  }
0x4b: {  	_ =	shalt  }
0x4c: {  	_ =	shalt  }
0x4d: {  	_ =	shalt  }
0x4e: {  	_ =	shalt  }
0x4f: {  	_ =	shalt  }
0x50: {  	_ =	shalt  }
0x51: {  	_ =	shalt  }
0x52: {  	_ =	shalt  }
0x53: {  	_ =	shalt  }
0x54: {  	_ =	shalt  }
0x55: {  	_ =	shalt  }
0x56: {  	_ =	shalt  }
0x57: {  	_ =	shalt  }
0x58: {  	_ =	shalt  }
0x59: {  	_ =	shalt  }
0x5a: {  	_ =	shalt  }
0x5b: {  	_ =	shalt  }
0x5c: {  	_ =	shalt  }
0x5d: {  	_ =	shalt  }
0x5e: {  	_ =	shalt  }
0x5f: {  	_ =	shalt  }
0x60: {  	_ =	shalt  }
0x61: {  	_ =	shalt  }
0x62: {  	_ =	shalt  }
0x63: {  	_ =	shalt  }
0x64: {  	_ =	shalt  }
0x65: {  	_ =	shalt  }
0x66: {  	_ =	shalt  }
0x67: {  	_ =	shalt  }
0x68: {  	_ =	shalt  }
0x69: {  	_ =	shalt  }
0x6a: {  	_ =	shalt  }
0x6b: {  	_ =	shalt  }
0x6c: {  	_ =	shalt  }
0x6d: {  	_ =	shalt  }
0x6e: {  	_ =	shalt  }
0x6f: {  	_ =	shalt  }
0x70: {  	_ =	shalt  }
0x71: {  	_ =	shalt  }
0x72: {  	_ =	shalt  }
0x73: {  	_ =	shalt  }
0x74: {  	_ =	shalt  }
0x75: {  	_ =	shalt  }
0x76: {  	_ =	shalt  }
0x77: {  	_ =	shalt  }
0x78: {  	_ =	shalt  }
0x79: {  	_ =	shalt  }
0x7a: {  	_ =	shalt  }
0x7b: {  	_ =	shalt  }
0x7c: {  	_ =	shalt  }
0x7d: {  	_ =	shalt  }
0x7e: {  	_ =	shalt  }
0x7f: {  	_ =	shalt  }
0x80: {  	_ =	shalt  }
0x81: {  	_ =	shalt  }
0x82: {  	_ =	shalt  }
0x83: {  	_ =	shalt  }
0x84: {  	_ =	shalt  }
0x85: {  	_ =	shalt  }
0x86: {  	_ =	shalt  }
0x87: {  	_ =	shalt  }
.Lfunc_end0:
.L_simem_size_0:
called_computation.1_lowered:
.L_overlay_start_0:
0x88: {  	s2 =	sld [smem:$0x3FD9]  }
0x89: {  	s3 =	sld [smem:$0x3FFE];
	_ =	sdelay $0x1  }
0x8a: {  	s1 =	srdreg.scid  }
0x8b: {  	s0 =	sand.u32 $0x1, s1  }
0x8c: {  	s17 =	sshll.u32 s0, $0xA;
	s2 =	sadd.s32 s3, s2  }
0x8d: {  	s2 =	sadd.s32 s2, s17  }
0x8e: {  	[smem:$0x3FBB] =	sst s2  }
0x8f: {  	_ = 	snop  }
0x90: {  	s2 =	sld [smem:$0x3FD0];
	(tm) =	ssettm $0x1  }
0x91: {  	s18 =	sld [smem:$0x3FFB];
	_ =	sdelay $0x3  }
0x92: {  	_ =	strace s18  }
0x93: {  	s3 =	sld [smem:$0x3FFC];
	_ =	sdelay $0x3  }
0x94: {  	_ =	strace s3  }
0x95: {  	s3 =	sld [smem:$0x3FFD];
	_ =	sdelay $0x3  }
0x96: {  	_ =	strace s3  }
0x97: {  	_ =	strace $0x8FFFFFFF  }
0x98: {  	s19 =	sld [smem:$0x3FDB];
	_ =	sdelay $0x1  }
0x99: {  	s4 =	simm.s32 $_scs_section_size  }
0x9a: {  	s5 =	simm.s32 $_size__tile_overlayer_lowered;
	s6 =	simm.s32 $_tile_overlayer_lowered  }
0x9b: {  	s22 =	simm.s32 $0x1BFF;
	s21 =	sshll.u32 s6, $0x1;
	s3 =	sadd.s32 s4, s19  }
0x9c: {  	s7 =	simm.s32 $0x0;
	s20 =	sshll.u32 s5, $0x1;
	s5 =	sadd.s32 s21, s3  }
0x9d: {  	[timem:s7], [sflag:s22] =	dma.local [hbm:s5], s20  }
0x9e: {  	_ =	swait.ge [sflag:s22], s20  }
0x9f: {  	s4 =	ssub.s32 $0x0, s20;
	[sflag:s22] =	ssyncset.done $0x0  }
0xa0: {  	[sflag:s22] =	ssyncadd.s32 s4;
	_ =	sdelay $0x1  }
0xa1: {  	s23 =	simm.s32 $0x1B8B  }
0xa2: {  	_ =	swait.ge [sflag:s23], $0x1  }
0xa3: {  	[sflag:s23] =	ssyncset.done $0x0  }
0xa4: {  	s25 =	simm.s32 $0x1B8E;
	s24 =	sld [smem:$0x3FFE];
	[sflag:s23] =	ssyncadd.s32 $0xFFFFFFFF  }
0xa5: {  	s26 =	simm.s32 $execute0_lowered;
	[smem:$0x3FD2] =	sst s25  }
0xa6: {  	s5 =	sshll.u32 s26, $0x1;
	_ =	strace $0x80000049;
	[dreg:$0x1] =	wrdreg $0xFFFFFFFF  }
0xa7: {  	s28 =	simm.s32 $_size_execute0_lowered;
	s3 =	sadd.s32 s3, s5;
	[dreg:$0x0] =	wrdreg $0x0  }
0xa8: {  	s5 =	sshll.u32 s28, $0x1;
	[dreg:$0x2] =	wrdreg s3  }
0xa9: {  	[dreg:$0x3] =	wrdreg s5  }
0xaa: {  	[dreg:$0x4] =	wrdreg $0xC0  }
0xab: {  	_ =	task [dreg:s7], $0x5FFFF  }
0xac: {  	[dreg:$0x1] =	wrdreg $0xFFFFFFFF  }
0xad: {  	[dreg:$0x0] =	wrdreg $0x60  }
0xae: {  	[dreg:$0x2] =	wrdreg s2  }
0xaf: {  	[dreg:$0x3] =	wrdreg s24  }
0xb0: {  	[dreg:$0x4] =	wrdreg $0x9  }
0xb1: {  	_ =	task.clear_ibuf [dreg:s7], $0x5FFFF;
	_ =	strace $0x90000049  }
0xb2: {  	s29 =	simm.s32 $0x9;
	_ =	strace $0x8000004B  }
0xb3: {  	_ =	swait.ge [sflag:s29], $0x1  }
0xb4: {  	[sflag:s29] =	ssyncadd.s32 $0xFFFFFFFF  }
0xb5: {  	_ =	strace $0x9000004B  }
0xb6: {  	_ =	sfence  }
0xb7: {  	s30 =	sld [smem:$0x0];
	_ =	sdelay $0x2  }
0xb8: {  	s31 =	sshll.u32 s1, $0xD;
	s1 =	sshrl.u32 s1, $0x2  }
0xb9: {  	s3 =	sand.u32 $0x4000, s31;
	s1 =	sadd.s32 s1, s30  }
0xba: {  	s0 =	sor.u32 s3, s0;
	s1 =	sshll.u32 s1, $0x11  }
0xbb: {  	s0 =	sor.u32 s1, s0  }
0xbc: {  	s0 =	sadd.s32 $0x8F2B, s0  }
0xbd: {  	[sflag:s0] =	ssyncadd.remote.s32 $0x1  }
0xbe: {  	_ =	sfence.sel $0xFFFF  }
0xbf: {  	[dreg:$0x0] =	wrdreg $0xFFFFFFFF;
	(pc) =	sbr.abs _section_cstart, $3  }
0xc0: {  	[dreg:$0x1] =	wrdreg $0xFFFFFFFF  }
0xc1: {  	_ =	task.clear_ibuf [dreg:s7], $0x2FFFF;
	_ =	strace $0x9FFFFFFF  }
0xc2: {  	(tm) =	ssettm $0x7FFFFFFF  }
0xc3: {  	_ =	shalt  }
tec
execute0_lowered:
.L_overlay_start_1:
0x0: {  	(tag) =	ssettag $0x1  }
0x1: {  	s1 =	rddreg [dreg:$0x0]  }
0x2: {  	s0 =	rddreg [dreg:$0x1];
	s2 =	simm.s32 $0x0  }
0x3: {  	s24 =	srdreg.scid;
	s15 =	stileid.u32;
	s28 =	simm.s32 $0x2  }
0x4: {  	s31 =	simm.s32 $0x1;
	[smem:$0x7FF] =	sst s2;
	s3 =	sadd.s32 $0x11EE00, s0  }
0x5: {  	s4 =	sadd.s32 $0xFEC00, s0;
	s5 =	sadd.s32 $0xDEA00, s0;
	s6 =	sadd.s32 $0xBE800, s0  }
0x6: {  	s7 =	sadd.s32 $0x9E600, s0;
	s8 =	sadd.s32 $0x7E400, s0;
	s12 =	sadd.s32 $0x23F000, s0  }
0x7: {  	s20 =	sadd.s32 $0x21F000, s0;
	_ =	strace $0x8000004A;
	[dreg:$0x3] =	wrdreg s12  }
0x8: {  	s9 =	sadd.s32 $0x28600, s0;
	s21 =	sadd.s32 $0x1FF000, s0;
	[dreg:$0x4] =	wrdreg s20  }
0x9: {  	s10 =	sadd.s32 $0x8400, s0;
	s22 =	sadd.s32 $0x1DF000, s0;
	[dreg:$0x5] =	wrdreg s21  }
0xa: {  	s11 =	sadd.s32 $0x63400, s0;
	s23 =	sadd.s32 $0x1BF000, s0;
	[dreg:$0x6] =	wrdreg s22  }
0xb: {  	s13 =	sadd.s32 $0x19F000, s0;
	s25 =	sadd.s32 $0x17F000, s0;
	[dreg:$0x7] =	wrdreg s23  }
0xc: {  	s26 =	sadd.s32 $0x15F000, s0;
	[dreg:$0x8] =	wrdreg s13;
	s12 =	sand.u32 $0x1, s24  }
.Ltmp0:
0xd: {  	[dreg:$0x9] =	wrdreg s25;
	s29 =	ssub.s32 $0x2, s12;
	(pc) =	sbr.rel .LBB2_1-.Ltmp0, $4  }
0xe: {  	s15 =	sshll.u32 s15, $0x4;
	[dreg:$0xa] =	wrdreg s26;
	s14 =	sshrl.u32 s29, $0x1  }
0xf: {  	s21 =	sadd.s32 $0x13F000, s0;
	s24 =	simm.s32 $0x3;
	s30 =	ssub.s32 s29, s14  }
0x10: {  	s25 =	simm.s32 $0x80;
	s12 =	sshll.u32 s12, $0x3;
	s0 =	smax.u32 s30, $0x1  }
0x11: {  	v0 =	vimm.f32 $0.0e+00;
	s22 =	sor.u32 s12, s15;
	s12 =	simm.s32 $0x0;
	[dreg:$0xb] =	wrdreg s0  }
.LBB2_62:
0x12: {  	s12 =	rddreg [dreg:$0xc]  }
0x13: {  	s0 =	rddreg [dreg:$0xb];
	s12 =	sadd.s32 $0x1, s12  }
0x14: {  	p0 =	sne.s32 s12, s0  }
.Ltmp1:
0x15: {  	_ = 	snop;
	(pc) =	sbr.rel @!p0 .LBB2_63-.Ltmp1, $1  }
0x16: {  	_ =	sdelay $0x3  }
.LBB2_1:
.Ltmp2:
0x17: {  	(pc) =	sbr.rel .LBB2_2-.Ltmp2, $2  }
0x18: {  	_ =	sdelay $0x2  }
0x19: {  	[dreg:$0xc] =	wrdreg s12;
	s0 =	simm.s32 $0x0  }
.LBB2_61:
0x1a: {  	s12 =	sshll.u32 s17, $0x9;
	s13 =	rddreg [dreg:$0x3]  }
0x1b: {  	s14 =	simm.s32 $0x12100;
	s13 =	sadd.s32 s13, s12  }
0x1c: {  	[hbm4b:s13+s2] =	stream.linear.scatter [tilespmem:s14], [sflag:$0x3], $0x1000, $0x38;
	[tilespmem:$0x1B100] =	vst v63  }
0x1d: {  	_ =	swait.ge [sflag:s24], $0x1000  }
0x1e: {  	[sflag:s24] =	ssyncset.done $0x0;
	s23 =	rddreg [dreg:$0x4]  }
0x1f: {  	s26 =	simm.s32 $0x13100;
	[sflag:s24] =	ssyncadd.s32 $0xFFFFF000;
	s13 =	sadd.s32 s23, s12  }
0x20: {  	[hbm4b:s13+s2] =	stream.linear.scatter [tilespmem:s26], [sflag:$0x3], $0x1000, $0x38;
	[tilespmem:$0x1B100] =	vst v63  }
0x21: {  	_ =	swait.ge [sflag:s24], $0x1000  }
0x22: {  	[sflag:s24] =	ssyncset.done $0x0;
	s29 =	rddreg [dreg:$0x5]  }
0x23: {  	s30 =	simm.s32 $0x14100;
	[sflag:s24] =	ssyncadd.s32 $0xFFFFF000;
	s13 =	sadd.s32 s29, s12  }
0x24: {  	[hbm4b:s13+s2] =	stream.linear.scatter [tilespmem:s30], [sflag:$0x3], $0x1000, $0x38;
	[tilespmem:$0x1B100] =	vst v63  }
0x25: {  	_ =	swait.ge [sflag:s24], $0x1000  }
0x26: {  	[sflag:s24] =	ssyncset.done $0x0;
	s14 =	rddreg [dreg:$0x6]  }
0x27: {  	s15 =	simm.s32 $0x15100;
	[sflag:s24] =	ssyncadd.s32 $0xFFFFF000;
	s13 =	sadd.s32 s14, s12  }
0x28: {  	[hbm4b:s13+s2] =	stream.linear.scatter [tilespmem:s15], [sflag:$0x3], $0x1000, $0x38;
	[tilespmem:$0x1B100] =	vst v63  }
0x29: {  	_ =	swait.ge [sflag:s24], $0x1000  }
0x2a: {  	[sflag:s24] =	ssyncset.done $0x0;
	s16 =	rddreg [dreg:$0x7]  }
0x2b: {  	s17 =	simm.s32 $0x16100;
	[sflag:s24] =	ssyncadd.s32 $0xFFFFF000;
	s13 =	sadd.s32 s16, s12  }
0x2c: {  	[hbm4b:s13+s2] =	stream.linear.scatter [tilespmem:s17], [sflag:$0x3], $0x1000, $0x38;
	[tilespmem:$0x1B100] =	vst v63  }
0x2d: {  	_ =	swait.ge [sflag:s24], $0x1000  }
0x2e: {  	[sflag:s24] =	ssyncset.done $0x0;
	s18 =	rddreg [dreg:$0x8]  }
0x2f: {  	s19 =	simm.s32 $0x17100;
	[sflag:s24] =	ssyncadd.s32 $0xFFFFF000;
	s13 =	sadd.s32 s18, s12  }
0x30: {  	[hbm4b:s13+s2] =	stream.linear.scatter [tilespmem:s19], [sflag:$0x3], $0x1000, $0x38;
	[tilespmem:$0x1B100] =	vst v63  }
0x31: {  	_ =	swait.ge [sflag:s24], $0x1000  }
0x32: {  	[sflag:s24] =	ssyncset.done $0x0;
	s20 =	rddreg [dreg:$0x9]  }
0x33: {  	s23 =	simm.s32 $0x18100;
	[sflag:s24] =	ssyncadd.s32 $0xFFFFF000;
	s13 =	sadd.s32 s20, s12  }
0x34: {  	[hbm4b:s13+s2] =	stream.linear.scatter [tilespmem:s23], [sflag:$0x3], $0x1000, $0x38;
	[tilespmem:$0x1B100] =	vst v63  }
0x35: {  	_ =	swait.ge [sflag:s24], $0x1000  }
0x36: {  	[sflag:s24] =	ssyncset.done $0x0;
	s26 =	rddreg [dreg:$0xa]  }
0x37: {  	s29 =	simm.s32 $0x19100;
	[sflag:s24] =	ssyncadd.s32 $0xFFFFF000;
	s13 =	sadd.s32 s26, s12  }
0x38: {  	[hbm4b:s13+s2] =	stream.linear.scatter [tilespmem:s29], [sflag:$0x3], $0x1000, $0x38;
	[tilespmem:$0x1B100] =	vst v63  }
0x39: {  	s0 =	sadd.s32 $0x1, s0;
	_ =	swait.ge [sflag:s24], $0x1000  }
0x3a: {  	p0 =	sne.s32 s0, $0x8;
	s30 =	simm.s32 $0x1A100;
	[sflag:s24] =	ssyncset.done $0x0  }
.Ltmp3:
0x3b: {  	s12 =	sadd.s32 s21, s12;
	[sflag:s24] =	ssyncadd.s32 $0xFFFFF000;
	(pc) =	sbr.rel @!p0 .LBB2_62-.Ltmp3, $4  }
0x3c: {  	[hbm4b:s12+s2] =	stream.linear.scatter [tilespmem:s30], [sflag:$0x3], $0x1000, $0x38;
	[tilespmem:$0x1B100] =	vst v63  }
0x3d: {  	_ =	swait.ge [sflag:s24], $0x1000  }
0x3e: {  	[sflag:s24] =	ssyncset.done $0x0  }
0x3f: {  	[sflag:s24] =	ssyncadd.s32 $0xFFFFF000  }
.LBB2_2:
0x40: {  	s12 =	simm.s32 $0x12140  }
0x41: {  	[tilespmem:s12+$0xFFFFFFC0] =	vst v0  }
0x42: {  	[tilespmem:s12+$0x30] =	vst v0  }
0x43: {  	[tilespmem:s12+$0x20] =	vst v0  }
0x44: {  	[tilespmem:s12+$0x10] =	vst v0  }
0x45: {  	[tilespmem:s12+$0x0] =	vst v0  }
0x46: {  	[tilespmem:s12+$0xFFFFFFF0] =	vst v0  }
0x47: {  	s14 =	simm.s32 $0x0;
	[tilespmem:s12+$0xFFFFFFE0] =	vst v0  }
.LBB2_3:
0x48: {  	s14 =	sadd.s32 $0x4, s14;
	[tilespmem:s12+$0xFFFFFFD0] =	vst v0;
	s12 =	sadd.s32 $0x80, s12;
	s13 =	simm.s32 $0x13140  }
0x49: {  	[tilespmem:s12+$0xFFFFFFC0] =	vst v0;
	p0 =	slt.u32 s14, $0x7C  }
0x4a: {  	[tilespmem:s12+$0x30] =	vst v0  }
.Ltmp4:
0x4b: {  	[tilespmem:s12+$0x20] =	vst v0;
	(pc) =	sbr.rel @p0 .LBB2_3-.Ltmp4, $4  }
0x4c: {  	[tilespmem:s12+$0x10] =	vst v0  }
0x4d: {  	[tilespmem:s12+$0x0] =	vst v0  }
0x4e: {  	[tilespmem:s12+$0xFFFFFFF0] =	vst v0  }
0x4f: {  	[tilespmem:s12+$0xFFFFFFE0] =	vst v0  }
0x50: {  	[tilespmem:s12+$0xFFFFFFD0] =	vst v0  }
0x51: {  	[tilespmem:s13+$0xFFFFFFC0] =	vst v0  }
0x52: {  	[tilespmem:s13+$0x30] =	vst v0  }
0x53: {  	[tilespmem:s13+$0x20] =	vst v0  }
0x54: {  	[tilespmem:s13+$0x10] =	vst v0  }
0x55: {  	[tilespmem:s13+$0x0] =	vst v0  }
0x56: {  	[tilespmem:s13+$0xFFFFFFF0] =	vst v0  }
0x57: {  	s14 =	simm.s32 $0x0;
	s12 =	simm.s32 $0x14140;
	[tilespmem:s13+$0xFFFFFFE0] =	vst v0  }
.LBB2_5:
0x58: {  	s14 =	sadd.s32 $0x4, s14;
	[tilespmem:s13+$0xFFFFFFD0] =	vst v0;
	s13 =	sadd.s32 $0x80, s13  }
0x59: {  	[tilespmem:s13+$0xFFFFFFC0] =	vst v0;
	p0 =	slt.u32 s14, $0x7C  }
0x5a: {  	[tilespmem:s13+$0x30] =	vst v0  }
.Ltmp5:
0x5b: {  	[tilespmem:s13+$0x20] =	vst v0;
	(pc) =	sbr.rel @p0 .LBB2_5-.Ltmp5, $4  }
0x5c: {  	[tilespmem:s13+$0x10] =	vst v0  }
0x5d: {  	[tilespmem:s13+$0x0] =	vst v0  }
0x5e: {  	[tilespmem:s13+$0xFFFFFFF0] =	vst v0  }
0x5f: {  	[tilespmem:s13+$0xFFFFFFE0] =	vst v0  }
0x60: {  	[tilespmem:s13+$0xFFFFFFD0] =	vst v0  }
0x61: {  	[tilespmem:s12+$0xFFFFFFC0] =	vst v0  }
0x62: {  	[tilespmem:s12+$0x30] =	vst v0  }
0x63: {  	[tilespmem:s12+$0x20] =	vst v0  }
0x64: {  	[tilespmem:s12+$0x10] =	vst v0  }
0x65: {  	[tilespmem:s12+$0x0] =	vst v0  }
0x66: {  	[tilespmem:s12+$0xFFFFFFF0] =	vst v0  }
0x67: {  	s14 =	simm.s32 $0x0;
	[tilespmem:s12+$0xFFFFFFE0] =	vst v0  }
.LBB2_7:
0x68: {  	s14 =	sadd.s32 $0x4, s14;
	[tilespmem:s12+$0xFFFFFFD0] =	vst v0;
	s12 =	sadd.s32 $0x80, s12;
	s13 =	simm.s32 $0x15140  }
0x69: {  	[tilespmem:s12+$0xFFFFFFC0] =	vst v0;
	p0 =	slt.u32 s14, $0x7C  }
0x6a: {  	[tilespmem:s12+$0x30] =	vst v0  }
.Ltmp6:
0x6b: {  	[tilespmem:s12+$0x20] =	vst v0;
	(pc) =	sbr.rel @p0 .LBB2_7-.Ltmp6, $4  }
0x6c: {  	[tilespmem:s12+$0x10] =	vst v0  }
0x6d: {  	[tilespmem:s12+$0x0] =	vst v0  }
0x6e: {  	[tilespmem:s12+$0xFFFFFFF0] =	vst v0  }
0x6f: {  	[tilespmem:s12+$0xFFFFFFE0] =	vst v0  }
0x70: {  	[tilespmem:s12+$0xFFFFFFD0] =	vst v0  }
0x71: {  	[tilespmem:s13+$0xFFFFFFC0] =	vst v0  }
0x72: {  	[tilespmem:s13+$0x30] =	vst v0  }
0x73: {  	[tilespmem:s13+$0x20] =	vst v0  }
0x74: {  	[tilespmem:s13+$0x10] =	vst v0  }
0x75: {  	[tilespmem:s13+$0x0] =	vst v0  }
0x76: {  	[tilespmem:s13+$0xFFFFFFF0] =	vst v0  }
0x77: {  	s14 =	simm.s32 $0x0;
	s12 =	simm.s32 $0x16140;
	[tilespmem:s13+$0xFFFFFFE0] =	vst v0  }
.LBB2_9:
0x78: {  	s14 =	sadd.s32 $0x4, s14;
	[tilespmem:s13+$0xFFFFFFD0] =	vst v0;
	s13 =	sadd.s32 $0x80, s13  }
0x79: {  	[tilespmem:s13+$0xFFFFFFC0] =	vst v0;
	p0 =	slt.u32 s14, $0x7C  }
0x7a: {  	[tilespmem:s13+$0x30] =	vst v0  }
.Ltmp7:
0x7b: {  	[tilespmem:s13+$0x20] =	vst v0;
	(pc) =	sbr.rel @p0 .LBB2_9-.Ltmp7, $4  }
0x7c: {  	[tilespmem:s13+$0x10] =	vst v0  }
0x7d: {  	[tilespmem:s13+$0x0] =	vst v0  }
0x7e: {  	[tilespmem:s13+$0xFFFFFFF0] =	vst v0  }
0x7f: {  	[tilespmem:s13+$0xFFFFFFE0] =	vst v0  }
0x80: {  	[tilespmem:s13+$0xFFFFFFD0] =	vst v0  }
0x81: {  	[tilespmem:s12+$0xFFFFFFC0] =	vst v0  }
0x82: {  	[tilespmem:s12+$0x30] =	vst v0  }
0x83: {  	[tilespmem:s12+$0x20] =	vst v0  }
0x84: {  	[tilespmem:s12+$0x10] =	vst v0  }
0x85: {  	[tilespmem:s12+$0x0] =	vst v0  }
0x86: {  	[tilespmem:s12+$0xFFFFFFF0] =	vst v0  }
0x87: {  	s14 =	simm.s32 $0x0;
	[tilespmem:s12+$0xFFFFFFE0] =	vst v0  }
.LBB2_11:
0x88: {  	s14 =	sadd.s32 $0x4, s14;
	[tilespmem:s12+$0xFFFFFFD0] =	vst v0;
	s12 =	sadd.s32 $0x80, s12;
	s13 =	simm.s32 $0x17140  }
0x89: {  	[tilespmem:s12+$0xFFFFFFC0] =	vst v0;
	p0 =	slt.u32 s14, $0x7C  }
0x8a: {  	[tilespmem:s12+$0x30] =	vst v0  }
.Ltmp8:
0x8b: {  	[tilespmem:s12+$0x20] =	vst v0;
	(pc) =	sbr.rel @p0 .LBB2_11-.Ltmp8, $4  }
0x8c: {  	[tilespmem:s12+$0x10] =	vst v0  }
0x8d: {  	[tilespmem:s12+$0x0] =	vst v0  }
0x8e: {  	[tilespmem:s12+$0xFFFFFFF0] =	vst v0  }
0x8f: {  	[tilespmem:s12+$0xFFFFFFE0] =	vst v0  }
0x90: {  	[tilespmem:s12+$0xFFFFFFD0] =	vst v0  }
0x91: {  	[tilespmem:s13+$0xFFFFFFC0] =	vst v0  }
0x92: {  	[tilespmem:s13+$0x30] =	vst v0  }
0x93: {  	[tilespmem:s13+$0x20] =	vst v0  }
0x94: {  	[tilespmem:s13+$0x10] =	vst v0  }
0x95: {  	[tilespmem:s13+$0x0] =	vst v0  }
0x96: {  	[tilespmem:s13+$0xFFFFFFF0] =	vst v0  }
0x97: {  	s14 =	simm.s32 $0x0;
	s12 =	simm.s32 $0x18140;
	[tilespmem:s13+$0xFFFFFFE0] =	vst v0  }
.LBB2_13:
0x98: {  	s14 =	sadd.s32 $0x4, s14;
	[tilespmem:s13+$0xFFFFFFD0] =	vst v0;
	s13 =	sadd.s32 $0x80, s13  }
0x99: {  	[tilespmem:s13+$0xFFFFFFC0] =	vst v0;
	p0 =	slt.u32 s14, $0x7C  }
0x9a: {  	[tilespmem:s13+$0x30] =	vst v0  }
.Ltmp9:
0x9b: {  	[tilespmem:s13+$0x20] =	vst v0;
	(pc) =	sbr.rel @p0 .LBB2_13-.Ltmp9, $4  }
0x9c: {  	[tilespmem:s13+$0x10] =	vst v0  }
0x9d: {  	[tilespmem:s13+$0x0] =	vst v0  }
0x9e: {  	[tilespmem:s13+$0xFFFFFFF0] =	vst v0  }
0x9f: {  	[tilespmem:s13+$0xFFFFFFE0] =	vst v0  }
0xa0: {  	[tilespmem:s13+$0xFFFFFFD0] =	vst v0  }
0xa1: {  	[tilespmem:s12+$0xFFFFFFC0] =	vst v0  }
0xa2: {  	[tilespmem:s12+$0x30] =	vst v0  }
0xa3: {  	[tilespmem:s12+$0x20] =	vst v0  }
0xa4: {  	[tilespmem:s12+$0x10] =	vst v0  }
0xa5: {  	[tilespmem:s12+$0x0] =	vst v0  }
0xa6: {  	[tilespmem:s12+$0xFFFFFFF0] =	vst v0  }
0xa7: {  	s14 =	simm.s32 $0x0;
	[tilespmem:s12+$0xFFFFFFE0] =	vst v0  }
.LBB2_15:
0xa8: {  	s14 =	sadd.s32 $0x4, s14;
	[tilespmem:s12+$0xFFFFFFD0] =	vst v0;
	s12 =	sadd.s32 $0x80, s12;
	s13 =	simm.s32 $0x19140  }
0xa9: {  	[tilespmem:s12+$0xFFFFFFC0] =	vst v0;
	p0 =	slt.u32 s14, $0x7C  }
0xaa: {  	[tilespmem:s12+$0x30] =	vst v0  }
.Ltmp10:
0xab: {  	[tilespmem:s12+$0x20] =	vst v0;
	(pc) =	sbr.rel @p0 .LBB2_15-.Ltmp10, $4  }
0xac: {  	[tilespmem:s12+$0x10] =	vst v0  }
0xad: {  	[tilespmem:s12+$0x0] =	vst v0  }
0xae: {  	[tilespmem:s12+$0xFFFFFFF0] =	vst v0  }
0xaf: {  	[tilespmem:s12+$0xFFFFFFE0] =	vst v0  }
0xb0: {  	[tilespmem:s12+$0xFFFFFFD0] =	vst v0  }
0xb1: {  	[tilespmem:s13+$0xFFFFFFC0] =	vst v0  }
0xb2: {  	[tilespmem:s13+$0x30] =	vst v0  }
0xb3: {  	[tilespmem:s13+$0x20] =	vst v0  }
0xb4: {  	[tilespmem:s13+$0x10] =	vst v0  }
0xb5: {  	[tilespmem:s13+$0x0] =	vst v0  }
0xb6: {  	[tilespmem:s13+$0xFFFFFFF0] =	vst v0  }
0xb7: {  	s14 =	simm.s32 $0x0;
	s12 =	simm.s32 $0x1A140;
	[tilespmem:s13+$0xFFFFFFE0] =	vst v0  }
.LBB2_17:
0xb8: {  	s14 =	sadd.s32 $0x4, s14;
	[tilespmem:s13+$0xFFFFFFD0] =	vst v0;
	s13 =	sadd.s32 $0x80, s13  }
0xb9: {  	[tilespmem:s13+$0xFFFFFFC0] =	vst v0;
	p0 =	slt.u32 s14, $0x7C  }
0xba: {  	[tilespmem:s13+$0x30] =	vst v0  }
.Ltmp11:
0xbb: {  	[tilespmem:s13+$0x20] =	vst v0;
	(pc) =	sbr.rel @p0 .LBB2_17-.Ltmp11, $4  }
0xbc: {  	[tilespmem:s13+$0x10] =	vst v0  }
0xbd: {  	[tilespmem:s13+$0x0] =	vst v0  }
0xbe: {  	[tilespmem:s13+$0xFFFFFFF0] =	vst v0  }
0xbf: {  	[tilespmem:s13+$0xFFFFFFE0] =	vst v0  }
0xc0: {  	[tilespmem:s13+$0xFFFFFFD0] =	vst v0  }
0xc1: {  	[tilespmem:s12+$0xFFFFFFC0] =	vst v0  }
0xc2: {  	[tilespmem:s12+$0x30] =	vst v0  }
0xc3: {  	[tilespmem:s12+$0x20] =	vst v0  }
0xc4: {  	[tilespmem:s12+$0x10] =	vst v0  }
0xc5: {  	[tilespmem:s12+$0x0] =	vst v0  }
0xc6: {  	[tilespmem:s12+$0xFFFFFFF0] =	vst v0  }
0xc7: {  	s13 =	simm.s32 $0x0;
	[tilespmem:s12+$0xFFFFFFE0] =	vst v0  }
.LBB2_19:
0xc8: {  	s13 =	sadd.s32 $0x4, s13;
	[tilespmem:s12+$0xFFFFFFD0] =	vst v0;
	s12 =	sadd.s32 $0x80, s12  }
0xc9: {  	[tilespmem:s12+$0xFFFFFFC0] =	vst v0;
	p0 =	slt.u32 s13, $0x7C  }
0xca: {  	[tilespmem:s12+$0x30] =	vst v0  }
.Ltmp12:
0xcb: {  	[tilespmem:s12+$0x20] =	vst v0;
	(pc) =	sbr.rel @p0 .LBB2_19-.Ltmp12, $4  }
0xcc: {  	[tilespmem:s12+$0x10] =	vst v0  }
0xcd: {  	[tilespmem:s12+$0x0] =	vst v0  }
0xce: {  	[tilespmem:s12+$0xFFFFFFF0] =	vst v0  }
0xcf: {  	[tilespmem:s12+$0xFFFFFFE0] =	vst v0  }
0xd0: {  	s17 =	sadd.s32 s22, s0  }
0xd1: {  	s13 =	sshll.u32 s17, $0x4  }
0xd2: {  	[tilespmem:s12+$0xFFFFFFD0] =	vst v0;
	s23 =	simm.s32 $0x0;
	s30 =	sadd.s32 s11, s13  }
0xd3: {  	[tilespmem:s23], [sflag:$0x3] =	stream.linear.gather [hbm4b:s30+s23], $0x80, $0x38;
	[tilespmem:$0x1B100] =	vst v63  }
0xd4: {  	_ =	swait.ge [sflag:s24], $0x80  }
0xd5: {  	[sflag:s24] =	ssyncset.done $0x0  }
0xd6: {  	s13 =	simm.s32 $0x100;
	[sflag:s24] =	ssyncadd.s32 $0xFFFFFF80  }
0xd7: {  	[tilespmem:s13], [sflag:$0x1] =	stream.indirect.gather [hbm4b:s1+s25], $0x20, s23, s25, $0xb8;
	[tilespmem:$0x1B100] =	vst v63  }
0xd8: {  	s14 =	simm.s32 $0x1100  }
0xd9: {  	[tilespmem:s14], [sflag:$0x1] =	stream.indirect.gather [hbm4b:s3+s25], $0x20, s23, s25, $0xb8;
	[tilespmem:$0x1B100] =	vst v63  }
0xda: {  	s15 =	simm.s32 $0x2100  }
0xdb: {  	[tilespmem:s15], [sflag:$0x1] =	stream.indirect.gather [hbm4b:s4+s25], $0x20, s23, s25, $0xb8;
	[tilespmem:$0x1B100] =	vst v63  }
0xdc: {  	s16 =	simm.s32 $0x3100  }
0xdd: {  	[tilespmem:s16], [sflag:$0x1] =	stream.indirect.gather [hbm4b:s5+s25], $0x20, s23, s25, $0xb8;
	[tilespmem:$0x1B100] =	vst v63  }
0xde: {  	s18 =	simm.s32 $0x4100  }
0xdf: {  	[tilespmem:s18], [sflag:$0x1] =	stream.indirect.gather [hbm4b:s6+s25], $0x20, s23, s25, $0xb8;
	[tilespmem:$0x1B100] =	vst v63  }
0xe0: {  	s19 =	simm.s32 $0x5100  }
0xe1: {  	[tilespmem:s19], [sflag:$0x1] =	stream.indirect.gather [hbm4b:s7+s25], $0x20, s23, s25, $0xb8;
	[tilespmem:$0x1B100] =	vst v63  }
0xe2: {  	s20 =	simm.s32 $0x6100  }
0xe3: {  	[tilespmem:s20], [sflag:$0x1] =	stream.indirect.gather [hbm4b:s8+s25], $0x20, s23, s25, $0xb8;
	[tilespmem:$0x1B100] =	vst v63  }
.Ltmp13:
0xe4: {  	s26 =	simm.s32 $0x7100;
	(pc) =	sbr.rel .LBB2_21-.Ltmp13, $4  }
0xe5: {  	[tilespmem:s26], [sflag:$0x1] =	stream.indirect.gather [hbm4b:s9+s25], $0x20, s23, s25, $0xb8;
	[tilespmem:$0x1B100] =	vst v63  }
0xe6: {  	s26 =	sshll.u32 s17, $0x7  }
0xe7: {  	s30 =	simm.s32 $0x8100;
	s29 =	sadd.s32 $0x8000, s26  }
0xe8: {  	[tilespmem:s30], [sflag:$0x1] =	stream.indirect.gather [hbm4b:s10+s25], $0x20, s23, s25, $0xb8;
	[tilespmem:$0x1B100] =	vst v63  }
.LBB2_59:
0xe9: {  	v4 =	vadd.f32 v4, v6  }
0xea: {  	[tilespmem:s12+$0x0] =	vst v8  }
0xeb: {  	v63 =	vld [tilespmem:s16+$0x10];
	[tilespmem:s12+$0xFFFFFFE0] =	vst v4  }
0xec: {  	v4 =	vld [tilespmem:s16+$0xFFFFFFF0];
	_ =	sdelay $0x2  }
0xed: {  	v1 =	vadd.f32 v5, v1  }
0xee: {  	[tilespmem:s13+$0x10] =	vst v7;
	v2 =	vadd.f32 v63, v2  }
0xef: {  	[tilespmem:s13+$0xFFFFFFF0] =	vst v1;
	v1 =	vadd.f32 v4, v3  }
0xf0: {  	[tilespmem:s12+$0x10] =	vst v2  }
0xf1: {  	[tilespmem:s12+$0xFFFFFFF0] =	vst v1  }
.LBB2_60:
0xf2: {  	s23 =	sadd.s32 $0x1, s23  }
0xf3: {  	p0 =	sne.s32 s23, $0x1B  }
.Ltmp14:
0xf4: {  	_ = 	snop;
	(pc) =	sbr.rel @!p0 .LBB2_61-.Ltmp14, $1  }
0xf5: {  	_ =	sdelay $0x3  }
.LBB2_21:
0xf6: {  	s30 =	sand.u32 $0x1, s23  }
0xf7: {  	p0 =	seq.s32 s30, $0x1  }
.Ltmp15:
0xf8: {  	_ = 	snop;
	(pc) =	sbr.rel @p0 .LBB2_41-.Ltmp15, $1  }
0xf9: {  	_ =	sdelay $0x3  }
0xfa: {  	p0 =	seq.s32 s23, $0x1A  }
0xfb: {  	s12 =	sshll.u32 @!p0 s23, $0xF  }
0xfc: {  	s12 =	sadd.s32 @!p0 s26, s12  }
0xfd: {  	s12 =	sshrl.u32 @!p0 s12, $0x3  }
0xfe: {  	s12 =	sor.u32 @!p0 $0x1000, s12  }
0xff: {  	s13 =	simm.s32 @!p0 $0x0;
	s14 =	simm.s32 @!p0 $0x80;
	s12 =	sadd.s32 @!p0 s11, s12  }
0x100: {  	[tilespmem:s14], [sflag:$0x3] =	stream.linear.gather @!p0 [hbm4b:s12+s13], $0x80, $0x38;
	[tilespmem:$0x1B100] =	vst v63  }
0x101: {  	s12 =	simm.s32 @!p0 $0x3  }
0x102: {  	_ =	swait.ge @!p0 [sflag:s12], $0x80  }
0x103: {  	[sflag:s12] =	ssyncset.done @!p0 $0x0  }
0x104: {  	[sflag:s12] =	ssyncadd.s32 @!p0 $0xFFFFFF80;
	s12 =	simm.s32 @!p0 $0x9100  }
0x105: {  	[tilespmem:s12], [sflag:$0x2] =	stream.indirect.gather @!p0 [hbm4b:s1+s14], $0x20, s14, s14, $0xb8;
	[tilespmem:$0x1B100] =	vst v63  }
0x106: {  	s12 =	simm.s32 @!p0 $0xA100  }
0x107: {  	[tilespmem:s12], [sflag:$0x2] =	stream.indirect.gather @!p0 [hbm4b:s3+s14], $0x20, s14, s14, $0xb8;
	[tilespmem:$0x1B100] =	vst v63  }
0x108: {  	s12 =	simm.s32 @!p0 $0xB100  }
0x109: {  	[tilespmem:s12], [sflag:$0x2] =	stream.indirect.gather @!p0 [hbm4b:s4+s14], $0x20, s14, s14, $0xb8;
	[tilespmem:$0x1B100] =	vst v63  }
0x10a: {  	s12 =	simm.s32 @!p0 $0xC100  }
0x10b: {  	[tilespmem:s12], [sflag:$0x2] =	stream.indirect.gather @!p0 [hbm4b:s5+s14], $0x20, s14, s14, $0xb8;
	[tilespmem:$0x1B100] =	vst v63  }
0x10c: {  	s12 =	simm.s32 @!p0 $0xD100  }
0x10d: {  	[tilespmem:s12], [sflag:$0x2] =	stream.indirect.gather @!p0 [hbm4b:s6+s14], $0x20, s14, s14, $0xb8;
	[tilespmem:$0x1B100] =	vst v63  }
0x10e: {  	s12 =	simm.s32 @!p0 $0xE100  }
0x10f: {  	[tilespmem:s12], [sflag:$0x2] =	stream.indirect.gather @!p0 [hbm4b:s7+s14], $0x20, s14, s14, $0xb8;
	[tilespmem:$0x1B100] =	vst v63  }
0x110: {  	s12 =	simm.s32 @!p0 $0xF100  }
0x111: {  	[tilespmem:s12], [sflag:$0x2] =	stream.indirect.gather @!p0 [hbm4b:s8+s14], $0x20, s14, s14, $0xb8;
	[tilespmem:$0x1B100] =	vst v63  }
0x112: {  	s12 =	simm.s32 @!p0 $0x10100  }
0x113: {  	[tilespmem:s12], [sflag:$0x2] =	stream.indirect.gather @!p0 [hbm4b:s9+s14], $0x20, s14, s14, $0xb8;
	[tilespmem:$0x1B100] =	vst v63  }
0x114: {  	s12 =	simm.s32 @!p0 $0x11100  }
0x115: {  	[tilespmem:s12], [sflag:$0x2] =	stream.indirect.gather @!p0 [hbm4b:s10+s14], $0x20, s14, s14, $0xb8;
	[tilespmem:$0x1B100] =	vst v63  }
0x116: {  	_ =	swait.ge [sflag:s31], $0x1000  }
0x117: {  	[sflag:s31] =	ssyncset.done $0x0  }
0x118: {  	[sflag:s31] =	ssyncadd.s32 $0xFFFFF000  }
0x119: {  	_ =	swait.ge [sflag:s31], $0x1000  }
0x11a: {  	[sflag:s31] =	ssyncset.done $0x0  }
0x11b: {  	[sflag:s31] =	ssyncadd.s32 $0xFFFFF000  }
0x11c: {  	_ =	swait.ge [sflag:s31], $0x1000  }
0x11d: {  	[sflag:s31] =	ssyncset.done $0x0  }
0x11e: {  	[sflag:s31] =	ssyncadd.s32 $0xFFFFF000  }
0x11f: {  	_ =	swait.ge [sflag:s31], $0x1000  }
0x120: {  	[sflag:s31] =	ssyncset.done $0x0  }
0x121: {  	[sflag:s31] =	ssyncadd.s32 $0xFFFFF000  }
0x122: {  	_ =	swait.ge [sflag:s31], $0x1000  }
0x123: {  	[sflag:s31] =	ssyncset.done $0x0  }
0x124: {  	[sflag:s31] =	ssyncadd.s32 $0xFFFFF000  }
0x125: {  	_ =	swait.ge [sflag:s31], $0x1000  }
0x126: {  	[sflag:s31] =	ssyncset.done $0x0  }
0x127: {  	[sflag:s31] =	ssyncadd.s32 $0xFFFFF000  }
0x128: {  	_ =	swait.ge [sflag:s31], $0x1000  }
0x129: {  	[sflag:s31] =	ssyncset.done $0x0  }
0x12a: {  	[sflag:s31] =	ssyncadd.s32 $0xFFFFF000  }
0x12b: {  	_ =	swait.ge [sflag:s31], $0x1000  }
0x12c: {  	[sflag:s31] =	ssyncset.done $0x0  }
0x12d: {  	[sflag:s31] =	ssyncadd.s32 $0xFFFFF000  }
0x12e: {  	_ =	swait.ge [sflag:s31], $0x1000  }
0x12f: {  	[sflag:s31] =	ssyncset.done $0x0  }
0x130: {  	s13 =	simm.s32 $0x12120;
	[sflag:s31] =	ssyncadd.s32 $0xFFFFF000  }
0x131: {  	s20 =	simm.s32 $0x120;
	v2 =	vld [tilespmem:s13+$0x0]  }
0x132: {  	v3 =	vld [tilespmem:s20+$0x0];
	_ =	sdelay $0x1  }
0x133: {  	v4 =	vld [tilespmem:s20+$0xFFFFFFE0]  }
0x134: {  	v5 =	vld [tilespmem:s13+$0xFFFFFFE0]  }
0x135: {  	v1 =	vld [tilespmem:s13+$0xFFFFFFF0]  }
0x136: {  	s14 =	simm.s32 $0x12160;
	v7 =	vld [tilespmem:s13+$0x10];
	v2 =	vadd.f32 v3, v2  }
0x137: {  	s16 =	simm.s32 $0x160;
	v8 =	vld [tilespmem:s14+$0x0]  }
0x138: {  	[tilespmem:s13+$0x0] =	vst v2;
	v2 =	vld [tilespmem:s16+$0x0]  }
0x139: {  	v3 =	vadd.f32 v4, v5;
	v9 =	vld [tilespmem:s20+$0x10]  }
0x13a: {  	v6 =	vld [tilespmem:s14+$0xFFFFFFE0]  }
0x13b: {  	v4 =	vld [tilespmem:s16+$0xFFFFFFE0];
	[tilespmem:s13+$0xFFFFFFE0] =	vst v3  }
0x13c: {  	v5 =	vld [tilespmem:s20+$0xFFFFFFF0]  }
0x13d: {  	v3 =	vld [tilespmem:s14+$0xFFFFFFF0];
	v8 =	vadd.f32 v2, v8  }
0x13e: {  	s18 =	simm.s32 $0x2;
	s19 =	simm.s32 $0x160;
	s20 =	simm.s32 $0x121A0;
	v2 =	vld [tilespmem:s14+$0x10];
	v7 =	vadd.f32 v9, v7  }
.LBB2_23:
0x13f: {  	v9 =	vld [tilespmem:s20+$0x0];
	[tilespmem:s14+$0x0] =	vst v8;
	s16 =	sadd.s32 $0x40, s16  }
0x140: {  	s15 =	simm.s32 $0x1120;
	s12 =	simm.s32 $0x13120;
	s18 =	sadd.s32 $0x2, s18;
	v8 =	vld [tilespmem:s16+$0x0];
	v6 =	vadd.f32 v4, v6;
	[tilespmem:s13+$0x10] =	vst v7  }
0x141: {  	p0 =	slt.u32 s18, $0x7E;
	v7 =	vld [tilespmem:s19+$0x10];
	v5 =	vadd.f32 v5, v1  }
.Ltmp16:
0x142: {  	v4 =	vld [tilespmem:s16+$0xFFFFFFE0];
	[tilespmem:s14+$0xFFFFFFE0] =	vst v6;
	v1 =	vmov v3;
	(pc) =	sbr.rel @p0 .LBB2_23-.Ltmp16, $4  }
0x143: {  	v6 =	vld [tilespmem:s20+$0xFFFFFFE0];
	[tilespmem:s13+$0xFFFFFFF0] =	vst v5;
	s13 =	smov.u32 s14;
	s14 =	smov.u32 s20  }
0x144: {  	v5 =	vld [tilespmem:s19+$0xFFFFFFF0];
	s19 =	smov.u32 s16  }
0x145: {  	v3 =	vld [tilespmem:s20+$0xFFFFFFF0];
	v8 =	vadd.f32 v8, v9  }
0x146: {  	s20 =	sadd.s32 $0x40, s20;
	v7 =	vadd.f32 v7, v2;
	v2 =	vld [tilespmem:s14+$0x10]  }
0x147: {  	_ = 	snop  }
0x148: {  	v4 =	vadd.f32 v4, v6  }
0x149: {  	[tilespmem:s14+$0x0] =	vst v8  }
0x14a: {  	v6 =	vld [tilespmem:s19+$0x10];
	[tilespmem:s14+$0xFFFFFFE0] =	vst v4  }
0x14b: {  	v4 =	vld [tilespmem:s19+$0xFFFFFFF0];
	_ =	sdelay $0x2  }
0x14c: {  	v1 =	vadd.f32 v5, v1  }
0x14d: {  	[tilespmem:s13+$0x10] =	vst v7;
	v2 =	vadd.f32 v6, v2  }
0x14e: {  	[tilespmem:s13+$0xFFFFFFF0] =	vst v1;
	v1 =	vadd.f32 v4, v3  }
0x14f: {  	[tilespmem:s14+$0x10] =	vst v2  }
0x150: {  	[tilespmem:s14+$0xFFFFFFF0] =	vst v1  }
0x151: {  	v2 =	vld [tilespmem:s12+$0x0]  }
0x152: {  	v3 =	vld [tilespmem:s15+$0x0];
	_ =	sdelay $0x1  }
0x153: {  	v4 =	vld [tilespmem:s15+$0xFFFFFFE0]  }
0x154: {  	v5 =	vld [tilespmem:s12+$0xFFFFFFE0]  }
0x155: {  	v1 =	vld [tilespmem:s12+$0xFFFFFFF0]  }
0x156: {  	s14 =	simm.s32 $0x13160;
	v7 =	vld [tilespmem:s12+$0x10];
	v2 =	vadd.f32 v3, v2  }
0x157: {  	s16 =	simm.s32 $0x1160;
	v8 =	vld [tilespmem:s14+$0x0]  }
0x158: {  	[tilespmem:s12+$0x0] =	vst v2;
	v2 =	vld [tilespmem:s16+$0x0]  }
0x159: {  	v3 =	vadd.f32 v4, v5;
	v9 =	vld [tilespmem:s15+$0x10]  }
0x15a: {  	v6 =	vld [tilespmem:s14+$0xFFFFFFE0]  }
0x15b: {  	v4 =	vld [tilespmem:s16+$0xFFFFFFE0];
	[tilespmem:s12+$0xFFFFFFE0] =	vst v3  }
0x15c: {  	v5 =	vld [tilespmem:s15+$0xFFFFFFF0]  }
0x15d: {  	v3 =	vld [tilespmem:s14+$0xFFFFFFF0];
	v8 =	vadd.f32 v2, v8  }
0x15e: {  	s18 =	simm.s32 $0x2;
	s20 =	simm.s32 $0x131A0;
	s19 =	simm.s32 $0x1160;
	v2 =	vld [tilespmem:s14+$0x10];
	v7 =	vadd.f32 v9, v7  }
.LBB2_25:
0x15f: {  	v9 =	vld [tilespmem:s20+$0x0];
	[tilespmem:s14+$0x0] =	vst v8;
	s16 =	sadd.s32 $0x40, s16  }
0x160: {  	s15 =	simm.s32 $0x2120;
	s13 =	simm.s32 $0x14120;
	s18 =	sadd.s32 $0x2, s18;
	v8 =	vld [tilespmem:s16+$0x0];
	v6 =	vadd.f32 v4, v6;
	[tilespmem:s12+$0x10] =	vst v7  }
0x161: {  	p0 =	slt.u32 s18, $0x7E;
	v7 =	vld [tilespmem:s19+$0x10];
	v5 =	vadd.f32 v5, v1  }
.Ltmp17:
0x162: {  	v4 =	vld [tilespmem:s16+$0xFFFFFFE0];
	[tilespmem:s14+$0xFFFFFFE0] =	vst v6;
	v1 =	vmov v3;
	(pc) =	sbr.rel @p0 .LBB2_25-.Ltmp17, $4  }
0x163: {  	v6 =	vld [tilespmem:s20+$0xFFFFFFE0];
	[tilespmem:s12+$0xFFFFFFF0] =	vst v5;
	s12 =	smov.u32 s14;
	s14 =	smov.u32 s20  }
0x164: {  	v5 =	vld [tilespmem:s19+$0xFFFFFFF0];
	s19 =	smov.u32 s16  }
0x165: {  	v3 =	vld [tilespmem:s20+$0xFFFFFFF0];
	v8 =	vadd.f32 v8, v9  }
0x166: {  	s20 =	sadd.s32 $0x40, s20;
	v7 =	vadd.f32 v7, v2;
	v2 =	vld [tilespmem:s14+$0x10]  }
0x167: {  	_ = 	snop  }
0x168: {  	v4 =	vadd.f32 v4, v6  }
0x169: {  	[tilespmem:s14+$0x0] =	vst v8  }
0x16a: {  	v6 =	vld [tilespmem:s19+$0x10];
	[tilespmem:s14+$0xFFFFFFE0] =	vst v4  }
0x16b: {  	v4 =	vld [tilespmem:s19+$0xFFFFFFF0];
	_ =	sdelay $0x2  }
0x16c: {  	v1 =	vadd.f32 v5, v1  }
0x16d: {  	[tilespmem:s12+$0x10] =	vst v7;
	v2 =	vadd.f32 v6, v2  }
0x16e: {  	[tilespmem:s12+$0xFFFFFFF0] =	vst v1;
	v1 =	vadd.f32 v4, v3  }
0x16f: {  	[tilespmem:s14+$0x10] =	vst v2  }
0x170: {  	[tilespmem:s14+$0xFFFFFFF0] =	vst v1  }
0x171: {  	v2 =	vld [tilespmem:s13+$0x0]  }
0x172: {  	v3 =	vld [tilespmem:s15+$0x0];
	_ =	sdelay $0x1  }
0x173: {  	v4 =	vld [tilespmem:s15+$0xFFFFFFE0]  }
0x174: {  	v5 =	vld [tilespmem:s13+$0xFFFFFFE0]  }
0x175: {  	v1 =	vld [tilespmem:s13+$0xFFFFFFF0]  }
0x176: {  	s14 =	simm.s32 $0x14160;
	v7 =	vld [tilespmem:s13+$0x10];
	v2 =	vadd.f32 v3, v2  }
0x177: {  	s16 =	simm.s32 $0x2160;
	v8 =	vld [tilespmem:s14+$0x0]  }
0x178: {  	[tilespmem:s13+$0x0] =	vst v2;
	v2 =	vld [tilespmem:s16+$0x0]  }
0x179: {  	v3 =	vadd.f32 v4, v5;
	v9 =	vld [tilespmem:s15+$0x10]  }
0x17a: {  	v6 =	vld [tilespmem:s14+$0xFFFFFFE0]  }
0x17b: {  	v4 =	vld [tilespmem:s16+$0xFFFFFFE0];
	[tilespmem:s13+$0xFFFFFFE0] =	vst v3  }
0x17c: {  	v5 =	vld [tilespmem:s15+$0xFFFFFFF0]  }
0x17d: {  	v3 =	vld [tilespmem:s14+$0xFFFFFFF0];
	v8 =	vadd.f32 v2, v8  }
0x17e: {  	s18 =	simm.s32 $0x2;
	s20 =	simm.s32 $0x141A0;
	s19 =	simm.s32 $0x2160;
	v2 =	vld [tilespmem:s14+$0x10];
	v7 =	vadd.f32 v9, v7  }
.LBB2_27:
0x17f: {  	v9 =	vld [tilespmem:s20+$0x0];
	[tilespmem:s14+$0x0] =	vst v8;
	s16 =	sadd.s32 $0x40, s16  }
0x180: {  	s15 =	simm.s32 $0x3120;
	s12 =	simm.s32 $0x15120;
	s18 =	sadd.s32 $0x2, s18;
	v8 =	vld [tilespmem:s16+$0x0];
	v6 =	vadd.f32 v4, v6;
	[tilespmem:s13+$0x10] =	vst v7  }
0x181: {  	p0 =	slt.u32 s18, $0x7E;
	v7 =	vld [tilespmem:s19+$0x10];
	v5 =	vadd.f32 v5, v1  }
.Ltmp18:
0x182: {  	v4 =	vld [tilespmem:s16+$0xFFFFFFE0];
	[tilespmem:s14+$0xFFFFFFE0] =	vst v6;
	v1 =	vmov v3;
	(pc) =	sbr.rel @p0 .LBB2_27-.Ltmp18, $4  }
0x183: {  	v6 =	vld [tilespmem:s20+$0xFFFFFFE0];
	[tilespmem:s13+$0xFFFFFFF0] =	vst v5;
	s13 =	smov.u32 s14;
	s14 =	smov.u32 s20  }
0x184: {  	v5 =	vld [tilespmem:s19+$0xFFFFFFF0];
	s19 =	smov.u32 s16  }
0x185: {  	v3 =	vld [tilespmem:s20+$0xFFFFFFF0];
	v8 =	vadd.f32 v8, v9  }
0x186: {  	s20 =	sadd.s32 $0x40, s20;
	v7 =	vadd.f32 v7, v2;
	v2 =	vld [tilespmem:s14+$0x10]  }
0x187: {  	_ = 	snop  }
0x188: {  	v4 =	vadd.f32 v4, v6  }
0x189: {  	[tilespmem:s14+$0x0] =	vst v8  }
0x18a: {  	v6 =	vld [tilespmem:s19+$0x10];
	[tilespmem:s14+$0xFFFFFFE0] =	vst v4  }
0x18b: {  	v4 =	vld [tilespmem:s19+$0xFFFFFFF0];
	_ =	sdelay $0x2  }
0x18c: {  	v1 =	vadd.f32 v5, v1  }
0x18d: {  	[tilespmem:s13+$0x10] =	vst v7;
	v2 =	vadd.f32 v6, v2  }
0x18e: {  	[tilespmem:s13+$0xFFFFFFF0] =	vst v1;
	v1 =	vadd.f32 v4, v3  }
0x18f: {  	[tilespmem:s14+$0x10] =	vst v2  }
0x190: {  	[tilespmem:s14+$0xFFFFFFF0] =	vst v1  }
0x191: {  	v2 =	vld [tilespmem:s12+$0x0]  }
0x192: {  	v3 =	vld [tilespmem:s15+$0x0];
	_ =	sdelay $0x1  }
0x193: {  	v4 =	vld [tilespmem:s15+$0xFFFFFFE0]  }
0x194: {  	v5 =	vld [tilespmem:s12+$0xFFFFFFE0]  }
0x195: {  	v1 =	vld [tilespmem:s12+$0xFFFFFFF0]  }
0x196: {  	s14 =	simm.s32 $0x15160;
	v7 =	vld [tilespmem:s12+$0x10];
	v2 =	vadd.f32 v3, v2  }
0x197: {  	s16 =	simm.s32 $0x3160;
	v8 =	vld [tilespmem:s14+$0x0]  }
0x198: {  	[tilespmem:s12+$0x0] =	vst v2;
	v2 =	vld [tilespmem:s16+$0x0]  }
0x199: {  	v3 =	vadd.f32 v4, v5;
	v9 =	vld [tilespmem:s15+$0x10]  }
0x19a: {  	v6 =	vld [tilespmem:s14+$0xFFFFFFE0]  }
0x19b: {  	v4 =	vld [tilespmem:s16+$0xFFFFFFE0];
	[tilespmem:s12+$0xFFFFFFE0] =	vst v3  }
0x19c: {  	v5 =	vld [tilespmem:s15+$0xFFFFFFF0]  }
0x19d: {  	v3 =	vld [tilespmem:s14+$0xFFFFFFF0];
	v8 =	vadd.f32 v2, v8  }
0x19e: {  	s18 =	simm.s32 $0x2;
	s20 =	simm.s32 $0x151A0;
	s19 =	simm.s32 $0x3160;
	v2 =	vld [tilespmem:s14+$0x10];
	v7 =	vadd.f32 v9, v7  }
.LBB2_29:
0x19f: {  	v9 =	vld [tilespmem:s20+$0x0];
	[tilespmem:s14+$0x0] =	vst v8;
	s16 =	sadd.s32 $0x40, s16  }
0x1a0: {  	s15 =	simm.s32 $0x4120;
	s13 =	simm.s32 $0x16120;
	s18 =	sadd.s32 $0x2, s18;
	v8 =	vld [tilespmem:s16+$0x0];
	v6 =	vadd.f32 v4, v6;
	[tilespmem:s12+$0x10] =	vst v7  }
0x1a1: {  	p0 =	slt.u32 s18, $0x7E;
	v7 =	vld [tilespmem:s19+$0x10];
	v5 =	vadd.f32 v5, v1  }
.Ltmp19:
0x1a2: {  	v4 =	vld [tilespmem:s16+$0xFFFFFFE0];
	[tilespmem:s14+$0xFFFFFFE0] =	vst v6;
	v1 =	vmov v3;
	(pc) =	sbr.rel @p0 .LBB2_29-.Ltmp19, $4  }
0x1a3: {  	v6 =	vld [tilespmem:s20+$0xFFFFFFE0];
	[tilespmem:s12+$0xFFFFFFF0] =	vst v5;
	s12 =	smov.u32 s14;
	s14 =	smov.u32 s20  }
0x1a4: {  	v5 =	vld [tilespmem:s19+$0xFFFFFFF0];
	s19 =	smov.u32 s16  }
0x1a5: {  	v3 =	vld [tilespmem:s20+$0xFFFFFFF0];
	v8 =	vadd.f32 v8, v9  }
0x1a6: {  	s20 =	sadd.s32 $0x40, s20;
	v7 =	vadd.f32 v7, v2;
	v2 =	vld [tilespmem:s14+$0x10]  }
0x1a7: {  	_ = 	snop  }
0x1a8: {  	v4 =	vadd.f32 v4, v6  }
0x1a9: {  	[tilespmem:s14+$0x0] =	vst v8  }
0x1aa: {  	v6 =	vld [tilespmem:s19+$0x10];
	[tilespmem:s14+$0xFFFFFFE0] =	vst v4  }
0x1ab: {  	v4 =	vld [tilespmem:s19+$0xFFFFFFF0];
	_ =	sdelay $0x2  }
0x1ac: {  	v1 =	vadd.f32 v5, v1  }
0x1ad: {  	[tilespmem:s12+$0x10] =	vst v7;
	v2 =	vadd.f32 v6, v2  }
0x1ae: {  	[tilespmem:s12+$0xFFFFFFF0] =	vst v1;
	v1 =	vadd.f32 v4, v3  }
0x1af: {  	[tilespmem:s14+$0x10] =	vst v2  }
0x1b0: {  	[tilespmem:s14+$0xFFFFFFF0] =	vst v1  }
0x1b1: {  	v2 =	vld [tilespmem:s13+$0x0]  }
0x1b2: {  	v3 =	vld [tilespmem:s15+$0x0];
	_ =	sdelay $0x1  }
0x1b3: {  	v4 =	vld [tilespmem:s15+$0xFFFFFFE0]  }
0x1b4: {  	v5 =	vld [tilespmem:s13+$0xFFFFFFE0]  }
0x1b5: {  	v1 =	vld [tilespmem:s13+$0xFFFFFFF0]  }
0x1b6: {  	s14 =	simm.s32 $0x16160;
	v7 =	vld [tilespmem:s13+$0x10];
	v2 =	vadd.f32 v3, v2  }
0x1b7: {  	s16 =	simm.s32 $0x4160;
	v8 =	vld [tilespmem:s14+$0x0]  }
0x1b8: {  	[tilespmem:s13+$0x0] =	vst v2;
	v2 =	vld [tilespmem:s16+$0x0]  }
0x1b9: {  	v3 =	vadd.f32 v4, v5;
	v9 =	vld [tilespmem:s15+$0x10]  }
0x1ba: {  	v6 =	vld [tilespmem:s14+$0xFFFFFFE0]  }
0x1bb: {  	v4 =	vld [tilespmem:s16+$0xFFFFFFE0];
	[tilespmem:s13+$0xFFFFFFE0] =	vst v3  }
0x1bc: {  	v5 =	vld [tilespmem:s15+$0xFFFFFFF0]  }
0x1bd: {  	v3 =	vld [tilespmem:s14+$0xFFFFFFF0];
	v8 =	vadd.f32 v2, v8  }
0x1be: {  	s18 =	simm.s32 $0x2;
	s20 =	simm.s32 $0x161A0;
	s19 =	simm.s32 $0x4160;
	v2 =	vld [tilespmem:s14+$0x10];
	v7 =	vadd.f32 v9, v7  }
.LBB2_31:
0x1bf: {  	v9 =	vld [tilespmem:s20+$0x0];
	[tilespmem:s14+$0x0] =	vst v8;
	s16 =	sadd.s32 $0x40, s16  }
0x1c0: {  	s15 =	simm.s32 $0x5120;
	s12 =	simm.s32 $0x17120;
	s18 =	sadd.s32 $0x2, s18;
	v8 =	vld [tilespmem:s16+$0x0];
	v6 =	vadd.f32 v4, v6;
	[tilespmem:s13+$0x10] =	vst v7  }
0x1c1: {  	p0 =	slt.u32 s18, $0x7E;
	v7 =	vld [tilespmem:s19+$0x10];
	v5 =	vadd.f32 v5, v1  }
.Ltmp20:
0x1c2: {  	v4 =	vld [tilespmem:s16+$0xFFFFFFE0];
	[tilespmem:s14+$0xFFFFFFE0] =	vst v6;
	v1 =	vmov v3;
	(pc) =	sbr.rel @p0 .LBB2_31-.Ltmp20, $4  }
0x1c3: {  	v6 =	vld [tilespmem:s20+$0xFFFFFFE0];
	[tilespmem:s13+$0xFFFFFFF0] =	vst v5;
	s13 =	smov.u32 s14;
	s14 =	smov.u32 s20  }
0x1c4: {  	v5 =	vld [tilespmem:s19+$0xFFFFFFF0];
	s19 =	smov.u32 s16  }
0x1c5: {  	v3 =	vld [tilespmem:s20+$0xFFFFFFF0];
	v8 =	vadd.f32 v8, v9  }
0x1c6: {  	s20 =	sadd.s32 $0x40, s20;
	v7 =	vadd.f32 v7, v2;
	v2 =	vld [tilespmem:s14+$0x10]  }
0x1c7: {  	_ = 	snop  }
0x1c8: {  	v4 =	vadd.f32 v4, v6  }
0x1c9: {  	[tilespmem:s14+$0x0] =	vst v8  }
0x1ca: {  	v6 =	vld [tilespmem:s19+$0x10];
	[tilespmem:s14+$0xFFFFFFE0] =	vst v4  }
0x1cb: {  	v4 =	vld [tilespmem:s19+$0xFFFFFFF0];
	_ =	sdelay $0x2  }
0x1cc: {  	v1 =	vadd.f32 v5, v1  }
0x1cd: {  	[tilespmem:s13+$0x10] =	vst v7;
	v2 =	vadd.f32 v6, v2  }
0x1ce: {  	[tilespmem:s13+$0xFFFFFFF0] =	vst v1;
	v1 =	vadd.f32 v4, v3  }
0x1cf: {  	[tilespmem:s14+$0x10] =	vst v2  }
0x1d0: {  	[tilespmem:s14+$0xFFFFFFF0] =	vst v1  }
0x1d1: {  	v2 =	vld [tilespmem:s12+$0x0]  }
0x1d2: {  	v3 =	vld [tilespmem:s15+$0x0];
	_ =	sdelay $0x1  }
0x1d3: {  	v4 =	vld [tilespmem:s15+$0xFFFFFFE0]  }
0x1d4: {  	v5 =	vld [tilespmem:s12+$0xFFFFFFE0]  }
0x1d5: {  	v1 =	vld [tilespmem:s12+$0xFFFFFFF0]  }
0x1d6: {  	s14 =	simm.s32 $0x17160;
	v7 =	vld [tilespmem:s12+$0x10];
	v2 =	vadd.f32 v3, v2  }
0x1d7: {  	s16 =	simm.s32 $0x5160;
	v8 =	vld [tilespmem:s14+$0x0]  }
0x1d8: {  	[tilespmem:s12+$0x0] =	vst v2;
	v2 =	vld [tilespmem:s16+$0x0]  }
0x1d9: {  	v3 =	vadd.f32 v4, v5;
	v9 =	vld [tilespmem:s15+$0x10]  }
0x1da: {  	v6 =	vld [tilespmem:s14+$0xFFFFFFE0]  }
0x1db: {  	v4 =	vld [tilespmem:s16+$0xFFFFFFE0];
	[tilespmem:s12+$0xFFFFFFE0] =	vst v3  }
0x1dc: {  	v5 =	vld [tilespmem:s15+$0xFFFFFFF0]  }
0x1dd: {  	v3 =	vld [tilespmem:s14+$0xFFFFFFF0];
	v8 =	vadd.f32 v2, v8  }
0x1de: {  	s18 =	simm.s32 $0x2;
	s20 =	simm.s32 $0x171A0;
	s19 =	simm.s32 $0x5160;
	v2 =	vld [tilespmem:s14+$0x10];
	v7 =	vadd.f32 v9, v7  }
.LBB2_33:
0x1df: {  	v9 =	vld [tilespmem:s20+$0x0];
	[tilespmem:s14+$0x0] =	vst v8;
	s16 =	sadd.s32 $0x40, s16  }
0x1e0: {  	s15 =	simm.s32 $0x6120;
	s13 =	simm.s32 $0x18120;
	s18 =	sadd.s32 $0x2, s18;
	v8 =	vld [tilespmem:s16+$0x0];
	v6 =	vadd.f32 v4, v6;
	[tilespmem:s12+$0x10] =	vst v7  }
0x1e1: {  	p0 =	slt.u32 s18, $0x7E;
	v7 =	vld [tilespmem:s19+$0x10];
	v5 =	vadd.f32 v5, v1  }
.Ltmp21:
0x1e2: {  	v4 =	vld [tilespmem:s16+$0xFFFFFFE0];
	[tilespmem:s14+$0xFFFFFFE0] =	vst v6;
	v1 =	vmov v3;
	(pc) =	sbr.rel @p0 .LBB2_33-.Ltmp21, $4  }
0x1e3: {  	v6 =	vld [tilespmem:s20+$0xFFFFFFE0];
	[tilespmem:s12+$0xFFFFFFF0] =	vst v5;
	s12 =	smov.u32 s14;
	s14 =	smov.u32 s20  }
0x1e4: {  	v5 =	vld [tilespmem:s19+$0xFFFFFFF0];
	s19 =	smov.u32 s16  }
0x1e5: {  	v3 =	vld [tilespmem:s20+$0xFFFFFFF0];
	v8 =	vadd.f32 v8, v9  }
0x1e6: {  	s20 =	sadd.s32 $0x40, s20;
	v7 =	vadd.f32 v7, v2;
	v2 =	vld [tilespmem:s14+$0x10]  }
0x1e7: {  	_ = 	snop  }
0x1e8: {  	v4 =	vadd.f32 v4, v6  }
0x1e9: {  	[tilespmem:s14+$0x0] =	vst v8  }
0x1ea: {  	v6 =	vld [tilespmem:s19+$0x10];
	[tilespmem:s14+$0xFFFFFFE0] =	vst v4  }
0x1eb: {  	v4 =	vld [tilespmem:s19+$0xFFFFFFF0];
	_ =	sdelay $0x2  }
0x1ec: {  	v1 =	vadd.f32 v5, v1  }
0x1ed: {  	[tilespmem:s12+$0x10] =	vst v7;
	v2 =	vadd.f32 v6, v2  }
0x1ee: {  	[tilespmem:s12+$0xFFFFFFF0] =	vst v1;
	v1 =	vadd.f32 v4, v3  }
0x1ef: {  	[tilespmem:s14+$0x10] =	vst v2  }
0x1f0: {  	[tilespmem:s14+$0xFFFFFFF0] =	vst v1  }
0x1f1: {  	v2 =	vld [tilespmem:s13+$0x0]  }
0x1f2: {  	v3 =	vld [tilespmem:s15+$0x0];
	_ =	sdelay $0x1  }
0x1f3: {  	v4 =	vld [tilespmem:s15+$0xFFFFFFE0]  }
0x1f4: {  	v5 =	vld [tilespmem:s13+$0xFFFFFFE0]  }
0x1f5: {  	v1 =	vld [tilespmem:s13+$0xFFFFFFF0]  }
0x1f6: {  	s14 =	simm.s32 $0x18160;
	v7 =	vld [tilespmem:s13+$0x10];
	v2 =	vadd.f32 v3, v2  }
0x1f7: {  	s16 =	simm.s32 $0x6160;
	v8 =	vld [tilespmem:s14+$0x0]  }
0x1f8: {  	[tilespmem:s13+$0x0] =	vst v2;
	v2 =	vld [tilespmem:s16+$0x0]  }
0x1f9: {  	v3 =	vadd.f32 v4, v5;
	v9 =	vld [tilespmem:s15+$0x10]  }
0x1fa: {  	v6 =	vld [tilespmem:s14+$0xFFFFFFE0]  }
0x1fb: {  	v4 =	vld [tilespmem:s16+$0xFFFFFFE0];
	[tilespmem:s13+$0xFFFFFFE0] =	vst v3  }
0x1fc: {  	v5 =	vld [tilespmem:s15+$0xFFFFFFF0]  }
0x1fd: {  	v3 =	vld [tilespmem:s14+$0xFFFFFFF0];
	v8 =	vadd.f32 v2, v8  }
0x1fe: {  	s18 =	simm.s32 $0x2;
	s20 =	simm.s32 $0x181A0;
	s19 =	simm.s32 $0x6160;
	v2 =	vld [tilespmem:s14+$0x10];
	v7 =	vadd.f32 v9, v7  }
.LBB2_35:
0x1ff: {  	v9 =	vld [tilespmem:s20+$0x0];
	[tilespmem:s14+$0x0] =	vst v8;
	s16 =	sadd.s32 $0x40, s16  }
0x200: {  	s15 =	simm.s32 $0x7120;
	s12 =	simm.s32 $0x19120;
	s18 =	sadd.s32 $0x2, s18;
	v8 =	vld [tilespmem:s16+$0x0];
	v6 =	vadd.f32 v4, v6;
	[tilespmem:s13+$0x10] =	vst v7  }
0x201: {  	p0 =	slt.u32 s18, $0x7E;
	v7 =	vld [tilespmem:s19+$0x10];
	v5 =	vadd.f32 v5, v1  }
.Ltmp22:
0x202: {  	v4 =	vld [tilespmem:s16+$0xFFFFFFE0];
	[tilespmem:s14+$0xFFFFFFE0] =	vst v6;
	v1 =	vmov v3;
	(pc) =	sbr.rel @p0 .LBB2_35-.Ltmp22, $4  }
0x203: {  	v6 =	vld [tilespmem:s20+$0xFFFFFFE0];
	[tilespmem:s13+$0xFFFFFFF0] =	vst v5;
	s13 =	smov.u32 s14;
	s14 =	smov.u32 s20  }
0x204: {  	v5 =	vld [tilespmem:s19+$0xFFFFFFF0];
	s19 =	smov.u32 s16  }
0x205: {  	v3 =	vld [tilespmem:s20+$0xFFFFFFF0];
	v8 =	vadd.f32 v8, v9  }
0x206: {  	s20 =	sadd.s32 $0x40, s20;
	v7 =	vadd.f32 v7, v2;
	v2 =	vld [tilespmem:s14+$0x10]  }
0x207: {  	_ = 	snop  }
0x208: {  	v4 =	vadd.f32 v4, v6  }
0x209: {  	[tilespmem:s14+$0x0] =	vst v8  }
0x20a: {  	v6 =	vld [tilespmem:s19+$0x10];
	[tilespmem:s14+$0xFFFFFFE0] =	vst v4  }
0x20b: {  	v4 =	vld [tilespmem:s19+$0xFFFFFFF0];
	_ =	sdelay $0x2  }
0x20c: {  	v1 =	vadd.f32 v5, v1  }
0x20d: {  	[tilespmem:s13+$0x10] =	vst v7;
	v2 =	vadd.f32 v6, v2  }
0x20e: {  	[tilespmem:s13+$0xFFFFFFF0] =	vst v1;
	v1 =	vadd.f32 v4, v3  }
0x20f: {  	[tilespmem:s14+$0x10] =	vst v2  }
0x210: {  	[tilespmem:s14+$0xFFFFFFF0] =	vst v1  }
0x211: {  	v2 =	vld [tilespmem:s12+$0x0]  }
0x212: {  	v3 =	vld [tilespmem:s15+$0x0];
	_ =	sdelay $0x1  }
0x213: {  	v4 =	vld [tilespmem:s15+$0xFFFFFFE0]  }
0x214: {  	v5 =	vld [tilespmem:s12+$0xFFFFFFE0]  }
0x215: {  	v1 =	vld [tilespmem:s12+$0xFFFFFFF0]  }
0x216: {  	s14 =	simm.s32 $0x19160;
	v7 =	vld [tilespmem:s12+$0x10];
	v2 =	vadd.f32 v3, v2  }
0x217: {  	s16 =	simm.s32 $0x7160;
	v8 =	vld [tilespmem:s14+$0x0]  }
0x218: {  	[tilespmem:s12+$0x0] =	vst v2;
	v2 =	vld [tilespmem:s16+$0x0]  }
0x219: {  	v3 =	vadd.f32 v4, v5;
	v9 =	vld [tilespmem:s15+$0x10]  }
0x21a: {  	v6 =	vld [tilespmem:s14+$0xFFFFFFE0]  }
0x21b: {  	v4 =	vld [tilespmem:s16+$0xFFFFFFE0];
	[tilespmem:s12+$0xFFFFFFE0] =	vst v3  }
0x21c: {  	v5 =	vld [tilespmem:s15+$0xFFFFFFF0]  }
0x21d: {  	v3 =	vld [tilespmem:s14+$0xFFFFFFF0];
	v8 =	vadd.f32 v2, v8  }
0x21e: {  	s18 =	simm.s32 $0x2;
	s20 =	simm.s32 $0x191A0;
	s19 =	simm.s32 $0x7160;
	v2 =	vld [tilespmem:s14+$0x10];
	v7 =	vadd.f32 v9, v7  }
.LBB2_37:
0x21f: {  	v9 =	vld [tilespmem:s20+$0x0];
	[tilespmem:s14+$0x0] =	vst v8;
	s16 =	sadd.s32 $0x40, s16  }
0x220: {  	s15 =	simm.s32 $0x8120;
	s13 =	simm.s32 $0x1A120;
	s18 =	sadd.s32 $0x2, s18;
	v8 =	vld [tilespmem:s16+$0x0];
	v6 =	vadd.f32 v4, v6;
	[tilespmem:s12+$0x10] =	vst v7  }
0x221: {  	p0 =	slt.u32 s18, $0x7E;
	v7 =	vld [tilespmem:s19+$0x10];
	v5 =	vadd.f32 v5, v1  }
.Ltmp23:
0x222: {  	v4 =	vld [tilespmem:s16+$0xFFFFFFE0];
	[tilespmem:s14+$0xFFFFFFE0] =	vst v6;
	v1 =	vmov v3;
	(pc) =	sbr.rel @p0 .LBB2_37-.Ltmp23, $4  }
0x223: {  	v6 =	vld [tilespmem:s20+$0xFFFFFFE0];
	[tilespmem:s12+$0xFFFFFFF0] =	vst v5;
	s12 =	smov.u32 s14;
	s14 =	smov.u32 s20  }
0x224: {  	v5 =	vld [tilespmem:s19+$0xFFFFFFF0];
	s19 =	smov.u32 s16  }
0x225: {  	v3 =	vld [tilespmem:s20+$0xFFFFFFF0];
	v8 =	vadd.f32 v8, v9  }
0x226: {  	s20 =	sadd.s32 $0x40, s20;
	v7 =	vadd.f32 v7, v2;
	v2 =	vld [tilespmem:s14+$0x10]  }
0x227: {  	_ = 	snop  }
0x228: {  	v4 =	vadd.f32 v4, v6  }
0x229: {  	[tilespmem:s14+$0x0] =	vst v8  }
0x22a: {  	v6 =	vld [tilespmem:s19+$0x10];
	[tilespmem:s14+$0xFFFFFFE0] =	vst v4  }
0x22b: {  	v4 =	vld [tilespmem:s19+$0xFFFFFFF0];
	_ =	sdelay $0x2  }
0x22c: {  	v1 =	vadd.f32 v5, v1  }
0x22d: {  	[tilespmem:s12+$0x10] =	vst v7;
	v2 =	vadd.f32 v6, v2  }
0x22e: {  	[tilespmem:s12+$0xFFFFFFF0] =	vst v1;
	v1 =	vadd.f32 v4, v3  }
0x22f: {  	[tilespmem:s14+$0x10] =	vst v2  }
0x230: {  	[tilespmem:s14+$0xFFFFFFF0] =	vst v1  }
0x231: {  	v2 =	vld [tilespmem:s13+$0x0]  }
0x232: {  	v3 =	vld [tilespmem:s15+$0x0];
	_ =	sdelay $0x1  }
0x233: {  	v4 =	vld [tilespmem:s15+$0xFFFFFFE0]  }
0x234: {  	v5 =	vld [tilespmem:s13+$0xFFFFFFE0]  }
0x235: {  	v1 =	vld [tilespmem:s13+$0xFFFFFFF0]  }
0x236: {  	s12 =	simm.s32 $0x1A160;
	v7 =	vld [tilespmem:s13+$0x10];
	v2 =	vadd.f32 v3, v2  }
0x237: {  	s14 =	simm.s32 $0x8160;
	v8 =	vld [tilespmem:s12+$0x0]  }
0x238: {  	[tilespmem:s13+$0x0] =	vst v2;
	v2 =	vld [tilespmem:s14+$0x0]  }
0x239: {  	v3 =	vadd.f32 v4, v5;
	v9 =	vld [tilespmem:s15+$0x10]  }
0x23a: {  	v6 =	vld [tilespmem:s12+$0xFFFFFFE0]  }
0x23b: {  	v4 =	vld [tilespmem:s14+$0xFFFFFFE0];
	[tilespmem:s13+$0xFFFFFFE0] =	vst v3  }
0x23c: {  	v5 =	vld [tilespmem:s15+$0xFFFFFFF0]  }
0x23d: {  	v3 =	vld [tilespmem:s12+$0xFFFFFFF0];
	v8 =	vadd.f32 v2, v8  }
0x23e: {  	s18 =	simm.s32 $0x1A1A0;
	s16 =	simm.s32 $0x8160;
	s15 =	simm.s32 $0x2;
	v2 =	vld [tilespmem:s12+$0x10];
	v7 =	vadd.f32 v9, v7  }
.LBB2_39:
0x23f: {  	v9 =	vld [tilespmem:s18+$0x0];
	[tilespmem:s12+$0x0] =	vst v8;
	s14 =	sadd.s32 $0x40, s14  }
0x240: {  	s15 =	sadd.s32 $0x2, s15;
	v8 =	vld [tilespmem:s14+$0x0];
	v6 =	vadd.f32 v4, v6;
	[tilespmem:s13+$0x10] =	vst v7  }
0x241: {  	p0 =	slt.u32 s15, $0x7E;
	v7 =	vld [tilespmem:s16+$0x10];
	v5 =	vadd.f32 v5, v1  }
.Ltmp24:
0x242: {  	v4 =	vld [tilespmem:s14+$0xFFFFFFE0];
	[tilespmem:s12+$0xFFFFFFE0] =	vst v6;
	v1 =	vmov v3;
	(pc) =	sbr.rel @p0 .LBB2_39-.Ltmp24, $4  }
0x243: {  	v6 =	vld [tilespmem:s18+$0xFFFFFFE0];
	[tilespmem:s13+$0xFFFFFFF0] =	vst v5;
	s13 =	smov.u32 s12;
	s12 =	smov.u32 s18  }
0x244: {  	v5 =	vld [tilespmem:s16+$0xFFFFFFF0];
	s16 =	smov.u32 s14  }
0x245: {  	v3 =	vld [tilespmem:s18+$0xFFFFFFF0];
	v8 =	vadd.f32 v8, v9  }
0x246: {  	s18 =	sadd.s32 $0x40, s18;
	v7 =	vadd.f32 v7, v2;
	v2 =	vld [tilespmem:s12+$0x10]  }
0x247: {  	_ = 	snop  }
0x248: {  	v4 =	vadd.f32 v4, v6  }
0x249: {  	[tilespmem:s12+$0x0] =	vst v8  }
0x24a: {  	v63 =	vld [tilespmem:s16+$0x10];
	[tilespmem:s12+$0xFFFFFFE0] =	vst v4  }
0x24b: {  	v4 =	vld [tilespmem:s16+$0xFFFFFFF0];
	_ =	sdelay $0x1  }
0x24c: {  	p0 =	seq.s32 s30, $0x0  }
.Ltmp25:
0x24d: {  	v1 =	vadd.f32 v5, v1;
	(pc) =	sbr.rel @p0 .LBB2_60-.Ltmp25, $4  }
0x24e: {  	[tilespmem:s13+$0x10] =	vst v7;
	v2 =	vadd.f32 v63, v2  }
0x24f: {  	[tilespmem:s13+$0xFFFFFFF0] =	vst v1;
	v1 =	vadd.f32 v4, v3  }
0x250: {  	[tilespmem:s12+$0x10] =	vst v2  }
0x251: {  	[tilespmem:s12+$0xFFFFFFF0] =	vst v1  }
.LBB2_41:
0x252: {  	p0 =	seq.s32 s23, $0x1A  }
0x253: {  	s12 =	sshll.u32 @!p0 s23, $0xF  }
0x254: {  	s12 =	sadd.s32 @!p0 s29, s12  }
0x255: {  	s12 =	sshrl.u32 @!p0 s12, $0x3  }
0x256: {  	s13 =	simm.s32 @!p0 $0x0;
	s12 =	sadd.s32 @!p0 s11, s12  }
0x257: {  	[tilespmem:s13], [sflag:$0x3] =	stream.linear.gather @!p0 [hbm4b:s12+s13], $0x80, $0x38;
	[tilespmem:$0x1B100] =	vst v63  }
0x258: {  	s12 =	simm.s32 @!p0 $0x3  }
0x259: {  	_ =	swait.ge @!p0 [sflag:s12], $0x80  }
0x25a: {  	[sflag:s12] =	ssyncset.done @!p0 $0x0  }
0x25b: {  	s14 =	simm.s32 @!p0 $0x100;
	[sflag:s12] =	ssyncadd.s32 @!p0 $0xFFFFFF80;
	s12 =	simm.s32 @!p0 $0x80  }
0x25c: {  	[tilespmem:s14], [sflag:$0x1] =	stream.indirect.gather @!p0 [hbm4b:s1+s12], $0x20, s13, s12, $0xb8;
	[tilespmem:$0x1B100] =	vst v63  }
0x25d: {  	s14 =	simm.s32 @!p0 $0x1100  }
0x25e: {  	[tilespmem:s14], [sflag:$0x1] =	stream.indirect.gather @!p0 [hbm4b:s3+s12], $0x20, s13, s12, $0xb8;
	[tilespmem:$0x1B100] =	vst v63  }
0x25f: {  	s14 =	simm.s32 @!p0 $0x2100  }
0x260: {  	[tilespmem:s14], [sflag:$0x1] =	stream.indirect.gather @!p0 [hbm4b:s4+s12], $0x20, s13, s12, $0xb8;
	[tilespmem:$0x1B100] =	vst v63  }
0x261: {  	s14 =	simm.s32 @!p0 $0x3100  }
0x262: {  	[tilespmem:s14], [sflag:$0x1] =	stream.indirect.gather @!p0 [hbm4b:s5+s12], $0x20, s13, s12, $0xb8;
	[tilespmem:$0x1B100] =	vst v63  }
0x263: {  	s14 =	simm.s32 @!p0 $0x4100  }
0x264: {  	[tilespmem:s14], [sflag:$0x1] =	stream.indirect.gather @!p0 [hbm4b:s6+s12], $0x20, s13, s12, $0xb8;
	[tilespmem:$0x1B100] =	vst v63  }
0x265: {  	s14 =	simm.s32 @!p0 $0x5100  }
0x266: {  	[tilespmem:s14], [sflag:$0x1] =	stream.indirect.gather @!p0 [hbm4b:s7+s12], $0x20, s13, s12, $0xb8;
	[tilespmem:$0x1B100] =	vst v63  }
0x267: {  	s14 =	simm.s32 @!p0 $0x6100  }
0x268: {  	[tilespmem:s14], [sflag:$0x1] =	stream.indirect.gather @!p0 [hbm4b:s8+s12], $0x20, s13, s12, $0xb8;
	[tilespmem:$0x1B100] =	vst v63  }
0x269: {  	s14 =	simm.s32 @!p0 $0x7100  }
0x26a: {  	[tilespmem:s14], [sflag:$0x1] =	stream.indirect.gather @!p0 [hbm4b:s9+s12], $0x20, s13, s12, $0xb8;
	[tilespmem:$0x1B100] =	vst v63  }
0x26b: {  	s14 =	simm.s32 @!p0 $0x8100  }
0x26c: {  	[tilespmem:s14], [sflag:$0x1] =	stream.indirect.gather @!p0 [hbm4b:s10+s12], $0x20, s13, s12, $0xb8;
	[tilespmem:$0x1B100] =	vst v63  }
0x26d: {  	_ =	swait.ge [sflag:s28], $0x1000  }
0x26e: {  	[sflag:s28] =	ssyncset.done $0x0  }
0x26f: {  	[sflag:s28] =	ssyncadd.s32 $0xFFFFF000  }
0x270: {  	_ =	swait.ge [sflag:s28], $0x1000  }
0x271: {  	[sflag:s28] =	ssyncset.done $0x0  }
0x272: {  	[sflag:s28] =	ssyncadd.s32 $0xFFFFF000  }
0x273: {  	_ =	swait.ge [sflag:s28], $0x1000  }
0x274: {  	[sflag:s28] =	ssyncset.done $0x0  }
0x275: {  	[sflag:s28] =	ssyncadd.s32 $0xFFFFF000  }
0x276: {  	_ =	swait.ge [sflag:s28], $0x1000  }
0x277: {  	[sflag:s28] =	ssyncset.done $0x0  }
0x278: {  	[sflag:s28] =	ssyncadd.s32 $0xFFFFF000  }
0x279: {  	_ =	swait.ge [sflag:s28], $0x1000  }
0x27a: {  	[sflag:s28] =	ssyncset.done $0x0  }
0x27b: {  	[sflag:s28] =	ssyncadd.s32 $0xFFFFF000  }
0x27c: {  	_ =	swait.ge [sflag:s28], $0x1000  }
0x27d: {  	[sflag:s28] =	ssyncset.done $0x0  }
0x27e: {  	[sflag:s28] =	ssyncadd.s32 $0xFFFFF000  }
0x27f: {  	_ =	swait.ge [sflag:s28], $0x1000  }
0x280: {  	[sflag:s28] =	ssyncset.done $0x0  }
0x281: {  	[sflag:s28] =	ssyncadd.s32 $0xFFFFF000  }
0x282: {  	_ =	swait.ge [sflag:s28], $0x1000  }
0x283: {  	[sflag:s28] =	ssyncset.done $0x0  }
0x284: {  	[sflag:s28] =	ssyncadd.s32 $0xFFFFF000  }
0x285: {  	_ =	swait.ge [sflag:s28], $0x1000  }
0x286: {  	[sflag:s28] =	ssyncset.done $0x0  }
0x287: {  	s13 =	simm.s32 $0x12120;
	[sflag:s28] =	ssyncadd.s32 $0xFFFFF000  }
0x288: {  	s30 =	simm.s32 $0x9120;
	v2 =	vld [tilespmem:s13+$0x0]  }
0x289: {  	v3 =	vld [tilespmem:s30+$0x0];
	_ =	sdelay $0x1  }
0x28a: {  	v4 =	vld [tilespmem:s30+$0xFFFFFFE0]  }
0x28b: {  	v5 =	vld [tilespmem:s13+$0xFFFFFFE0]  }
0x28c: {  	v1 =	vld [tilespmem:s13+$0xFFFFFFF0]  }
0x28d: {  	s14 =	simm.s32 $0x12160;
	v7 =	vld [tilespmem:s13+$0x10];
	v2 =	vadd.f32 v3, v2  }
0x28e: {  	s16 =	simm.s32 $0x9160;
	v8 =	vld [tilespmem:s14+$0x0]  }
0x28f: {  	[tilespmem:s13+$0x0] =	vst v2;
	v2 =	vld [tilespmem:s16+$0x0]  }
0x290: {  	v3 =	vadd.f32 v4, v5;
	v9 =	vld [tilespmem:s30+$0x10]  }
0x291: {  	v6 =	vld [tilespmem:s14+$0xFFFFFFE0]  }
0x292: {  	v4 =	vld [tilespmem:s16+$0xFFFFFFE0];
	[tilespmem:s13+$0xFFFFFFE0] =	vst v3  }
0x293: {  	v5 =	vld [tilespmem:s30+$0xFFFFFFF0]  }
0x294: {  	v3 =	vld [tilespmem:s14+$0xFFFFFFF0];
	v8 =	vadd.f32 v2, v8  }
0x295: {  	s18 =	simm.s32 $0x2;
	s20 =	simm.s32 $0x121A0;
	s19 =	simm.s32 $0x9160;
	v2 =	vld [tilespmem:s14+$0x10];
	v7 =	vadd.f32 v9, v7  }
.LBB2_42:
0x296: {  	v9 =	vld [tilespmem:s20+$0x0];
	[tilespmem:s14+$0x0] =	vst v8;
	s16 =	sadd.s32 $0x40, s16  }
0x297: {  	s15 =	simm.s32 $0xA120;
	s12 =	simm.s32 $0x13120;
	s18 =	sadd.s32 $0x2, s18;
	v8 =	vld [tilespmem:s16+$0x0];
	v6 =	vadd.f32 v4, v6;
	[tilespmem:s13+$0x10] =	vst v7  }
0x298: {  	p0 =	slt.u32 s18, $0x7E;
	v7 =	vld [tilespmem:s19+$0x10];
	v5 =	vadd.f32 v5, v1  }
.Ltmp26:
0x299: {  	v4 =	vld [tilespmem:s16+$0xFFFFFFE0];
	[tilespmem:s14+$0xFFFFFFE0] =	vst v6;
	v1 =	vmov v3;
	(pc) =	sbr.rel @p0 .LBB2_42-.Ltmp26, $4  }
0x29a: {  	v6 =	vld [tilespmem:s20+$0xFFFFFFE0];
	[tilespmem:s13+$0xFFFFFFF0] =	vst v5;
	s13 =	smov.u32 s14;
	s14 =	smov.u32 s20  }
0x29b: {  	v5 =	vld [tilespmem:s19+$0xFFFFFFF0];
	s19 =	smov.u32 s16  }
0x29c: {  	v3 =	vld [tilespmem:s20+$0xFFFFFFF0];
	v8 =	vadd.f32 v8, v9  }
0x29d: {  	s20 =	sadd.s32 $0x40, s20;
	v7 =	vadd.f32 v7, v2;
	v2 =	vld [tilespmem:s14+$0x10]  }
0x29e: {  	_ = 	snop  }
0x29f: {  	v4 =	vadd.f32 v4, v6  }
0x2a0: {  	[tilespmem:s14+$0x0] =	vst v8  }
0x2a1: {  	v6 =	vld [tilespmem:s19+$0x10];
	[tilespmem:s14+$0xFFFFFFE0] =	vst v4  }
0x2a2: {  	v4 =	vld [tilespmem:s19+$0xFFFFFFF0];
	_ =	sdelay $0x2  }
0x2a3: {  	v1 =	vadd.f32 v5, v1  }
0x2a4: {  	[tilespmem:s13+$0x10] =	vst v7;
	v2 =	vadd.f32 v6, v2  }
0x2a5: {  	[tilespmem:s13+$0xFFFFFFF0] =	vst v1;
	v1 =	vadd.f32 v4, v3  }
0x2a6: {  	[tilespmem:s14+$0x10] =	vst v2  }
0x2a7: {  	[tilespmem:s14+$0xFFFFFFF0] =	vst v1  }
0x2a8: {  	v2 =	vld [tilespmem:s12+$0x0]  }
0x2a9: {  	v3 =	vld [tilespmem:s15+$0x0];
	_ =	sdelay $0x1  }
0x2aa: {  	v4 =	vld [tilespmem:s15+$0xFFFFFFE0]  }
0x2ab: {  	v5 =	vld [tilespmem:s12+$0xFFFFFFE0]  }
0x2ac: {  	v1 =	vld [tilespmem:s12+$0xFFFFFFF0]  }
0x2ad: {  	s14 =	simm.s32 $0x13160;
	v7 =	vld [tilespmem:s12+$0x10];
	v2 =	vadd.f32 v3, v2  }
0x2ae: {  	s16 =	simm.s32 $0xA160;
	v8 =	vld [tilespmem:s14+$0x0]  }
0x2af: {  	[tilespmem:s12+$0x0] =	vst v2;
	v2 =	vld [tilespmem:s16+$0x0]  }
0x2b0: {  	v3 =	vadd.f32 v4, v5;
	v9 =	vld [tilespmem:s15+$0x10]  }
0x2b1: {  	v6 =	vld [tilespmem:s14+$0xFFFFFFE0]  }
0x2b2: {  	v4 =	vld [tilespmem:s16+$0xFFFFFFE0];
	[tilespmem:s12+$0xFFFFFFE0] =	vst v3  }
0x2b3: {  	v5 =	vld [tilespmem:s15+$0xFFFFFFF0]  }
0x2b4: {  	v3 =	vld [tilespmem:s14+$0xFFFFFFF0];
	v8 =	vadd.f32 v2, v8  }
0x2b5: {  	s18 =	simm.s32 $0x2;
	s20 =	simm.s32 $0x131A0;
	s19 =	simm.s32 $0xA160;
	v2 =	vld [tilespmem:s14+$0x10];
	v7 =	vadd.f32 v9, v7  }
.LBB2_44:
0x2b6: {  	v9 =	vld [tilespmem:s20+$0x0];
	[tilespmem:s14+$0x0] =	vst v8;
	s16 =	sadd.s32 $0x40, s16  }
0x2b7: {  	s15 =	simm.s32 $0xB120;
	s13 =	simm.s32 $0x14120;
	s18 =	sadd.s32 $0x2, s18;
	v8 =	vld [tilespmem:s16+$0x0];
	v6 =	vadd.f32 v4, v6;
	[tilespmem:s12+$0x10] =	vst v7  }
0x2b8: {  	p0 =	slt.u32 s18, $0x7E;
	v7 =	vld [tilespmem:s19+$0x10];
	v5 =	vadd.f32 v5, v1  }
.Ltmp27:
0x2b9: {  	v4 =	vld [tilespmem:s16+$0xFFFFFFE0];
	[tilespmem:s14+$0xFFFFFFE0] =	vst v6;
	v1 =	vmov v3;
	(pc) =	sbr.rel @p0 .LBB2_44-.Ltmp27, $4  }
0x2ba: {  	v6 =	vld [tilespmem:s20+$0xFFFFFFE0];
	[tilespmem:s12+$0xFFFFFFF0] =	vst v5;
	s12 =	smov.u32 s14;
	s14 =	smov.u32 s20  }
0x2bb: {  	v5 =	vld [tilespmem:s19+$0xFFFFFFF0];
	s19 =	smov.u32 s16  }
0x2bc: {  	v3 =	vld [tilespmem:s20+$0xFFFFFFF0];
	v8 =	vadd.f32 v8, v9  }
0x2bd: {  	s20 =	sadd.s32 $0x40, s20;
	v7 =	vadd.f32 v7, v2;
	v2 =	vld [tilespmem:s14+$0x10]  }
0x2be: {  	_ = 	snop  }
0x2bf: {  	v4 =	vadd.f32 v4, v6  }
0x2c0: {  	[tilespmem:s14+$0x0] =	vst v8  }
0x2c1: {  	v6 =	vld [tilespmem:s19+$0x10];
	[tilespmem:s14+$0xFFFFFFE0] =	vst v4  }
0x2c2: {  	v4 =	vld [tilespmem:s19+$0xFFFFFFF0];
	_ =	sdelay $0x2  }
0x2c3: {  	v1 =	vadd.f32 v5, v1  }
0x2c4: {  	[tilespmem:s12+$0x10] =	vst v7;
	v2 =	vadd.f32 v6, v2  }
0x2c5: {  	[tilespmem:s12+$0xFFFFFFF0] =	vst v1;
	v1 =	vadd.f32 v4, v3  }
0x2c6: {  	[tilespmem:s14+$0x10] =	vst v2  }
0x2c7: {  	[tilespmem:s14+$0xFFFFFFF0] =	vst v1  }
0x2c8: {  	v2 =	vld [tilespmem:s13+$0x0]  }
0x2c9: {  	v3 =	vld [tilespmem:s15+$0x0];
	_ =	sdelay $0x1  }
0x2ca: {  	v4 =	vld [tilespmem:s15+$0xFFFFFFE0]  }
0x2cb: {  	v5 =	vld [tilespmem:s13+$0xFFFFFFE0]  }
0x2cc: {  	v1 =	vld [tilespmem:s13+$0xFFFFFFF0]  }
0x2cd: {  	s14 =	simm.s32 $0x14160;
	v7 =	vld [tilespmem:s13+$0x10];
	v2 =	vadd.f32 v3, v2  }
0x2ce: {  	s16 =	simm.s32 $0xB160;
	v8 =	vld [tilespmem:s14+$0x0]  }
0x2cf: {  	[tilespmem:s13+$0x0] =	vst v2;
	v2 =	vld [tilespmem:s16+$0x0]  }
0x2d0: {  	v3 =	vadd.f32 v4, v5;
	v9 =	vld [tilespmem:s15+$0x10]  }
0x2d1: {  	v6 =	vld [tilespmem:s14+$0xFFFFFFE0]  }
0x2d2: {  	v4 =	vld [tilespmem:s16+$0xFFFFFFE0];
	[tilespmem:s13+$0xFFFFFFE0] =	vst v3  }
0x2d3: {  	v5 =	vld [tilespmem:s15+$0xFFFFFFF0]  }
0x2d4: {  	v3 =	vld [tilespmem:s14+$0xFFFFFFF0];
	v8 =	vadd.f32 v2, v8  }
0x2d5: {  	s18 =	simm.s32 $0x2;
	s20 =	simm.s32 $0x141A0;
	s19 =	simm.s32 $0xB160;
	v2 =	vld [tilespmem:s14+$0x10];
	v7 =	vadd.f32 v9, v7  }
.LBB2_46:
0x2d6: {  	v9 =	vld [tilespmem:s20+$0x0];
	[tilespmem:s14+$0x0] =	vst v8;
	s16 =	sadd.s32 $0x40, s16  }
0x2d7: {  	s15 =	simm.s32 $0xC120;
	s12 =	simm.s32 $0x15120;
	s18 =	sadd.s32 $0x2, s18;
	v8 =	vld [tilespmem:s16+$0x0];
	v6 =	vadd.f32 v4, v6;
	[tilespmem:s13+$0x10] =	vst v7  }
0x2d8: {  	p0 =	slt.u32 s18, $0x7E;
	v7 =	vld [tilespmem:s19+$0x10];
	v5 =	vadd.f32 v5, v1  }
.Ltmp28:
0x2d9: {  	v4 =	vld [tilespmem:s16+$0xFFFFFFE0];
	[tilespmem:s14+$0xFFFFFFE0] =	vst v6;
	v1 =	vmov v3;
	(pc) =	sbr.rel @p0 .LBB2_46-.Ltmp28, $4  }
0x2da: {  	v6 =	vld [tilespmem:s20+$0xFFFFFFE0];
	[tilespmem:s13+$0xFFFFFFF0] =	vst v5;
	s13 =	smov.u32 s14;
	s14 =	smov.u32 s20  }
0x2db: {  	v5 =	vld [tilespmem:s19+$0xFFFFFFF0];
	s19 =	smov.u32 s16  }
0x2dc: {  	v3 =	vld [tilespmem:s20+$0xFFFFFFF0];
	v8 =	vadd.f32 v8, v9  }
0x2dd: {  	s20 =	sadd.s32 $0x40, s20;
	v7 =	vadd.f32 v7, v2;
	v2 =	vld [tilespmem:s14+$0x10]  }
0x2de: {  	_ = 	snop  }
0x2df: {  	v4 =	vadd.f32 v4, v6  }
0x2e0: {  	[tilespmem:s14+$0x0] =	vst v8  }
0x2e1: {  	v6 =	vld [tilespmem:s19+$0x10];
	[tilespmem:s14+$0xFFFFFFE0] =	vst v4  }
0x2e2: {  	v4 =	vld [tilespmem:s19+$0xFFFFFFF0];
	_ =	sdelay $0x2  }
0x2e3: {  	v1 =	vadd.f32 v5, v1  }
0x2e4: {  	[tilespmem:s13+$0x10] =	vst v7;
	v2 =	vadd.f32 v6, v2  }
0x2e5: {  	[tilespmem:s13+$0xFFFFFFF0] =	vst v1;
	v1 =	vadd.f32 v4, v3  }
0x2e6: {  	[tilespmem:s14+$0x10] =	vst v2  }
0x2e7: {  	[tilespmem:s14+$0xFFFFFFF0] =	vst v1  }
0x2e8: {  	v2 =	vld [tilespmem:s12+$0x0]  }
0x2e9: {  	v3 =	vld [tilespmem:s15+$0x0];
	_ =	sdelay $0x1  }
0x2ea: {  	v4 =	vld [tilespmem:s15+$0xFFFFFFE0]  }
0x2eb: {  	v5 =	vld [tilespmem:s12+$0xFFFFFFE0]  }
0x2ec: {  	v1 =	vld [tilespmem:s12+$0xFFFFFFF0]  }
0x2ed: {  	s14 =	simm.s32 $0x15160;
	v7 =	vld [tilespmem:s12+$0x10];
	v2 =	vadd.f32 v3, v2  }
0x2ee: {  	s16 =	simm.s32 $0xC160;
	v8 =	vld [tilespmem:s14+$0x0]  }
0x2ef: {  	[tilespmem:s12+$0x0] =	vst v2;
	v2 =	vld [tilespmem:s16+$0x0]  }
0x2f0: {  	v3 =	vadd.f32 v4, v5;
	v9 =	vld [tilespmem:s15+$0x10]  }
0x2f1: {  	v6 =	vld [tilespmem:s14+$0xFFFFFFE0]  }
0x2f2: {  	v4 =	vld [tilespmem:s16+$0xFFFFFFE0];
	[tilespmem:s12+$0xFFFFFFE0] =	vst v3  }
0x2f3: {  	v5 =	vld [tilespmem:s15+$0xFFFFFFF0]  }
0x2f4: {  	v3 =	vld [tilespmem:s14+$0xFFFFFFF0];
	v8 =	vadd.f32 v2, v8  }
0x2f5: {  	s18 =	simm.s32 $0x2;
	s20 =	simm.s32 $0x151A0;
	s19 =	simm.s32 $0xC160;
	v2 =	vld [tilespmem:s14+$0x10];
	v7 =	vadd.f32 v9, v7  }
.LBB2_48:
0x2f6: {  	v9 =	vld [tilespmem:s20+$0x0];
	[tilespmem:s14+$0x0] =	vst v8;
	s16 =	sadd.s32 $0x40, s16  }
0x2f7: {  	s15 =	simm.s32 $0xD120;
	s13 =	simm.s32 $0x16120;
	s18 =	sadd.s32 $0x2, s18;
	v8 =	vld [tilespmem:s16+$0x0];
	v6 =	vadd.f32 v4, v6;
	[tilespmem:s12+$0x10] =	vst v7  }
0x2f8: {  	p0 =	slt.u32 s18, $0x7E;
	v7 =	vld [tilespmem:s19+$0x10];
	v5 =	vadd.f32 v5, v1  }
.Ltmp29:
0x2f9: {  	v4 =	vld [tilespmem:s16+$0xFFFFFFE0];
	[tilespmem:s14+$0xFFFFFFE0] =	vst v6;
	v1 =	vmov v3;
	(pc) =	sbr.rel @p0 .LBB2_48-.Ltmp29, $4  }
0x2fa: {  	v6 =	vld [tilespmem:s20+$0xFFFFFFE0];
	[tilespmem:s12+$0xFFFFFFF0] =	vst v5;
	s12 =	smov.u32 s14;
	s14 =	smov.u32 s20  }
0x2fb: {  	v5 =	vld [tilespmem:s19+$0xFFFFFFF0];
	s19 =	smov.u32 s16  }
0x2fc: {  	v3 =	vld [tilespmem:s20+$0xFFFFFFF0];
	v8 =	vadd.f32 v8, v9  }
0x2fd: {  	s20 =	sadd.s32 $0x40, s20;
	v7 =	vadd.f32 v7, v2;
	v2 =	vld [tilespmem:s14+$0x10]  }
0x2fe: {  	_ = 	snop  }
0x2ff: {  	v4 =	vadd.f32 v4, v6  }
0x300: {  	[tilespmem:s14+$0x0] =	vst v8  }
0x301: {  	v6 =	vld [tilespmem:s19+$0x10];
	[tilespmem:s14+$0xFFFFFFE0] =	vst v4  }
0x302: {  	v4 =	vld [tilespmem:s19+$0xFFFFFFF0];
	_ =	sdelay $0x2  }
0x303: {  	v1 =	vadd.f32 v5, v1  }
0x304: {  	[tilespmem:s12+$0x10] =	vst v7;
	v2 =	vadd.f32 v6, v2  }
0x305: {  	[tilespmem:s12+$0xFFFFFFF0] =	vst v1;
	v1 =	vadd.f32 v4, v3  }
0x306: {  	[tilespmem:s14+$0x10] =	vst v2  }
0x307: {  	[tilespmem:s14+$0xFFFFFFF0] =	vst v1  }
0x308: {  	v2 =	vld [tilespmem:s13+$0x0]  }
0x309: {  	v3 =	vld [tilespmem:s15+$0x0];
	_ =	sdelay $0x1  }
0x30a: {  	v4 =	vld [tilespmem:s15+$0xFFFFFFE0]  }
0x30b: {  	v5 =	vld [tilespmem:s13+$0xFFFFFFE0]  }
0x30c: {  	v1 =	vld [tilespmem:s13+$0xFFFFFFF0]  }
0x30d: {  	s14 =	simm.s32 $0x16160;
	v7 =	vld [tilespmem:s13+$0x10];
	v2 =	vadd.f32 v3, v2  }
0x30e: {  	s16 =	simm.s32 $0xD160;
	v8 =	vld [tilespmem:s14+$0x0]  }
0x30f: {  	[tilespmem:s13+$0x0] =	vst v2;
	v2 =	vld [tilespmem:s16+$0x0]  }
0x310: {  	v3 =	vadd.f32 v4, v5;
	v9 =	vld [tilespmem:s15+$0x10]  }
0x311: {  	v6 =	vld [tilespmem:s14+$0xFFFFFFE0]  }
0x312: {  	v4 =	vld [tilespmem:s16+$0xFFFFFFE0];
	[tilespmem:s13+$0xFFFFFFE0] =	vst v3  }
0x313: {  	v5 =	vld [tilespmem:s15+$0xFFFFFFF0]  }
0x314: {  	v3 =	vld [tilespmem:s14+$0xFFFFFFF0];
	v8 =	vadd.f32 v2, v8  }
0x315: {  	s18 =	simm.s32 $0x2;
	s20 =	simm.s32 $0x161A0;
	s19 =	simm.s32 $0xD160;
	v2 =	vld [tilespmem:s14+$0x10];
	v7 =	vadd.f32 v9, v7  }
.LBB2_50:
0x316: {  	v9 =	vld [tilespmem:s20+$0x0];
	[tilespmem:s14+$0x0] =	vst v8;
	s16 =	sadd.s32 $0x40, s16  }
0x317: {  	s15 =	simm.s32 $0xE120;
	s12 =	simm.s32 $0x17120;
	s18 =	sadd.s32 $0x2, s18;
	v8 =	vld [tilespmem:s16+$0x0];
	v6 =	vadd.f32 v4, v6;
	[tilespmem:s13+$0x10] =	vst v7  }
0x318: {  	p0 =	slt.u32 s18, $0x7E;
	v7 =	vld [tilespmem:s19+$0x10];
	v5 =	vadd.f32 v5, v1  }
.Ltmp30:
0x319: {  	v4 =	vld [tilespmem:s16+$0xFFFFFFE0];
	[tilespmem:s14+$0xFFFFFFE0] =	vst v6;
	v1 =	vmov v3;
	(pc) =	sbr.rel @p0 .LBB2_50-.Ltmp30, $4  }
0x31a: {  	v6 =	vld [tilespmem:s20+$0xFFFFFFE0];
	[tilespmem:s13+$0xFFFFFFF0] =	vst v5;
	s13 =	smov.u32 s14;
	s14 =	smov.u32 s20  }
0x31b: {  	v5 =	vld [tilespmem:s19+$0xFFFFFFF0];
	s19 =	smov.u32 s16  }
0x31c: {  	v3 =	vld [tilespmem:s20+$0xFFFFFFF0];
	v8 =	vadd.f32 v8, v9  }
0x31d: {  	s20 =	sadd.s32 $0x40, s20;
	v7 =	vadd.f32 v7, v2;
	v2 =	vld [tilespmem:s14+$0x10]  }
0x31e: {  	_ = 	snop  }
0x31f: {  	v4 =	vadd.f32 v4, v6  }
0x320: {  	[tilespmem:s14+$0x0] =	vst v8  }
0x321: {  	v6 =	vld [tilespmem:s19+$0x10];
	[tilespmem:s14+$0xFFFFFFE0] =	vst v4  }
0x322: {  	v4 =	vld [tilespmem:s19+$0xFFFFFFF0];
	_ =	sdelay $0x2  }
0x323: {  	v1 =	vadd.f32 v5, v1  }
0x324: {  	[tilespmem:s13+$0x10] =	vst v7;
	v2 =	vadd.f32 v6, v2  }
0x325: {  	[tilespmem:s13+$0xFFFFFFF0] =	vst v1;
	v1 =	vadd.f32 v4, v3  }
0x326: {  	[tilespmem:s14+$0x10] =	vst v2  }
0x327: {  	[tilespmem:s14+$0xFFFFFFF0] =	vst v1  }
0x328: {  	v2 =	vld [tilespmem:s12+$0x0]  }
0x329: {  	v3 =	vld [tilespmem:s15+$0x0];
	_ =	sdelay $0x1  }
0x32a: {  	v4 =	vld [tilespmem:s15+$0xFFFFFFE0]  }
0x32b: {  	v5 =	vld [tilespmem:s12+$0xFFFFFFE0]  }
0x32c: {  	v1 =	vld [tilespmem:s12+$0xFFFFFFF0]  }
0x32d: {  	s14 =	simm.s32 $0x17160;
	v7 =	vld [tilespmem:s12+$0x10];
	v2 =	vadd.f32 v3, v2  }
0x32e: {  	s16 =	simm.s32 $0xE160;
	v8 =	vld [tilespmem:s14+$0x0]  }
0x32f: {  	[tilespmem:s12+$0x0] =	vst v2;
	v2 =	vld [tilespmem:s16+$0x0]  }
0x330: {  	v3 =	vadd.f32 v4, v5;
	v9 =	vld [tilespmem:s15+$0x10]  }
0x331: {  	v6 =	vld [tilespmem:s14+$0xFFFFFFE0]  }
0x332: {  	v4 =	vld [tilespmem:s16+$0xFFFFFFE0];
	[tilespmem:s12+$0xFFFFFFE0] =	vst v3  }
0x333: {  	v5 =	vld [tilespmem:s15+$0xFFFFFFF0]  }
0x334: {  	v3 =	vld [tilespmem:s14+$0xFFFFFFF0];
	v8 =	vadd.f32 v2, v8  }
0x335: {  	s18 =	simm.s32 $0x2;
	s20 =	simm.s32 $0x171A0;
	s19 =	simm.s32 $0xE160;
	v2 =	vld [tilespmem:s14+$0x10];
	v7 =	vadd.f32 v9, v7  }
.LBB2_52:
0x336: {  	v9 =	vld [tilespmem:s20+$0x0];
	[tilespmem:s14+$0x0] =	vst v8;
	s16 =	sadd.s32 $0x40, s16  }
0x337: {  	s15 =	simm.s32 $0xF120;
	s13 =	simm.s32 $0x18120;
	s18 =	sadd.s32 $0x2, s18;
	v8 =	vld [tilespmem:s16+$0x0];
	v6 =	vadd.f32 v4, v6;
	[tilespmem:s12+$0x10] =	vst v7  }
0x338: {  	p0 =	slt.u32 s18, $0x7E;
	v7 =	vld [tilespmem:s19+$0x10];
	v5 =	vadd.f32 v5, v1  }
.Ltmp31:
0x339: {  	v4 =	vld [tilespmem:s16+$0xFFFFFFE0];
	[tilespmem:s14+$0xFFFFFFE0] =	vst v6;
	v1 =	vmov v3;
	(pc) =	sbr.rel @p0 .LBB2_52-.Ltmp31, $4  }
0x33a: {  	v6 =	vld [tilespmem:s20+$0xFFFFFFE0];
	[tilespmem:s12+$0xFFFFFFF0] =	vst v5;
	s12 =	smov.u32 s14;
	s14 =	smov.u32 s20  }
0x33b: {  	v5 =	vld [tilespmem:s19+$0xFFFFFFF0];
	s19 =	smov.u32 s16  }
0x33c: {  	v3 =	vld [tilespmem:s20+$0xFFFFFFF0];
	v8 =	vadd.f32 v8, v9  }
0x33d: {  	s20 =	sadd.s32 $0x40, s20;
	v7 =	vadd.f32 v7, v2;
	v2 =	vld [tilespmem:s14+$0x10]  }
0x33e: {  	_ = 	snop  }
0x33f: {  	v4 =	vadd.f32 v4, v6  }
0x340: {  	[tilespmem:s14+$0x0] =	vst v8  }
0x341: {  	v6 =	vld [tilespmem:s19+$0x10];
	[tilespmem:s14+$0xFFFFFFE0] =	vst v4  }
0x342: {  	v4 =	vld [tilespmem:s19+$0xFFFFFFF0];
	_ =	sdelay $0x2  }
0x343: {  	v1 =	vadd.f32 v5, v1  }
0x344: {  	[tilespmem:s12+$0x10] =	vst v7;
	v2 =	vadd.f32 v6, v2  }
0x345: {  	[tilespmem:s12+$0xFFFFFFF0] =	vst v1;
	v1 =	vadd.f32 v4, v3  }
0x346: {  	[tilespmem:s14+$0x10] =	vst v2  }
0x347: {  	[tilespmem:s14+$0xFFFFFFF0] =	vst v1  }
0x348: {  	v2 =	vld [tilespmem:s13+$0x0]  }
0x349: {  	v3 =	vld [tilespmem:s15+$0x0];
	_ =	sdelay $0x1  }
0x34a: {  	v4 =	vld [tilespmem:s15+$0xFFFFFFE0]  }
0x34b: {  	v5 =	vld [tilespmem:s13+$0xFFFFFFE0]  }
0x34c: {  	v1 =	vld [tilespmem:s13+$0xFFFFFFF0]  }
0x34d: {  	s14 =	simm.s32 $0x18160;
	v7 =	vld [tilespmem:s13+$0x10];
	v2 =	vadd.f32 v3, v2  }
0x34e: {  	s16 =	simm.s32 $0xF160;
	v8 =	vld [tilespmem:s14+$0x0]  }
0x34f: {  	[tilespmem:s13+$0x0] =	vst v2;
	v2 =	vld [tilespmem:s16+$0x0]  }
0x350: {  	v3 =	vadd.f32 v4, v5;
	v9 =	vld [tilespmem:s15+$0x10]  }
0x351: {  	v6 =	vld [tilespmem:s14+$0xFFFFFFE0]  }
0x352: {  	v4 =	vld [tilespmem:s16+$0xFFFFFFE0];
	[tilespmem:s13+$0xFFFFFFE0] =	vst v3  }
0x353: {  	v5 =	vld [tilespmem:s15+$0xFFFFFFF0]  }
0x354: {  	v3 =	vld [tilespmem:s14+$0xFFFFFFF0];
	v8 =	vadd.f32 v2, v8  }
0x355: {  	s18 =	simm.s32 $0x2;
	s20 =	simm.s32 $0x181A0;
	s19 =	simm.s32 $0xF160;
	v2 =	vld [tilespmem:s14+$0x10];
	v7 =	vadd.f32 v9, v7  }
.LBB2_54:
0x356: {  	v9 =	vld [tilespmem:s20+$0x0];
	[tilespmem:s14+$0x0] =	vst v8;
	s16 =	sadd.s32 $0x40, s16  }
0x357: {  	s15 =	simm.s32 $0x10120;
	s12 =	simm.s32 $0x19120;
	s18 =	sadd.s32 $0x2, s18;
	v8 =	vld [tilespmem:s16+$0x0];
	v6 =	vadd.f32 v4, v6;
	[tilespmem:s13+$0x10] =	vst v7  }
0x358: {  	p0 =	slt.u32 s18, $0x7E;
	v7 =	vld [tilespmem:s19+$0x10];
	v5 =	vadd.f32 v5, v1  }
.Ltmp32:
0x359: {  	v4 =	vld [tilespmem:s16+$0xFFFFFFE0];
	[tilespmem:s14+$0xFFFFFFE0] =	vst v6;
	v1 =	vmov v3;
	(pc) =	sbr.rel @p0 .LBB2_54-.Ltmp32, $4  }
0x35a: {  	v6 =	vld [tilespmem:s20+$0xFFFFFFE0];
	[tilespmem:s13+$0xFFFFFFF0] =	vst v5;
	s13 =	smov.u32 s14;
	s14 =	smov.u32 s20  }
0x35b: {  	v5 =	vld [tilespmem:s19+$0xFFFFFFF0];
	s19 =	smov.u32 s16  }
0x35c: {  	v3 =	vld [tilespmem:s20+$0xFFFFFFF0];
	v8 =	vadd.f32 v8, v9  }
0x35d: {  	s20 =	sadd.s32 $0x40, s20;
	v7 =	vadd.f32 v7, v2;
	v2 =	vld [tilespmem:s14+$0x10]  }
0x35e: {  	_ = 	snop  }
0x35f: {  	v4 =	vadd.f32 v4, v6  }
0x360: {  	[tilespmem:s14+$0x0] =	vst v8  }
0x361: {  	v6 =	vld [tilespmem:s19+$0x10];
	[tilespmem:s14+$0xFFFFFFE0] =	vst v4  }
0x362: {  	v4 =	vld [tilespmem:s19+$0xFFFFFFF0];
	_ =	sdelay $0x2  }
0x363: {  	v1 =	vadd.f32 v5, v1  }
0x364: {  	[tilespmem:s13+$0x10] =	vst v7;
	v2 =	vadd.f32 v6, v2  }
0x365: {  	[tilespmem:s13+$0xFFFFFFF0] =	vst v1;
	v1 =	vadd.f32 v4, v3  }
0x366: {  	[tilespmem:s14+$0x10] =	vst v2  }
0x367: {  	[tilespmem:s14+$0xFFFFFFF0] =	vst v1  }
0x368: {  	v2 =	vld [tilespmem:s12+$0x0]  }
0x369: {  	v3 =	vld [tilespmem:s15+$0x0];
	_ =	sdelay $0x1  }
0x36a: {  	v4 =	vld [tilespmem:s15+$0xFFFFFFE0]  }
0x36b: {  	v5 =	vld [tilespmem:s12+$0xFFFFFFE0]  }
0x36c: {  	v1 =	vld [tilespmem:s12+$0xFFFFFFF0]  }
0x36d: {  	s14 =	simm.s32 $0x19160;
	v7 =	vld [tilespmem:s12+$0x10];
	v2 =	vadd.f32 v3, v2  }
0x36e: {  	s16 =	simm.s32 $0x10160;
	v8 =	vld [tilespmem:s14+$0x0]  }
0x36f: {  	[tilespmem:s12+$0x0] =	vst v2;
	v2 =	vld [tilespmem:s16+$0x0]  }
0x370: {  	v3 =	vadd.f32 v4, v5;
	v9 =	vld [tilespmem:s15+$0x10]  }
0x371: {  	v6 =	vld [tilespmem:s14+$0xFFFFFFE0]  }
0x372: {  	v4 =	vld [tilespmem:s16+$0xFFFFFFE0];
	[tilespmem:s12+$0xFFFFFFE0] =	vst v3  }
0x373: {  	v5 =	vld [tilespmem:s15+$0xFFFFFFF0]  }
0x374: {  	v3 =	vld [tilespmem:s14+$0xFFFFFFF0];
	v8 =	vadd.f32 v2, v8  }
0x375: {  	s18 =	simm.s32 $0x2;
	s20 =	simm.s32 $0x191A0;
	s19 =	simm.s32 $0x10160;
	v2 =	vld [tilespmem:s14+$0x10];
	v7 =	vadd.f32 v9, v7  }
.LBB2_56:
0x376: {  	v9 =	vld [tilespmem:s20+$0x0];
	[tilespmem:s14+$0x0] =	vst v8;
	s16 =	sadd.s32 $0x40, s16  }
0x377: {  	s15 =	simm.s32 $0x11120;
	s13 =	simm.s32 $0x1A120;
	s18 =	sadd.s32 $0x2, s18;
	v8 =	vld [tilespmem:s16+$0x0];
	v6 =	vadd.f32 v4, v6;
	[tilespmem:s12+$0x10] =	vst v7  }
0x378: {  	p0 =	slt.u32 s18, $0x7E;
	v7 =	vld [tilespmem:s19+$0x10];
	v5 =	vadd.f32 v5, v1  }
.Ltmp33:
0x379: {  	v4 =	vld [tilespmem:s16+$0xFFFFFFE0];
	[tilespmem:s14+$0xFFFFFFE0] =	vst v6;
	v1 =	vmov v3;
	(pc) =	sbr.rel @p0 .LBB2_56-.Ltmp33, $4  }
0x37a: {  	v6 =	vld [tilespmem:s20+$0xFFFFFFE0];
	[tilespmem:s12+$0xFFFFFFF0] =	vst v5;
	s12 =	smov.u32 s14;
	s14 =	smov.u32 s20  }
0x37b: {  	v5 =	vld [tilespmem:s19+$0xFFFFFFF0];
	s19 =	smov.u32 s16  }
0x37c: {  	v3 =	vld [tilespmem:s20+$0xFFFFFFF0];
	v8 =	vadd.f32 v8, v9  }
0x37d: {  	s20 =	sadd.s32 $0x40, s20;
	v7 =	vadd.f32 v7, v2;
	v2 =	vld [tilespmem:s14+$0x10]  }
0x37e: {  	_ = 	snop  }
0x37f: {  	v4 =	vadd.f32 v4, v6  }
0x380: {  	[tilespmem:s14+$0x0] =	vst v8  }
0x381: {  	v6 =	vld [tilespmem:s19+$0x10];
	[tilespmem:s14+$0xFFFFFFE0] =	vst v4  }
0x382: {  	v4 =	vld [tilespmem:s19+$0xFFFFFFF0];
	_ =	sdelay $0x2  }
0x383: {  	v1 =	vadd.f32 v5, v1  }
0x384: {  	[tilespmem:s12+$0x10] =	vst v7;
	v2 =	vadd.f32 v6, v2  }
0x385: {  	[tilespmem:s12+$0xFFFFFFF0] =	vst v1;
	v1 =	vadd.f32 v4, v3  }
0x386: {  	[tilespmem:s14+$0x10] =	vst v2  }
0x387: {  	[tilespmem:s14+$0xFFFFFFF0] =	vst v1  }
0x388: {  	v2 =	vld [tilespmem:s13+$0x0]  }
0x389: {  	v3 =	vld [tilespmem:s15+$0x0];
	_ =	sdelay $0x1  }
0x38a: {  	v4 =	vld [tilespmem:s15+$0xFFFFFFE0]  }
0x38b: {  	v5 =	vld [tilespmem:s13+$0xFFFFFFE0]  }
0x38c: {  	v1 =	vld [tilespmem:s13+$0xFFFFFFF0]  }
0x38d: {  	s12 =	simm.s32 $0x1A160;
	v7 =	vld [tilespmem:s13+$0x10];
	v2 =	vadd.f32 v3, v2  }
0x38e: {  	s14 =	simm.s32 $0x11160;
	v8 =	vld [tilespmem:s12+$0x0]  }
0x38f: {  	[tilespmem:s13+$0x0] =	vst v2;
	v2 =	vld [tilespmem:s14+$0x0]  }
0x390: {  	v3 =	vadd.f32 v4, v5;
	v9 =	vld [tilespmem:s15+$0x10]  }
0x391: {  	v6 =	vld [tilespmem:s12+$0xFFFFFFE0]  }
0x392: {  	v4 =	vld [tilespmem:s14+$0xFFFFFFE0];
	[tilespmem:s13+$0xFFFFFFE0] =	vst v3  }
0x393: {  	v5 =	vld [tilespmem:s15+$0xFFFFFFF0]  }
0x394: {  	v3 =	vld [tilespmem:s12+$0xFFFFFFF0];
	v8 =	vadd.f32 v2, v8  }
0x395: {  	s18 =	simm.s32 $0x1A1A0;
	s16 =	simm.s32 $0x11160;
	s15 =	simm.s32 $0x2;
	v2 =	vld [tilespmem:s12+$0x10];
	v7 =	vadd.f32 v9, v7  }
.LBB2_58:
0x396: {  	v9 =	vld [tilespmem:s18+$0x0];
	[tilespmem:s12+$0x0] =	vst v8;
	s14 =	sadd.s32 $0x40, s14  }
0x397: {  	v6 =	vadd.f32 v4, v6;
	s15 =	sadd.s32 $0x2, s15;
	v8 =	vld [tilespmem:s14+$0x0];
	[tilespmem:s13+$0x10] =	vst v7  }
0x398: {  	v5 =	vadd.f32 v5, v1;
	p0 =	slt.u32 s15, $0x7E;
	v7 =	vld [tilespmem:s16+$0x10]  }
.Ltmp34:
0x399: {  	v1 =	vmov v3;
	v4 =	vld [tilespmem:s14+$0xFFFFFFE0];
	[tilespmem:s12+$0xFFFFFFE0] =	vst v6;
	(pc) =	sbr.rel @p0 .LBB2_58-.Ltmp34, $4  }
0x39a: {  	v6 =	vld [tilespmem:s18+$0xFFFFFFE0];
	[tilespmem:s13+$0xFFFFFFF0] =	vst v5;
	s13 =	smov.u32 s12;
	s12 =	smov.u32 s18  }
0x39b: {  	v5 =	vld [tilespmem:s16+$0xFFFFFFF0];
	s16 =	smov.u32 s14  }
0x39c: {  	v3 =	vld [tilespmem:s18+$0xFFFFFFF0];
	v8 =	vadd.f32 v8, v9  }
0x39d: {  	s18 =	sadd.s32 $0x40, s18;
	v7 =	vadd.f32 v7, v2;
	v2 =	vld [tilespmem:s12+$0x10]  }
.Ltmp35:
0x39e: {  	_ = 	snop;
	(pc) =	sbr.rel .LBB2_59-.Ltmp35, $1  }
0x39f: {  	_ =	sdelay $0x3  }
.LBB2_63:
0x3a0: {  	_ =	sfence.sel $0x180000  }
0x3a1: {  	[bflag:$0x0] =	sbarrier.arrive $0xFFFF  }
0x3a2: {  	_ =	strace $0x9000004A  }
0x3a3: {  	s0 =	stileid.u32;
	[bflag:$0x2] =	sbarrier.arrive $0xFFFF  }
0x3a4: {  	p0 =	sne.s32 s0, $0x0;
	s0 =	rddreg [dreg:$0x2]  }
0x3a5: {  	s0 =	sadd.s32 @!p0 $0x100000, s0  }
0x3a6: {  	[sflag:s0] =	ssyncadd.tile.s32 @!p0 $0x1;
	_ =	shalt  }
.Lfunc_end2:
_tile_overlayer_lowered:
.L_overlay_start_2:
0x3a7: {  	(tag) =	ssettag $0x2  }
0x3a8: {  	s0 =	rddreg [dreg:$0x0];
	s2 =	stileid.u32  }
0x3a9: {  	s1 =	rddreg [dreg:$0x1];
	p0 =	sne.s32 s2, $0x0  }
0x3aa: {  	s3 =	rddreg [dreg:$0x2];
	[bflag:$0x3] =	sbarrier.arrive $0xFFFF;
	s2 =	simm.s32 @!p0 $0x1C03  }
0x3ab: {  	[timem:s3], [sflag:s2] =	dma.local @!p0 [hbm:s0], s1  }
0x3ac: {  	s0 =	simm.s32 @!p0 $0x3  }
0x3ad: {  	_ =	swait.ge @!p0 [sflag:s0], s1  }
0x3ae: {  	s1 =	ssub.s32 @!p0 $0x0, s1;
	[sflag:s0] =	ssyncset.done @!p0 $0x0  }
0x3af: {  	[sflag:s0] =	ssyncadd.s32 @!p0 s1  }
0x3b0: {  	[bflag:$0x3] =	sbarrier.arrive $0xFFFF  }
0x3b1: {  	_ =	shalt  }

// kernel: kernel.9.cloned.1.call-start
scs
__scs_entry_jumppad:
0x0: {  	(pc) =	sbr.rel $0x88, $3  }
0x1: {  	(tag) =	ssettag $0x0;
	lr =	simm.s32 $0x1  }
0x2: {  	[smem:$0x3F94] =	sst lr;
	_ =	strace $0xD0000000  }
0x3: {  	_ = 	snop  }
0x4: {  	_ = 	snop  }
0x5: {  	_ = 	snop  }
0x6: {  	_ = 	snop  }
0x7: {  	_ = 	snop  }
__scs_overlays_trampoline_lowered:
0x8: {  	[smem:$0x3FA3] =	sst s0  }
0x9: {  	[smem:$0x3FA4] =	sst s1  }
0xa: {  	[smem:$0x3FA5] =	sst s2  }
0xb: {  	[smem:$0x3FA6] =	sst s3  }
0xc: {  	[smem:$0x3FA7] =	sst s4  }
0xd: {  	[smem:$0x3FA8] =	sst s5  }
0xe: {  	[smem:$0x3FA9] =	sst s6  }
0xf: {  	[smem:$0x3FAA] =	sst s7  }
0x10: {  	[smem:$0x3FAB] =	sst s8  }
0x11: {  	[smem:$0x3FAC] =	sst s9;
	s0 =	simm.s32 @!p0 $0x0  }
0x12: {  	s1 =	sld [smem:$0x3F92];
	s0 =	simm.s32 @p0 $0x1  }
0x13: {  	[smem:$0x3FAD] =	sst s0;
	s0 =	simm.s32 @!p1 $0x0  }
0x14: {  	s2 =	sld [smem:$0x3F91];
	s0 =	simm.s32 @p1 $0x1  }
0x15: {  	[smem:$0x3FAE] =	sst s0;
	s0 =	simm.s32 @!p2 $0x0  }
0x16: {  	s3 =	sld [smem:$0x3FDB];
	s0 =	simm.s32 @p2 $0x1  }
0x17: {  	s4 =	simm.s32 $0x1BF5;
	[smem:$0x3FB0] =	sst s0  }
0x18: {  	s0 =	sld [smem:$0x3F93];
	_ =	swait.ge [sflag:s4], $0x0  }
0x19: {  	s7 =	sld [smem:$0x3F94]  }
0x1a: {  	s8 =	sadd.s32 $0xFFFFE003, lr  }
0x1b: {  	s9 =	sadd.s32 $0xFFFFFEF7, lr;
	s5 =	simm.s32 $0xFFFFFFFF;
	p2 =	slt.u32 s8, $0xFFFFF086  }
0x1c: {  	p1 =	slt.u32 s9, $0xF7A;
	s5 =	simm.s32 @!p2 $0x0  }
0x1d: {  	s5 =	simm.s32 @p1 $0x1;
	p0 =	seq.s32 s7, s2  }
0x1e: {  	s7 =	smul.u32 @!p0 $0xF7A, s2;
	p2 =	seq.s32 @!p0 s5, $0x0  }
0x1f: {  	s9 =	smul.u32 $0xF7A, s1;
	s8 =	simm.s32 @!p0 $0x1BF5;
	p2 =	por !p2, p0  }
0x20: {  	[sflag:s8] =	ssyncset.s32 @!p0 $0xFFFFF086;
	s6 =	sadd.s32 @!p0 s3, s7;
	s7 =	simm.s32 @!p0 $0x108  }
0x21: {  	s3 =	sadd.s32 s3, s9;
	s6 =	sadd.s32 @!p0 $0x88, s6;
	s7 =	simm.s32 @p2 $0x1082  }
0x22: {  	[simem:s7], [sflag:s8] =	dma.local @!p0 [hbm:s6], $0xF7A  }
0x23: {  	s9 =	sor.u32 $0xD0000000, s2;
	s6 =	simm.s32 $0x108;
	_ =	swait.ge @!p0 [sflag:s8], $0x0  }
0x24: {  	s3 =	sadd.s32 $0x88, s3;
	s6 =	simm.s32 @!p1 $0x1082;
	[sflag:s4] =	ssyncset.s32 $0xFFFFF086  }
0x25: {  	[simem:s6], [sflag:s4] =	dma.local [hbm:s3], $0xF7A  }
0x26: {  	[smem:$0x3F94] =	sst s1;
	(tag) =	ssettag s2;
	_ =	strace s9  }
0x27: {  	s1 =	sld [smem:$0x3FA4]  }
0x28: {  	s2 =	sld [smem:$0x3FA5]  }
0x29: {  	s4 =	sld [smem:$0x3FA7]  }
0x2a: {  	p0 =	seq.s32 s5, $0x0;
	s5 =	sld [smem:$0x3FA8]  }
0x2b: {  	s6 =	sld [smem:$0x3FA9]  }
0x2c: {  	s7 =	sld [smem:$0x3FAA]  }
0x2d: {  	s3 =	simm.s32 $0x108;
	s8 =	sld [smem:$0x3FAB]  }
0x2e: {  	s3 =	simm.s32 @!p0 $0x1082;
	s9 =	sld [smem:$0x3FAC]  }
0x2f: {  	lr =	sadd.s32 s0, s3;
	s0 =	sld [smem:$0x3FA3]  }
0x30: {  	s3 =	sld [smem:$0x3FA6]  }
0x31: {  	[smem:$0x3FAF] =	sst s10  }
0x32: {  	s10 =	sld [smem:$0x3FAD];
	_ =	sdelay $0x3  }
0x33: {  	p0 =	seq.s32 s10, $0x1;
	s10 =	sld [smem:$0x3FAF];
	_ =	sdelay $0x3  }
0x34: {  	[smem:$0x3FAF] =	sst s10  }
0x35: {  	s10 =	sld [smem:$0x3FAE];
	_ =	sdelay $0x3  }
0x36: {  	p1 =	seq.s32 s10, $0x1;
	s10 =	sld [smem:$0x3FAF];
	_ =	sdelay $0x3  }
0x37: {  	[smem:$0x3FAF] =	sst s10  }
0x38: {  	s10 =	sld [smem:$0x3FB0]  }
0x39: {  	_ = 	snop;
	(pc) =	sbr.ind lr, $3  }
0x3a: {  	_ = 	snop  }
0x3b: {  	_ = 	snop  }
0x3c: {  	p2 =	seq.s32 s10, $0x1;
	s10 =	sld [smem:$0x3FAF]  }
0x3d: {  	_ =	shalt  }
0x3e: {  	_ =	shalt  }
0x3f: {  	_ =	shalt  }
0x40: {  	_ =	shalt  }
0x41: {  	_ =	shalt  }
0x42: {  	_ =	shalt  }
0x43: {  	_ =	shalt  }
0x44: {  	_ =	shalt  }
0x45: {  	_ =	shalt  }
0x46: {  	_ =	shalt  }
0x47: {  	_ =	shalt  }
0x48: {  	_ =	shalt  }
0x49: {  	_ =	shalt  }
0x4a: {  	_ =	shalt  }
0x4b: {  	_ =	shalt  }
0x4c: {  	_ =	shalt  }
0x4d: {  	_ =	shalt  }
0x4e: {  	_ =	shalt  }
0x4f: {  	_ =	shalt  }
0x50: {  	_ =	shalt  }
0x51: {  	_ =	shalt  }
0x52: {  	_ =	shalt  }
0x53: {  	_ =	shalt  }
0x54: {  	_ =	shalt  }
0x55: {  	_ =	shalt  }
0x56: {  	_ =	shalt  }
0x57: {  	_ =	shalt  }
0x58: {  	_ =	shalt  }
0x59: {  	_ =	shalt  }
0x5a: {  	_ =	shalt  }
0x5b: {  	_ =	shalt  }
0x5c: {  	_ =	shalt  }
0x5d: {  	_ =	shalt  }
0x5e: {  	_ =	shalt  }
0x5f: {  	_ =	shalt  }
0x60: {  	_ =	shalt  }
0x61: {  	_ =	shalt  }
0x62: {  	_ =	shalt  }
0x63: {  	_ =	shalt  }
0x64: {  	_ =	shalt  }
0x65: {  	_ =	shalt  }
0x66: {  	_ =	shalt  }
0x67: {  	_ =	shalt  }
0x68: {  	_ =	shalt  }
0x69: {  	_ =	shalt  }
0x6a: {  	_ =	shalt  }
0x6b: {  	_ =	shalt  }
0x6c: {  	_ =	shalt  }
0x6d: {  	_ =	shalt  }
0x6e: {  	_ =	shalt  }
0x6f: {  	_ =	shalt  }
0x70: {  	_ =	shalt  }
0x71: {  	_ =	shalt  }
0x72: {  	_ =	shalt  }
0x73: {  	_ =	shalt  }
0x74: {  	_ =	shalt  }
0x75: {  	_ =	shalt  }
0x76: {  	_ =	shalt  }
0x77: {  	_ =	shalt  }
0x78: {  	_ =	shalt  }
0x79: {  	_ =	shalt  }
0x7a: {  	_ =	shalt  }
0x7b: {  	_ =	shalt  }
0x7c: {  	_ =	shalt  }
0x7d: {  	_ =	shalt  }
0x7e: {  	_ =	shalt  }
0x7f: {  	_ =	shalt  }
0x80: {  	_ =	shalt  }
0x81: {  	_ =	shalt  }
0x82: {  	_ =	shalt  }
0x83: {  	_ =	shalt  }
0x84: {  	_ =	shalt  }
0x85: {  	_ =	shalt  }
0x86: {  	_ =	shalt  }
0x87: {  	_ =	shalt  }
.Lfunc_end0:
.L_simem_size_0:
called_computation_lowered:
.L_overlay_start_0:
0x88: {  	s2 =	sld [smem:$0x3FD9]  }
0x89: {  	s3 =	sld [smem:$0x3FFE];
	_ =	sdelay $0x1  }
0x8a: {  	s1 =	srdreg.scid  }
0x8b: {  	s0 =	sand.u32 $0x1, s1  }
0x8c: {  	s16 =	sshll.u32 s0, $0xA;
	s2 =	sadd.s32 s3, s2  }
0x8d: {  	s2 =	sadd.s32 s2, s16  }
0x8e: {  	[smem:$0x3FBB] =	sst s2  }
0x8f: {  	_ = 	snop  }
0x90: {  	(tm) =	ssettm $0x1  }
0x91: {  	s17 =	sld [smem:$0x3FFB];
	_ =	sdelay $0x3  }
0x92: {  	_ =	strace s17  }
0x93: {  	s2 =	sld [smem:$0x3FFC];
	_ =	sdelay $0x3  }
0x94: {  	_ =	strace s2  }
0x95: {  	s2 =	sld [smem:$0x3FFD];
	_ =	sdelay $0x3  }
0x96: {  	_ =	strace s2  }
0x97: {  	_ =	strace $0x8FFFFFFF  }
0x98: {  	s18 =	sld [smem:$0x3FDB];
	_ =	sdelay $0x1  }
0x99: {  	s19 =	simm.s32 $_scs_section_size  }
0x9a: {  	s4 =	simm.s32 $_size__tile_overlayer_lowered;
	s5 =	simm.s32 $_tile_overlayer_lowered  }
0x9b: {  	s22 =	simm.s32 $0x1BFF;
	s21 =	sshll.u32 s5, $0x1;
	s2 =	sadd.s32 s19, s18  }
0x9c: {  	s6 =	simm.s32 $0x0;
	s20 =	sshll.u32 s4, $0x1;
	s4 =	sadd.s32 s21, s2  }
0x9d: {  	[timem:s6], [sflag:s22] =	dma.local [hbm:s4], s20  }
0x9e: {  	_ =	swait.ge [sflag:s22], s20  }
0x9f: {  	s3 =	ssub.s32 $0x0, s20;
	[sflag:s22] =	ssyncset.done $0x0  }
0xa0: {  	[sflag:s22] =	ssyncadd.s32 s3;
	_ =	sdelay $0x1  }
0xa1: {  	s23 =	simm.s32 $0x1B8B  }
0xa2: {  	_ =	swait.ge [sflag:s23], $0x1  }
0xa3: {  	[sflag:s23] =	ssyncset.done $0x0  }
0xa4: {  	s25 =	simm.s32 $0x1B8E;
	s24 =	sld [smem:$0x3FFE];
	[sflag:s23] =	ssyncadd.s32 $0xFFFFFFFF  }
0xa5: {  	s26 =	simm.s32 $execute0_lowered;
	[smem:$0x3FD2] =	sst s25  }
0xa6: {  	s4 =	sshll.u32 s26, $0x1;
	_ =	strace $0x80000046;
	[dreg:$0x1] =	wrdreg $0xFFFFFFFF  }
0xa7: {  	s28 =	simm.s32 $_size_execute0_lowered;
	s2 =	sadd.s32 s2, s4;
	[dreg:$0x0] =	wrdreg $0x0  }
0xa8: {  	s4 =	sshll.u32 s28, $0x1;
	[dreg:$0x2] =	wrdreg s2  }
0xa9: {  	[dreg:$0x3] =	wrdreg s4  }
0xaa: {  	[dreg:$0x4] =	wrdreg $0xC0  }
0xab: {  	_ =	task [dreg:s6], $0x5FFFF  }
0xac: {  	[dreg:$0x1] =	wrdreg $0xFFFFFFFF  }
0xad: {  	[dreg:$0x0] =	wrdreg $0x60  }
0xae: {  	[dreg:$0x2] =	wrdreg s24  }
0xaf: {  	[dreg:$0x3] =	wrdreg $0xB1800  }
0xb0: {  	[dreg:$0x4] =	wrdreg $0x9  }
0xb1: {  	_ =	task.clear_ibuf [dreg:s6], $0x5FFFF;
	_ =	strace $0x90000046  }
0xb2: {  	s29 =	simm.s32 $0x9;
	_ =	strace $0x80000048  }
0xb3: {  	_ =	swait.ge [sflag:s29], $0x1  }
0xb4: {  	[sflag:s29] =	ssyncadd.s32 $0xFFFFFFFF  }
0xb5: {  	_ =	strace $0x90000048  }
0xb6: {  	_ =	sfence  }
0xb7: {  	s30 =	sld [smem:$0x0];
	_ =	sdelay $0x2  }
0xb8: {  	s31 =	sshll.u32 s1, $0xD;
	s1 =	sshrl.u32 s1, $0x2  }
0xb9: {  	s3 =	sand.u32 $0x4000, s31;
	s1 =	sadd.s32 s1, s30  }
0xba: {  	s0 =	sor.u32 s3, s0;
	s1 =	sshll.u32 s1, $0x11  }
0xbb: {  	s0 =	sor.u32 s1, s0  }
0xbc: {  	s0 =	sadd.s32 $0x8F2B, s0  }
0xbd: {  	[sflag:s0] =	ssyncadd.remote.s32 $0x1  }
0xbe: {  	_ =	sfence.sel $0xFFFF  }
0xbf: {  	[dreg:$0x0] =	wrdreg $0xFFFFFFFF;
	(pc) =	sbr.abs _section_cstart, $3  }
0xc0: {  	[dreg:$0x1] =	wrdreg $0xFFFFFFFF  }
0xc1: {  	_ =	task.clear_ibuf [dreg:s6], $0x2FFFF;
	_ =	strace $0x9FFFFFFF  }
0xc2: {  	(tm) =	ssettm $0x7FFFFFFF  }
0xc3: {  	_ =	shalt  }
tec
execute0_lowered:
.L_overlay_start_1:
0x0: {  	(tag) =	ssettag $0x1  }
0x1: {  	s0 =	rddreg [dreg:$0x0]  }
0x2: {  	s1 =	rddreg [dreg:$0x1]  }
0x3: {  	s2 =	simm.s32 $0x0;
	s3 =	srdreg.scid;
	s9 =	stileid.u32  }
0x4: {  	s29 =	simm.s32 $0x8000;
	s30 =	simm.s32 $0x2;
	s31 =	simm.s32 $0x8800  }
0x5: {  	s12 =	simm.s32 $0x9100;
	s13 =	simm.s32 $0x9180;
	s14 =	simm.s32 $0x1  }
0x6: {  	[smem:$0x7FF] =	sst s2;
	s4 =	sadd.s32 $0x15C00, s0;
	s5 =	sadd.s32 $0x8400, s0  }
0x7: {  	s6 =	sadd.s32 $0x388600, s0;
	s3 =	sand.u32 $0x1, s3;
	s7 =	sshll.u32 s9, $0x1  }
0x8: {  	s9 =	sshll.u32 s9, $0x10;
	_ =	strace $0x80000047;
	s8 =	sshll.u32 s3, $0x14  }
0x9: {  	s11 =	sor.u32 s3, s7;
	s3 =	ssub.s32 $0x2, s3;
	s15 =	sor.u32 s9, s8  }
0xa: {  	s16 =	sshll.u32 s11, $0xC;
	s10 =	sshrl.u32 s3, $0x1;
	s9 =	sadd.s32 s9, s1  }
0xb: {  	p0 =	slt.u32 s11, $0x1B;
	s7 =	sshrl.u32 s15, $0x3;
	s18 =	sadd.s32 $0x1000, s9  }
0xc: {  	s8 =	sadd.s32 s16, s0;
	s19 =	sadd.s32 $0x2000, s9;
	[dreg:$0x6] =	wrdreg s18  }
0xd: {  	s3 =	ssub.s32 s3, s10;
	s20 =	sadd.s32 $0x3000, s9;
	[dreg:$0x7] =	wrdreg s19  }
0xe: {  	s10 =	sshll.u32 s11, $0x6;
	s21 =	sadd.s32 $0x4000, s9;
	[dreg:$0x8] =	wrdreg s20  }
0xf: {  	s22 =	sadd.s32 $0x5000, s9;
	s23 =	sadd.s32 $0x6000, s9;
	[dreg:$0x9] =	wrdreg s21  }
0x10: {  	s24 =	sadd.s32 $0x7000, s9;
	s25 =	sadd.s32 $0x8000, s9;
	[dreg:$0xa] =	wrdreg s22  }
0x11: {  	s26 =	sadd.s32 $0x9000, s9;
	s28 =	sadd.s32 $0xF000, s9;
	[dreg:$0xb] =	wrdreg s23  }
0x12: {  	s15 =	simm.s32 $0x0;
	s0 =	sadd.s32 s7, s0;
	[dreg:$0xc] =	wrdreg s24  }
0x13: {  	s7 =	sshll.u32 s11, $0xB;
	s8 =	sadd.s32 $0x63400, s8;
	[dreg:$0xd] =	wrdreg s25  }
0x14: {  	s17 =	smax.u32 s3, $0x1;
	[dreg:$0xe] =	wrdreg s26;
	s22 =	sadd.s32 $0xA000, s9  }
0x15: {  	s23 =	sadd.s32 $0xB000, s9;
	s24 =	sadd.s32 $0xC000, s9;
	s25 =	sadd.s32 $0xD000, s9  }
0x16: {  	s26 =	sadd.s32 $0xE000, s9;
	s3 =	simm.s32 $0x9000;
	[dreg:$0x3] =	wrdreg s8  }
0x17: {  	s11 =	simm.s32 $0x80;
	s0 =	sadd.s32 $0x23400, s0;
	[dreg:$0x5] =	wrdreg s17  }
0x18: {  	v0 =	vimm.s32 $0x8000;
	v1 =	vimm.f32 $0.0e+00;
	s8 =	simm.s32 $0x9080;
	[dreg:$0x4] =	wrdreg s0;
	s0 =	simm.s32 $0xA180  }
.LBB2_1:
.Ltmp0:
0x19: {  	(pc) =	sbr.rel @!p0 .LBB2_9-.Ltmp0, $1  }
0x1a: {  	_ =	sdelay $0x3  }
0x1b: {  	s16 =	simm.s32 $0x20  }
0x1c: {  	[tilespmem:s16+$0xFFFFFFE0] =	vst v0  }
0x1d: {  	[tilespmem:s16+$0x10] =	vst v0  }
0x1e: {  	s17 =	simm.s32 $0x0;
	[tilespmem:s16+$0x0] =	vst v0  }
.LBB2_3:
0x1f: {  	s17 =	sadd.s32 $0x4, s17  }
0x20: {  	[tilespmem:s16+$0xFFFFFFF0] =	vst v0;
	s16 =	sadd.s32 $0x40, s16;
	p1 =	slt.u32 s17, $0x7FC  }
.Ltmp1:
0x21: {  	[tilespmem:s16+$0xFFFFFFE0] =	vst v0;
	(pc) =	sbr.rel @p1 .LBB2_3-.Ltmp1, $3  }
0x22: {  	_ =	sdelay $0x1  }
0x23: {  	[tilespmem:s16+$0x10] =	vst v0  }
0x24: {  	[tilespmem:s16+$0x0] =	vst v0  }
0x25: {  	[tilespmem:s16+$0xFFFFFFF0] =	vst v0;
	s16 =	simm.s32 $0x0;
	s17 =	simm.s32 $0x0  }
.LBB2_5:
0x26: {  	s18 =	sshll.u32 s17, $0x8  }
0x27: {  	s18 =	sadd.s32 s7, s18  }
0x28: {  	s19 =	sadd.s32 s4, s18  }
0x29: {  	[tilespmem:s29], [sflag:$0x2] =	stream.linear.gather [hbm4b:s19+s16], $0x800, $0x38;
	[tilespmem:$0x1B180] =	vst v63  }
0x2a: {  	_ =	swait.ge [sflag:s30], $0x800  }
0x2b: {  	[sflag:s30] =	ssyncset.done $0x0  }
0x2c: {  	s18 =	sadd.s32 s5, s18;
	[sflag:s30] =	ssyncadd.s32 $0xFFFFF800  }
0x2d: {  	[tilespmem:s31], [sflag:$0x2] =	stream.linear.gather [hbm4b:s18+s16], $0x800, $0x38;
	[tilespmem:$0x1B180] =	vst v63  }
0x2e: {  	_ =	swait.ge [sflag:s30], $0x800  }
0x2f: {  	[sflag:s30] =	ssyncset.done $0x0  }
0x30: {  	s19 =	simm.s32 $0x0;
	s18 =	simm.s32 $0x40;
	[sflag:s30] =	ssyncadd.s32 $0xFFFFF800  }
.LBB2_6:
0x31: {  	p1 =	sne.s32 s18, $0x1FC0;
	v2 =	vld [tilespmem:s19+$0x8800];
	_ =	sdelay $0x2  }
0x32: {  	v3 =	vld [tilespmem:s19+$0x8000]  }
.Ltmp2:
0x33: {  	(pc) =	sbr.rel @p1 .LBB2_6-.Ltmp2, $2  }
0x34: {  	_ =	sdelay $0x2  }
0x35: {  	s19 =	sshra.s32 s18, $0x2;
	s18 =	sadd.s32 $0x40, s18;
	[tilespmem:v2+s2+$0x0] =	vst.idx.msk $0xffff, v3  }
0x36: {  	v2 =	vld [tilespmem:s19+$0x8800];
	_ =	sdelay $0x1  }
0x37: {  	s17 =	sadd.s32 $0x1, s17  }
0x38: {  	v3 =	vld [tilespmem:s19+$0x8000];
	p1 =	sne.s32 s17, $0x8  }
.Ltmp3:
0x39: {  	_ = 	snop;
	(pc) =	sbr.rel @p1 .LBB2_5-.Ltmp3, $2  }
0x3a: {  	_ =	sdelay $0x2  }
0x3b: {  	[tilespmem:v2+s2+$0x0] =	vst.idx.msk $0xffff, v3  }
0x3c: {  	s16 =	rddreg [dreg:$0x3]  }
0x3d: {  	[hbm4b:s16+s2] =	stream.linear.scatter [tilespmem:s2], [sflag:$0x2], $0x8000, $0x38;
	[tilespmem:$0x1B180] =	vst v63  }
0x3e: {  	_ =	swait.ge [sflag:s30], $0x8000  }
0x3f: {  	[sflag:s30] =	ssyncset.done $0x0  }
0x40: {  	[sflag:s30] =	ssyncadd.s32 $0xFFFF8000  }
.LBB2_9:
0x41: {  	s16 =	simm.s32 $0xA1C0  }
0x42: {  	[tilespmem:s16+$0xFFFFFFC0] =	vst v1  }
0x43: {  	[tilespmem:s16+$0x30] =	vst v1  }
0x44: {  	[tilespmem:s16+$0x20] =	vst v1  }
0x45: {  	[tilespmem:s16+$0x10] =	vst v1  }
0x46: {  	[tilespmem:s16+$0x0] =	vst v1  }
0x47: {  	[tilespmem:s16+$0xFFFFFFF0] =	vst v1  }
0x48: {  	s17 =	simm.s32 $0x0;
	[tilespmem:s16+$0xFFFFFFE0] =	vst v1  }
.LBB2_10:
0x49: {  	s17 =	sadd.s32 $0x4, s17;
	[tilespmem:s16+$0xFFFFFFD0] =	vst v1;
	s16 =	sadd.s32 $0x80, s16  }
0x4a: {  	[tilespmem:s16+$0xFFFFFFC0] =	vst v1;
	p1 =	slt.u32 s17, $0x7C  }
0x4b: {  	[tilespmem:s16+$0x30] =	vst v1  }
.Ltmp4:
0x4c: {  	[tilespmem:s16+$0x20] =	vst v1;
	(pc) =	sbr.rel @p1 .LBB2_10-.Ltmp4, $4  }
0x4d: {  	[tilespmem:s16+$0x10] =	vst v1  }
0x4e: {  	[tilespmem:s16+$0x0] =	vst v1  }
0x4f: {  	[tilespmem:s16+$0xFFFFFFF0] =	vst v1  }
0x50: {  	[tilespmem:s16+$0xFFFFFFE0] =	vst v1  }
0x51: {  	[tilespmem:s16+$0xFFFFFFD0] =	vst v1  }
0x52: {  	[spmem:s9] =	stream.linear.scatter [tilespmem:s0], [sflag:$0x2], $0x1000, $0x38;
	[tilespmem:$0x1B180] =	vst v63  }
0x53: {  	_ =	swait.ge [sflag:s30], $0x1000  }
0x54: {  	[sflag:s30] =	ssyncset.done $0x0  }
0x55: {  	s18 =	rddreg [dreg:$0x6];
	[sflag:s30] =	ssyncadd.s32 $0xFFFFF000  }
0x56: {  	[spmem:s18] =	stream.linear.scatter [tilespmem:s0], [sflag:$0x2], $0x1000, $0x38;
	[tilespmem:$0x1B180] =	vst v63  }
0x57: {  	_ =	swait.ge [sflag:s30], $0x1000  }
0x58: {  	[sflag:s30] =	ssyncset.done $0x0  }
0x59: {  	s19 =	rddreg [dreg:$0x7];
	[sflag:s30] =	ssyncadd.s32 $0xFFFFF000  }
0x5a: {  	[spmem:s19] =	stream.linear.scatter [tilespmem:s0], [sflag:$0x2], $0x1000, $0x38;
	[tilespmem:$0x1B180] =	vst v63  }
0x5b: {  	_ =	swait.ge [sflag:s30], $0x1000  }
0x5c: {  	[sflag:s30] =	ssyncset.done $0x0  }
0x5d: {  	s20 =	rddreg [dreg:$0x8];
	[sflag:s30] =	ssyncadd.s32 $0xFFFFF000  }
0x5e: {  	[spmem:s20] =	stream.linear.scatter [tilespmem:s0], [sflag:$0x2], $0x1000, $0x38;
	[tilespmem:$0x1B180] =	vst v63  }
0x5f: {  	_ =	swait.ge [sflag:s30], $0x1000  }
0x60: {  	[sflag:s30] =	ssyncset.done $0x0  }
0x61: {  	s21 =	rddreg [dreg:$0x9];
	[sflag:s30] =	ssyncadd.s32 $0xFFFFF000  }
0x62: {  	[spmem:s21] =	stream.linear.scatter [tilespmem:s0], [sflag:$0x2], $0x1000, $0x38;
	[tilespmem:$0x1B180] =	vst v63  }
0x63: {  	_ =	swait.ge [sflag:s30], $0x1000  }
0x64: {  	[sflag:s30] =	ssyncset.done $0x0  }
0x65: {  	s17 =	rddreg [dreg:$0xa];
	[sflag:s30] =	ssyncadd.s32 $0xFFFFF000  }
0x66: {  	[spmem:s17] =	stream.linear.scatter [tilespmem:s0], [sflag:$0x2], $0x1000, $0x38;
	[tilespmem:$0x1B180] =	vst v63  }
0x67: {  	_ =	swait.ge [sflag:s30], $0x1000  }
0x68: {  	[sflag:s30] =	ssyncset.done $0x0  }
0x69: {  	s18 =	rddreg [dreg:$0xb];
	[sflag:s30] =	ssyncadd.s32 $0xFFFFF000  }
0x6a: {  	[spmem:s18] =	stream.linear.scatter [tilespmem:s0], [sflag:$0x2], $0x1000, $0x38;
	[tilespmem:$0x1B180] =	vst v63  }
0x6b: {  	_ =	swait.ge [sflag:s30], $0x1000  }
0x6c: {  	[sflag:s30] =	ssyncset.done $0x0  }
0x6d: {  	s19 =	rddreg [dreg:$0xc];
	[sflag:s30] =	ssyncadd.s32 $0xFFFFF000  }
0x6e: {  	[spmem:s19] =	stream.linear.scatter [tilespmem:s0], [sflag:$0x2], $0x1000, $0x38;
	[tilespmem:$0x1B180] =	vst v63  }
0x6f: {  	_ =	swait.ge [sflag:s30], $0x1000  }
0x70: {  	[sflag:s30] =	ssyncset.done $0x0  }
0x71: {  	s20 =	rddreg [dreg:$0xd];
	[sflag:s30] =	ssyncadd.s32 $0xFFFFF000  }
0x72: {  	[spmem:s20] =	stream.linear.scatter [tilespmem:s0], [sflag:$0x2], $0x1000, $0x38;
	[tilespmem:$0x1B180] =	vst v63  }
0x73: {  	_ =	swait.ge [sflag:s30], $0x1000  }
0x74: {  	[sflag:s30] =	ssyncset.done $0x0  }
0x75: {  	s21 =	rddreg [dreg:$0xe];
	[sflag:s30] =	ssyncadd.s32 $0xFFFFF000  }
0x76: {  	[spmem:s21] =	stream.linear.scatter [tilespmem:s0], [sflag:$0x2], $0x1000, $0x38;
	[tilespmem:$0x1B180] =	vst v63  }
0x77: {  	_ =	swait.ge [sflag:s30], $0x1000  }
0x78: {  	[sflag:s30] =	ssyncset.done $0x0  }
0x79: {  	[sflag:s30] =	ssyncadd.s32 $0xFFFFF000  }
0x7a: {  	[spmem:s22] =	stream.linear.scatter [tilespmem:s0], [sflag:$0x2], $0x1000, $0x38;
	[tilespmem:$0x1B180] =	vst v63  }
0x7b: {  	_ =	swait.ge [sflag:s30], $0x1000  }
0x7c: {  	[sflag:s30] =	ssyncset.done $0x0  }
0x7d: {  	[sflag:s30] =	ssyncadd.s32 $0xFFFFF000  }
0x7e: {  	[spmem:s23] =	stream.linear.scatter [tilespmem:s0], [sflag:$0x2], $0x1000, $0x38;
	[tilespmem:$0x1B180] =	vst v63  }
0x7f: {  	_ =	swait.ge [sflag:s30], $0x1000  }
0x80: {  	[sflag:s30] =	ssyncset.done $0x0  }
0x81: {  	[sflag:s30] =	ssyncadd.s32 $0xFFFFF000  }
0x82: {  	[spmem:s24] =	stream.linear.scatter [tilespmem:s0], [sflag:$0x2], $0x1000, $0x38;
	[tilespmem:$0x1B180] =	vst v63  }
0x83: {  	_ =	swait.ge [sflag:s30], $0x1000  }
0x84: {  	[sflag:s30] =	ssyncset.done $0x0  }
0x85: {  	[sflag:s30] =	ssyncadd.s32 $0xFFFFF000  }
0x86: {  	[spmem:s25] =	stream.linear.scatter [tilespmem:s0], [sflag:$0x2], $0x1000, $0x38;
	[tilespmem:$0x1B180] =	vst v63  }
0x87: {  	_ =	swait.ge [sflag:s30], $0x1000  }
0x88: {  	[sflag:s30] =	ssyncset.done $0x0  }
0x89: {  	[sflag:s30] =	ssyncadd.s32 $0xFFFFF000  }
0x8a: {  	[spmem:s26] =	stream.linear.scatter [tilespmem:s0], [sflag:$0x2], $0x1000, $0x38;
	[tilespmem:$0x1B180] =	vst v63  }
0x8b: {  	_ =	swait.ge [sflag:s30], $0x1000  }
0x8c: {  	[sflag:s30] =	ssyncset.done $0x0  }
0x8d: {  	[sflag:s30] =	ssyncadd.s32 $0xFFFFF000  }
0x8e: {  	[spmem:s28] =	stream.linear.scatter [tilespmem:s0], [sflag:$0x2], $0x1000, $0x38;
	[tilespmem:$0x1B180] =	vst v63  }
0x8f: {  	_ =	swait.ge [sflag:s30], $0x1000  }
0x90: {  	[sflag:s30] =	ssyncset.done $0x0  }
0x91: {  	[sflag:s30] =	ssyncadd.s32 $0xFFFFF000  }
0x92: {  	s16 =	simm.s32 $0x0;
	[bflag:$0x0] =	sbarrier.arrive $0xFFFF  }
.LBB2_12:
0x93: {  	s17 =	sshll.u32 s16, $0xB  }
0x94: {  	v2 =	vmov s16;
	s18 =	simm.s32 $0x0;
	s17 =	sor.u32 s17, s10  }
.LBB2_13:
0x95: {  	s19 =	sshll.u32 s18, $0x4  }
0x96: {  	s19 =	sadd.s32 s17, s19  }
0x97: {  	s21 =	simm.s32 $0x0;
	s20 =	sadd.s32 s4, s19  }
0x98: {  	[tilespmem:s3], [sflag:$0x2] =	stream.linear.gather [hbm4b:s20+s21], $0x80, $0x38;
	[tilespmem:$0x1B180] =	vst v63  }
0x99: {  	_ =	swait.ge [sflag:s30], $0x80  }
0x9a: {  	[sflag:s30] =	ssyncset.done $0x0  }
0x9b: {  	s19 =	sadd.s32 s5, s19;
	[sflag:s30] =	ssyncadd.s32 $0xFFFFFF80  }
0x9c: {  	[tilespmem:s8], [sflag:$0x2] =	stream.linear.gather [hbm4b:s19+s21], $0x80, $0x38;
	[tilespmem:$0x1B180] =	vst v63  }
0x9d: {  	_ =	swait.ge [sflag:s30], $0x80  }
0x9e: {  	[sflag:s30] =	ssyncset.done $0x0  }
0x9f: {  	s19 =	simm.s32 $0x0;
	[sflag:s30] =	ssyncadd.s32 $0xFFFFFF80  }
0xa0: {  	s20 =	simm.s32 $0x40;
	v3 =	vld [tilespmem:s19+$0x9000]  }
.LBB2_14:
0xa1: {  	_ =	sdelay $0x1  }
0xa2: {  	p1 =	sne.s32 s20, $0x1C0  }
.Ltmp5:
0xa3: {  	_ = 	snop;
	(pc) =	sbr.rel @p1 .LBB2_14-.Ltmp5, $3  }
0xa4: {  	v4 =	vmul.u32 $0x1B, v3;
	_ =	sdelay $0x1  }
0xa5: {  	s21 =	sshra.s32 s20, $0x2;
	v4 =	vadd.s32 v2, v4  }
0xa6: {  	s20 =	sadd.s32 $0x40, s20;
	v3 =	vld [tilespmem:s21+$0x9000];
	[tilespmem:s19+$0x9100] =	vst v4;
	s19 =	smov.u32 s21  }
0xa7: {  	_ =	sdelay $0x3  }
0xa8: {  	v3 =	vmul.u32 $0x1B, v3;
	_ =	sdelay $0x1  }
0xa9: {  	v3 =	vadd.s32 v2, v3  }
0xaa: {  	[tilespmem:s19+$0x9100] =	vst v3  }
0xab: {  	[tilespmem:s13], [sflag:$0x1] =	stream.indirect.gather [hbm4b:s6+s11], $0x20, s12, s11, $0xb8;
	[tilespmem:$0x1B180] =	vst v63  }
0xac: {  	s18 =	sadd.s32 $0x1, s18;
	_ =	swait.ge [sflag:s14], $0x1000  }
0xad: {  	p1 =	sne.s32 s18, $0x4;
	[sflag:s14] =	ssyncset.done $0x0  }
.Ltmp6:
0xae: {  	[sflag:s14] =	ssyncadd.s32 $0xFFFFF000;
	(pc) =	sbr.rel @p1 .LBB2_13-.Ltmp6, $4  }
0xaf: {  	[spmem:s1] =	stream.indirect.scatter.add.f32 [tilespmem:s13], [sflag:$0x2], $0x20, s8, s11, $0xb8;
	[tilespmem:$0x1B180] =	vst v63  }
0xb0: {  	_ =	swait.ge [sflag:s30], $0x1000  }
0xb1: {  	[sflag:s30] =	ssyncset.done $0x0  }
0xb2: {  	[sflag:s30] =	ssyncadd.s32 $0xFFFFF000  }
0xb3: {  	s16 =	sadd.s32 $0x1, s16  }
0xb4: {  	p1 =	sne.s32 s16, $0x1B  }
.Ltmp7:
0xb5: {  	_ = 	snop;
	(pc) =	sbr.rel @p1 .LBB2_12-.Ltmp7, $1  }
0xb6: {  	_ =	sdelay $0x3  }
0xb7: {  	s16 =	stileid.u32  }
0xb8: {  	[bflag:$0x0] =	sbarrier.arrive $0xFFFF;
	s16 =	sshll.u32 s16, $0x6  }
0xb9: {  	s17 =	sshrl.u32 s9, $0x3;
	s18 =	rddreg [dreg:$0x4];
	s16 =	sor.u32 $0x1C02, s16  }
0xba: {  	[hbm:s18], [sflag:s16] =	dma.local [spmem:s17], $0x2000  }
0xbb: {  	_ =	swait.ge [sflag:s30], $0x2000  }
0xbc: {  	s15 =	sadd.s32 $0x1, s15;
	s21 =	rddreg [dreg:$0x5]  }
0xbd: {  	p1 =	sne.s32 s15, s21  }
.Ltmp8:
0xbe: {  	_ = 	snop;
	(pc) =	sbr.rel @p1 .LBB2_1-.Ltmp8, $3  }
0xbf: {  	_ =	sdelay $0x1  }
0xc0: {  	[sflag:s30] =	ssyncset.done $0x0  }
0xc1: {  	[sflag:s30] =	ssyncadd.s32 $0xFFFFE000  }
0xc2: {  	_ =	sfence.sel $0x180000  }
0xc3: {  	[bflag:$0x0] =	sbarrier.arrive $0xFFFF  }
0xc4: {  	_ =	strace $0x90000047  }
0xc5: {  	s0 =	stileid.u32;
	[bflag:$0x2] =	sbarrier.arrive $0xFFFF  }
0xc6: {  	p0 =	sne.s32 s0, $0x0;
	s0 =	rddreg [dreg:$0x2]  }
0xc7: {  	s0 =	sadd.s32 @!p0 $0x100000, s0  }
0xc8: {  	[sflag:s0] =	ssyncadd.tile.s32 @!p0 $0x1;
	_ =	shalt  }
.Lfunc_end2:
_tile_overlayer_lowered:
.L_overlay_start_2:
0xc9: {  	(tag) =	ssettag $0x2  }
0xca: {  	s0 =	rddreg [dreg:$0x0];
	s2 =	stileid.u32  }
0xcb: {  	s1 =	rddreg [dreg:$0x1];
	p0 =	sne.s32 s2, $0x0  }
0xcc: {  	s3 =	rddreg [dreg:$0x2];
	[bflag:$0x3] =	sbarrier.arrive $0xFFFF;
	s2 =	simm.s32 @!p0 $0x1C02  }
0xcd: {  	[timem:s3], [sflag:s2] =	dma.local @!p0 [hbm:s0], s1  }
0xce: {  	s0 =	simm.s32 @!p0 $0x2  }
0xcf: {  	_ =	swait.ge @!p0 [sflag:s0], s1  }
0xd0: {  	s1 =	ssub.s32 @!p0 $0x0, s1;
	[sflag:s0] =	ssyncset.done @!p0 $0x0  }
0xd1: {  	[sflag:s0] =	ssyncadd.s32 @!p0 s1  }
0xd2: {  	[bflag:$0x3] =	sbarrier.arrive $0xFFFF  }
0xd3: {  	_ =	shalt  }

</sc_bundles>
